<compile_context>
chip_gen: v7x
topology: tpu7x:2x2x1
jax: 0.10.2.dev20260603
libtpu: 0.0.44.dev20260713+nightly
codegen_flags: <defaults>
</compile_context>

<pallas_src>
import jax
import jax.numpy as jnp
from jax import lax
from jax.experimental import pallas as pl
from jax.experimental.pallas import tpu as pltpu
from jax.experimental.pallas import tpu_sc as plsc

_NUM_FIELDS = 26
_BATCH = 16384
_DIM = 32
_TOTAL = _BATCH * _NUM_FIELDS
_NC = 2
_NS = 16
_LANES = 16
_NW = _NC * _NS
_PER_W = _TOTAL // _NW
_B_PER_W = _BATCH // _NW
_PAT_VECS = 208 // _LANES
_GROUPS = _PER_W // 208
_NBB = 8
_CHUNK = _NBB * _NUM_FIELDS
_NCH = _B_PER_W // _NBB


def _fetch_chunk(table_hbm, idx_v, buf, sem, c):
    @plsc.parallel_loop(0, _CHUNK // _LANES, unroll=4)
    def _issue(vi):
        vec = idx_v[pl.ds(c * _CHUNK + vi * _LANES, _LANES)]
        jq = vi * _LANES
        for l in range(_LANES):
            v = vec[l]
            i = jq + l
            pltpu.async_copy(
                table_hbm.at[v >> 3, v & 7],
                buf.at[i // _NUM_FIELDS, i % _NUM_FIELDS], sem)


def _body(idx_hbm, table_hbm, pat_hbm, out_hbm,
          idx_v, pat_v, buf0, buf1, sem0, sem1):
    wid = lax.axis_index("s") * _NC + lax.axis_index("c")
    base = wid * _PER_W
    b0 = wid * _B_PER_W

    pltpu.sync_copy(pat_hbm, pat_v)
    pltpu.sync_copy(idx_hbm.at[pl.ds(base, _PER_W)], idx_v)

    @plsc.parallel_loop(0, _GROUPS)
    def _add_offsets(g):
        s = g * 208
        for j in range(_PAT_VECS):
            sl = pl.ds(s + j * _LANES, _LANES)
            idx_v[sl] = idx_v[sl] + pat_v[pl.ds(j * _LANES, _LANES)]

    def step(h, carry):
        c = h * 2
        _fetch_chunk(table_hbm, idx_v, buf0, sem0, c)
        _fetch_chunk(table_hbm, idx_v, buf1, sem1, c + 1)
        pltpu.make_async_copy(out_hbm.at[pl.ds(b0, _NBB)], buf0, sem0).wait()
        pltpu.sync_copy(buf0, out_hbm.at[pl.ds(b0 + c * _NBB, _NBB)])
        pltpu.make_async_copy(out_hbm.at[pl.ds(b0, _NBB)], buf1, sem1).wait()
        pltpu.sync_copy(buf1, out_hbm.at[pl.ds(b0 + (c + 1) * _NBB, _NBB)])
        return carry

    lax.fori_loop(0, _NCH // 2, step, 0)


@jax.jit
def kernel(categorical_inputs, embedding_weight, offsets):
    idx = categorical_inputs.astype(jnp.int32).reshape(_TOTAL)
    pat = offsets[:-1].astype(jnp.int32)[jnp.arange(208) % _NUM_FIELDS]
    table3 = embedding_weight.reshape(325000, 8, _DIM)

    k = pl.kernel(
        _body,
        out_type=jax.ShapeDtypeStruct((_BATCH, _NUM_FIELDS, _DIM),
                                      jnp.float32),
        mesh=plsc.VectorSubcoreMesh(core_axis_name="c", subcore_axis_name="s",
                                    num_cores=_NC, num_subcores=_NS),
        compiler_params=pltpu.CompilerParams(use_tc_tiling_on_sc=True),
        scratch_types=[
            pltpu.VMEM((_PER_W,), jnp.int32),
            pltpu.VMEM((208,), jnp.int32),
            pltpu.VMEM((_NBB, _NUM_FIELDS, _DIM), jnp.float32),
            pltpu.VMEM((_NBB, _NUM_FIELDS, _DIM), jnp.float32),
            pltpu.SemaphoreType.DMA,
            pltpu.SemaphoreType.DMA,
        ],
    )
    return k(idx, table3, pat)

# --- scband reference (transcript-rebuilt; emitter-appended) ---
"""Pipeline reference for scband-buckle-embedding-6116033429803 (READ-ONLY COPY).

The authoritative reference and input builder live on the scoring server;
editing this copy changes nothing except your own understanding.
"""

import jax, jax.numpy as jnp
import numpy as np

NUM_FIELDS = 26
VOCAB_PER_FIELD = 100000
EMBEDDING_DIM = 32
BATCH = 16384


def setup_inputs(seed: int = 0) -> dict:
    key = jax.random.key(seed)
    k_idx, k_tab = jax.random.split(key)
    categorical_feature_sizes = [VOCAB_PER_FIELD] * NUM_FIELDS
    offsets = jnp.cumsum(jnp.array([0] + categorical_feature_sizes, dtype=jnp.int64))
    total_rows = int(np.sum(categorical_feature_sizes))
    categorical_inputs = jax.random.randint(
        k_idx, (BATCH, NUM_FIELDS), 0, VOCAB_PER_FIELD, dtype=jnp.int64
    )
    embedding_weight = jax.random.normal(
        k_tab, (total_rows, EMBEDDING_DIM), dtype=jnp.float32
    )
    return {
        "categorical_inputs": categorical_inputs,
        "embedding_weight": embedding_weight,
        "offsets": offsets,
    }


def reference(categorical_inputs, embedding_weight, offsets):
    # BuckleEmbedding.forward: shift each field's indices by its cumulative
    # offset, then perform a single embedding gather over the buckled table.
    shifted = categorical_inputs + offsets[:-1][None, :]
    embedding_out = jnp.take(embedding_weight, shifted, axis=0)
    return embedding_out

if __name__ == "__main__":
    import jax
    _d = setup_inputs()
    print(jax.jit(kernel)(*tuple(_d.values())))

</pallas_src>

<mosaic_0001>
#map = affine_map<(d0, d1) -> (0)>
#map1 = affine_map<(d0, d1) -> (0, 0, 0)>
module attributes {stable_mosaic.version = 14 : i64} {
  func.func @_body(%arg0: i32, %arg1: i32, %arg2: memref<425984xi32, #tpu.memory_space<hbm>>, %arg3: memref<325000x8x32xf32, #tpu.memory_space<hbm>>, %arg4: memref<208xi32, #tpu.memory_space<hbm>>, %arg5: memref<16384x26x32xf32, #tpu.memory_space<hbm>>, %arg6: memref<13312xi32, #tpu.memory_space<vmem>>, %arg7: memref<208xi32, #tpu.memory_space<vmem>>, %arg8: memref<8x26x32xf32, #tpu.memory_space<vmem>>, %arg9: memref<8x26x32xf32, #tpu.memory_space<vmem>>, %arg10: memref<!tpu.dma_semaphore, #tpu.memory_space<semaphore_mem>>, %arg11: memref<!tpu.dma_semaphore, #tpu.memory_space<semaphore_mem>>) attributes {dimension_semantics = [#tpu.dimension_semantics<core_parallel>, #tpu.dimension_semantics<subcore_parallel>], iteration_bounds = array<i64: 2, 16>, scalar_prefetch = 0 : i64, scratch_operands = 6 : i64, tpu.core_type = #tpu.core_type<sc_vector_subcore>, window_params = [{transform_indices = #map}, {transform_indices = #map1}, {transform_indices = #map}, {transform_indices = #map1}]} {
    %mul3A = arith.constant 2 : i32
    %mul3A_0 = arith.muli %arg1, %mul3A : i32
    %add3A = arith.addi %mul3A_0, %arg0 : i32
    %mul3A_1 = arith.constant 13312 : i32
    %mul3A_2 = arith.muli %add3A, %mul3A_1 : i32
    %mul3A_3 = arith.constant 512 : i32
    %mul3A_4 = arith.muli %add3A, %mul3A_3 : i32
    "tpu.region"() ({
      %run_scoped3A = tpu.sem_alloc : memref<!tpu.dma_semaphore, #tpu.memory_space<semaphore_mem>>
      tpu.enqueue_dma source(%arg4 : memref<208xi32, #tpu.memory_space<hbm>>) target(%arg7 : memref<208xi32, #tpu.memory_space<vmem>>) target_semaphore(%run_scoped3A : memref<!tpu.dma_semaphore, #tpu.memory_space<semaphore_mem>>)
      tpu.wait_dma2 semaphore(%run_scoped3A : memref<!tpu.dma_semaphore, #tpu.memory_space<semaphore_mem>>) src(%arg4 : memref<208xi32, #tpu.memory_space<hbm>>) dst(%arg7 : memref<208xi32, #tpu.memory_space<vmem>>)
      tpu.yield
    }) : () -> ()
    "tpu.region"() ({
      %run_scoped3A = tpu.sem_alloc : memref<!tpu.dma_semaphore, #tpu.memory_space<semaphore_mem>>
      %dma_start3A = tpu.memref_slice %arg2[%mul3A_2] : memref<425984xi32, #tpu.memory_space<hbm>> -> memref<13312xi32, #tpu.memory_space<hbm>>
      %dma_start3A_12 = tpu.memref_slice %arg2[%mul3A_2] : memref<425984xi32, #tpu.memory_space<hbm>> -> memref<13312xi32, #tpu.memory_space<hbm>>
      tpu.enqueue_dma source(%dma_start3A_12 : memref<13312xi32, #tpu.memory_space<hbm>>) target(%arg6 : memref<13312xi32, #tpu.memory_space<vmem>>) target_semaphore(%run_scoped3A : memref<!tpu.dma_semaphore, #tpu.memory_space<semaphore_mem>>)
      %dma_wait3A = tpu.memref_slice %arg2[%mul3A_2] : memref<425984xi32, #tpu.memory_space<hbm>> -> memref<13312xi32, #tpu.memory_space<hbm>>
      %dma_wait3A_13 = tpu.memref_slice %arg2[%mul3A_2] : memref<425984xi32, #tpu.memory_space<hbm>> -> memref<13312xi32, #tpu.memory_space<hbm>>
      tpu.wait_dma2 semaphore(%run_scoped3A : memref<!tpu.dma_semaphore, #tpu.memory_space<semaphore_mem>>) src(%dma_wait3A_13 : memref<13312xi32, #tpu.memory_space<hbm>>) dst(%arg6 : memref<13312xi32, #tpu.memory_space<vmem>>)
      tpu.yield
    }) : () -> ()
    %parallel_loop3A = arith.constant 0 : i32
    %parallel_loop3A_5 = arith.constant 64 : i32
    %parallel_loop3A_6 = arith.constant 1 : i32
    scf.for %parallel_loop3A_12 = %parallel_loop3A to %parallel_loop3A_5 step %parallel_loop3A_6  : i32 {
      %parallel_loop3A_13 = arith.constant 208 : i32
      %parallel_loop3A_14 = arith.muli %parallel_loop3A_12, %parallel_loop3A_13 : i32
      %parallel_loop3A_15 = arith.constant 0 : i32
      %parallel_loop3A_16 = arith.addi %parallel_loop3A_14, %parallel_loop3A_15 : i32
      %parallel_loop3A_17 = arith.index_cast %parallel_loop3A_16 : i32 to index
      %parallel_loop3A_18 = tpu.vector_load %arg6[%parallel_loop3A_17] {strides = array<i32>} : memref<13312xi32, #tpu.memory_space<vmem>>, vector<16xi32>,
      %parallel_loop3A_19 = vector.shape_cast %parallel_loop3A_18 : vector<16xi32> to vector<16xi32>
      %parallel_loop3A_20 = arith.constant 0 : index
      %parallel_loop3A_21 = tpu.vector_load %arg7[%parallel_loop3A_20] {strides = array<i32>} : memref<208xi32, #tpu.memory_space<vmem>>, vector<16xi32>,
      %parallel_loop3A_22 = vector.shape_cast %parallel_loop3A_21 : vector<16xi32> to vector<16xi32>
      %parallel_loop3A_23 = arith.addi %parallel_loop3A_19, %parallel_loop3A_22 : vector<16xi32>
      %parallel_loop3A_24 = arith.index_cast %parallel_loop3A_16 : i32 to index
      %parallel_loop3A_25 = tpu.vector_load %arg6[%parallel_loop3A_24] {strides = array<i32>} : memref<13312xi32, #tpu.memory_space<vmem>>, vector<16xi32>,
      %parallel_loop3A_26 = vector.shape_cast %parallel_loop3A_25 : vector<16xi32> to vector<16xi32>
      %parallel_loop3A_27 = vector.shape_cast %parallel_loop3A_23 : vector<16xi32> to vector<16xi32>
      tpu.vector_store %arg6[%parallel_loop3A_24], %parallel_loop3A_27 {strides = array<i32>} : memref<13312xi32, #tpu.memory_space<vmem>>, vector<16xi32>,
      %parallel_loop3A_28 = arith.constant 16 : i32
      %parallel_loop3A_29 = arith.addi %parallel_loop3A_14, %parallel_loop3A_28 : i32
      %parallel_loop3A_30 = arith.index_cast %parallel_loop3A_29 : i32 to index
      %parallel_loop3A_31 = tpu.vector_load %arg6[%parallel_loop3A_30] {strides = array<i32>} : memref<13312xi32, #tpu.memory_space<vmem>>, vector<16xi32>,
      %parallel_loop3A_32 = vector.shape_cast %parallel_loop3A_31 : vector<16xi32> to vector<16xi32>
      %parallel_loop3A_33 = arith.constant 16 : index
      %parallel_loop3A_34 = tpu.vector_load %arg7[%parallel_loop3A_33] {strides = array<i32>} : memref<208xi32, #tpu.memory_space<vmem>>, vector<16xi32>,
      %parallel_loop3A_35 = vector.shape_cast %parallel_loop3A_34 : vector<16xi32> to vector<16xi32>
      %parallel_loop3A_36 = arith.addi %parallel_loop3A_32, %parallel_loop3A_35 : vector<16xi32>
      %parallel_loop3A_37 = arith.index_cast %parallel_loop3A_29 : i32 to index
      %parallel_loop3A_38 = tpu.vector_load %arg6[%parallel_loop3A_37] {strides = array<i32>} : memref<13312xi32, #tpu.memory_space<vmem>>, vector<16xi32>,
      %parallel_loop3A_39 = vector.shape_cast %parallel_loop3A_38 : vector<16xi32> to vector<16xi32>
      %parallel_loop3A_40 = vector.shape_cast %parallel_loop3A_36 : vector<16xi32> to vector<16xi32>
      tpu.vector_store %arg6[%parallel_loop3A_37], %parallel_loop3A_40 {strides = array<i32>} : memref<13312xi32, #tpu.memory_space<vmem>>, vector<16xi32>,
      %parallel_loop3A_41 = arith.constant 32 : i32
      %parallel_loop3A_42 = arith.addi %parallel_loop3A_14, %parallel_loop3A_41 : i32
      %parallel_loop3A_43 = arith.index_cast %parallel_loop3A_42 : i32 to index
      %parallel_loop3A_44 = tpu.vector_load %arg6[%parallel_loop3A_43] {strides = array<i32>} : memref<13312xi32, #tpu.memory_space<vmem>>, vector<16xi32>,
      %parallel_loop3A_45 = vector.shape_cast %parallel_loop3A_44 : vector<16xi32> to vector<16xi32>
      %parallel_loop3A_46 = arith.constant 32 : index
      %parallel_loop3A_47 = tpu.vector_load %arg7[%parallel_loop3A_46] {strides = array<i32>} : memref<208xi32, #tpu.memory_space<vmem>>, vector<16xi32>,
      %parallel_loop3A_48 = vector.shape_cast %parallel_loop3A_47 : vector<16xi32> to vector<16xi32>
      %parallel_loop3A_49 = arith.addi %parallel_loop3A_45, %parallel_loop3A_48 : vector<16xi32>
      %parallel_loop3A_50 = arith.index_cast %parallel_loop3A_42 : i32 to index
      %parallel_loop3A_51 = tpu.vector_load %arg6[%parallel_loop3A_50] {strides = array<i32>} : memref<13312xi32, #tpu.memory_space<vmem>>, vector<16xi32>,
      %parallel_loop3A_52 = vector.shape_cast %parallel_loop3A_51 : vector<16xi32> to vector<16xi32>
      %parallel_loop3A_53 = vector.shape_cast %parallel_loop3A_49 : vector<16xi32> to vector<16xi32>
      tpu.vector_store %arg6[%parallel_loop3A_50], %parallel_loop3A_53 {strides = array<i32>} : memref<13312xi32, #tpu.memory_space<vmem>>, vector<16xi32>,
      %parallel_loop3A_54 = arith.constant 48 : i32
      %parallel_loop3A_55 = arith.addi %parallel_loop3A_14, %parallel_loop3A_54 : i32
      %parallel_loop3A_56 = arith.index_cast %parallel_loop3A_55 : i32 to index
      %parallel_loop3A_57 = tpu.vector_load %arg6[%parallel_loop3A_56] {strides = array<i32>} : memref<13312xi32, #tpu.memory_space<vmem>>, vector<16xi32>,
      %parallel_loop3A_58 = vector.shape_cast %parallel_loop3A_57 : vector<16xi32> to vector<16xi32>
      %parallel_loop3A_59 = arith.constant 48 : index
      %parallel_loop3A_60 = tpu.vector_load %arg7[%parallel_loop3A_59] {strides = array<i32>} : memref<208xi32, #tpu.memory_space<vmem>>, vector<16xi32>,
      %parallel_loop3A_61 = vector.shape_cast %parallel_loop3A_60 : vector<16xi32> to vector<16xi32>
      %parallel_loop3A_62 = arith.addi %parallel_loop3A_58, %parallel_loop3A_61 : vector<16xi32>
      %parallel_loop3A_63 = arith.index_cast %parallel_loop3A_55 : i32 to index
      %parallel_loop3A_64 = tpu.vector_load %arg6[%parallel_loop3A_63] {strides = array<i32>} : memref<13312xi32, #tpu.memory_space<vmem>>, vector<16xi32>,
      %parallel_loop3A_65 = vector.shape_cast %parallel_loop3A_64 : vector<16xi32> to vector<16xi32>
      %parallel_loop3A_66 = vector.shape_cast %parallel_loop3A_62 : vector<16xi32> to vector<16xi32>
      tpu.vector_store %arg6[%parallel_loop3A_63], %parallel_loop3A_66 {strides = array<i32>} : memref<13312xi32, #tpu.memory_space<vmem>>, vector<16xi32>,
      %parallel_loop3A_67 = arith.constant 64 : i32
      %parallel_loop3A_68 = arith.addi %parallel_loop3A_14, %parallel_loop3A_67 : i32
      %parallel_loop3A_69 = arith.index_cast %parallel_loop3A_68 : i32 to index
      %parallel_loop3A_70 = tpu.vector_load %arg6[%parallel_loop3A_69] {strides = array<i32>} : memref<13312xi32, #tpu.memory_space<vmem>>, vector<16xi32>,
      %parallel_loop3A_71 = vector.shape_cast %parallel_loop3A_70 : vector<16xi32> to vector<16xi32>
      %parallel_loop3A_72 = arith.constant 64 : index
      %parallel_loop3A_73 = tpu.vector_load %arg7[%parallel_loop3A_72] {strides = array<i32>} : memref<208xi32, #tpu.memory_space<vmem>>, vector<16xi32>,
      %parallel_loop3A_74 = vector.shape_cast %parallel_loop3A_73 : vector<16xi32> to vector<16xi32>
      %parallel_loop3A_75 = arith.addi %parallel_loop3A_71, %parallel_loop3A_74 : vector<16xi32>
      %parallel_loop3A_76 = arith.index_cast %parallel_loop3A_68 : i32 to index
      %parallel_loop3A_77 = tpu.vector_load %arg6[%parallel_loop3A_76] {strides = array<i32>} : memref<13312xi32, #tpu.memory_space<vmem>>, vector<16xi32>,
      %parallel_loop3A_78 = vector.shape_cast %parallel_loop3A_77 : vector<16xi32> to vector<16xi32>
      %parallel_loop3A_79 = vector.shape_cast %parallel_loop3A_75 : vector<16xi32> to vector<16xi32>
      tpu.vector_store %arg6[%parallel_loop3A_76], %parallel_loop3A_79 {strides = array<i32>} : memref<13312xi32, #tpu.memory_space<vmem>>, vector<16xi32>,
      %parallel_loop3A_80 = arith.constant 80 : i32
      %parallel_loop3A_81 = arith.addi %parallel_loop3A_14, %parallel_loop3A_80 : i32
      %parallel_loop3A_82 = arith.index_cast %parallel_loop3A_81 : i32 to index
      %parallel_loop3A_83 = tpu.vector_load %arg6[%parallel_loop3A_82] {strides = array<i32>} : memref<13312xi32, #tpu.memory_space<vmem>>, vector<16xi32>,
      %parallel_loop3A_84 = vector.shape_cast %parallel_loop3A_83 : vector<16xi32> to vector<16xi32>
      %parallel_loop3A_85 = arith.constant 80 : index
      %parallel_loop3A_86 = tpu.vector_load %arg7[%parallel_loop3A_85] {strides = array<i32>} : memref<208xi32, #tpu.memory_space<vmem>>, vector<16xi32>,
      %parallel_loop3A_87 = vector.shape_cast %parallel_loop3A_86 : vector<16xi32> to vector<16xi32>
      %parallel_loop3A_88 = arith.addi %parallel_loop3A_84, %parallel_loop3A_87 : vector<16xi32>
      %parallel_loop3A_89 = arith.index_cast %parallel_loop3A_81 : i32 to index
      %parallel_loop3A_90 = tpu.vector_load %arg6[%parallel_loop3A_89] {strides = array<i32>} : memref<13312xi32, #tpu.memory_space<vmem>>, vector<16xi32>,
      %parallel_loop3A_91 = vector.shape_cast %parallel_loop3A_90 : vector<16xi32> to vector<16xi32>
      %parallel_loop3A_92 = vector.shape_cast %parallel_loop3A_88 : vector<16xi32> to vector<16xi32>
      tpu.vector_store %arg6[%parallel_loop3A_89], %parallel_loop3A_92 {strides = array<i32>} : memref<13312xi32, #tpu.memory_space<vmem>>, vector<16xi32>,
      %parallel_loop3A_93 = arith.constant 96 : i32
      %parallel_loop3A_94 = arith.addi %parallel_loop3A_14, %parallel_loop3A_93 : i32
      %parallel_loop3A_95 = arith.index_cast %parallel_loop3A_94 : i32 to index
      %parallel_loop3A_96 = tpu.vector_load %arg6[%parallel_loop3A_95] {strides = array<i32>} : memref<13312xi32, #tpu.memory_space<vmem>>, vector<16xi32>,
      %parallel_loop3A_97 = vector.shape_cast %parallel_loop3A_96 : vector<16xi32> to vector<16xi32>
      %parallel_loop3A_98 = arith.constant 96 : index
      %parallel_loop3A_99 = tpu.vector_load %arg7[%parallel_loop3A_98] {strides = array<i32>} : memref<208xi32, #tpu.memory_space<vmem>>, vector<16xi32>,
      %parallel_loop3A_100 = vector.shape_cast %parallel_loop3A_99 : vector<16xi32> to vector<16xi32>
      %parallel_loop3A_101 = arith.addi %parallel_loop3A_97, %parallel_loop3A_100 : vector<16xi32>
      %parallel_loop3A_102 = arith.index_cast %parallel_loop3A_94 : i32 to index
      %parallel_loop3A_103 = tpu.vector_load %arg6[%parallel_loop3A_102] {strides = array<i32>} : memref<13312xi32, #tpu.memory_space<vmem>>, vector<16xi32>,
      %parallel_loop3A_104 = vector.shape_cast %parallel_loop3A_103 : vector<16xi32> to vector<16xi32>
      %parallel_loop3A_105 = vector.shape_cast %parallel_loop3A_101 : vector<16xi32> to vector<16xi32>
      tpu.vector_store %arg6[%parallel_loop3A_102], %parallel_loop3A_105 {strides = array<i32>} : memref<13312xi32, #tpu.memory_space<vmem>>, vector<16xi32>,
      %parallel_loop3A_106 = arith.constant 112 : i32
      %parallel_loop3A_107 = arith.addi %parallel_loop3A_14, %parallel_loop3A_106 : i32
      %parallel_loop3A_108 = arith.index_cast %parallel_loop3A_107 : i32 to index
      %parallel_loop3A_109 = tpu.vector_load %arg6[%parallel_loop3A_108] {strides = array<i32>} : memref<13312xi32, #tpu.memory_space<vmem>>, vector<16xi32>,
      %parallel_loop3A_110 = vector.shape_cast %parallel_loop3A_109 : vector<16xi32> to vector<16xi32>
      %parallel_loop3A_111 = arith.constant 112 : index
      %parallel_loop3A_112 = tpu.vector_load %arg7[%parallel_loop3A_111] {strides = array<i32>} : memref<208xi32, #tpu.memory_space<vmem>>, vector<16xi32>,
      %parallel_loop3A_113 = vector.shape_cast %parallel_loop3A_112 : vector<16xi32> to vector<16xi32>
      %parallel_loop3A_114 = arith.addi %parallel_loop3A_110, %parallel_loop3A_113 : vector<16xi32>
      %parallel_loop3A_115 = arith.index_cast %parallel_loop3A_107 : i32 to index
      %parallel_loop3A_116 = tpu.vector_load %arg6[%parallel_loop3A_115] {strides = array<i32>} : memref<13312xi32, #tpu.memory_space<vmem>>, vector<16xi32>,
      %parallel_loop3A_117 = vector.shape_cast %parallel_loop3A_116 : vector<16xi32> to vector<16xi32>
      %parallel_loop3A_118 = vector.shape_cast %parallel_loop3A_114 : vector<16xi32> to vector<16xi32>
      tpu.vector_store %arg6[%parallel_loop3A_115], %parallel_loop3A_118 {strides = array<i32>} : memref<13312xi32, #tpu.memory_space<vmem>>, vector<16xi32>,
      %parallel_loop3A_119 = arith.constant 128 : i32
      %parallel_loop3A_120 = arith.addi %parallel_loop3A_14, %parallel_loop3A_119 : i32
      %parallel_loop3A_121 = arith.index_cast %parallel_loop3A_120 : i32 to index
      %parallel_loop3A_122 = tpu.vector_load %arg6[%parallel_loop3A_121] {strides = array<i32>} : memref<13312xi32, #tpu.memory_space<vmem>>, vector<16xi32>,
      %parallel_loop3A_123 = vector.shape_cast %parallel_loop3A_122 : vector<16xi32> to vector<16xi32>
      %parallel_loop3A_124 = arith.constant 128 : index
      %parallel_loop3A_125 = tpu.vector_load %arg7[%parallel_loop3A_124] {strides = array<i32>} : memref<208xi32, #tpu.memory_space<vmem>>, vector<16xi32>,
      %parallel_loop3A_126 = vector.shape_cast %parallel_loop3A_125 : vector<16xi32> to vector<16xi32>
      %parallel_loop3A_127 = arith.addi %parallel_loop3A_123, %parallel_loop3A_126 : vector<16xi32>
      %parallel_loop3A_128 = arith.index_cast %parallel_loop3A_120 : i32 to index
      %parallel_loop3A_129 = tpu.vector_load %arg6[%parallel_loop3A_128] {strides = array<i32>} : memref<13312xi32, #tpu.memory_space<vmem>>, vector<16xi32>,
      %parallel_loop3A_130 = vector.shape_cast %parallel_loop3A_129 : vector<16xi32> to vector<16xi32>
      %parallel_loop3A_131 = vector.shape_cast %parallel_loop3A_127 : vector<16xi32> to vector<16xi32>
      tpu.vector_store %arg6[%parallel_loop3A_128], %parallel_loop3A_131 {strides = array<i32>} : memref<13312xi32, #tpu.memory_space<vmem>>, vector<16xi32>,
      %parallel_loop3A_132 = arith.constant 144 : i32
      %parallel_loop3A_133 = arith.addi %parallel_loop3A_14, %parallel_loop3A_132 : i32
      %parallel_loop3A_134 = arith.index_cast %parallel_loop3A_133 : i32 to index
      %parallel_loop3A_135 = tpu.vector_load %arg6[%parallel_loop3A_134] {strides = array<i32>} : memref<13312xi32, #tpu.memory_space<vmem>>, vector<16xi32>,
      %parallel_loop3A_136 = vector.shape_cast %parallel_loop3A_135 : vector<16xi32> to vector<16xi32>
      %parallel_loop3A_137 = arith.constant 144 : index
      %parallel_loop3A_138 = tpu.vector_load %arg7[%parallel_loop3A_137] {strides = array<i32>} : memref<208xi32, #tpu.memory_space<vmem>>, vector<16xi32>,
      %parallel_loop3A_139 = vector.shape_cast %parallel_loop3A_138 : vector<16xi32> to vector<16xi32>
      %parallel_loop3A_140 = arith.addi %parallel_loop3A_136, %parallel_loop3A_139 : vector<16xi32>
      %parallel_loop3A_141 = arith.index_cast %parallel_loop3A_133 : i32 to index
      %parallel_loop3A_142 = tpu.vector_load %arg6[%parallel_loop3A_141] {strides = array<i32>} : memref<13312xi32, #tpu.memory_space<vmem>>, vector<16xi32>,
      %parallel_loop3A_143 = vector.shape_cast %parallel_loop3A_142 : vector<16xi32> to vector<16xi32>
      %parallel_loop3A_144 = vector.shape_cast %parallel_loop3A_140 : vector<16xi32> to vector<16xi32>
      tpu.vector_store %arg6[%parallel_loop3A_141], %parallel_loop3A_144 {strides = array<i32>} : memref<13312xi32, #tpu.memory_space<vmem>>, vector<16xi32>,
      %parallel_loop3A_145 = arith.constant 160 : i32
      %parallel_loop3A_146 = arith.addi %parallel_loop3A_14, %parallel_loop3A_145 : i32
      %parallel_loop3A_147 = arith.index_cast %parallel_loop3A_146 : i32 to index
      %parallel_loop3A_148 = tpu.vector_load %arg6[%parallel_loop3A_147] {strides = array<i32>} : memref<13312xi32, #tpu.memory_space<vmem>>, vector<16xi32>,
      %parallel_loop3A_149 = vector.shape_cast %parallel_loop3A_148 : vector<16xi32> to vector<16xi32>
      %parallel_loop3A_150 = arith.constant 160 : index
      %parallel_loop3A_151 = tpu.vector_load %arg7[%parallel_loop3A_150] {strides = array<i32>} : memref<208xi32, #tpu.memory_space<vmem>>, vector<16xi32>,
      %parallel_loop3A_152 = vector.shape_cast %parallel_loop3A_151 : vector<16xi32> to vector<16xi32>
      %parallel_loop3A_153 = arith.addi %parallel_loop3A_149, %parallel_loop3A_152 : vector<16xi32>
      %parallel_loop3A_154 = arith.index_cast %parallel_loop3A_146 : i32 to index
      %parallel_loop3A_155 = tpu.vector_load %arg6[%parallel_loop3A_154] {strides = array<i32>} : memref<13312xi32, #tpu.memory_space<vmem>>, vector<16xi32>,
      %parallel_loop3A_156 = vector.shape_cast %parallel_loop3A_155 : vector<16xi32> to vector<16xi32>
      %parallel_loop3A_157 = vector.shape_cast %parallel_loop3A_153 : vector<16xi32> to vector<16xi32>
      tpu.vector_store %arg6[%parallel_loop3A_154], %parallel_loop3A_157 {strides = array<i32>} : memref<13312xi32, #tpu.memory_space<vmem>>, vector<16xi32>,
      %parallel_loop3A_158 = arith.constant 176 : i32
      %parallel_loop3A_159 = arith.addi %parallel_loop3A_14, %parallel_loop3A_158 : i32
      %parallel_loop3A_160 = arith.index_cast %parallel_loop3A_159 : i32 to index
      %parallel_loop3A_161 = tpu.vector_load %arg6[%parallel_loop3A_160] {strides = array<i32>} : memref<13312xi32, #tpu.memory_space<vmem>>, vector<16xi32>,
      %parallel_loop3A_162 = vector.shape_cast %parallel_loop3A_161 : vector<16xi32> to vector<16xi32>
      %parallel_loop3A_163 = arith.constant 176 : index
      %parallel_loop3A_164 = tpu.vector_load %arg7[%parallel_loop3A_163] {strides = array<i32>} : memref<208xi32, #tpu.memory_space<vmem>>, vector<16xi32>,
      %parallel_loop3A_165 = vector.shape_cast %parallel_loop3A_164 : vector<16xi32> to vector<16xi32>
      %parallel_loop3A_166 = arith.addi %parallel_loop3A_162, %parallel_loop3A_165 : vector<16xi32>
      %parallel_loop3A_167 = arith.index_cast %parallel_loop3A_159 : i32 to index
      %parallel_loop3A_168 = tpu.vector_load %arg6[%parallel_loop3A_167] {strides = array<i32>} : memref<13312xi32, #tpu.memory_space<vmem>>, vector<16xi32>,
      %parallel_loop3A_169 = vector.shape_cast %parallel_loop3A_168 : vector<16xi32> to vector<16xi32>
      %parallel_loop3A_170 = vector.shape_cast %parallel_loop3A_166 : vector<16xi32> to vector<16xi32>
      tpu.vector_store %arg6[%parallel_loop3A_167], %parallel_loop3A_170 {strides = array<i32>} : memref<13312xi32, #tpu.memory_space<vmem>>, vector<16xi32>,
      %parallel_loop3A_171 = arith.constant 192 : i32
      %parallel_loop3A_172 = arith.addi %parallel_loop3A_14, %parallel_loop3A_171 : i32
      %parallel_loop3A_173 = arith.index_cast %parallel_loop3A_172 : i32 to index
      %parallel_loop3A_174 = tpu.vector_load %arg6[%parallel_loop3A_173] {strides = array<i32>} : memref<13312xi32, #tpu.memory_space<vmem>>, vector<16xi32>,
      %parallel_loop3A_175 = vector.shape_cast %parallel_loop3A_174 : vector<16xi32> to vector<16xi32>
      %parallel_loop3A_176 = arith.constant 192 : index
      %parallel_loop3A_177 = tpu.vector_load %arg7[%parallel_loop3A_176] {strides = array<i32>} : memref<208xi32, #tpu.memory_space<vmem>>, vector<16xi32>,
      %parallel_loop3A_178 = vector.shape_cast %parallel_loop3A_177 : vector<16xi32> to vector<16xi32>
      %parallel_loop3A_179 = arith.addi %parallel_loop3A_175, %parallel_loop3A_178 : vector<16xi32>
      %parallel_loop3A_180 = arith.index_cast %parallel_loop3A_172 : i32 to index
      %parallel_loop3A_181 = tpu.vector_load %arg6[%parallel_loop3A_180] {strides = array<i32>} : memref<13312xi32, #tpu.memory_space<vmem>>, vector<16xi32>,
      %parallel_loop3A_182 = vector.shape_cast %parallel_loop3A_181 : vector<16xi32> to vector<16xi32>
      %parallel_loop3A_183 = vector.shape_cast %parallel_loop3A_179 : vector<16xi32> to vector<16xi32>
      tpu.vector_store %arg6[%parallel_loop3A_180], %parallel_loop3A_183 {strides = array<i32>} : memref<13312xi32, #tpu.memory_space<vmem>>, vector<16xi32>,
    } {sc.loop_unroll_factor = 1 : i64, sc.parallel_access}
    %scan3A = arith.constant 0 : i32
    %scan3A_7 = arith.constant 0 : i32
    %scan3A_8 = arith.constant 32 : i32
    %scan3A_9 = arith.addi %scan3A_7, %scan3A_8 : i32
    %scan3A_10 = arith.constant 1 : i32
    scf.for %scan3A_12 = %scan3A_7 to %scan3A_9 step %scan3A_10  : i32 {
      %mul3A_13 = arith.constant 2 : i32
      %mul3A_14 = arith.muli %scan3A_12, %mul3A_13 : i32
      %parallel_loop3A_15 = arith.constant 0 : i32
      %parallel_loop3A_16 = arith.constant 13 : i32
      %parallel_loop3A_17 = arith.constant 1 : i32
      scf.for %parallel_loop3A_42 = %parallel_loop3A_15 to %parallel_loop3A_16 step %parallel_loop3A_17  : i32 {
        %parallel_loop3A_43 = arith.constant 208 : i32
        %parallel_loop3A_44 = arith.muli %mul3A_14, %parallel_loop3A_43 : i32
        %parallel_loop3A_45 = arith.constant 16 : i32
        %parallel_loop3A_46 = arith.muli %parallel_loop3A_42, %parallel_loop3A_45 : i32
        %parallel_loop3A_47 = arith.addi %parallel_loop3A_44, %parallel_loop3A_46 : i32
        %parallel_loop3A_48 = arith.index_cast %parallel_loop3A_47 : i32 to index
        %parallel_loop3A_49 = tpu.vector_load %arg6[%parallel_loop3A_48] {strides = array<i32>} : memref<13312xi32, #tpu.memory_space<vmem>>, vector<16xi32>,
        %parallel_loop3A_50 = vector.shape_cast %parallel_loop3A_49 : vector<16xi32> to vector<16xi32>
        %parallel_loop3A_51 = arith.constant 16 : i32
        %parallel_loop3A_52 = arith.muli %parallel_loop3A_42, %parallel_loop3A_51 : i32
        %parallel_loop3A_53 = vector.extract_strided_slice %parallel_loop3A_50 {offsets = [0], sizes = [1], strides = [1]} : vector<16xi32> to vector<1xi32>
        %parallel_loop3A_54 = vector.extract %parallel_loop3A_53[0] : i32 from vector<1xi32>
        %parallel_loop3A_55 = arith.constant 0 : i32
        %parallel_loop3A_56 = arith.addi %parallel_loop3A_52, %parallel_loop3A_55 : i32
        %parallel_loop3A_57 = arith.constant 3 : i32
        %parallel_loop3A_58 = arith.shrsi %parallel_loop3A_54, %parallel_loop3A_57 : i32
        %parallel_loop3A_59 = arith.constant 7 : i32
        %parallel_loop3A_60 = arith.andi %parallel_loop3A_54, %parallel_loop3A_59 : i32
        %parallel_loop3A_61 = arith.constant 26 : i32
        %parallel_loop3A_62 = arith.divsi %parallel_loop3A_56, %parallel_loop3A_61 : i32
        %parallel_loop3A_63 = arith.constant 0 : i32
        %parallel_loop3A_64 = arith.cmpi sgt, %parallel_loop3A_56, %parallel_loop3A_63 : i32
        %parallel_loop3A_65 = arith.extui %parallel_loop3A_64 : i1 to i32
        %parallel_loop3A_66 = arith.constant 0 : i32
        %parallel_loop3A_67 = arith.cmpi slt, %parallel_loop3A_56, %parallel_loop3A_66 : i32
        %parallel_loop3A_68 = arith.extui %parallel_loop3A_67 : i1 to i32
        %parallel_loop3A_69 = arith.subi %parallel_loop3A_65, %parallel_loop3A_68 : i32
        %parallel_loop3A_70 = arith.constant 0 : i32
        %parallel_loop3A_71 = arith.cmpi sgt, %parallel_loop3A_61, %parallel_loop3A_70 : i32
        %parallel_loop3A_72 = arith.extui %parallel_loop3A_71 : i1 to i32
        %parallel_loop3A_73 = arith.constant 0 : i32
        %parallel_loop3A_74 = arith.cmpi slt, %parallel_loop3A_61, %parallel_loop3A_73 : i32
        %parallel_loop3A_75 = arith.extui %parallel_loop3A_74 : i1 to i32
        %parallel_loop3A_76 = arith.subi %parallel_loop3A_72, %parallel_loop3A_75 : i32
        %parallel_loop3A_77 = arith.cmpi ne, %parallel_loop3A_69, %parallel_loop3A_76 : i32
        %parallel_loop3A_78 = arith.remsi %parallel_loop3A_56, %parallel_loop3A_61 : i32
        %parallel_loop3A_79 = arith.constant 0 : i32
        %parallel_loop3A_80 = arith.cmpi ne, %parallel_loop3A_78, %parallel_loop3A_79 : i32
        %parallel_loop3A_81 = arith.andi %parallel_loop3A_77, %parallel_loop3A_80 : i1
        %parallel_loop3A_82 = arith.constant 1 : i32
        %parallel_loop3A_83 = arith.subi %parallel_loop3A_62, %parallel_loop3A_82 : i32
        %parallel_loop3A_84 = arith.select %parallel_loop3A_81, %parallel_loop3A_83, %parallel_loop3A_62 : i32
        %parallel_loop3A_85 = arith.constant 26 : i32
        %parallel_loop3A_86 = arith.constant 0 : i32
        %parallel_loop3A_87 = arith.cmpi eq, %parallel_loop3A_85, %parallel_loop3A_86 : i32
        %parallel_loop3A_88 = arith.constant 1 : i32
        %parallel_loop3A_89 = arith.select %parallel_loop3A_87, %parallel_loop3A_88, %parallel_loop3A_85 : i32
        %parallel_loop3A_90 = arith.remsi %parallel_loop3A_56, %parallel_loop3A_89 : i32
        %parallel_loop3A_91 = arith.constant 0 : i32
        %parallel_loop3A_92 = arith.cmpi ne, %parallel_loop3A_90, %parallel_loop3A_91 : i32
        %parallel_loop3A_93 = arith.constant 0 : i32
        %parallel_loop3A_94 = arith.cmpi slt, %parallel_loop3A_90, %parallel_loop3A_93 : i32
        %parallel_loop3A_95 = arith.constant 0 : i32
        %parallel_loop3A_96 = arith.cmpi slt, %parallel_loop3A_89, %parallel_loop3A_95 : i32
        %parallel_loop3A_97 = arith.xori %parallel_loop3A_94, %parallel_loop3A_96 : i1
        %parallel_loop3A_98 = arith.andi %parallel_loop3A_97, %parallel_loop3A_92 : i1
        %parallel_loop3A_99 = arith.addi %parallel_loop3A_90, %parallel_loop3A_89 : i32
        %parallel_loop3A_100 = arith.select %parallel_loop3A_98, %parallel_loop3A_99, %parallel_loop3A_90 : i32
        %parallel_loop3A_101 = arith.constant 0 : i32
        %parallel_loop3A_102 = tpu.memref_slice %arg8[%parallel_loop3A_84, %parallel_loop3A_100, %parallel_loop3A_101] : memref<8x26x32xf32, #tpu.memory_space<vmem>> -> memref<1x1x32xf32, #tpu.memory_space<vmem>>
        %parallel_loop3A_103 = tpu.memref_squeeze %parallel_loop3A_102 : memref<1x1x32xf32, #tpu.memory_space<vmem>> -> memref<32xf32, #tpu.memory_space<vmem>>
        %parallel_loop3A_104 = arith.constant 0 : i32
        %parallel_loop3A_105 = tpu.memref_slice %arg3[%parallel_loop3A_58, %parallel_loop3A_60, %parallel_loop3A_104] : memref<325000x8x32xf32, #tpu.memory_space<hbm>> -> memref<1x1x32xf32, #tpu.memory_space<hbm>>
        %parallel_loop3A_106 = tpu.memref_squeeze %parallel_loop3A_105 : memref<1x1x32xf32, #tpu.memory_space<hbm>> -> memref<32xf32, #tpu.memory_space<hbm>>
        %parallel_loop3A_107 = arith.constant 0 : i32
        %parallel_loop3A_108 = tpu.memref_slice %arg8[%parallel_loop3A_84, %parallel_loop3A_100, %parallel_loop3A_107] : memref<8x26x32xf32, #tpu.memory_space<vmem>> -> memref<1x1x32xf32, #tpu.memory_space<vmem>>
        %parallel_loop3A_109 = tpu.memref_squeeze %parallel_loop3A_108 : memref<1x1x32xf32, #tpu.memory_space<vmem>> -> memref<32xf32, #tpu.memory_space<vmem>>
        %parallel_loop3A_110 = arith.constant 0 : i32
        %parallel_loop3A_111 = tpu.memref_slice %arg3[%parallel_loop3A_58, %parallel_loop3A_60, %parallel_loop3A_110] : memref<325000x8x32xf32, #tpu.memory_space<hbm>> -> memref<1x1x32xf32, #tpu.memory_space<hbm>>
        %parallel_loop3A_112 = tpu.memref_squeeze %parallel_loop3A_111 : memref<1x1x32xf32, #tpu.memory_space<hbm>> -> memref<32xf32, #tpu.memory_space<hbm>>
        tpu.enqueue_dma source(%parallel_loop3A_112 : memref<32xf32, #tpu.memory_space<hbm>>) target(%parallel_loop3A_109 : memref<32xf32, #tpu.memory_space<vmem>>) target_semaphore(%arg10 : memref<!tpu.dma_semaphore, #tpu.memory_space<semaphore_mem>>)
        %parallel_loop3A_113 = vector.extract_strided_slice %parallel_loop3A_50 {offsets = [1], sizes = [1], strides = [1]} : vector<16xi32> to vector<1xi32>
        %parallel_loop3A_114 = vector.extract %parallel_loop3A_113[0] : i32 from vector<1xi32>
        %parallel_loop3A_115 = arith.constant 1 : i32
        %parallel_loop3A_116 = arith.addi %parallel_loop3A_52, %parallel_loop3A_115 : i32
        %parallel_loop3A_117 = arith.constant 3 : i32
        %parallel_loop3A_118 = arith.shrsi %parallel_loop3A_114, %parallel_loop3A_117 : i32
        %parallel_loop3A_119 = arith.constant 7 : i32
        %parallel_loop3A_120 = arith.andi %parallel_loop3A_114, %parallel_loop3A_119 : i32
        %parallel_loop3A_121 = arith.constant 26 : i32
        %parallel_loop3A_122 = arith.divsi %parallel_loop3A_116, %parallel_loop3A_121 : i32
        %parallel_loop3A_123 = arith.constant 0 : i32
        %parallel_loop3A_124 = arith.cmpi sgt, %parallel_loop3A_116, %parallel_loop3A_123 : i32
        %parallel_loop3A_125 = arith.extui %parallel_loop3A_124 : i1 to i32
        %parallel_loop3A_126 = arith.constant 0 : i32
        %parallel_loop3A_127 = arith.cmpi slt, %parallel_loop3A_116, %parallel_loop3A_126 : i32
        %parallel_loop3A_128 = arith.extui %parallel_loop3A_127 : i1 to i32
        %parallel_loop3A_129 = arith.subi %parallel_loop3A_125, %parallel_loop3A_128 : i32
        %parallel_loop3A_130 = arith.constant 0 : i32
        %parallel_loop3A_131 = arith.cmpi sgt, %parallel_loop3A_121, %parallel_loop3A_130 : i32
        %parallel_loop3A_132 = arith.extui %parallel_loop3A_131 : i1 to i32
        %parallel_loop3A_133 = arith.constant 0 : i32
        %parallel_loop3A_134 = arith.cmpi slt, %parallel_loop3A_121, %parallel_loop3A_133 : i32
        %parallel_loop3A_135 = arith.extui %parallel_loop3A_134 : i1 to i32
        %parallel_loop3A_136 = arith.subi %parallel_loop3A_132, %parallel_loop3A_135 : i32
        %parallel_loop3A_137 = arith.cmpi ne, %parallel_loop3A_129, %parallel_loop3A_136 : i32
        %parallel_loop3A_138 = arith.remsi %parallel_loop3A_116, %parallel_loop3A_121 : i32
        %parallel_loop3A_139 = arith.constant 0 : i32
        %parallel_loop3A_140 = arith.cmpi ne, %parallel_loop3A_138, %parallel_loop3A_139 : i32
        %parallel_loop3A_141 = arith.andi %parallel_loop3A_137, %parallel_loop3A_140 : i1
        %parallel_loop3A_142 = arith.constant 1 : i32
        %parallel_loop3A_143 = arith.subi %parallel_loop3A_122, %parallel_loop3A_142 : i32
        %parallel_loop3A_144 = arith.select %parallel_loop3A_141, %parallel_loop3A_143, %parallel_loop3A_122 : i32
        %parallel_loop3A_145 = arith.constant 26 : i32
        %parallel_loop3A_146 = arith.constant 0 : i32
        %parallel_loop3A_147 = arith.cmpi eq, %parallel_loop3A_145, %parallel_loop3A_146 : i32
        %parallel_loop3A_148 = arith.constant 1 : i32
        %parallel_loop3A_149 = arith.select %parallel_loop3A_147, %parallel_loop3A_148, %parallel_loop3A_145 : i32
        %parallel_loop3A_150 = arith.remsi %parallel_loop3A_116, %parallel_loop3A_149 : i32
        %parallel_loop3A_151 = arith.constant 0 : i32
        %parallel_loop3A_152 = arith.cmpi ne, %parallel_loop3A_150, %parallel_loop3A_151 : i32
        %parallel_loop3A_153 = arith.constant 0 : i32
        %parallel_loop3A_154 = arith.cmpi slt, %parallel_loop3A_150, %parallel_loop3A_153 : i32
        %parallel_loop3A_155 = arith.constant 0 : i32
        %parallel_loop3A_156 = arith.cmpi slt, %parallel_loop3A_149, %parallel_loop3A_155 : i32
        %parallel_loop3A_157 = arith.xori %parallel_loop3A_154, %parallel_loop3A_156 : i1
        %parallel_loop3A_158 = arith.andi %parallel_loop3A_157, %parallel_loop3A_152 : i1
        %parallel_loop3A_159 = arith.addi %parallel_loop3A_150, %parallel_loop3A_149 : i32
        %parallel_loop3A_160 = arith.select %parallel_loop3A_158, %parallel_loop3A_159, %parallel_loop3A_150 : i32
        %parallel_loop3A_161 = arith.constant 0 : i32
        %parallel_loop3A_162 = tpu.memref_slice %arg8[%parallel_loop3A_144, %parallel_loop3A_160, %parallel_loop3A_161] : memref<8x26x32xf32, #tpu.memory_space<vmem>> -> memref<1x1x32xf32, #tpu.memory_space<vmem>>
        %parallel_loop3A_163 = tpu.memref_squeeze %parallel_loop3A_162 : memref<1x1x32xf32, #tpu.memory_space<vmem>> -> memref<32xf32, #tpu.memory_space<vmem>>
        %parallel_loop3A_164 = arith.constant 0 : i32
        %parallel_loop3A_165 = tpu.memref_slice %arg3[%parallel_loop3A_118, %parallel_loop3A_120, %parallel_loop3A_164] : memref<325000x8x32xf32, #tpu.memory_space<hbm>> -> memref<1x1x32xf32, #tpu.memory_space<hbm>>
        %parallel_loop3A_166 = tpu.memref_squeeze %parallel_loop3A_165 : memref<1x1x32xf32, #tpu.memory_space<hbm>> -> memref<32xf32, #tpu.memory_space<hbm>>
        %parallel_loop3A_167 = arith.constant 0 : i32
        %parallel_loop3A_168 = tpu.memref_slice %arg8[%parallel_loop3A_144, %parallel_loop3A_160, %parallel_loop3A_167] : memref<8x26x32xf32, #tpu.memory_space<vmem>> -> memref<1x1x32xf32, #tpu.memory_space<vmem>>
        %parallel_loop3A_169 = tpu.memref_squeeze %parallel_loop3A_168 : memref<1x1x32xf32, #tpu.memory_space<vmem>> -> memref<32xf32, #tpu.memory_space<vmem>>
        %parallel_loop3A_170 = arith.constant 0 : i32
        %parallel_loop3A_171 = tpu.memref_slice %arg3[%parallel_loop3A_118, %parallel_loop3A_120, %parallel_loop3A_170] : memref<325000x8x32xf32, #tpu.memory_space<hbm>> -> memref<1x1x32xf32, #tpu.memory_space<hbm>>
        %parallel_loop3A_172 = tpu.memref_squeeze %parallel_loop3A_171 : memref<1x1x32xf32, #tpu.memory_space<hbm>> -> memref<32xf32, #tpu.memory_space<hbm>>
        tpu.enqueue_dma source(%parallel_loop3A_172 : memref<32xf32, #tpu.memory_space<hbm>>) target(%parallel_loop3A_169 : memref<32xf32, #tpu.memory_space<vmem>>) target_semaphore(%arg10 : memref<!tpu.dma_semaphore, #tpu.memory_space<semaphore_mem>>)
        %parallel_loop3A_173 = vector.extract_strided_slice %parallel_loop3A_50 {offsets = [2], sizes = [1], strides = [1]} : vector<16xi32> to vector<1xi32>
        %parallel_loop3A_174 = vector.extract %parallel_loop3A_173[0] : i32 from vector<1xi32>
        %parallel_loop3A_175 = arith.constant 2 : i32
        %parallel_loop3A_176 = arith.addi %parallel_loop3A_52, %parallel_loop3A_175 : i32
        %parallel_loop3A_177 = arith.constant 3 : i32
        %parallel_loop3A_178 = arith.shrsi %parallel_loop3A_174, %parallel_loop3A_177 : i32
        %parallel_loop3A_179 = arith.constant 7 : i32
        %parallel_loop3A_180 = arith.andi %parallel_loop3A_174, %parallel_loop3A_179 : i32
        %parallel_loop3A_181 = arith.constant 26 : i32
        %parallel_loop3A_182 = arith.divsi %parallel_loop3A_176, %parallel_loop3A_181 : i32
        %parallel_loop3A_183 = arith.constant 0 : i32
        %parallel_loop3A_184 = arith.cmpi sgt, %parallel_loop3A_176, %parallel_loop3A_183 : i32
        %parallel_loop3A_185 = arith.extui %parallel_loop3A_184 : i1 to i32
        %parallel_loop3A_186 = arith.constant 0 : i32
        %parallel_loop3A_187 = arith.cmpi slt, %parallel_loop3A_176, %parallel_loop3A_186 : i32
        %parallel_loop3A_188 = arith.extui %parallel_loop3A_187 : i1 to i32
        %parallel_loop3A_189 = arith.subi %parallel_loop3A_185, %parallel_loop3A_188 : i32
        %parallel_loop3A_190 = arith.constant 0 : i32
        %parallel_loop3A_191 = arith.cmpi sgt, %parallel_loop3A_181, %parallel_loop3A_190 : i32
        %parallel_loop3A_192 = arith.extui %parallel_loop3A_191 : i1 to i32
        %parallel_loop3A_193 = arith.constant 0 : i32
        %parallel_loop3A_194 = arith.cmpi slt, %parallel_loop3A_181, %parallel_loop3A_193 : i32
        %parallel_loop3A_195 = arith.extui %parallel_loop3A_194 : i1 to i32
        %parallel_loop3A_196 = arith.subi %parallel_loop3A_192, %parallel_loop3A_195 : i32
        %parallel_loop3A_197 = arith.cmpi ne, %parallel_loop3A_189, %parallel_loop3A_196 : i32
        %parallel_loop3A_198 = arith.remsi %parallel_loop3A_176, %parallel_loop3A_181 : i32
        %parallel_loop3A_199 = arith.constant 0 : i32
        %parallel_loop3A_200 = arith.cmpi ne, %parallel_loop3A_198, %parallel_loop3A_199 : i32
        %parallel_loop3A_201 = arith.andi %parallel_loop3A_197, %parallel_loop3A_200 : i1
        %parallel_loop3A_202 = arith.constant 1 : i32
        %parallel_loop3A_203 = arith.subi %parallel_loop3A_182, %parallel_loop3A_202 : i32
        %parallel_loop3A_204 = arith.select %parallel_loop3A_201, %parallel_loop3A_203, %parallel_loop3A_182 : i32
        %parallel_loop3A_205 = arith.constant 26 : i32
        %parallel_loop3A_206 = arith.constant 0 : i32
        %parallel_loop3A_207 = arith.cmpi eq, %parallel_loop3A_205, %parallel_loop3A_206 : i32
        %parallel_loop3A_208 = arith.constant 1 : i32
        %parallel_loop3A_209 = arith.select %parallel_loop3A_207, %parallel_loop3A_208, %parallel_loop3A_205 : i32
        %parallel_loop3A_210 = arith.remsi %parallel_loop3A_176, %parallel_loop3A_209 : i32
        %parallel_loop3A_211 = arith.constant 0 : i32
        %parallel_loop3A_212 = arith.cmpi ne, %parallel_loop3A_210, %parallel_loop3A_211 : i32
        %parallel_loop3A_213 = arith.constant 0 : i32
        %parallel_loop3A_214 = arith.cmpi slt, %parallel_loop3A_210, %parallel_loop3A_213 : i32
        %parallel_loop3A_215 = arith.constant 0 : i32
        %parallel_loop3A_216 = arith.cmpi slt, %parallel_loop3A_209, %parallel_loop3A_215 : i32
        %parallel_loop3A_217 = arith.xori %parallel_loop3A_214, %parallel_loop3A_216 : i1
        %parallel_loop3A_218 = arith.andi %parallel_loop3A_217, %parallel_loop3A_212 : i1
        %parallel_loop3A_219 = arith.addi %parallel_loop3A_210, %parallel_loop3A_209 : i32
        %parallel_loop3A_220 = arith.select %parallel_loop3A_218, %parallel_loop3A_219, %parallel_loop3A_210 : i32
        %parallel_loop3A_221 = arith.constant 0 : i32
        %parallel_loop3A_222 = tpu.memref_slice %arg8[%parallel_loop3A_204, %parallel_loop3A_220, %parallel_loop3A_221] : memref<8x26x32xf32, #tpu.memory_space<vmem>> -> memref<1x1x32xf32, #tpu.memory_space<vmem>>
        %parallel_loop3A_223 = tpu.memref_squeeze %parallel_loop3A_222 : memref<1x1x32xf32, #tpu.memory_space<vmem>> -> memref<32xf32, #tpu.memory_space<vmem>>
        %parallel_loop3A_224 = arith.constant 0 : i32
        %parallel_loop3A_225 = tpu.memref_slice %arg3[%parallel_loop3A_178, %parallel_loop3A_180, %parallel_loop3A_224] : memref<325000x8x32xf32, #tpu.memory_space<hbm>> -> memref<1x1x32xf32, #tpu.memory_space<hbm>>
        %parallel_loop3A_226 = tpu.memref_squeeze %parallel_loop3A_225 : memref<1x1x32xf32, #tpu.memory_space<hbm>> -> memref<32xf32, #tpu.memory_space<hbm>>
        %parallel_loop3A_227 = arith.constant 0 : i32
        %parallel_loop3A_228 = tpu.memref_slice %arg8[%parallel_loop3A_204, %parallel_loop3A_220, %parallel_loop3A_227] : memref<8x26x32xf32, #tpu.memory_space<vmem>> -> memref<1x1x32xf32, #tpu.memory_space<vmem>>
        %parallel_loop3A_229 = tpu.memref_squeeze %parallel_loop3A_228 : memref<1x1x32xf32, #tpu.memory_space<vmem>> -> memref<32xf32, #tpu.memory_space<vmem>>
        %parallel_loop3A_230 = arith.constant 0 : i32
        %parallel_loop3A_231 = tpu.memref_slice %arg3[%parallel_loop3A_178, %parallel_loop3A_180, %parallel_loop3A_230] : memref<325000x8x32xf32, #tpu.memory_space<hbm>> -> memref<1x1x32xf32, #tpu.memory_space<hbm>>
        %parallel_loop3A_232 = tpu.memref_squeeze %parallel_loop3A_231 : memref<1x1x32xf32, #tpu.memory_space<hbm>> -> memref<32xf32, #tpu.memory_space<hbm>>
        tpu.enqueue_dma source(%parallel_loop3A_232 : memref<32xf32, #tpu.memory_space<hbm>>) target(%parallel_loop3A_229 : memref<32xf32, #tpu.memory_space<vmem>>) target_semaphore(%arg10 : memref<!tpu.dma_semaphore, #tpu.memory_space<semaphore_mem>>)
        %parallel_loop3A_233 = vector.extract_strided_slice %parallel_loop3A_50 {offsets = [3], sizes = [1], strides = [1]} : vector<16xi32> to vector<1xi32>
        %parallel_loop3A_234 = vector.extract %parallel_loop3A_233[0] : i32 from vector<1xi32>
        %parallel_loop3A_235 = arith.constant 3 : i32
        %parallel_loop3A_236 = arith.addi %parallel_loop3A_52, %parallel_loop3A_235 : i32
        %parallel_loop3A_237 = arith.constant 3 : i32
        %parallel_loop3A_238 = arith.shrsi %parallel_loop3A_234, %parallel_loop3A_237 : i32
        %parallel_loop3A_239 = arith.constant 7 : i32
        %parallel_loop3A_240 = arith.andi %parallel_loop3A_234, %parallel_loop3A_239 : i32
        %parallel_loop3A_241 = arith.constant 26 : i32
        %parallel_loop3A_242 = arith.divsi %parallel_loop3A_236, %parallel_loop3A_241 : i32
        %parallel_loop3A_243 = arith.constant 0 : i32
        %parallel_loop3A_244 = arith.cmpi sgt, %parallel_loop3A_236, %parallel_loop3A_243 : i32
        %parallel_loop3A_245 = arith.extui %parallel_loop3A_244 : i1 to i32
        %parallel_loop3A_246 = arith.constant 0 : i32
        %parallel_loop3A_247 = arith.cmpi slt, %parallel_loop3A_236, %parallel_loop3A_246 : i32
        %parallel_loop3A_248 = arith.extui %parallel_loop3A_247 : i1 to i32
        %parallel_loop3A_249 = arith.subi %parallel_loop3A_245, %parallel_loop3A_248 : i32
        %parallel_loop3A_250 = arith.constant 0 : i32
        %parallel_loop3A_251 = arith.cmpi sgt, %parallel_loop3A_241, %parallel_loop3A_250 : i32
        %parallel_loop3A_252 = arith.extui %parallel_loop3A_251 : i1 to i32
        %parallel_loop3A_253 = arith.constant 0 : i32
        %parallel_loop3A_254 = arith.cmpi slt, %parallel_loop3A_241, %parallel_loop3A_253 : i32
        %parallel_loop3A_255 = arith.extui %parallel_loop3A_254 : i1 to i32
        %parallel_loop3A_256 = arith.subi %parallel_loop3A_252, %parallel_loop3A_255 : i32
        %parallel_loop3A_257 = arith.cmpi ne, %parallel_loop3A_249, %parallel_loop3A_256 : i32
        %parallel_loop3A_258 = arith.remsi %parallel_loop3A_236, %parallel_loop3A_241 : i32
        %parallel_loop3A_259 = arith.constant 0 : i32
        %parallel_loop3A_260 = arith.cmpi ne, %parallel_loop3A_258, %parallel_loop3A_259 : i32
        %parallel_loop3A_261 = arith.andi %parallel_loop3A_257, %parallel_loop3A_260 : i1
        %parallel_loop3A_262 = arith.constant 1 : i32
        %parallel_loop3A_263 = arith.subi %parallel_loop3A_242, %parallel_loop3A_262 : i32
        %parallel_loop3A_264 = arith.select %parallel_loop3A_261, %parallel_loop3A_263, %parallel_loop3A_242 : i32
        %parallel_loop3A_265 = arith.constant 26 : i32
        %parallel_loop3A_266 = arith.constant 0 : i32
        %parallel_loop3A_267 = arith.cmpi eq, %parallel_loop3A_265, %parallel_loop3A_266 : i32
        %parallel_loop3A_268 = arith.constant 1 : i32
        %parallel_loop3A_269 = arith.select %parallel_loop3A_267, %parallel_loop3A_268, %parallel_loop3A_265 : i32
        %parallel_loop3A_270 = arith.remsi %parallel_loop3A_236, %parallel_loop3A_269 : i32
        %parallel_loop3A_271 = arith.constant 0 : i32
        %parallel_loop3A_272 = arith.cmpi ne, %parallel_loop3A_270, %parallel_loop3A_271 : i32
        %parallel_loop3A_273 = arith.constant 0 : i32
        %parallel_loop3A_274 = arith.cmpi slt, %parallel_loop3A_270, %parallel_loop3A_273 : i32
        %parallel_loop3A_275 = arith.constant 0 : i32
        %parallel_loop3A_276 = arith.cmpi slt, %parallel_loop3A_269, %parallel_loop3A_275 : i32
        %parallel_loop3A_277 = arith.xori %parallel_loop3A_274, %parallel_loop3A_276 : i1
        %parallel_loop3A_278 = arith.andi %parallel_loop3A_277, %parallel_loop3A_272 : i1
        %parallel_loop3A_279 = arith.addi %parallel_loop3A_270, %parallel_loop3A_269 : i32
        %parallel_loop3A_280 = arith.select %parallel_loop3A_278, %parallel_loop3A_279, %parallel_loop3A_270 : i32
        %parallel_loop3A_281 = arith.constant 0 : i32
        %parallel_loop3A_282 = tpu.memref_slice %arg8[%parallel_loop3A_264, %parallel_loop3A_280, %parallel_loop3A_281] : memref<8x26x32xf32, #tpu.memory_space<vmem>> -> memref<1x1x32xf32, #tpu.memory_space<vmem>>
        %parallel_loop3A_283 = tpu.memref_squeeze %parallel_loop3A_282 : memref<1x1x32xf32, #tpu.memory_space<vmem>> -> memref<32xf32, #tpu.memory_space<vmem>>
        %parallel_loop3A_284 = arith.constant 0 : i32
        %parallel_loop3A_285 = tpu.memref_slice %arg3[%parallel_loop3A_238, %parallel_loop3A_240, %parallel_loop3A_284] : memref<325000x8x32xf32, #tpu.memory_space<hbm>> -> memref<1x1x32xf32, #tpu.memory_space<hbm>>
        %parallel_loop3A_286 = tpu.memref_squeeze %parallel_loop3A_285 : memref<1x1x32xf32, #tpu.memory_space<hbm>> -> memref<32xf32, #tpu.memory_space<hbm>>
        %parallel_loop3A_287 = arith.constant 0 : i32
        %parallel_loop3A_288 = tpu.memref_slice %arg8[%parallel_loop3A_264, %parallel_loop3A_280, %parallel_loop3A_287] : memref<8x26x32xf32, #tpu.memory_space<vmem>> -> memref<1x1x32xf32, #tpu.memory_space<vmem>>
        %parallel_loop3A_289 = tpu.memref_squeeze %parallel_loop3A_288 : memref<1x1x32xf32, #tpu.memory_space<vmem>> -> memref<32xf32, #tpu.memory_space<vmem>>
        %parallel_loop3A_290 = arith.constant 0 : i32
        %parallel_loop3A_291 = tpu.memref_slice %arg3[%parallel_loop3A_238, %parallel_loop3A_240, %parallel_loop3A_290] : memref<325000x8x32xf32, #tpu.memory_space<hbm>> -> memref<1x1x32xf32, #tpu.memory_space<hbm>>
        %parallel_loop3A_292 = tpu.memref_squeeze %parallel_loop3A_291 : memref<1x1x32xf32, #tpu.memory_space<hbm>> -> memref<32xf32, #tpu.memory_space<hbm>>
        tpu.enqueue_dma source(%parallel_loop3A_292 : memref<32xf32, #tpu.memory_space<hbm>>) target(%parallel_loop3A_289 : memref<32xf32, #tpu.memory_space<vmem>>) target_semaphore(%arg10 : memref<!tpu.dma_semaphore, #tpu.memory_space<semaphore_mem>>)
        %parallel_loop3A_293 = vector.extract_strided_slice %parallel_loop3A_50 {offsets = [4], sizes = [1], strides = [1]} : vector<16xi32> to vector<1xi32>
        %parallel_loop3A_294 = vector.extract %parallel_loop3A_293[0] : i32 from vector<1xi32>
        %parallel_loop3A_295 = arith.constant 4 : i32
        %parallel_loop3A_296 = arith.addi %parallel_loop3A_52, %parallel_loop3A_295 : i32
        %parallel_loop3A_297 = arith.constant 3 : i32
        %parallel_loop3A_298 = arith.shrsi %parallel_loop3A_294, %parallel_loop3A_297 : i32
        %parallel_loop3A_299 = arith.constant 7 : i32
        %parallel_loop3A_300 = arith.andi %parallel_loop3A_294, %parallel_loop3A_299 : i32
        %parallel_loop3A_301 = arith.constant 26 : i32
        %parallel_loop3A_302 = arith.divsi %parallel_loop3A_296, %parallel_loop3A_301 : i32
        %parallel_loop3A_303 = arith.constant 0 : i32
        %parallel_loop3A_304 = arith.cmpi sgt, %parallel_loop3A_296, %parallel_loop3A_303 : i32
        %parallel_loop3A_305 = arith.extui %parallel_loop3A_304 : i1 to i32
        %parallel_loop3A_306 = arith.constant 0 : i32
        %parallel_loop3A_307 = arith.cmpi slt, %parallel_loop3A_296, %parallel_loop3A_306 : i32
        %parallel_loop3A_308 = arith.extui %parallel_loop3A_307 : i1 to i32
        %parallel_loop3A_309 = arith.subi %parallel_loop3A_305, %parallel_loop3A_308 : i32
        %parallel_loop3A_310 = arith.constant 0 : i32
        %parallel_loop3A_311 = arith.cmpi sgt, %parallel_loop3A_301, %parallel_loop3A_310 : i32
        %parallel_loop3A_312 = arith.extui %parallel_loop3A_311 : i1 to i32
        %parallel_loop3A_313 = arith.constant 0 : i32
        %parallel_loop3A_314 = arith.cmpi slt, %parallel_loop3A_301, %parallel_loop3A_313 : i32
        %parallel_loop3A_315 = arith.extui %parallel_loop3A_314 : i1 to i32
        %parallel_loop3A_316 = arith.subi %parallel_loop3A_312, %parallel_loop3A_315 : i32
        %parallel_loop3A_317 = arith.cmpi ne, %parallel_loop3A_309, %parallel_loop3A_316 : i32
        %parallel_loop3A_318 = arith.remsi %parallel_loop3A_296, %parallel_loop3A_301 : i32
        %parallel_loop3A_319 = arith.constant 0 : i32
        %parallel_loop3A_320 = arith.cmpi ne, %parallel_loop3A_318, %parallel_loop3A_319 : i32
        %parallel_loop3A_321 = arith.andi %parallel_loop3A_317, %parallel_loop3A_320 : i1
        %parallel_loop3A_322 = arith.constant 1 : i32
        %parallel_loop3A_323 = arith.subi %parallel_loop3A_302, %parallel_loop3A_322 : i32
        %parallel_loop3A_324 = arith.select %parallel_loop3A_321, %parallel_loop3A_323, %parallel_loop3A_302 : i32
        %parallel_loop3A_325 = arith.constant 26 : i32
        %parallel_loop3A_326 = arith.constant 0 : i32
        %parallel_loop3A_327 = arith.cmpi eq, %parallel_loop3A_325, %parallel_loop3A_326 : i32
        %parallel_loop3A_328 = arith.constant 1 : i32
        %parallel_loop3A_329 = arith.select %parallel_loop3A_327, %parallel_loop3A_328, %parallel_loop3A_325 : i32
        %parallel_loop3A_330 = arith.remsi %parallel_loop3A_296, %parallel_loop3A_329 : i32
        %parallel_loop3A_331 = arith.constant 0 : i32
        %parallel_loop3A_332 = arith.cmpi ne, %parallel_loop3A_330, %parallel_loop3A_331 : i32
        %parallel_loop3A_333 = arith.constant 0 : i32
        %parallel_loop3A_334 = arith.cmpi slt, %parallel_loop3A_330, %parallel_loop3A_333 : i32
        %parallel_loop3A_335 = arith.constant 0 : i32
        %parallel_loop3A_336 = arith.cmpi slt, %parallel_loop3A_329, %parallel_loop3A_335 : i32
        %parallel_loop3A_337 = arith.xori %parallel_loop3A_334, %parallel_loop3A_336 : i1
        %parallel_loop3A_338 = arith.andi %parallel_loop3A_337, %parallel_loop3A_332 : i1
        %parallel_loop3A_339 = arith.addi %parallel_loop3A_330, %parallel_loop3A_329 : i32
        %parallel_loop3A_340 = arith.select %parallel_loop3A_338, %parallel_loop3A_339, %parallel_loop3A_330 : i32
        %parallel_loop3A_341 = arith.constant 0 : i32
        %parallel_loop3A_342 = tpu.memref_slice %arg8[%parallel_loop3A_324, %parallel_loop3A_340, %parallel_loop3A_341] : memref<8x26x32xf32, #tpu.memory_space<vmem>> -> memref<1x1x32xf32, #tpu.memory_space<vmem>>
        %parallel_loop3A_343 = tpu.memref_squeeze %parallel_loop3A_342 : memref<1x1x32xf32, #tpu.memory_space<vmem>> -> memref<32xf32, #tpu.memory_space<vmem>>
        %parallel_loop3A_344 = arith.constant 0 : i32
        %parallel_loop3A_345 = tpu.memref_slice %arg3[%parallel_loop3A_298, %parallel_loop3A_300, %parallel_loop3A_344] : memref<325000x8x32xf32, #tpu.memory_space<hbm>> -> memref<1x1x32xf32, #tpu.memory_space<hbm>>
        %parallel_loop3A_346 = tpu.memref_squeeze %parallel_loop3A_345 : memref<1x1x32xf32, #tpu.memory_space<hbm>> -> memref<32xf32, #tpu.memory_space<hbm>>
        %parallel_loop3A_347 = arith.constant 0 : i32
        %parallel_loop3A_348 = tpu.memref_slice %arg8[%parallel_loop3A_324, %parallel_loop3A_340, %parallel_loop3A_347] : memref<8x26x32xf32, #tpu.memory_space<vmem>> -> memref<1x1x32xf32, #tpu.memory_space<vmem>>
        %parallel_loop3A_349 = tpu.memref_squeeze %parallel_loop3A_348 : memref<1x1x32xf32, #tpu.memory_space<vmem>> -> memref<32xf32, #tpu.memory_space<vmem>>
        %parallel_loop3A_350 = arith.constant 0 : i32
        %parallel_loop3A_351 = tpu.memref_slice %arg3[%parallel_loop3A_298, %parallel_loop3A_300, %parallel_loop3A_350] : memref<325000x8x32xf32, #tpu.memory_space<hbm>> -> memref<1x1x32xf32, #tpu.memory_space<hbm>>
        %parallel_loop3A_352 = tpu.memref_squeeze %parallel_loop3A_351 : memref<1x1x32xf32, #tpu.memory_space<hbm>> -> memref<32xf32, #tpu.memory_space<hbm>>
        tpu.enqueue_dma source(%parallel_loop3A_352 : memref<32xf32, #tpu.memory_space<hbm>>) target(%parallel_loop3A_349 : memref<32xf32, #tpu.memory_space<vmem>>) target_semaphore(%arg10 : memref<!tpu.dma_semaphore, #tpu.memory_space<semaphore_mem>>)
        %parallel_loop3A_353 = vector.extract_strided_slice %parallel_loop3A_50 {offsets = [5], sizes = [1], strides = [1]} : vector<16xi32> to vector<1xi32>
        %parallel_loop3A_354 = vector.extract %parallel_loop3A_353[0] : i32 from vector<1xi32>
        %parallel_loop3A_355 = arith.constant 5 : i32
        %parallel_loop3A_356 = arith.addi %parallel_loop3A_52, %parallel_loop3A_355 : i32
        %parallel_loop3A_357 = arith.constant 3 : i32
        %parallel_loop3A_358 = arith.shrsi %parallel_loop3A_354, %parallel_loop3A_357 : i32
        %parallel_loop3A_359 = arith.constant 7 : i32
        %parallel_loop3A_360 = arith.andi %parallel_loop3A_354, %parallel_loop3A_359 : i32
        %parallel_loop3A_361 = arith.constant 26 : i32
        %parallel_loop3A_362 = arith.divsi %parallel_loop3A_356, %parallel_loop3A_361 : i32
        %parallel_loop3A_363 = arith.constant 0 : i32
        %parallel_loop3A_364 = arith.cmpi sgt, %parallel_loop3A_356, %parallel_loop3A_363 : i32
        %parallel_loop3A_365 = arith.extui %parallel_loop3A_364 : i1 to i32
        %parallel_loop3A_366 = arith.constant 0 : i32
        %parallel_loop3A_367 = arith.cmpi slt, %parallel_loop3A_356, %parallel_loop3A_366 : i32
        %parallel_loop3A_368 = arith.extui %parallel_loop3A_367 : i1 to i32
        %parallel_loop3A_369 = arith.subi %parallel_loop3A_365, %parallel_loop3A_368 : i32
        %parallel_loop3A_370 = arith.constant 0 : i32
        %parallel_loop3A_371 = arith.cmpi sgt, %parallel_loop3A_361, %parallel_loop3A_370 : i32
        %parallel_loop3A_372 = arith.extui %parallel_loop3A_371 : i1 to i32
        %parallel_loop3A_373 = arith.constant 0 : i32
        %parallel_loop3A_374 = arith.cmpi slt, %parallel_loop3A_361, %parallel_loop3A_373 : i32
        %parallel_loop3A_375 = arith.extui %parallel_loop3A_374 : i1 to i32
        %parallel_loop3A_376 = arith.subi %parallel_loop3A_372, %parallel_loop3A_375 : i32
        %parallel_loop3A_377 = arith.cmpi ne, %parallel_loop3A_369, %parallel_loop3A_376 : i32
        %parallel_loop3A_378 = arith.remsi %parallel_loop3A_356, %parallel_loop3A_361 : i32
        %parallel_loop3A_379 = arith.constant 0 : i32
        %parallel_loop3A_380 = arith.cmpi ne, %parallel_loop3A_378, %parallel_loop3A_379 : i32
        %parallel_loop3A_381 = arith.andi %parallel_loop3A_377, %parallel_loop3A_380 : i1
        %parallel_loop3A_382 = arith.constant 1 : i32
        %parallel_loop3A_383 = arith.subi %parallel_loop3A_362, %parallel_loop3A_382 : i32
        %parallel_loop3A_384 = arith.select %parallel_loop3A_381, %parallel_loop3A_383, %parallel_loop3A_362 : i32
        %parallel_loop3A_385 = arith.constant 26 : i32
        %parallel_loop3A_386 = arith.constant 0 : i32
        %parallel_loop3A_387 = arith.cmpi eq, %parallel_loop3A_385, %parallel_loop3A_386 : i32
        %parallel_loop3A_388 = arith.constant 1 : i32
        %parallel_loop3A_389 = arith.select %parallel_loop3A_387, %parallel_loop3A_388, %parallel_loop3A_385 : i32
        %parallel_loop3A_390 = arith.remsi %parallel_loop3A_356, %parallel_loop3A_389 : i32
        %parallel_loop3A_391 = arith.constant 0 : i32
        %parallel_loop3A_392 = arith.cmpi ne, %parallel_loop3A_390, %parallel_loop3A_391 : i32
        %parallel_loop3A_393 = arith.constant 0 : i32
        %parallel_loop3A_394 = arith.cmpi slt, %parallel_loop3A_390, %parallel_loop3A_393 : i32
        %parallel_loop3A_395 = arith.constant 0 : i32
        %parallel_loop3A_396 = arith.cmpi slt, %parallel_loop3A_389, %parallel_loop3A_395 : i32
        %parallel_loop3A_397 = arith.xori %parallel_loop3A_394, %parallel_loop3A_396 : i1
        %parallel_loop3A_398 = arith.andi %parallel_loop3A_397, %parallel_loop3A_392 : i1
        %parallel_loop3A_399 = arith.addi %parallel_loop3A_390, %parallel_loop3A_389 : i32
        %parallel_loop3A_400 = arith.select %parallel_loop3A_398, %parallel_loop3A_399, %parallel_loop3A_390 : i32
        %parallel_loop3A_401 = arith.constant 0 : i32
        %parallel_loop3A_402 = tpu.memref_slice %arg8[%parallel_loop3A_384, %parallel_loop3A_400, %parallel_loop3A_401] : memref<8x26x32xf32, #tpu.memory_space<vmem>> -> memref<1x1x32xf32, #tpu.memory_space<vmem>>
        %parallel_loop3A_403 = tpu.memref_squeeze %parallel_loop3A_402 : memref<1x1x32xf32, #tpu.memory_space<vmem>> -> memref<32xf32, #tpu.memory_space<vmem>>
        %parallel_loop3A_404 = arith.constant 0 : i32
        %parallel_loop3A_405 = tpu.memref_slice %arg3[%parallel_loop3A_358, %parallel_loop3A_360, %parallel_loop3A_404] : memref<325000x8x32xf32, #tpu.memory_space<hbm>> -> memref<1x1x32xf32, #tpu.memory_space<hbm>>
        %parallel_loop3A_406 = tpu.memref_squeeze %parallel_loop3A_405 : memref<1x1x32xf32, #tpu.memory_space<hbm>> -> memref<32xf32, #tpu.memory_space<hbm>>
        %parallel_loop3A_407 = arith.constant 0 : i32
        %parallel_loop3A_408 = tpu.memref_slice %arg8[%parallel_loop3A_384, %parallel_loop3A_400, %parallel_loop3A_407] : memref<8x26x32xf32, #tpu.memory_space<vmem>> -> memref<1x1x32xf32, #tpu.memory_space<vmem>>
        %parallel_loop3A_409 = tpu.memref_squeeze %parallel_loop3A_408 : memref<1x1x32xf32, #tpu.memory_space<vmem>> -> memref<32xf32, #tpu.memory_space<vmem>>
        %parallel_loop3A_410 = arith.constant 0 : i32
        %parallel_loop3A_411 = tpu.memref_slice %arg3[%parallel_loop3A_358, %parallel_loop3A_360, %parallel_loop3A_410] : memref<325000x8x32xf32, #tpu.memory_space<hbm>> -> memref<1x1x32xf32, #tpu.memory_space<hbm>>
        %parallel_loop3A_412 = tpu.memref_squeeze %parallel_loop3A_411 : memref<1x1x32xf32, #tpu.memory_space<hbm>> -> memref<32xf32, #tpu.memory_space<hbm>>
        tpu.enqueue_dma source(%parallel_loop3A_412 : memref<32xf32, #tpu.memory_space<hbm>>) target(%parallel_loop3A_409 : memref<32xf32, #tpu.memory_space<vmem>>) target_semaphore(%arg10 : memref<!tpu.dma_semaphore, #tpu.memory_space<semaphore_mem>>)
        %parallel_loop3A_413 = vector.extract_strided_slice %parallel_loop3A_50 {offsets = [6], sizes = [1], strides = [1]} : vector<16xi32> to vector<1xi32>
        %parallel_loop3A_414 = vector.extract %parallel_loop3A_413[0] : i32 from vector<1xi32>
        %parallel_loop3A_415 = arith.constant 6 : i32
        %parallel_loop3A_416 = arith.addi %parallel_loop3A_52, %parallel_loop3A_415 : i32
        %parallel_loop3A_417 = arith.constant 3 : i32
        %parallel_loop3A_418 = arith.shrsi %parallel_loop3A_414, %parallel_loop3A_417 : i32
        %parallel_loop3A_419 = arith.constant 7 : i32
        %parallel_loop3A_420 = arith.andi %parallel_loop3A_414, %parallel_loop3A_419 : i32
        %parallel_loop3A_421 = arith.constant 26 : i32
        %parallel_loop3A_422 = arith.divsi %parallel_loop3A_416, %parallel_loop3A_421 : i32
        %parallel_loop3A_423 = arith.constant 0 : i32
        %parallel_loop3A_424 = arith.cmpi sgt, %parallel_loop3A_416, %parallel_loop3A_423 : i32
        %parallel_loop3A_425 = arith.extui %parallel_loop3A_424 : i1 to i32
        %parallel_loop3A_426 = arith.constant 0 : i32
        %parallel_loop3A_427 = arith.cmpi slt, %parallel_loop3A_416, %parallel_loop3A_426 : i32
        %parallel_loop3A_428 = arith.extui %parallel_loop3A_427 : i1 to i32
        %parallel_loop3A_429 = arith.subi %parallel_loop3A_425, %parallel_loop3A_428 : i32
        %parallel_loop3A_430 = arith.constant 0 : i32
        %parallel_loop3A_431 = arith.cmpi sgt, %parallel_loop3A_421, %parallel_loop3A_430 : i32
        %parallel_loop3A_432 = arith.extui %parallel_loop3A_431 : i1 to i32
        %parallel_loop3A_433 = arith.constant 0 : i32
        %parallel_loop3A_434 = arith.cmpi slt, %parallel_loop3A_421, %parallel_loop3A_433 : i32
        %parallel_loop3A_435 = arith.extui %parallel_loop3A_434 : i1 to i32
        %parallel_loop3A_436 = arith.subi %parallel_loop3A_432, %parallel_loop3A_435 : i32
        %parallel_loop3A_437 = arith.cmpi ne, %parallel_loop3A_429, %parallel_loop3A_436 : i32
        %parallel_loop3A_438 = arith.remsi %parallel_loop3A_416, %parallel_loop3A_421 : i32
        %parallel_loop3A_439 = arith.constant 0 : i32
        %parallel_loop3A_440 = arith.cmpi ne, %parallel_loop3A_438, %parallel_loop3A_439 : i32
        %parallel_loop3A_441 = arith.andi %parallel_loop3A_437, %parallel_loop3A_440 : i1
        %parallel_loop3A_442 = arith.constant 1 : i32
        %parallel_loop3A_443 = arith.subi %parallel_loop3A_422, %parallel_loop3A_442 : i32
        %parallel_loop3A_444 = arith.select %parallel_loop3A_441, %parallel_loop3A_443, %parallel_loop3A_422 : i32
        %parallel_loop3A_445 = arith.constant 26 : i32
        %parallel_loop3A_446 = arith.constant 0 : i32
        %parallel_loop3A_447 = arith.cmpi eq, %parallel_loop3A_445, %parallel_loop3A_446 : i32
        %parallel_loop3A_448 = arith.constant 1 : i32
        %parallel_loop3A_449 = arith.select %parallel_loop3A_447, %parallel_loop3A_448, %parallel_loop3A_445 : i32
        %parallel_loop3A_450 = arith.remsi %parallel_loop3A_416, %parallel_loop3A_449 : i32
        %parallel_loop3A_451 = arith.constant 0 : i32
        %parallel_loop3A_452 = arith.cmpi ne, %parallel_loop3A_450, %parallel_loop3A_451 : i32
        %parallel_loop3A_453 = arith.constant 0 : i32
        %parallel_loop3A_454 = arith.cmpi slt, %parallel_loop3A_450, %parallel_loop3A_453 : i32
        %parallel_loop3A_455 = arith.constant 0 : i32
        %parallel_loop3A_456 = arith.cmpi slt, %parallel_loop3A_449, %parallel_loop3A_455 : i32
        %parallel_loop3A_457 = arith.xori %parallel_loop3A_454, %parallel_loop3A_456 : i1
        %parallel_loop3A_458 = arith.andi %parallel_loop3A_457, %parallel_loop3A_452 : i1
        %parallel_loop3A_459 = arith.addi %parallel_loop3A_450, %parallel_loop3A_449 : i32
        %parallel_loop3A_460 = arith.select %parallel_loop3A_458, %parallel_loop3A_459, %parallel_loop3A_450 : i32
        %parallel_loop3A_461 = arith.constant 0 : i32
        %parallel_loop3A_462 = tpu.memref_slice %arg8[%parallel_loop3A_444, %parallel_loop3A_460, %parallel_loop3A_461] : memref<8x26x32xf32, #tpu.memory_space<vmem>> -> memref<1x1x32xf32, #tpu.memory_space<vmem>>
        %parallel_loop3A_463 = tpu.memref_squeeze %parallel_loop3A_462 : memref<1x1x32xf32, #tpu.memory_space<vmem>> -> memref<32xf32, #tpu.memory_space<vmem>>
        %parallel_loop3A_464 = arith.constant 0 : i32
        %parallel_loop3A_465 = tpu.memref_slice %arg3[%parallel_loop3A_418, %parallel_loop3A_420, %parallel_loop3A_464] : memref<325000x8x32xf32, #tpu.memory_space<hbm>> -> memref<1x1x32xf32, #tpu.memory_space<hbm>>
        %parallel_loop3A_466 = tpu.memref_squeeze %parallel_loop3A_465 : memref<1x1x32xf32, #tpu.memory_space<hbm>> -> memref<32xf32, #tpu.memory_space<hbm>>
        %parallel_loop3A_467 = arith.constant 0 : i32
        %parallel_loop3A_468 = tpu.memref_slice %arg8[%parallel_loop3A_444, %parallel_loop3A_460, %parallel_loop3A_467] : memref<8x26x32xf32, #tpu.memory_space<vmem>> -> memref<1x1x32xf32, #tpu.memory_space<vmem>>
        %parallel_loop3A_469 = tpu.memref_squeeze %parallel_loop3A_468 : memref<1x1x32xf32, #tpu.memory_space<vmem>> -> memref<32xf32, #tpu.memory_space<vmem>>
        %parallel_loop3A_470 = arith.constant 0 : i32
        %parallel_loop3A_471 = tpu.memref_slice %arg3[%parallel_loop3A_418, %parallel_loop3A_420, %parallel_loop3A_470] : memref<325000x8x32xf32, #tpu.memory_space<hbm>> -> memref<1x1x32xf32, #tpu.memory_space<hbm>>
        %parallel_loop3A_472 = tpu.memref_squeeze %parallel_loop3A_471 : memref<1x1x32xf32, #tpu.memory_space<hbm>> -> memref<32xf32, #tpu.memory_space<hbm>>
        tpu.enqueue_dma source(%parallel_loop3A_472 : memref<32xf32, #tpu.memory_space<hbm>>) target(%parallel_loop3A_469 : memref<32xf32, #tpu.memory_space<vmem>>) target_semaphore(%arg10 : memref<!tpu.dma_semaphore, #tpu.memory_space<semaphore_mem>>)
        %parallel_loop3A_473 = vector.extract_strided_slice %parallel_loop3A_50 {offsets = [7], sizes = [1], strides = [1]} : vector<16xi32> to vector<1xi32>
        %parallel_loop3A_474 = vector.extract %parallel_loop3A_473[0] : i32 from vector<1xi32>
        %parallel_loop3A_475 = arith.constant 7 : i32
        %parallel_loop3A_476 = arith.addi %parallel_loop3A_52, %parallel_loop3A_475 : i32
        %parallel_loop3A_477 = arith.constant 3 : i32
        %parallel_loop3A_478 = arith.shrsi %parallel_loop3A_474, %parallel_loop3A_477 : i32
        %parallel_loop3A_479 = arith.constant 7 : i32
        %parallel_loop3A_480 = arith.andi %parallel_loop3A_474, %parallel_loop3A_479 : i32
        %parallel_loop3A_481 = arith.constant 26 : i32
        %parallel_loop3A_482 = arith.divsi %parallel_loop3A_476, %parallel_loop3A_481 : i32
        %parallel_loop3A_483 = arith.constant 0 : i32
        %parallel_loop3A_484 = arith.cmpi sgt, %parallel_loop3A_476, %parallel_loop3A_483 : i32
        %parallel_loop3A_485 = arith.extui %parallel_loop3A_484 : i1 to i32
        %parallel_loop3A_486 = arith.constant 0 : i32
        %parallel_loop3A_487 = arith.cmpi slt, %parallel_loop3A_476, %parallel_loop3A_486 : i32
        %parallel_loop3A_488 = arith.extui %parallel_loop3A_487 : i1 to i32
        %parallel_loop3A_489 = arith.subi %parallel_loop3A_485, %parallel_loop3A_488 : i32
        %parallel_loop3A_490 = arith.constant 0 : i32
        %parallel_loop3A_491 = arith.cmpi sgt, %parallel_loop3A_481, %parallel_loop3A_490 : i32
        %parallel_loop3A_492 = arith.extui %parallel_loop3A_491 : i1 to i32
        %parallel_loop3A_493 = arith.constant 0 : i32
        %parallel_loop3A_494 = arith.cmpi slt, %parallel_loop3A_481, %parallel_loop3A_493 : i32
        %parallel_loop3A_495 = arith.extui %parallel_loop3A_494 : i1 to i32
        %parallel_loop3A_496 = arith.subi %parallel_loop3A_492, %parallel_loop3A_495 : i32
        %parallel_loop3A_497 = arith.cmpi ne, %parallel_loop3A_489, %parallel_loop3A_496 : i32
        %parallel_loop3A_498 = arith.remsi %parallel_loop3A_476, %parallel_loop3A_481 : i32
        %parallel_loop3A_499 = arith.constant 0 : i32
        %parallel_loop3A_500 = arith.cmpi ne, %parallel_loop3A_498, %parallel_loop3A_499 : i32
        %parallel_loop3A_501 = arith.andi %parallel_loop3A_497, %parallel_loop3A_500 : i1
        %parallel_loop3A_502 = arith.constant 1 : i32
        %parallel_loop3A_503 = arith.subi %parallel_loop3A_482, %parallel_loop3A_502 : i32
        %parallel_loop3A_504 = arith.select %parallel_loop3A_501, %parallel_loop3A_503, %parallel_loop3A_482 : i32
        %parallel_loop3A_505 = arith.constant 26 : i32
        %parallel_loop3A_506 = arith.constant 0 : i32
        %parallel_loop3A_507 = arith.cmpi eq, %parallel_loop3A_505, %parallel_loop3A_506 : i32
        %parallel_loop3A_508 = arith.constant 1 : i32
        %parallel_loop3A_509 = arith.select %parallel_loop3A_507, %parallel_loop3A_508, %parallel_loop3A_505 : i32
        %parallel_loop3A_510 = arith.remsi %parallel_loop3A_476, %parallel_loop3A_509 : i32
        %parallel_loop3A_511 = arith.constant 0 : i32
        %parallel_loop3A_512 = arith.cmpi ne, %parallel_loop3A_510, %parallel_loop3A_511 : i32
        %parallel_loop3A_513 = arith.constant 0 : i32
        %parallel_loop3A_514 = arith.cmpi slt, %parallel_loop3A_510, %parallel_loop3A_513 : i32
        %parallel_loop3A_515 = arith.constant 0 : i32
        %parallel_loop3A_516 = arith.cmpi slt, %parallel_loop3A_509, %parallel_loop3A_515 : i32
        %parallel_loop3A_517 = arith.xori %parallel_loop3A_514, %parallel_loop3A_516 : i1
        %parallel_loop3A_518 = arith.andi %parallel_loop3A_517, %parallel_loop3A_512 : i1
        %parallel_loop3A_519 = arith.addi %parallel_loop3A_510, %parallel_loop3A_509 : i32
        %parallel_loop3A_520 = arith.select %parallel_loop3A_518, %parallel_loop3A_519, %parallel_loop3A_510 : i32
        %parallel_loop3A_521 = arith.constant 0 : i32
        %parallel_loop3A_522 = tpu.memref_slice %arg8[%parallel_loop3A_504, %parallel_loop3A_520, %parallel_loop3A_521] : memref<8x26x32xf32, #tpu.memory_space<vmem>> -> memref<1x1x32xf32, #tpu.memory_space<vmem>>
        %parallel_loop3A_523 = tpu.memref_squeeze %parallel_loop3A_522 : memref<1x1x32xf32, #tpu.memory_space<vmem>> -> memref<32xf32, #tpu.memory_space<vmem>>
        %parallel_loop3A_524 = arith.constant 0 : i32
        %parallel_loop3A_525 = tpu.memref_slice %arg3[%parallel_loop3A_478, %parallel_loop3A_480, %parallel_loop3A_524] : memref<325000x8x32xf32, #tpu.memory_space<hbm>> -> memref<1x1x32xf32, #tpu.memory_space<hbm>>
        %parallel_loop3A_526 = tpu.memref_squeeze %parallel_loop3A_525 : memref<1x1x32xf32, #tpu.memory_space<hbm>> -> memref<32xf32, #tpu.memory_space<hbm>>
        %parallel_loop3A_527 = arith.constant 0 : i32
        %parallel_loop3A_528 = tpu.memref_slice %arg8[%parallel_loop3A_504, %parallel_loop3A_520, %parallel_loop3A_527] : memref<8x26x32xf32, #tpu.memory_space<vmem>> -> memref<1x1x32xf32, #tpu.memory_space<vmem>>
        %parallel_loop3A_529 = tpu.memref_squeeze %parallel_loop3A_528 : memref<1x1x32xf32, #tpu.memory_space<vmem>> -> memref<32xf32, #tpu.memory_space<vmem>>
        %parallel_loop3A_530 = arith.constant 0 : i32
        %parallel_loop3A_531 = tpu.memref_slice %arg3[%parallel_loop3A_478, %parallel_loop3A_480, %parallel_loop3A_530] : memref<325000x8x32xf32, #tpu.memory_space<hbm>> -> memref<1x1x32xf32, #tpu.memory_space<hbm>>
        %parallel_loop3A_532 = tpu.memref_squeeze %parallel_loop3A_531 : memref<1x1x32xf32, #tpu.memory_space<hbm>> -> memref<32xf32, #tpu.memory_space<hbm>>
        tpu.enqueue_dma source(%parallel_loop3A_532 : memref<32xf32, #tpu.memory_space<hbm>>) target(%parallel_loop3A_529 : memref<32xf32, #tpu.memory_space<vmem>>) target_semaphore(%arg10 : memref<!tpu.dma_semaphore, #tpu.memory_space<semaphore_mem>>)
        %parallel_loop3A_533 = vector.extract_strided_slice %parallel_loop3A_50 {offsets = [8], sizes = [1], strides = [1]} : vector<16xi32> to vector<1xi32>
        %parallel_loop3A_534 = vector.extract %parallel_loop3A_533[0] : i32 from vector<1xi32>
        %parallel_loop3A_535 = arith.constant 8 : i32
        %parallel_loop3A_536 = arith.addi %parallel_loop3A_52, %parallel_loop3A_535 : i32
        %parallel_loop3A_537 = arith.constant 3 : i32
        %parallel_loop3A_538 = arith.shrsi %parallel_loop3A_534, %parallel_loop3A_537 : i32
        %parallel_loop3A_539 = arith.constant 7 : i32
        %parallel_loop3A_540 = arith.andi %parallel_loop3A_534, %parallel_loop3A_539 : i32
        %parallel_loop3A_541 = arith.constant 26 : i32
        %parallel_loop3A_542 = arith.divsi %parallel_loop3A_536, %parallel_loop3A_541 : i32
        %parallel_loop3A_543 = arith.constant 0 : i32
        %parallel_loop3A_544 = arith.cmpi sgt, %parallel_loop3A_536, %parallel_loop3A_543 : i32
        %parallel_loop3A_545 = arith.extui %parallel_loop3A_544 : i1 to i32
        %parallel_loop3A_546 = arith.constant 0 : i32
        %parallel_loop3A_547 = arith.cmpi slt, %parallel_loop3A_536, %parallel_loop3A_546 : i32
        %parallel_loop3A_548 = arith.extui %parallel_loop3A_547 : i1 to i32
        %parallel_loop3A_549 = arith.subi %parallel_loop3A_545, %parallel_loop3A_548 : i32
        %parallel_loop3A_550 = arith.constant 0 : i32
        %parallel_loop3A_551 = arith.cmpi sgt, %parallel_loop3A_541, %parallel_loop3A_550 : i32
        %parallel_loop3A_552 = arith.extui %parallel_loop3A_551 : i1 to i32
        %parallel_loop3A_553 = arith.constant 0 : i32
        %parallel_loop3A_554 = arith.cmpi slt, %parallel_loop3A_541, %parallel_loop3A_553 : i32
        %parallel_loop3A_555 = arith.extui %parallel_loop3A_554 : i1 to i32
        %parallel_loop3A_556 = arith.subi %parallel_loop3A_552, %parallel_loop3A_555 : i32
        %parallel_loop3A_557 = arith.cmpi ne, %parallel_loop3A_549, %parallel_loop3A_556 : i32
        %parallel_loop3A_558 = arith.remsi %parallel_loop3A_536, %parallel_loop3A_541 : i32
        %parallel_loop3A_559 = arith.constant 0 : i32
        %parallel_loop3A_560 = arith.cmpi ne, %parallel_loop3A_558, %parallel_loop3A_559 : i32
        %parallel_loop3A_561 = arith.andi %parallel_loop3A_557, %parallel_loop3A_560 : i1
        %parallel_loop3A_562 = arith.constant 1 : i32
        %parallel_loop3A_563 = arith.subi %parallel_loop3A_542, %parallel_loop3A_562 : i32
        %parallel_loop3A_564 = arith.select %parallel_loop3A_561, %parallel_loop3A_563, %parallel_loop3A_542 : i32
        %parallel_loop3A_565 = arith.constant 26 : i32
        %parallel_loop3A_566 = arith.constant 0 : i32
        %parallel_loop3A_567 = arith.cmpi eq, %parallel_loop3A_565, %parallel_loop3A_566 : i32
        %parallel_loop3A_568 = arith.constant 1 : i32
        %parallel_loop3A_569 = arith.select %parallel_loop3A_567, %parallel_loop3A_568, %parallel_loop3A_565 : i32
        %parallel_loop3A_570 = arith.remsi %parallel_loop3A_536, %parallel_loop3A_569 : i32
        %parallel_loop3A_571 = arith.constant 0 : i32
        %parallel_loop3A_572 = arith.cmpi ne, %parallel_loop3A_570, %parallel_loop3A_571 : i32
        %parallel_loop3A_573 = arith.constant 0 : i32
        %parallel_loop3A_574 = arith.cmpi slt, %parallel_loop3A_570, %parallel_loop3A_573 : i32
        %parallel_loop3A_575 = arith.constant 0 : i32
        %parallel_loop3A_576 = arith.cmpi slt, %parallel_loop3A_569, %parallel_loop3A_575 : i32
        %parallel_loop3A_577 = arith.xori %parallel_loop3A_574, %parallel_loop3A_576 : i1
        %parallel_loop3A_578 = arith.andi %parallel_loop3A_577, %parallel_loop3A_572 : i1
        %parallel_loop3A_579 = arith.addi %parallel_loop3A_570, %parallel_loop3A_569 : i32
        %parallel_loop3A_580 = arith.select %parallel_loop3A_578, %parallel_loop3A_579, %parallel_loop3A_570 : i32
        %parallel_loop3A_581 = arith.constant 0 : i32
        %parallel_loop3A_582 = tpu.memref_slice %arg8[%parallel_loop3A_564, %parallel_loop3A_580, %parallel_loop3A_581] : memref<8x26x32xf32, #tpu.memory_space<vmem>> -> memref<1x1x32xf32, #tpu.memory_space<vmem>>
        %parallel_loop3A_583 = tpu.memref_squeeze %parallel_loop3A_582 : memref<1x1x32xf32, #tpu.memory_space<vmem>> -> memref<32xf32, #tpu.memory_space<vmem>>
        %parallel_loop3A_584 = arith.constant 0 : i32
        %parallel_loop3A_585 = tpu.memref_slice %arg3[%parallel_loop3A_538, %parallel_loop3A_540, %parallel_loop3A_584] : memref<325000x8x32xf32, #tpu.memory_space<hbm>> -> memref<1x1x32xf32, #tpu.memory_space<hbm>>
        %parallel_loop3A_586 = tpu.memref_squeeze %parallel_loop3A_585 : memref<1x1x32xf32, #tpu.memory_space<hbm>> -> memref<32xf32, #tpu.memory_space<hbm>>
        %parallel_loop3A_587 = arith.constant 0 : i32
        %parallel_loop3A_588 = tpu.memref_slice %arg8[%parallel_loop3A_564, %parallel_loop3A_580, %parallel_loop3A_587] : memref<8x26x32xf32, #tpu.memory_space<vmem>> -> memref<1x1x32xf32, #tpu.memory_space<vmem>>
        %parallel_loop3A_589 = tpu.memref_squeeze %parallel_loop3A_588 : memref<1x1x32xf32, #tpu.memory_space<vmem>> -> memref<32xf32, #tpu.memory_space<vmem>>
        %parallel_loop3A_590 = arith.constant 0 : i32
        %parallel_loop3A_591 = tpu.memref_slice %arg3[%parallel_loop3A_538, %parallel_loop3A_540, %parallel_loop3A_590] : memref<325000x8x32xf32, #tpu.memory_space<hbm>> -> memref<1x1x32xf32, #tpu.memory_space<hbm>>
        %parallel_loop3A_592 = tpu.memref_squeeze %parallel_loop3A_591 : memref<1x1x32xf32, #tpu.memory_space<hbm>> -> memref<32xf32, #tpu.memory_space<hbm>>
        tpu.enqueue_dma source(%parallel_loop3A_592 : memref<32xf32, #tpu.memory_space<hbm>>) target(%parallel_loop3A_589 : memref<32xf32, #tpu.memory_space<vmem>>) target_semaphore(%arg10 : memref<!tpu.dma_semaphore, #tpu.memory_space<semaphore_mem>>)
        %parallel_loop3A_593 = vector.extract_strided_slice %parallel_loop3A_50 {offsets = [9], sizes = [1], strides = [1]} : vector<16xi32> to vector<1xi32>
        %parallel_loop3A_594 = vector.extract %parallel_loop3A_593[0] : i32 from vector<1xi32>
        %parallel_loop3A_595 = arith.constant 9 : i32
        %parallel_loop3A_596 = arith.addi %parallel_loop3A_52, %parallel_loop3A_595 : i32
        %parallel_loop3A_597 = arith.constant 3 : i32
        %parallel_loop3A_598 = arith.shrsi %parallel_loop3A_594, %parallel_loop3A_597 : i32
        %parallel_loop3A_599 = arith.constant 7 : i32
        %parallel_loop3A_600 = arith.andi %parallel_loop3A_594, %parallel_loop3A_599 : i32
        %parallel_loop3A_601 = arith.constant 26 : i32
        %parallel_loop3A_602 = arith.divsi %parallel_loop3A_596, %parallel_loop3A_601 : i32
        %parallel_loop3A_603 = arith.constant 0 : i32
        %parallel_loop3A_604 = arith.cmpi sgt, %parallel_loop3A_596, %parallel_loop3A_603 : i32
        %parallel_loop3A_605 = arith.extui %parallel_loop3A_604 : i1 to i32
        %parallel_loop3A_606 = arith.constant 0 : i32
        %parallel_loop3A_607 = arith.cmpi slt, %parallel_loop3A_596, %parallel_loop3A_606 : i32
        %parallel_loop3A_608 = arith.extui %parallel_loop3A_607 : i1 to i32
        %parallel_loop3A_609 = arith.subi %parallel_loop3A_605, %parallel_loop3A_608 : i32
        %parallel_loop3A_610 = arith.constant 0 : i32
        %parallel_loop3A_611 = arith.cmpi sgt, %parallel_loop3A_601, %parallel_loop3A_610 : i32
        %parallel_loop3A_612 = arith.extui %parallel_loop3A_611 : i1 to i32
        %parallel_loop3A_613 = arith.constant 0 : i32
        %parallel_loop3A_614 = arith.cmpi slt, %parallel_loop3A_601, %parallel_loop3A_613 : i32
        %parallel_loop3A_615 = arith.extui %parallel_loop3A_614 : i1 to i32
        %parallel_loop3A_616 = arith.subi %parallel_loop3A_612, %parallel_loop3A_615 : i32
        %parallel_loop3A_617 = arith.cmpi ne, %parallel_loop3A_609, %parallel_loop3A_616 : i32
        %parallel_loop3A_618 = arith.remsi %parallel_loop3A_596, %parallel_loop3A_601 : i32
        %parallel_loop3A_619 = arith.constant 0 : i32
        %parallel_loop3A_620 = arith.cmpi ne, %parallel_loop3A_618, %parallel_loop3A_619 : i32
        %parallel_loop3A_621 = arith.andi %parallel_loop3A_617, %parallel_loop3A_620 : i1
        %parallel_loop3A_622 = arith.constant 1 : i32
        %parallel_loop3A_623 = arith.subi %parallel_loop3A_602, %parallel_loop3A_622 : i32
        %parallel_loop3A_624 = arith.select %parallel_loop3A_621, %parallel_loop3A_623, %parallel_loop3A_602 : i32
        %parallel_loop3A_625 = arith.constant 26 : i32
        %parallel_loop3A_626 = arith.constant 0 : i32
        %parallel_loop3A_627 = arith.cmpi eq, %parallel_loop3A_625, %parallel_loop3A_626 : i32
        %parallel_loop3A_628 = arith.constant 1 : i32
        %parallel_loop3A_629 = arith.select %parallel_loop3A_627, %parallel_loop3A_628, %parallel_loop3A_625 : i32
        %parallel_loop3A_630 = arith.remsi %parallel_loop3A_596, %parallel_loop3A_629 : i32
        %parallel_loop3A_631 = arith.constant 0 : i32
        %parallel_loop3A_632 = arith.cmpi ne, %parallel_loop3A_630, %parallel_loop3A_631 : i32
        %parallel_loop3A_633 = arith.constant 0 : i32
        %parallel_loop3A_634 = arith.cmpi slt, %parallel_loop3A_630, %parallel_loop3A_633 : i32
        %parallel_loop3A_635 = arith.constant 0 : i32
        %parallel_loop3A_636 = arith.cmpi slt, %parallel_loop3A_629, %parallel_loop3A_635 : i32
        %parallel_loop3A_637 = arith.xori %parallel_loop3A_634, %parallel_loop3A_636 : i1
        %parallel_loop3A_638 = arith.andi %parallel_loop3A_637, %parallel_loop3A_632 : i1
        %parallel_loop3A_639 = arith.addi %parallel_loop3A_630, %parallel_loop3A_629 : i32
        %parallel_loop3A_640 = arith.select %parallel_loop3A_638, %parallel_loop3A_639, %parallel_loop3A_630 : i32
        %parallel_loop3A_641 = arith.constant 0 : i32
        %parallel_loop3A_642 = tpu.memref_slice %arg8[%parallel_loop3A_624, %parallel_loop3A_640, %parallel_loop3A_641] : memref<8x26x32xf32, #tpu.memory_space<vmem>> -> memref<1x1x32xf32, #tpu.memory_space<vmem>>
        %parallel_loop3A_643 = tpu.memref_squeeze %parallel_loop3A_642 : memref<1x1x32xf32, #tpu.memory_space<vmem>> -> memref<32xf32, #tpu.memory_space<vmem>>
        %parallel_loop3A_644 = arith.constant 0 : i32
        %parallel_loop3A_645 = tpu.memref_slice %arg3[%parallel_loop3A_598, %parallel_loop3A_600, %parallel_loop3A_644] : memref<325000x8x32xf32, #tpu.memory_space<hbm>> -> memref<1x1x32xf32, #tpu.memory_space<hbm>>
        %parallel_loop3A_646 = tpu.memref_squeeze %parallel_loop3A_645 : memref<1x1x32xf32, #tpu.memory_space<hbm>> -> memref<32xf32, #tpu.memory_space<hbm>>
        %parallel_loop3A_647 = arith.constant 0 : i32
        %parallel_loop3A_648 = tpu.memref_slice %arg8[%parallel_loop3A_624, %parallel_loop3A_640, %parallel_loop3A_647] : memref<8x26x32xf32, #tpu.memory_space<vmem>> -> memref<1x1x32xf32, #tpu.memory_space<vmem>>
        %parallel_loop3A_649 = tpu.memref_squeeze %parallel_loop3A_648 : memref<1x1x32xf32, #tpu.memory_space<vmem>> -> memref<32xf32, #tpu.memory_space<vmem>>
        %parallel_loop3A_650 = arith.constant 0 : i32
        %parallel_loop3A_651 = tpu.memref_slice %arg3[%parallel_loop3A_598, %parallel_loop3A_600, %parallel_loop3A_650] : memref<325000x8x32xf32, #tpu.memory_space<hbm>> -> memref<1x1x32xf32, #tpu.memory_space<hbm>>
        %parallel_loop3A_652 = tpu.memref_squeeze %parallel_loop3A_651 : memref<1x1x32xf32, #tpu.memory_space<hbm>> -> memref<32xf32, #tpu.memory_space<hbm>>
        tpu.enqueue_dma source(%parallel_loop3A_652 : memref<32xf32, #tpu.memory_space<hbm>>) target(%parallel_loop3A_649 : memref<32xf32, #tpu.memory_space<vmem>>) target_semaphore(%arg10 : memref<!tpu.dma_semaphore, #tpu.memory_space<semaphore_mem>>)
        %parallel_loop3A_653 = vector.extract_strided_slice %parallel_loop3A_50 {offsets = [10], sizes = [1], strides = [1]} : vector<16xi32> to vector<1xi32>
        %parallel_loop3A_654 = vector.extract %parallel_loop3A_653[0] : i32 from vector<1xi32>
        %parallel_loop3A_655 = arith.constant 10 : i32
        %parallel_loop3A_656 = arith.addi %parallel_loop3A_52, %parallel_loop3A_655 : i32
        %parallel_loop3A_657 = arith.constant 3 : i32
        %parallel_loop3A_658 = arith.shrsi %parallel_loop3A_654, %parallel_loop3A_657 : i32
        %parallel_loop3A_659 = arith.constant 7 : i32
        %parallel_loop3A_660 = arith.andi %parallel_loop3A_654, %parallel_loop3A_659 : i32
        %parallel_loop3A_661 = arith.constant 26 : i32
        %parallel_loop3A_662 = arith.divsi %parallel_loop3A_656, %parallel_loop3A_661 : i32
        %parallel_loop3A_663 = arith.constant 0 : i32
        %parallel_loop3A_664 = arith.cmpi sgt, %parallel_loop3A_656, %parallel_loop3A_663 : i32
        %parallel_loop3A_665 = arith.extui %parallel_loop3A_664 : i1 to i32
        %parallel_loop3A_666 = arith.constant 0 : i32
        %parallel_loop3A_667 = arith.cmpi slt, %parallel_loop3A_656, %parallel_loop3A_666 : i32
        %parallel_loop3A_668 = arith.extui %parallel_loop3A_667 : i1 to i32
        %parallel_loop3A_669 = arith.subi %parallel_loop3A_665, %parallel_loop3A_668 : i32
        %parallel_loop3A_670 = arith.constant 0 : i32
        %parallel_loop3A_671 = arith.cmpi sgt, %parallel_loop3A_661, %parallel_loop3A_670 : i32
        %parallel_loop3A_672 = arith.extui %parallel_loop3A_671 : i1 to i32
        %parallel_loop3A_673 = arith.constant 0 : i32
        %parallel_loop3A_674 = arith.cmpi slt, %parallel_loop3A_661, %parallel_loop3A_673 : i32
        %parallel_loop3A_675 = arith.extui %parallel_loop3A_674 : i1 to i32
        %parallel_loop3A_676 = arith.subi %parallel_loop3A_672, %parallel_loop3A_675 : i32
        %parallel_loop3A_677 = arith.cmpi ne, %parallel_loop3A_669, %parallel_loop3A_676 : i32
        %parallel_loop3A_678 = arith.remsi %parallel_loop3A_656, %parallel_loop3A_661 : i32
        %parallel_loop3A_679 = arith.constant 0 : i32
        %parallel_loop3A_680 = arith.cmpi ne, %parallel_loop3A_678, %parallel_loop3A_679 : i32
        %parallel_loop3A_681 = arith.andi %parallel_loop3A_677, %parallel_loop3A_680 : i1
        %parallel_loop3A_682 = arith.constant 1 : i32
        %parallel_loop3A_683 = arith.subi %parallel_loop3A_662, %parallel_loop3A_682 : i32
        %parallel_loop3A_684 = arith.select %parallel_loop3A_681, %parallel_loop3A_683, %parallel_loop3A_662 : i32
        %parallel_loop3A_685 = arith.constant 26 : i32
        %parallel_loop3A_686 = arith.constant 0 : i32
        %parallel_loop3A_687 = arith.cmpi eq, %parallel_loop3A_685, %parallel_loop3A_686 : i32
        %parallel_loop3A_688 = arith.constant 1 : i32
        %parallel_loop3A_689 = arith.select %parallel_loop3A_687, %parallel_loop3A_688, %parallel_loop3A_685 : i32
        %parallel_loop3A_690 = arith.remsi %parallel_loop3A_656, %parallel_loop3A_689 : i32
        %parallel_loop3A_691 = arith.constant 0 : i32
        %parallel_loop3A_692 = arith.cmpi ne, %parallel_loop3A_690, %parallel_loop3A_691 : i32
        %parallel_loop3A_693 = arith.constant 0 : i32
        %parallel_loop3A_694 = arith.cmpi slt, %parallel_loop3A_690, %parallel_loop3A_693 : i32
        %parallel_loop3A_695 = arith.constant 0 : i32
        %parallel_loop3A_696 = arith.cmpi slt, %parallel_loop3A_689, %parallel_loop3A_695 : i32
        %parallel_loop3A_697 = arith.xori %parallel_loop3A_694, %parallel_loop3A_696 : i1
        %parallel_loop3A_698 = arith.andi %parallel_loop3A_697, %parallel_loop3A_692 : i1
        %parallel_loop3A_699 = arith.addi %parallel_loop3A_690, %parallel_loop3A_689 : i32
        %parallel_loop3A_700 = arith.select %parallel_loop3A_698, %parallel_loop3A_699, %parallel_loop3A_690 : i32
        %parallel_loop3A_701 = arith.constant 0 : i32
        %parallel_loop3A_702 = tpu.memref_slice %arg8[%parallel_loop3A_684, %parallel_loop3A_700, %parallel_loop3A_701] : memref<8x26x32xf32, #tpu.memory_space<vmem>> -> memref<1x1x32xf32, #tpu.memory_space<vmem>>
        %parallel_loop3A_703 = tpu.memref_squeeze %parallel_loop3A_702 : memref<1x1x32xf32, #tpu.memory_space<vmem>> -> memref<32xf32, #tpu.memory_space<vmem>>
        %parallel_loop3A_704 = arith.constant 0 : i32
        %parallel_loop3A_705 = tpu.memref_slice %arg3[%parallel_loop3A_658, %parallel_loop3A_660, %parallel_loop3A_704] : memref<325000x8x32xf32, #tpu.memory_space<hbm>> -> memref<1x1x32xf32, #tpu.memory_space<hbm>>
        %parallel_loop3A_706 = tpu.memref_squeeze %parallel_loop3A_705 : memref<1x1x32xf32, #tpu.memory_space<hbm>> -> memref<32xf32, #tpu.memory_space<hbm>>
        %parallel_loop3A_707 = arith.constant 0 : i32
        %parallel_loop3A_708 = tpu.memref_slice %arg8[%parallel_loop3A_684, %parallel_loop3A_700, %parallel_loop3A_707] : memref<8x26x32xf32, #tpu.memory_space<vmem>> -> memref<1x1x32xf32, #tpu.memory_space<vmem>>
        %parallel_loop3A_709 = tpu.memref_squeeze %parallel_loop3A_708 : memref<1x1x32xf32, #tpu.memory_space<vmem>> -> memref<32xf32, #tpu.memory_space<vmem>>
        %parallel_loop3A_710 = arith.constant 0 : i32
        %parallel_loop3A_711 = tpu.memref_slice %arg3[%parallel_loop3A_658, %parallel_loop3A_660, %parallel_loop3A_710] : memref<325000x8x32xf32, #tpu.memory_space<hbm>> -> memref<1x1x32xf32, #tpu.memory_space<hbm>>
        %parallel_loop3A_712 = tpu.memref_squeeze %parallel_loop3A_711 : memref<1x1x32xf32, #tpu.memory_space<hbm>> -> memref<32xf32, #tpu.memory_space<hbm>>
        tpu.enqueue_dma source(%parallel_loop3A_712 : memref<32xf32, #tpu.memory_space<hbm>>) target(%parallel_loop3A_709 : memref<32xf32, #tpu.memory_space<vmem>>) target_semaphore(%arg10 : memref<!tpu.dma_semaphore, #tpu.memory_space<semaphore_mem>>)
        %parallel_loop3A_713 = vector.extract_strided_slice %parallel_loop3A_50 {offsets = [11], sizes = [1], strides = [1]} : vector<16xi32> to vector<1xi32>
        %parallel_loop3A_714 = vector.extract %parallel_loop3A_713[0] : i32 from vector<1xi32>
        %parallel_loop3A_715 = arith.constant 11 : i32
        %parallel_loop3A_716 = arith.addi %parallel_loop3A_52, %parallel_loop3A_715 : i32
        %parallel_loop3A_717 = arith.constant 3 : i32
        %parallel_loop3A_718 = arith.shrsi %parallel_loop3A_714, %parallel_loop3A_717 : i32
        %parallel_loop3A_719 = arith.constant 7 : i32
        %parallel_loop3A_720 = arith.andi %parallel_loop3A_714, %parallel_loop3A_719 : i32
        %parallel_loop3A_721 = arith.constant 26 : i32
        %parallel_loop3A_722 = arith.divsi %parallel_loop3A_716, %parallel_loop3A_721 : i32
        %parallel_loop3A_723 = arith.constant 0 : i32
        %parallel_loop3A_724 = arith.cmpi sgt, %parallel_loop3A_716, %parallel_loop3A_723 : i32
        %parallel_loop3A_725 = arith.extui %parallel_loop3A_724 : i1 to i32
        %parallel_loop3A_726 = arith.constant 0 : i32
        %parallel_loop3A_727 = arith.cmpi slt, %parallel_loop3A_716, %parallel_loop3A_726 : i32
        %parallel_loop3A_728 = arith.extui %parallel_loop3A_727 : i1 to i32
        %parallel_loop3A_729 = arith.subi %parallel_loop3A_725, %parallel_loop3A_728 : i32
        %parallel_loop3A_730 = arith.constant 0 : i32
        %parallel_loop3A_731 = arith.cmpi sgt, %parallel_loop3A_721, %parallel_loop3A_730 : i32
        %parallel_loop3A_732 = arith.extui %parallel_loop3A_731 : i1 to i32
        %parallel_loop3A_733 = arith.constant 0 : i32
        %parallel_loop3A_734 = arith.cmpi slt, %parallel_loop3A_721, %parallel_loop3A_733 : i32
        %parallel_loop3A_735 = arith.extui %parallel_loop3A_734 : i1 to i32
        %parallel_loop3A_736 = arith.subi %parallel_loop3A_732, %parallel_loop3A_735 : i32
        %parallel_loop3A_737 = arith.cmpi ne, %parallel_loop3A_729, %parallel_loop3A_736 : i32
        %parallel_loop3A_738 = arith.remsi %parallel_loop3A_716, %parallel_loop3A_721 : i32
        %parallel_loop3A_739 = arith.constant 0 : i32
        %parallel_loop3A_740 = arith.cmpi ne, %parallel_loop3A_738, %parallel_loop3A_739 : i32
        %parallel_loop3A_741 = arith.andi %parallel_loop3A_737, %parallel_loop3A_740 : i1
        %parallel_loop3A_742 = arith.constant 1 : i32
        %parallel_loop3A_743 = arith.subi %parallel_loop3A_722, %parallel_loop3A_742 : i32
        %parallel_loop3A_744 = arith.select %parallel_loop3A_741, %parallel_loop3A_743, %parallel_loop3A_722 : i32
        %parallel_loop3A_745 = arith.constant 26 : i32
        %parallel_loop3A_746 = arith.constant 0 : i32
        %parallel_loop3A_747 = arith.cmpi eq, %parallel_loop3A_745, %parallel_loop3A_746 : i32
        %parallel_loop3A_748 = arith.constant 1 : i32
        %parallel_loop3A_749 = arith.select %parallel_loop3A_747, %parallel_loop3A_748, %parallel_loop3A_745 : i32
        %parallel_loop3A_750 = arith.remsi %parallel_loop3A_716, %parallel_loop3A_749 : i32
        %parallel_loop3A_751 = arith.constant 0 : i32
        %parallel_loop3A_752 = arith.cmpi ne, %parallel_loop3A_750, %parallel_loop3A_751 : i32
        %parallel_loop3A_753 = arith.constant 0 : i32
        %parallel_loop3A_754 = arith.cmpi slt, %parallel_loop3A_750, %parallel_loop3A_753 : i32
        %parallel_loop3A_755 = arith.constant 0 : i32
        %parallel_loop3A_756 = arith.cmpi slt, %parallel_loop3A_749, %parallel_loop3A_755 : i32
        %parallel_loop3A_757 = arith.xori %parallel_loop3A_754, %parallel_loop3A_756 : i1
        %parallel_loop3A_758 = arith.andi %parallel_loop3A_757, %parallel_loop3A_752 : i1
        %parallel_loop3A_759 = arith.addi %parallel_loop3A_750, %parallel_loop3A_749 : i32
        %parallel_loop3A_760 = arith.select %parallel_loop3A_758, %parallel_loop3A_759, %parallel_loop3A_750 : i32
        %parallel_loop3A_761 = arith.constant 0 : i32
        %parallel_loop3A_762 = tpu.memref_slice %arg8[%parallel_loop3A_744, %parallel_loop3A_760, %parallel_loop3A_761] : memref<8x26x32xf32, #tpu.memory_space<vmem>> -> memref<1x1x32xf32, #tpu.memory_space<vmem>>
        %parallel_loop3A_763 = tpu.memref_squeeze %parallel_loop3A_762 : memref<1x1x32xf32, #tpu.memory_space<vmem>> -> memref<32xf32, #tpu.memory_space<vmem>>
        %parallel_loop3A_764 = arith.constant 0 : i32
        %parallel_loop3A_765 = tpu.memref_slice %arg3[%parallel_loop3A_718, %parallel_loop3A_720, %parallel_loop3A_764] : memref<325000x8x32xf32, #tpu.memory_space<hbm>> -> memref<1x1x32xf32, #tpu.memory_space<hbm>>
        %parallel_loop3A_766 = tpu.memref_squeeze %parallel_loop3A_765 : memref<1x1x32xf32, #tpu.memory_space<hbm>> -> memref<32xf32, #tpu.memory_space<hbm>>
        %parallel_loop3A_767 = arith.constant 0 : i32
        %parallel_loop3A_768 = tpu.memref_slice %arg8[%parallel_loop3A_744, %parallel_loop3A_760, %parallel_loop3A_767] : memref<8x26x32xf32, #tpu.memory_space<vmem>> -> memref<1x1x32xf32, #tpu.memory_space<vmem>>
        %parallel_loop3A_769 = tpu.memref_squeeze %parallel_loop3A_768 : memref<1x1x32xf32, #tpu.memory_space<vmem>> -> memref<32xf32, #tpu.memory_space<vmem>>
        %parallel_loop3A_770 = arith.constant 0 : i32
        %parallel_loop3A_771 = tpu.memref_slice %arg3[%parallel_loop3A_718, %parallel_loop3A_720, %parallel_loop3A_770] : memref<325000x8x32xf32, #tpu.memory_space<hbm>> -> memref<1x1x32xf32, #tpu.memory_space<hbm>>
        %parallel_loop3A_772 = tpu.memref_squeeze %parallel_loop3A_771 : memref<1x1x32xf32, #tpu.memory_space<hbm>> -> memref<32xf32, #tpu.memory_space<hbm>>
        tpu.enqueue_dma source(%parallel_loop3A_772 : memref<32xf32, #tpu.memory_space<hbm>>) target(%parallel_loop3A_769 : memref<32xf32, #tpu.memory_space<vmem>>) target_semaphore(%arg10 : memref<!tpu.dma_semaphore, #tpu.memory_space<semaphore_mem>>)
        %parallel_loop3A_773 = vector.extract_strided_slice %parallel_loop3A_50 {offsets = [12], sizes = [1], strides = [1]} : vector<16xi32> to vector<1xi32>
        %parallel_loop3A_774 = vector.extract %parallel_loop3A_773[0] : i32 from vector<1xi32>
        %parallel_loop3A_775 = arith.constant 12 : i32
        %parallel_loop3A_776 = arith.addi %parallel_loop3A_52, %parallel_loop3A_775 : i32
        %parallel_loop3A_777 = arith.constant 3 : i32
        %parallel_loop3A_778 = arith.shrsi %parallel_loop3A_774, %parallel_loop3A_777 : i32
        %parallel_loop3A_779 = arith.constant 7 : i32
        %parallel_loop3A_780 = arith.andi %parallel_loop3A_774, %parallel_loop3A_779 : i32
        %parallel_loop3A_781 = arith.constant 26 : i32
        %parallel_loop3A_782 = arith.divsi %parallel_loop3A_776, %parallel_loop3A_781 : i32
        %parallel_loop3A_783 = arith.constant 0 : i32
        %parallel_loop3A_784 = arith.cmpi sgt, %parallel_loop3A_776, %parallel_loop3A_783 : i32
        %parallel_loop3A_785 = arith.extui %parallel_loop3A_784 : i1 to i32
        %parallel_loop3A_786 = arith.constant 0 : i32
        %parallel_loop3A_787 = arith.cmpi slt, %parallel_loop3A_776, %parallel_loop3A_786 : i32
        %parallel_loop3A_788 = arith.extui %parallel_loop3A_787 : i1 to i32
        %parallel_loop3A_789 = arith.subi %parallel_loop3A_785, %parallel_loop3A_788 : i32
        %parallel_loop3A_790 = arith.constant 0 : i32
        %parallel_loop3A_791 = arith.cmpi sgt, %parallel_loop3A_781, %parallel_loop3A_790 : i32
        %parallel_loop3A_792 = arith.extui %parallel_loop3A_791 : i1 to i32
        %parallel_loop3A_793 = arith.constant 0 : i32
        %parallel_loop3A_794 = arith.cmpi slt, %parallel_loop3A_781, %parallel_loop3A_793 : i32
        %parallel_loop3A_795 = arith.extui %parallel_loop3A_794 : i1 to i32
        %parallel_loop3A_796 = arith.subi %parallel_loop3A_792, %parallel_loop3A_795 : i32
        %parallel_loop3A_797 = arith.cmpi ne, %parallel_loop3A_789, %parallel_loop3A_796 : i32
        %parallel_loop3A_798 = arith.remsi %parallel_loop3A_776, %parallel_loop3A_781 : i32
        %parallel_loop3A_799 = arith.constant 0 : i32
        %parallel_loop3A_800 = arith.cmpi ne, %parallel_loop3A_798, %parallel_loop3A_799 : i32
        %parallel_loop3A_801 = arith.andi %parallel_loop3A_797, %parallel_loop3A_800 : i1
        %parallel_loop3A_802 = arith.constant 1 : i32
        %parallel_loop3A_803 = arith.subi %parallel_loop3A_782, %parallel_loop3A_802 : i32
        %parallel_loop3A_804 = arith.select %parallel_loop3A_801, %parallel_loop3A_803, %parallel_loop3A_782 : i32
        %parallel_loop3A_805 = arith.constant 26 : i32
        %parallel_loop3A_806 = arith.constant 0 : i32
        %parallel_loop3A_807 = arith.cmpi eq, %parallel_loop3A_805, %parallel_loop3A_806 : i32
        %parallel_loop3A_808 = arith.constant 1 : i32
        %parallel_loop3A_809 = arith.select %parallel_loop3A_807, %parallel_loop3A_808, %parallel_loop3A_805 : i32
        %parallel_loop3A_810 = arith.remsi %parallel_loop3A_776, %parallel_loop3A_809 : i32
        %parallel_loop3A_811 = arith.constant 0 : i32
        %parallel_loop3A_812 = arith.cmpi ne, %parallel_loop3A_810, %parallel_loop3A_811 : i32
        %parallel_loop3A_813 = arith.constant 0 : i32
        %parallel_loop3A_814 = arith.cmpi slt, %parallel_loop3A_810, %parallel_loop3A_813 : i32
        %parallel_loop3A_815 = arith.constant 0 : i32
        %parallel_loop3A_816 = arith.cmpi slt, %parallel_loop3A_809, %parallel_loop3A_815 : i32
        %parallel_loop3A_817 = arith.xori %parallel_loop3A_814, %parallel_loop3A_816 : i1
        %parallel_loop3A_818 = arith.andi %parallel_loop3A_817, %parallel_loop3A_812 : i1
        %parallel_loop3A_819 = arith.addi %parallel_loop3A_810, %parallel_loop3A_809 : i32
        %parallel_loop3A_820 = arith.select %parallel_loop3A_818, %parallel_loop3A_819, %parallel_loop3A_810 : i32
        %parallel_loop3A_821 = arith.constant 0 : i32
        %parallel_loop3A_822 = tpu.memref_slice %arg8[%parallel_loop3A_804, %parallel_loop3A_820, %parallel_loop3A_821] : memref<8x26x32xf32, #tpu.memory_space<vmem>> -> memref<1x1x32xf32, #tpu.memory_space<vmem>>
        %parallel_loop3A_823 = tpu.memref_squeeze %parallel_loop3A_822 : memref<1x1x32xf32, #tpu.memory_space<vmem>> -> memref<32xf32, #tpu.memory_space<vmem>>
        %parallel_loop3A_824 = arith.constant 0 : i32
        %parallel_loop3A_825 = tpu.memref_slice %arg3[%parallel_loop3A_778, %parallel_loop3A_780, %parallel_loop3A_824] : memref<325000x8x32xf32, #tpu.memory_space<hbm>> -> memref<1x1x32xf32, #tpu.memory_space<hbm>>
        %parallel_loop3A_826 = tpu.memref_squeeze %parallel_loop3A_825 : memref<1x1x32xf32, #tpu.memory_space<hbm>> -> memref<32xf32, #tpu.memory_space<hbm>>
        %parallel_loop3A_827 = arith.constant 0 : i32
        %parallel_loop3A_828 = tpu.memref_slice %arg8[%parallel_loop3A_804, %parallel_loop3A_820, %parallel_loop3A_827] : memref<8x26x32xf32, #tpu.memory_space<vmem>> -> memref<1x1x32xf32, #tpu.memory_space<vmem>>
        %parallel_loop3A_829 = tpu.memref_squeeze %parallel_loop3A_828 : memref<1x1x32xf32, #tpu.memory_space<vmem>> -> memref<32xf32, #tpu.memory_space<vmem>>
        %parallel_loop3A_830 = arith.constant 0 : i32
        %parallel_loop3A_831 = tpu.memref_slice %arg3[%parallel_loop3A_778, %parallel_loop3A_780, %parallel_loop3A_830] : memref<325000x8x32xf32, #tpu.memory_space<hbm>> -> memref<1x1x32xf32, #tpu.memory_space<hbm>>
        %parallel_loop3A_832 = tpu.memref_squeeze %parallel_loop3A_831 : memref<1x1x32xf32, #tpu.memory_space<hbm>> -> memref<32xf32, #tpu.memory_space<hbm>>
        tpu.enqueue_dma source(%parallel_loop3A_832 : memref<32xf32, #tpu.memory_space<hbm>>) target(%parallel_loop3A_829 : memref<32xf32, #tpu.memory_space<vmem>>) target_semaphore(%arg10 : memref<!tpu.dma_semaphore, #tpu.memory_space<semaphore_mem>>)
        %parallel_loop3A_833 = vector.extract_strided_slice %parallel_loop3A_50 {offsets = [13], sizes = [1], strides = [1]} : vector<16xi32> to vector<1xi32>
        %parallel_loop3A_834 = vector.extract %parallel_loop3A_833[0] : i32 from vector<1xi32>
        %parallel_loop3A_835 = arith.constant 13 : i32
        %parallel_loop3A_836 = arith.addi %parallel_loop3A_52, %parallel_loop3A_835 : i32
        %parallel_loop3A_837 = arith.constant 3 : i32
        %parallel_loop3A_838 = arith.shrsi %parallel_loop3A_834, %parallel_loop3A_837 : i32
        %parallel_loop3A_839 = arith.constant 7 : i32
        %parallel_loop3A_840 = arith.andi %parallel_loop3A_834, %parallel_loop3A_839 : i32
        %parallel_loop3A_841 = arith.constant 26 : i32
        %parallel_loop3A_842 = arith.divsi %parallel_loop3A_836, %parallel_loop3A_841 : i32
        %parallel_loop3A_843 = arith.constant 0 : i32
        %parallel_loop3A_844 = arith.cmpi sgt, %parallel_loop3A_836, %parallel_loop3A_843 : i32
        %parallel_loop3A_845 = arith.extui %parallel_loop3A_844 : i1 to i32
        %parallel_loop3A_846 = arith.constant 0 : i32
        %parallel_loop3A_847 = arith.cmpi slt, %parallel_loop3A_836, %parallel_loop3A_846 : i32
        %parallel_loop3A_848 = arith.extui %parallel_loop3A_847 : i1 to i32
        %parallel_loop3A_849 = arith.subi %parallel_loop3A_845, %parallel_loop3A_848 : i32
        %parallel_loop3A_850 = arith.constant 0 : i32
        %parallel_loop3A_851 = arith.cmpi sgt, %parallel_loop3A_841, %parallel_loop3A_850 : i32
        %parallel_loop3A_852 = arith.extui %parallel_loop3A_851 : i1 to i32
        %parallel_loop3A_853 = arith.constant 0 : i32
        %parallel_loop3A_854 = arith.cmpi slt, %parallel_loop3A_841, %parallel_loop3A_853 : i32
        %parallel_loop3A_855 = arith.extui %parallel_loop3A_854 : i1 to i32
        %parallel_loop3A_856 = arith.subi %parallel_loop3A_852, %parallel_loop3A_855 : i32
        %parallel_loop3A_857 = arith.cmpi ne, %parallel_loop3A_849, %parallel_loop3A_856 : i32
        %parallel_loop3A_858 = arith.remsi %parallel_loop3A_836, %parallel_loop3A_841 : i32
        %parallel_loop3A_859 = arith.constant 0 : i32
        %parallel_loop3A_860 = arith.cmpi ne, %parallel_loop3A_858, %parallel_loop3A_859 : i32
        %parallel_loop3A_861 = arith.andi %parallel_loop3A_857, %parallel_loop3A_860 : i1
        %parallel_loop3A_862 = arith.constant 1 : i32
        %parallel_loop3A_863 = arith.subi %parallel_loop3A_842, %parallel_loop3A_862 : i32
        %parallel_loop3A_864 = arith.select %parallel_loop3A_861, %parallel_loop3A_863, %parallel_loop3A_842 : i32
        %parallel_loop3A_865 = arith.constant 26 : i32
        %parallel_loop3A_866 = arith.constant 0 : i32
        %parallel_loop3A_867 = arith.cmpi eq, %parallel_loop3A_865, %parallel_loop3A_866 : i32
        %parallel_loop3A_868 = arith.constant 1 : i32
        %parallel_loop3A_869 = arith.select %parallel_loop3A_867, %parallel_loop3A_868, %parallel_loop3A_865 : i32
        %parallel_loop3A_870 = arith.remsi %parallel_loop3A_836, %parallel_loop3A_869 : i32
        %parallel_loop3A_871 = arith.constant 0 : i32
        %parallel_loop3A_872 = arith.cmpi ne, %parallel_loop3A_870, %parallel_loop3A_871 : i32
        %parallel_loop3A_873 = arith.constant 0 : i32
        %parallel_loop3A_874 = arith.cmpi slt, %parallel_loop3A_870, %parallel_loop3A_873 : i32
        %parallel_loop3A_875 = arith.constant 0 : i32
        %parallel_loop3A_876 = arith.cmpi slt, %parallel_loop3A_869, %parallel_loop3A_875 : i32
        %parallel_loop3A_877 = arith.xori %parallel_loop3A_874, %parallel_loop3A_876 : i1
        %parallel_loop3A_878 = arith.andi %parallel_loop3A_877, %parallel_loop3A_872 : i1
        %parallel_loop3A_879 = arith.addi %parallel_loop3A_870, %parallel_loop3A_869 : i32
        %parallel_loop3A_880 = arith.select %parallel_loop3A_878, %parallel_loop3A_879, %parallel_loop3A_870 : i32
        %parallel_loop3A_881 = arith.constant 0 : i32
        %parallel_loop3A_882 = tpu.memref_slice %arg8[%parallel_loop3A_864, %parallel_loop3A_880, %parallel_loop3A_881] : memref<8x26x32xf32, #tpu.memory_space<vmem>> -> memref<1x1x32xf32, #tpu.memory_space<vmem>>
        %parallel_loop3A_883 = tpu.memref_squeeze %parallel_loop3A_882 : memref<1x1x32xf32, #tpu.memory_space<vmem>> -> memref<32xf32, #tpu.memory_space<vmem>>
        %parallel_loop3A_884 = arith.constant 0 : i32
        %parallel_loop3A_885 = tpu.memref_slice %arg3[%parallel_loop3A_838, %parallel_loop3A_840, %parallel_loop3A_884] : memref<325000x8x32xf32, #tpu.memory_space<hbm>> -> memref<1x1x32xf32, #tpu.memory_space<hbm>>
        %parallel_loop3A_886 = tpu.memref_squeeze %parallel_loop3A_885 : memref<1x1x32xf32, #tpu.memory_space<hbm>> -> memref<32xf32, #tpu.memory_space<hbm>>
        %parallel_loop3A_887 = arith.constant 0 : i32
        %parallel_loop3A_888 = tpu.memref_slice %arg8[%parallel_loop3A_864, %parallel_loop3A_880, %parallel_loop3A_887] : memref<8x26x32xf32, #tpu.memory_space<vmem>> -> memref<1x1x32xf32, #tpu.memory_space<vmem>>
        %parallel_loop3A_889 = tpu.memref_squeeze %parallel_loop3A_888 : memref<1x1x32xf32, #tpu.memory_space<vmem>> -> memref<32xf32, #tpu.memory_space<vmem>>
        %parallel_loop3A_890 = arith.constant 0 : i32
        %parallel_loop3A_891 = tpu.memref_slice %arg3[%parallel_loop3A_838, %parallel_loop3A_840, %parallel_loop3A_890] : memref<325000x8x32xf32, #tpu.memory_space<hbm>> -> memref<1x1x32xf32, #tpu.memory_space<hbm>>
        %parallel_loop3A_892 = tpu.memref_squeeze %parallel_loop3A_891 : memref<1x1x32xf32, #tpu.memory_space<hbm>> -> memref<32xf32, #tpu.memory_space<hbm>>
        tpu.enqueue_dma source(%parallel_loop3A_892 : memref<32xf32, #tpu.memory_space<hbm>>) target(%parallel_loop3A_889 : memref<32xf32, #tpu.memory_space<vmem>>) target_semaphore(%arg10 : memref<!tpu.dma_semaphore, #tpu.memory_space<semaphore_mem>>)
        %parallel_loop3A_893 = vector.extract_strided_slice %parallel_loop3A_50 {offsets = [14], sizes = [1], strides = [1]} : vector<16xi32> to vector<1xi32>
        %parallel_loop3A_894 = vector.extract %parallel_loop3A_893[0] : i32 from vector<1xi32>
        %parallel_loop3A_895 = arith.constant 14 : i32
        %parallel_loop3A_896 = arith.addi %parallel_loop3A_52, %parallel_loop3A_895 : i32
        %parallel_loop3A_897 = arith.constant 3 : i32
        %parallel_loop3A_898 = arith.shrsi %parallel_loop3A_894, %parallel_loop3A_897 : i32
        %parallel_loop3A_899 = arith.constant 7 : i32
        %parallel_loop3A_900 = arith.andi %parallel_loop3A_894, %parallel_loop3A_899 : i32
        %parallel_loop3A_901 = arith.constant 26 : i32
        %parallel_loop3A_902 = arith.divsi %parallel_loop3A_896, %parallel_loop3A_901 : i32
        %parallel_loop3A_903 = arith.constant 0 : i32
        %parallel_loop3A_904 = arith.cmpi sgt, %parallel_loop3A_896, %parallel_loop3A_903 : i32
        %parallel_loop3A_905 = arith.extui %parallel_loop3A_904 : i1 to i32
        %parallel_loop3A_906 = arith.constant 0 : i32
        %parallel_loop3A_907 = arith.cmpi slt, %parallel_loop3A_896, %parallel_loop3A_906 : i32
        %parallel_loop3A_908 = arith.extui %parallel_loop3A_907 : i1 to i32
        %parallel_loop3A_909 = arith.subi %parallel_loop3A_905, %parallel_loop3A_908 : i32
        %parallel_loop3A_910 = arith.constant 0 : i32
        %parallel_loop3A_911 = arith.cmpi sgt, %parallel_loop3A_901, %parallel_loop3A_910 : i32
        %parallel_loop3A_912 = arith.extui %parallel_loop3A_911 : i1 to i32
        %parallel_loop3A_913 = arith.constant 0 : i32
        %parallel_loop3A_914 = arith.cmpi slt, %parallel_loop3A_901, %parallel_loop3A_913 : i32
        %parallel_loop3A_915 = arith.extui %parallel_loop3A_914 : i1 to i32
        %parallel_loop3A_916 = arith.subi %parallel_loop3A_912, %parallel_loop3A_915 : i32
        %parallel_loop3A_917 = arith.cmpi ne, %parallel_loop3A_909, %parallel_loop3A_916 : i32
        %parallel_loop3A_918 = arith.remsi %parallel_loop3A_896, %parallel_loop3A_901 : i32
        %parallel_loop3A_919 = arith.constant 0 : i32
        %parallel_loop3A_920 = arith.cmpi ne, %parallel_loop3A_918, %parallel_loop3A_919 : i32
        %parallel_loop3A_921 = arith.andi %parallel_loop3A_917, %parallel_loop3A_920 : i1
        %parallel_loop3A_922 = arith.constant 1 : i32
        %parallel_loop3A_923 = arith.subi %parallel_loop3A_902, %parallel_loop3A_922 : i32
        %parallel_loop3A_924 = arith.select %parallel_loop3A_921, %parallel_loop3A_923, %parallel_loop3A_902 : i32
        %parallel_loop3A_925 = arith.constant 26 : i32
        %parallel_loop3A_926 = arith.constant 0 : i32
        %parallel_loop3A_927 = arith.cmpi eq, %parallel_loop3A_925, %parallel_loop3A_926 : i32
        %parallel_loop3A_928 = arith.constant 1 : i32
        %parallel_loop3A_929 = arith.select %parallel_loop3A_927, %parallel_loop3A_928, %parallel_loop3A_925 : i32
        %parallel_loop3A_930 = arith.remsi %parallel_loop3A_896, %parallel_loop3A_929 : i32
        %parallel_loop3A_931 = arith.constant 0 : i32
        %parallel_loop3A_932 = arith.cmpi ne, %parallel_loop3A_930, %parallel_loop3A_931 : i32
        %parallel_loop3A_933 = arith.constant 0 : i32
        %parallel_loop3A_934 = arith.cmpi slt, %parallel_loop3A_930, %parallel_loop3A_933 : i32
        %parallel_loop3A_935 = arith.constant 0 : i32
        %parallel_loop3A_936 = arith.cmpi slt, %parallel_loop3A_929, %parallel_loop3A_935 : i32
        %parallel_loop3A_937 = arith.xori %parallel_loop3A_934, %parallel_loop3A_936 : i1
        %parallel_loop3A_938 = arith.andi %parallel_loop3A_937, %parallel_loop3A_932 : i1
        %parallel_loop3A_939 = arith.addi %parallel_loop3A_930, %parallel_loop3A_929 : i32
        %parallel_loop3A_940 = arith.select %parallel_loop3A_938, %parallel_loop3A_939, %parallel_loop3A_930 : i32
        %parallel_loop3A_941 = arith.constant 0 : i32
        %parallel_loop3A_942 = tpu.memref_slice %arg8[%parallel_loop3A_924, %parallel_loop3A_940, %parallel_loop3A_941] : memref<8x26x32xf32, #tpu.memory_space<vmem>> -> memref<1x1x32xf32, #tpu.memory_space<vmem>>
        %parallel_loop3A_943 = tpu.memref_squeeze %parallel_loop3A_942 : memref<1x1x32xf32, #tpu.memory_space<vmem>> -> memref<32xf32, #tpu.memory_space<vmem>>
        %parallel_loop3A_944 = arith.constant 0 : i32
        %parallel_loop3A_945 = tpu.memref_slice %arg3[%parallel_loop3A_898, %parallel_loop3A_900, %parallel_loop3A_944] : memref<325000x8x32xf32, #tpu.memory_space<hbm>> -> memref<1x1x32xf32, #tpu.memory_space<hbm>>
        %parallel_loop3A_946 = tpu.memref_squeeze %parallel_loop3A_945 : memref<1x1x32xf32, #tpu.memory_space<hbm>> -> memref<32xf32, #tpu.memory_space<hbm>>
        %parallel_loop3A_947 = arith.constant 0 : i32
        %parallel_loop3A_948 = tpu.memref_slice %arg8[%parallel_loop3A_924, %parallel_loop3A_940, %parallel_loop3A_947] : memref<8x26x32xf32, #tpu.memory_space<vmem>> -> memref<1x1x32xf32, #tpu.memory_space<vmem>>
        %parallel_loop3A_949 = tpu.memref_squeeze %parallel_loop3A_948 : memref<1x1x32xf32, #tpu.memory_space<vmem>> -> memref<32xf32, #tpu.memory_space<vmem>>
        %parallel_loop3A_950 = arith.constant 0 : i32
        %parallel_loop3A_951 = tpu.memref_slice %arg3[%parallel_loop3A_898, %parallel_loop3A_900, %parallel_loop3A_950] : memref<325000x8x32xf32, #tpu.memory_space<hbm>> -> memref<1x1x32xf32, #tpu.memory_space<hbm>>
        %parallel_loop3A_952 = tpu.memref_squeeze %parallel_loop3A_951 : memref<1x1x32xf32, #tpu.memory_space<hbm>> -> memref<32xf32, #tpu.memory_space<hbm>>
        tpu.enqueue_dma source(%parallel_loop3A_952 : memref<32xf32, #tpu.memory_space<hbm>>) target(%parallel_loop3A_949 : memref<32xf32, #tpu.memory_space<vmem>>) target_semaphore(%arg10 : memref<!tpu.dma_semaphore, #tpu.memory_space<semaphore_mem>>)
        %parallel_loop3A_953 = vector.extract_strided_slice %parallel_loop3A_50 {offsets = [15], sizes = [1], strides = [1]} : vector<16xi32> to vector<1xi32>
        %parallel_loop3A_954 = vector.extract %parallel_loop3A_953[0] : i32 from vector<1xi32>
        %parallel_loop3A_955 = arith.constant 15 : i32
        %parallel_loop3A_956 = arith.addi %parallel_loop3A_52, %parallel_loop3A_955 : i32
        %parallel_loop3A_957 = arith.constant 3 : i32
        %parallel_loop3A_958 = arith.shrsi %parallel_loop3A_954, %parallel_loop3A_957 : i32
        %parallel_loop3A_959 = arith.constant 7 : i32
        %parallel_loop3A_960 = arith.andi %parallel_loop3A_954, %parallel_loop3A_959 : i32
        %parallel_loop3A_961 = arith.constant 26 : i32
        %parallel_loop3A_962 = arith.divsi %parallel_loop3A_956, %parallel_loop3A_961 : i32
        %parallel_loop3A_963 = arith.constant 0 : i32
        %parallel_loop3A_964 = arith.cmpi sgt, %parallel_loop3A_956, %parallel_loop3A_963 : i32
        %parallel_loop3A_965 = arith.extui %parallel_loop3A_964 : i1 to i32
        %parallel_loop3A_966 = arith.constant 0 : i32
        %parallel_loop3A_967 = arith.cmpi slt, %parallel_loop3A_956, %parallel_loop3A_966 : i32
        %parallel_loop3A_968 = arith.extui %parallel_loop3A_967 : i1 to i32
        %parallel_loop3A_969 = arith.subi %parallel_loop3A_965, %parallel_loop3A_968 : i32
        %parallel_loop3A_970 = arith.constant 0 : i32
        %parallel_loop3A_971 = arith.cmpi sgt, %parallel_loop3A_961, %parallel_loop3A_970 : i32
        %parallel_loop3A_972 = arith.extui %parallel_loop3A_971 : i1 to i32
        %parallel_loop3A_973 = arith.constant 0 : i32
        %parallel_loop3A_974 = arith.cmpi slt, %parallel_loop3A_961, %parallel_loop3A_973 : i32
        %parallel_loop3A_975 = arith.extui %parallel_loop3A_974 : i1 to i32
        %parallel_loop3A_976 = arith.subi %parallel_loop3A_972, %parallel_loop3A_975 : i32
        %parallel_loop3A_977 = arith.cmpi ne, %parallel_loop3A_969, %parallel_loop3A_976 : i32
        %parallel_loop3A_978 = arith.remsi %parallel_loop3A_956, %parallel_loop3A_961 : i32
        %parallel_loop3A_979 = arith.constant 0 : i32
        %parallel_loop3A_980 = arith.cmpi ne, %parallel_loop3A_978, %parallel_loop3A_979 : i32
        %parallel_loop3A_981 = arith.andi %parallel_loop3A_977, %parallel_loop3A_980 : i1
        %parallel_loop3A_982 = arith.constant 1 : i32
        %parallel_loop3A_983 = arith.subi %parallel_loop3A_962, %parallel_loop3A_982 : i32
        %parallel_loop3A_984 = arith.select %parallel_loop3A_981, %parallel_loop3A_983, %parallel_loop3A_962 : i32
        %parallel_loop3A_985 = arith.constant 26 : i32
        %parallel_loop3A_986 = arith.constant 0 : i32
        %parallel_loop3A_987 = arith.cmpi eq, %parallel_loop3A_985, %parallel_loop3A_986 : i32
        %parallel_loop3A_988 = arith.constant 1 : i32
        %parallel_loop3A_989 = arith.select %parallel_loop3A_987, %parallel_loop3A_988, %parallel_loop3A_985 : i32
        %parallel_loop3A_990 = arith.remsi %parallel_loop3A_956, %parallel_loop3A_989 : i32
        %parallel_loop3A_991 = arith.constant 0 : i32
        %parallel_loop3A_992 = arith.cmpi ne, %parallel_loop3A_990, %parallel_loop3A_991 : i32
        %parallel_loop3A_993 = arith.constant 0 : i32
        %parallel_loop3A_994 = arith.cmpi slt, %parallel_loop3A_990, %parallel_loop3A_993 : i32
        %parallel_loop3A_995 = arith.constant 0 : i32
        %parallel_loop3A_996 = arith.cmpi slt, %parallel_loop3A_989, %parallel_loop3A_995 : i32
        %parallel_loop3A_997 = arith.xori %parallel_loop3A_994, %parallel_loop3A_996 : i1
        %parallel_loop3A_998 = arith.andi %parallel_loop3A_997, %parallel_loop3A_992 : i1
        %parallel_loop3A_999 = arith.addi %parallel_loop3A_990, %parallel_loop3A_989 : i32
        %parallel_loop3A_1000 = arith.select %parallel_loop3A_998, %parallel_loop3A_999, %parallel_loop3A_990 : i32
        %parallel_loop3A_1001 = arith.constant 0 : i32
        %parallel_loop3A_1002 = tpu.memref_slice %arg8[%parallel_loop3A_984, %parallel_loop3A_1000, %parallel_loop3A_1001] : memref<8x26x32xf32, #tpu.memory_space<vmem>> -> memref<1x1x32xf32, #tpu.memory_space<vmem>>
        %parallel_loop3A_1003 = tpu.memref_squeeze %parallel_loop3A_1002 : memref<1x1x32xf32, #tpu.memory_space<vmem>> -> memref<32xf32, #tpu.memory_space<vmem>>
        %parallel_loop3A_1004 = arith.constant 0 : i32
        %parallel_loop3A_1005 = tpu.memref_slice %arg3[%parallel_loop3A_958, %parallel_loop3A_960, %parallel_loop3A_1004] : memref<325000x8x32xf32, #tpu.memory_space<hbm>> -> memref<1x1x32xf32, #tpu.memory_space<hbm>>
        %parallel_loop3A_1006 = tpu.memref_squeeze %parallel_loop3A_1005 : memref<1x1x32xf32, #tpu.memory_space<hbm>> -> memref<32xf32, #tpu.memory_space<hbm>>
        %parallel_loop3A_1007 = arith.constant 0 : i32
        %parallel_loop3A_1008 = tpu.memref_slice %arg8[%parallel_loop3A_984, %parallel_loop3A_1000, %parallel_loop3A_1007] : memref<8x26x32xf32, #tpu.memory_space<vmem>> -> memref<1x1x32xf32, #tpu.memory_space<vmem>>
        %parallel_loop3A_1009 = tpu.memref_squeeze %parallel_loop3A_1008 : memref<1x1x32xf32, #tpu.memory_space<vmem>> -> memref<32xf32, #tpu.memory_space<vmem>>
        %parallel_loop3A_1010 = arith.constant 0 : i32
        %parallel_loop3A_1011 = tpu.memref_slice %arg3[%parallel_loop3A_958, %parallel_loop3A_960, %parallel_loop3A_1010] : memref<325000x8x32xf32, #tpu.memory_space<hbm>> -> memref<1x1x32xf32, #tpu.memory_space<hbm>>
        %parallel_loop3A_1012 = tpu.memref_squeeze %parallel_loop3A_1011 : memref<1x1x32xf32, #tpu.memory_space<hbm>> -> memref<32xf32, #tpu.memory_space<hbm>>
        tpu.enqueue_dma source(%parallel_loop3A_1012 : memref<32xf32, #tpu.memory_space<hbm>>) target(%parallel_loop3A_1009 : memref<32xf32, #tpu.memory_space<vmem>>) target_semaphore(%arg10 : memref<!tpu.dma_semaphore, #tpu.memory_space<semaphore_mem>>)
      } {sc.loop_unroll_factor = 4 : i64, sc.parallel_access}
      %add3A_18 = arith.constant 1 : i32
      %add3A_19 = arith.addi %mul3A_14, %add3A_18 : i32
      %parallel_loop3A_20 = arith.constant 0 : i32
      %parallel_loop3A_21 = arith.constant 13 : i32
      %parallel_loop3A_22 = arith.constant 1 : i32
      scf.for %parallel_loop3A_42 = %parallel_loop3A_20 to %parallel_loop3A_21 step %parallel_loop3A_22  : i32 {
        %parallel_loop3A_43 = arith.constant 208 : i32
        %parallel_loop3A_44 = arith.muli %add3A_19, %parallel_loop3A_43 : i32
        %parallel_loop3A_45 = arith.constant 16 : i32
        %parallel_loop3A_46 = arith.muli %parallel_loop3A_42, %parallel_loop3A_45 : i32
        %parallel_loop3A_47 = arith.addi %parallel_loop3A_44, %parallel_loop3A_46 : i32
        %parallel_loop3A_48 = arith.index_cast %parallel_loop3A_47 : i32 to index
        %parallel_loop3A_49 = tpu.vector_load %arg6[%parallel_loop3A_48] {strides = array<i32>} : memref<13312xi32, #tpu.memory_space<vmem>>, vector<16xi32>,
        %parallel_loop3A_50 = vector.shape_cast %parallel_loop3A_49 : vector<16xi32> to vector<16xi32>
        %parallel_loop3A_51 = arith.constant 16 : i32
        %parallel_loop3A_52 = arith.muli %parallel_loop3A_42, %parallel_loop3A_51 : i32
        %parallel_loop3A_53 = vector.extract_strided_slice %parallel_loop3A_50 {offsets = [0], sizes = [1], strides = [1]} : vector<16xi32> to vector<1xi32>
        %parallel_loop3A_54 = vector.extract %parallel_loop3A_53[0] : i32 from vector<1xi32>
        %parallel_loop3A_55 = arith.constant 0 : i32
        %parallel_loop3A_56 = arith.addi %parallel_loop3A_52, %parallel_loop3A_55 : i32
        %parallel_loop3A_57 = arith.constant 3 : i32
        %parallel_loop3A_58 = arith.shrsi %parallel_loop3A_54, %parallel_loop3A_57 : i32
        %parallel_loop3A_59 = arith.constant 7 : i32
        %parallel_loop3A_60 = arith.andi %parallel_loop3A_54, %parallel_loop3A_59 : i32
        %parallel_loop3A_61 = arith.constant 26 : i32
        %parallel_loop3A_62 = arith.divsi %parallel_loop3A_56, %parallel_loop3A_61 : i32
        %parallel_loop3A_63 = arith.constant 0 : i32
        %parallel_loop3A_64 = arith.cmpi sgt, %parallel_loop3A_56, %parallel_loop3A_63 : i32
        %parallel_loop3A_65 = arith.extui %parallel_loop3A_64 : i1 to i32
        %parallel_loop3A_66 = arith.constant 0 : i32
        %parallel_loop3A_67 = arith.cmpi slt, %parallel_loop3A_56, %parallel_loop3A_66 : i32
        %parallel_loop3A_68 = arith.extui %parallel_loop3A_67 : i1 to i32
        %parallel_loop3A_69 = arith.subi %parallel_loop3A_65, %parallel_loop3A_68 : i32
        %parallel_loop3A_70 = arith.constant 0 : i32
        %parallel_loop3A_71 = arith.cmpi sgt, %parallel_loop3A_61, %parallel_loop3A_70 : i32
        %parallel_loop3A_72 = arith.extui %parallel_loop3A_71 : i1 to i32
        %parallel_loop3A_73 = arith.constant 0 : i32
        %parallel_loop3A_74 = arith.cmpi slt, %parallel_loop3A_61, %parallel_loop3A_73 : i32
        %parallel_loop3A_75 = arith.extui %parallel_loop3A_74 : i1 to i32
        %parallel_loop3A_76 = arith.subi %parallel_loop3A_72, %parallel_loop3A_75 : i32
        %parallel_loop3A_77 = arith.cmpi ne, %parallel_loop3A_69, %parallel_loop3A_76 : i32
        %parallel_loop3A_78 = arith.remsi %parallel_loop3A_56, %parallel_loop3A_61 : i32
        %parallel_loop3A_79 = arith.constant 0 : i32
        %parallel_loop3A_80 = arith.cmpi ne, %parallel_loop3A_78, %parallel_loop3A_79 : i32
        %parallel_loop3A_81 = arith.andi %parallel_loop3A_77, %parallel_loop3A_80 : i1
        %parallel_loop3A_82 = arith.constant 1 : i32
        %parallel_loop3A_83 = arith.subi %parallel_loop3A_62, %parallel_loop3A_82 : i32
        %parallel_loop3A_84 = arith.select %parallel_loop3A_81, %parallel_loop3A_83, %parallel_loop3A_62 : i32
        %parallel_loop3A_85 = arith.constant 26 : i32
        %parallel_loop3A_86 = arith.constant 0 : i32
        %parallel_loop3A_87 = arith.cmpi eq, %parallel_loop3A_85, %parallel_loop3A_86 : i32
        %parallel_loop3A_88 = arith.constant 1 : i32
        %parallel_loop3A_89 = arith.select %parallel_loop3A_87, %parallel_loop3A_88, %parallel_loop3A_85 : i32
        %parallel_loop3A_90 = arith.remsi %parallel_loop3A_56, %parallel_loop3A_89 : i32
        %parallel_loop3A_91 = arith.constant 0 : i32
        %parallel_loop3A_92 = arith.cmpi ne, %parallel_loop3A_90, %parallel_loop3A_91 : i32
        %parallel_loop3A_93 = arith.constant 0 : i32
        %parallel_loop3A_94 = arith.cmpi slt, %parallel_loop3A_90, %parallel_loop3A_93 : i32
        %parallel_loop3A_95 = arith.constant 0 : i32
        %parallel_loop3A_96 = arith.cmpi slt, %parallel_loop3A_89, %parallel_loop3A_95 : i32
        %parallel_loop3A_97 = arith.xori %parallel_loop3A_94, %parallel_loop3A_96 : i1
        %parallel_loop3A_98 = arith.andi %parallel_loop3A_97, %parallel_loop3A_92 : i1
        %parallel_loop3A_99 = arith.addi %parallel_loop3A_90, %parallel_loop3A_89 : i32
        %parallel_loop3A_100 = arith.select %parallel_loop3A_98, %parallel_loop3A_99, %parallel_loop3A_90 : i32
        %parallel_loop3A_101 = arith.constant 0 : i32
        %parallel_loop3A_102 = tpu.memref_slice %arg9[%parallel_loop3A_84, %parallel_loop3A_100, %parallel_loop3A_101] : memref<8x26x32xf32, #tpu.memory_space<vmem>> -> memref<1x1x32xf32, #tpu.memory_space<vmem>>
        %parallel_loop3A_103 = tpu.memref_squeeze %parallel_loop3A_102 : memref<1x1x32xf32, #tpu.memory_space<vmem>> -> memref<32xf32, #tpu.memory_space<vmem>>
        %parallel_loop3A_104 = arith.constant 0 : i32
        %parallel_loop3A_105 = tpu.memref_slice %arg3[%parallel_loop3A_58, %parallel_loop3A_60, %parallel_loop3A_104] : memref<325000x8x32xf32, #tpu.memory_space<hbm>> -> memref<1x1x32xf32, #tpu.memory_space<hbm>>
        %parallel_loop3A_106 = tpu.memref_squeeze %parallel_loop3A_105 : memref<1x1x32xf32, #tpu.memory_space<hbm>> -> memref<32xf32, #tpu.memory_space<hbm>>
        %parallel_loop3A_107 = arith.constant 0 : i32
        %parallel_loop3A_108 = tpu.memref_slice %arg9[%parallel_loop3A_84, %parallel_loop3A_100, %parallel_loop3A_107] : memref<8x26x32xf32, #tpu.memory_space<vmem>> -> memref<1x1x32xf32, #tpu.memory_space<vmem>>
        %parallel_loop3A_109 = tpu.memref_squeeze %parallel_loop3A_108 : memref<1x1x32xf32, #tpu.memory_space<vmem>> -> memref<32xf32, #tpu.memory_space<vmem>>
        %parallel_loop3A_110 = arith.constant 0 : i32
        %parallel_loop3A_111 = tpu.memref_slice %arg3[%parallel_loop3A_58, %parallel_loop3A_60, %parallel_loop3A_110] : memref<325000x8x32xf32, #tpu.memory_space<hbm>> -> memref<1x1x32xf32, #tpu.memory_space<hbm>>
        %parallel_loop3A_112 = tpu.memref_squeeze %parallel_loop3A_111 : memref<1x1x32xf32, #tpu.memory_space<hbm>> -> memref<32xf32, #tpu.memory_space<hbm>>
        tpu.enqueue_dma source(%parallel_loop3A_112 : memref<32xf32, #tpu.memory_space<hbm>>) target(%parallel_loop3A_109 : memref<32xf32, #tpu.memory_space<vmem>>) target_semaphore(%arg11 : memref<!tpu.dma_semaphore, #tpu.memory_space<semaphore_mem>>)
        %parallel_loop3A_113 = vector.extract_strided_slice %parallel_loop3A_50 {offsets = [1], sizes = [1], strides = [1]} : vector<16xi32> to vector<1xi32>
        %parallel_loop3A_114 = vector.extract %parallel_loop3A_113[0] : i32 from vector<1xi32>
        %parallel_loop3A_115 = arith.constant 1 : i32
        %parallel_loop3A_116 = arith.addi %parallel_loop3A_52, %parallel_loop3A_115 : i32
        %parallel_loop3A_117 = arith.constant 3 : i32
        %parallel_loop3A_118 = arith.shrsi %parallel_loop3A_114, %parallel_loop3A_117 : i32
        %parallel_loop3A_119 = arith.constant 7 : i32
        %parallel_loop3A_120 = arith.andi %parallel_loop3A_114, %parallel_loop3A_119 : i32
        %parallel_loop3A_121 = arith.constant 26 : i32
        %parallel_loop3A_122 = arith.divsi %parallel_loop3A_116, %parallel_loop3A_121 : i32
        %parallel_loop3A_123 = arith.constant 0 : i32
        %parallel_loop3A_124 = arith.cmpi sgt, %parallel_loop3A_116, %parallel_loop3A_123 : i32
        %parallel_loop3A_125 = arith.extui %parallel_loop3A_124 : i1 to i32
        %parallel_loop3A_126 = arith.constant 0 : i32
        %parallel_loop3A_127 = arith.cmpi slt, %parallel_loop3A_116, %parallel_loop3A_126 : i32
        %parallel_loop3A_128 = arith.extui %parallel_loop3A_127 : i1 to i32
        %parallel_loop3A_129 = arith.subi %parallel_loop3A_125, %parallel_loop3A_128 : i32
        %parallel_loop3A_130 = arith.constant 0 : i32
        %parallel_loop3A_131 = arith.cmpi sgt, %parallel_loop3A_121, %parallel_loop3A_130 : i32
        %parallel_loop3A_132 = arith.extui %parallel_loop3A_131 : i1 to i32
        %parallel_loop3A_133 = arith.constant 0 : i32
        %parallel_loop3A_134 = arith.cmpi slt, %parallel_loop3A_121, %parallel_loop3A_133 : i32
        %parallel_loop3A_135 = arith.extui %parallel_loop3A_134 : i1 to i32
        %parallel_loop3A_136 = arith.subi %parallel_loop3A_132, %parallel_loop3A_135 : i32
        %parallel_loop3A_137 = arith.cmpi ne, %parallel_loop3A_129, %parallel_loop3A_136 : i32
        %parallel_loop3A_138 = arith.remsi %parallel_loop3A_116, %parallel_loop3A_121 : i32
        %parallel_loop3A_139 = arith.constant 0 : i32
        %parallel_loop3A_140 = arith.cmpi ne, %parallel_loop3A_138, %parallel_loop3A_139 : i32
        %parallel_loop3A_141 = arith.andi %parallel_loop3A_137, %parallel_loop3A_140 : i1
        %parallel_loop3A_142 = arith.constant 1 : i32
        %parallel_loop3A_143 = arith.subi %parallel_loop3A_122, %parallel_loop3A_142 : i32
        %parallel_loop3A_144 = arith.select %parallel_loop3A_141, %parallel_loop3A_143, %parallel_loop3A_122 : i32
        %parallel_loop3A_145 = arith.constant 26 : i32
        %parallel_loop3A_146 = arith.constant 0 : i32
        %parallel_loop3A_147 = arith.cmpi eq, %parallel_loop3A_145, %parallel_loop3A_146 : i32
        %parallel_loop3A_148 = arith.constant 1 : i32
        %parallel_loop3A_149 = arith.select %parallel_loop3A_147, %parallel_loop3A_148, %parallel_loop3A_145 : i32
        %parallel_loop3A_150 = arith.remsi %parallel_loop3A_116, %parallel_loop3A_149 : i32
        %parallel_loop3A_151 = arith.constant 0 : i32
        %parallel_loop3A_152 = arith.cmpi ne, %parallel_loop3A_150, %parallel_loop3A_151 : i32
        %parallel_loop3A_153 = arith.constant 0 : i32
        %parallel_loop3A_154 = arith.cmpi slt, %parallel_loop3A_150, %parallel_loop3A_153 : i32
        %parallel_loop3A_155 = arith.constant 0 : i32
        %parallel_loop3A_156 = arith.cmpi slt, %parallel_loop3A_149, %parallel_loop3A_155 : i32
        %parallel_loop3A_157 = arith.xori %parallel_loop3A_154, %parallel_loop3A_156 : i1
        %parallel_loop3A_158 = arith.andi %parallel_loop3A_157, %parallel_loop3A_152 : i1
        %parallel_loop3A_159 = arith.addi %parallel_loop3A_150, %parallel_loop3A_149 : i32
        %parallel_loop3A_160 = arith.select %parallel_loop3A_158, %parallel_loop3A_159, %parallel_loop3A_150 : i32
        %parallel_loop3A_161 = arith.constant 0 : i32
        %parallel_loop3A_162 = tpu.memref_slice %arg9[%parallel_loop3A_144, %parallel_loop3A_160, %parallel_loop3A_161] : memref<8x26x32xf32, #tpu.memory_space<vmem>> -> memref<1x1x32xf32, #tpu.memory_space<vmem>>
        %parallel_loop3A_163 = tpu.memref_squeeze %parallel_loop3A_162 : memref<1x1x32xf32, #tpu.memory_space<vmem>> -> memref<32xf32, #tpu.memory_space<vmem>>
        %parallel_loop3A_164 = arith.constant 0 : i32
        %parallel_loop3A_165 = tpu.memref_slice %arg3[%parallel_loop3A_118, %parallel_loop3A_120, %parallel_loop3A_164] : memref<325000x8x32xf32, #tpu.memory_space<hbm>> -> memref<1x1x32xf32, #tpu.memory_space<hbm>>
        %parallel_loop3A_166 = tpu.memref_squeeze %parallel_loop3A_165 : memref<1x1x32xf32, #tpu.memory_space<hbm>> -> memref<32xf32, #tpu.memory_space<hbm>>
        %parallel_loop3A_167 = arith.constant 0 : i32
        %parallel_loop3A_168 = tpu.memref_slice %arg9[%parallel_loop3A_144, %parallel_loop3A_160, %parallel_loop3A_167] : memref<8x26x32xf32, #tpu.memory_space<vmem>> -> memref<1x1x32xf32, #tpu.memory_space<vmem>>
        %parallel_loop3A_169 = tpu.memref_squeeze %parallel_loop3A_168 : memref<1x1x32xf32, #tpu.memory_space<vmem>> -> memref<32xf32, #tpu.memory_space<vmem>>
        %parallel_loop3A_170 = arith.constant 0 : i32
        %parallel_loop3A_171 = tpu.memref_slice %arg3[%parallel_loop3A_118, %parallel_loop3A_120, %parallel_loop3A_170] : memref<325000x8x32xf32, #tpu.memory_space<hbm>> -> memref<1x1x32xf32, #tpu.memory_space<hbm>>
        %parallel_loop3A_172 = tpu.memref_squeeze %parallel_loop3A_171 : memref<1x1x32xf32, #tpu.memory_space<hbm>> -> memref<32xf32, #tpu.memory_space<hbm>>
        tpu.enqueue_dma source(%parallel_loop3A_172 : memref<32xf32, #tpu.memory_space<hbm>>) target(%parallel_loop3A_169 : memref<32xf32, #tpu.memory_space<vmem>>) target_semaphore(%arg11 : memref<!tpu.dma_semaphore, #tpu.memory_space<semaphore_mem>>)
        %parallel_loop3A_173 = vector.extract_strided_slice %parallel_loop3A_50 {offsets = [2], sizes = [1], strides = [1]} : vector<16xi32> to vector<1xi32>
        %parallel_loop3A_174 = vector.extract %parallel_loop3A_173[0] : i32 from vector<1xi32>
        %parallel_loop3A_175 = arith.constant 2 : i32
        %parallel_loop3A_176 = arith.addi %parallel_loop3A_52, %parallel_loop3A_175 : i32
        %parallel_loop3A_177 = arith.constant 3 : i32
        %parallel_loop3A_178 = arith.shrsi %parallel_loop3A_174, %parallel_loop3A_177 : i32
        %parallel_loop3A_179 = arith.constant 7 : i32
        %parallel_loop3A_180 = arith.andi %parallel_loop3A_174, %parallel_loop3A_179 : i32
        %parallel_loop3A_181 = arith.constant 26 : i32
        %parallel_loop3A_182 = arith.divsi %parallel_loop3A_176, %parallel_loop3A_181 : i32
        %parallel_loop3A_183 = arith.constant 0 : i32
        %parallel_loop3A_184 = arith.cmpi sgt, %parallel_loop3A_176, %parallel_loop3A_183 : i32
        %parallel_loop3A_185 = arith.extui %parallel_loop3A_184 : i1 to i32
        %parallel_loop3A_186 = arith.constant 0 : i32
        %parallel_loop3A_187 = arith.cmpi slt, %parallel_loop3A_176, %parallel_loop3A_186 : i32
        %parallel_loop3A_188 = arith.extui %parallel_loop3A_187 : i1 to i32
        %parallel_loop3A_189 = arith.subi %parallel_loop3A_185, %parallel_loop3A_188 : i32
        %parallel_loop3A_190 = arith.constant 0 : i32
        %parallel_loop3A_191 = arith.cmpi sgt, %parallel_loop3A_181, %parallel_loop3A_190 : i32
        %parallel_loop3A_192 = arith.extui %parallel_loop3A_191 : i1 to i32
        %parallel_loop3A_193 = arith.constant 0 : i32
        %parallel_loop3A_194 = arith.cmpi slt, %parallel_loop3A_181, %parallel_loop3A_193 : i32
        %parallel_loop3A_195 = arith.extui %parallel_loop3A_194 : i1 to i32
        %parallel_loop3A_196 = arith.subi %parallel_loop3A_192, %parallel_loop3A_195 : i32
        %parallel_loop3A_197 = arith.cmpi ne, %parallel_loop3A_189, %parallel_loop3A_196 : i32
        %parallel_loop3A_198 = arith.remsi %parallel_loop3A_176, %parallel_loop3A_181 : i32
        %parallel_loop3A_199 = arith.constant 0 : i32
        %parallel_loop3A_200 = arith.cmpi ne, %parallel_loop3A_198, %parallel_loop3A_199 : i32
        %parallel_loop3A_201 = arith.andi %parallel_loop3A_197, %parallel_loop3A_200 : i1
        %parallel_loop3A_202 = arith.constant 1 : i32
        %parallel_loop3A_203 = arith.subi %parallel_loop3A_182, %parallel_loop3A_202 : i32
        %parallel_loop3A_204 = arith.select %parallel_loop3A_201, %parallel_loop3A_203, %parallel_loop3A_182 : i32
        %parallel_loop3A_205 = arith.constant 26 : i32
        %parallel_loop3A_206 = arith.constant 0 : i32
        %parallel_loop3A_207 = arith.cmpi eq, %parallel_loop3A_205, %parallel_loop3A_206 : i32
        %parallel_loop3A_208 = arith.constant 1 : i32
        %parallel_loop3A_209 = arith.select %parallel_loop3A_207, %parallel_loop3A_208, %parallel_loop3A_205 : i32
        %parallel_loop3A_210 = arith.remsi %parallel_loop3A_176, %parallel_loop3A_209 : i32
        %parallel_loop3A_211 = arith.constant 0 : i32
        %parallel_loop3A_212 = arith.cmpi ne, %parallel_loop3A_210, %parallel_loop3A_211 : i32
        %parallel_loop3A_213 = arith.constant 0 : i32
        %parallel_loop3A_214 = arith.cmpi slt, %parallel_loop3A_210, %parallel_loop3A_213 : i32
        %parallel_loop3A_215 = arith.constant 0 : i32
        %parallel_loop3A_216 = arith.cmpi slt, %parallel_loop3A_209, %parallel_loop3A_215 : i32
        %parallel_loop3A_217 = arith.xori %parallel_loop3A_214, %parallel_loop3A_216 : i1
        %parallel_loop3A_218 = arith.andi %parallel_loop3A_217, %parallel_loop3A_212 : i1
        %parallel_loop3A_219 = arith.addi %parallel_loop3A_210, %parallel_loop3A_209 : i32
        %parallel_loop3A_220 = arith.select %parallel_loop3A_218, %parallel_loop3A_219, %parallel_loop3A_210 : i32
        %parallel_loop3A_221 = arith.constant 0 : i32
        %parallel_loop3A_222 = tpu.memref_slice %arg9[%parallel_loop3A_204, %parallel_loop3A_220, %parallel_loop3A_221] : memref<8x26x32xf32, #tpu.memory_space<vmem>> -> memref<1x1x32xf32, #tpu.memory_space<vmem>>
        %parallel_loop3A_223 = tpu.memref_squeeze %parallel_loop3A_222 : memref<1x1x32xf32, #tpu.memory_space<vmem>> -> memref<32xf32, #tpu.memory_space<vmem>>
        %parallel_loop3A_224 = arith.constant 0 : i32
        %parallel_loop3A_225 = tpu.memref_slice %arg3[%parallel_loop3A_178, %parallel_loop3A_180, %parallel_loop3A_224] : memref<325000x8x32xf32, #tpu.memory_space<hbm>> -> memref<1x1x32xf32, #tpu.memory_space<hbm>>
        %parallel_loop3A_226 = tpu.memref_squeeze %parallel_loop3A_225 : memref<1x1x32xf32, #tpu.memory_space<hbm>> -> memref<32xf32, #tpu.memory_space<hbm>>
        %parallel_loop3A_227 = arith.constant 0 : i32
        %parallel_loop3A_228 = tpu.memref_slice %arg9[%parallel_loop3A_204, %parallel_loop3A_220, %parallel_loop3A_227] : memref<8x26x32xf32, #tpu.memory_space<vmem>> -> memref<1x1x32xf32, #tpu.memory_space<vmem>>
        %parallel_loop3A_229 = tpu.memref_squeeze %parallel_loop3A_228 : memref<1x1x32xf32, #tpu.memory_space<vmem>> -> memref<32xf32, #tpu.memory_space<vmem>>
        %parallel_loop3A_230 = arith.constant 0 : i32
        %parallel_loop3A_231 = tpu.memref_slice %arg3[%parallel_loop3A_178, %parallel_loop3A_180, %parallel_loop3A_230] : memref<325000x8x32xf32, #tpu.memory_space<hbm>> -> memref<1x1x32xf32, #tpu.memory_space<hbm>>
        %parallel_loop3A_232 = tpu.memref_squeeze %parallel_loop3A_231 : memref<1x1x32xf32, #tpu.memory_space<hbm>> -> memref<32xf32, #tpu.memory_space<hbm>>
        tpu.enqueue_dma source(%parallel_loop3A_232 : memref<32xf32, #tpu.memory_space<hbm>>) target(%parallel_loop3A_229 : memref<32xf32, #tpu.memory_space<vmem>>) target_semaphore(%arg11 : memref<!tpu.dma_semaphore, #tpu.memory_space<semaphore_mem>>)
        %parallel_loop3A_233 = vector.extract_strided_slice %parallel_loop3A_50 {offsets = [3], sizes = [1], strides = [1]} : vector<16xi32> to vector<1xi32>
        %parallel_loop3A_234 = vector.extract %parallel_loop3A_233[0] : i32 from vector<1xi32>
        %parallel_loop3A_235 = arith.constant 3 : i32
        %parallel_loop3A_236 = arith.addi %parallel_loop3A_52, %parallel_loop3A_235 : i32
        %parallel_loop3A_237 = arith.constant 3 : i32
        %parallel_loop3A_238 = arith.shrsi %parallel_loop3A_234, %parallel_loop3A_237 : i32
        %parallel_loop3A_239 = arith.constant 7 : i32
        %parallel_loop3A_240 = arith.andi %parallel_loop3A_234, %parallel_loop3A_239 : i32
        %parallel_loop3A_241 = arith.constant 26 : i32
        %parallel_loop3A_242 = arith.divsi %parallel_loop3A_236, %parallel_loop3A_241 : i32
        %parallel_loop3A_243 = arith.constant 0 : i32
        %parallel_loop3A_244 = arith.cmpi sgt, %parallel_loop3A_236, %parallel_loop3A_243 : i32
        %parallel_loop3A_245 = arith.extui %parallel_loop3A_244 : i1 to i32
        %parallel_loop3A_246 = arith.constant 0 : i32
        %parallel_loop3A_247 = arith.cmpi slt, %parallel_loop3A_236, %parallel_loop3A_246 : i32
        %parallel_loop3A_248 = arith.extui %parallel_loop3A_247 : i1 to i32
        %parallel_loop3A_249 = arith.subi %parallel_loop3A_245, %parallel_loop3A_248 : i32
        %parallel_loop3A_250 = arith.constant 0 : i32
        %parallel_loop3A_251 = arith.cmpi sgt, %parallel_loop3A_241, %parallel_loop3A_250 : i32
        %parallel_loop3A_252 = arith.extui %parallel_loop3A_251 : i1 to i32
        %parallel_loop3A_253 = arith.constant 0 : i32
        %parallel_loop3A_254 = arith.cmpi slt, %parallel_loop3A_241, %parallel_loop3A_253 : i32
        %parallel_loop3A_255 = arith.extui %parallel_loop3A_254 : i1 to i32
        %parallel_loop3A_256 = arith.subi %parallel_loop3A_252, %parallel_loop3A_255 : i32
        %parallel_loop3A_257 = arith.cmpi ne, %parallel_loop3A_249, %parallel_loop3A_256 : i32
        %parallel_loop3A_258 = arith.remsi %parallel_loop3A_236, %parallel_loop3A_241 : i32
        %parallel_loop3A_259 = arith.constant 0 : i32
        %parallel_loop3A_260 = arith.cmpi ne, %parallel_loop3A_258, %parallel_loop3A_259 : i32
        %parallel_loop3A_261 = arith.andi %parallel_loop3A_257, %parallel_loop3A_260 : i1
        %parallel_loop3A_262 = arith.constant 1 : i32
        %parallel_loop3A_263 = arith.subi %parallel_loop3A_242, %parallel_loop3A_262 : i32
        %parallel_loop3A_264 = arith.select %parallel_loop3A_261, %parallel_loop3A_263, %parallel_loop3A_242 : i32
        %parallel_loop3A_265 = arith.constant 26 : i32
        %parallel_loop3A_266 = arith.constant 0 : i32
        %parallel_loop3A_267 = arith.cmpi eq, %parallel_loop3A_265, %parallel_loop3A_266 : i32
        %parallel_loop3A_268 = arith.constant 1 : i32
        %parallel_loop3A_269 = arith.select %parallel_loop3A_267, %parallel_loop3A_268, %parallel_loop3A_265 : i32
        %parallel_loop3A_270 = arith.remsi %parallel_loop3A_236, %parallel_loop3A_269 : i32
        %parallel_loop3A_271 = arith.constant 0 : i32
        %parallel_loop3A_272 = arith.cmpi ne, %parallel_loop3A_270, %parallel_loop3A_271 : i32
        %parallel_loop3A_273 = arith.constant 0 : i32
        %parallel_loop3A_274 = arith.cmpi slt, %parallel_loop3A_270, %parallel_loop3A_273 : i32
        %parallel_loop3A_275 = arith.constant 0 : i32
        %parallel_loop3A_276 = arith.cmpi slt, %parallel_loop3A_269, %parallel_loop3A_275 : i32
        %parallel_loop3A_277 = arith.xori %parallel_loop3A_274, %parallel_loop3A_276 : i1
        %parallel_loop3A_278 = arith.andi %parallel_loop3A_277, %parallel_loop3A_272 : i1
        %parallel_loop3A_279 = arith.addi %parallel_loop3A_270, %parallel_loop3A_269 : i32
        %parallel_loop3A_280 = arith.select %parallel_loop3A_278, %parallel_loop3A_279, %parallel_loop3A_270 : i32
        %parallel_loop3A_281 = arith.constant 0 : i32
        %parallel_loop3A_282 = tpu.memref_slice %arg9[%parallel_loop3A_264, %parallel_loop3A_280, %parallel_loop3A_281] : memref<8x26x32xf32, #tpu.memory_space<vmem>> -> memref<1x1x32xf32, #tpu.memory_space<vmem>>
        %parallel_loop3A_283 = tpu.memref_squeeze %parallel_loop3A_282 : memref<1x1x32xf32, #tpu.memory_space<vmem>> -> memref<32xf32, #tpu.memory_space<vmem>>
        %parallel_loop3A_284 = arith.constant 0 : i32
        %parallel_loop3A_285 = tpu.memref_slice %arg3[%parallel_loop3A_238, %parallel_loop3A_240, %parallel_loop3A_284] : memref<325000x8x32xf32, #tpu.memory_space<hbm>> -> memref<1x1x32xf32, #tpu.memory_space<hbm>>
        %parallel_loop3A_286 = tpu.memref_squeeze %parallel_loop3A_285 : memref<1x1x32xf32, #tpu.memory_space<hbm>> -> memref<32xf32, #tpu.memory_space<hbm>>
        %parallel_loop3A_287 = arith.constant 0 : i32
        %parallel_loop3A_288 = tpu.memref_slice %arg9[%parallel_loop3A_264, %parallel_loop3A_280, %parallel_loop3A_287] : memref<8x26x32xf32, #tpu.memory_space<vmem>> -> memref<1x1x32xf32, #tpu.memory_space<vmem>>
        %parallel_loop3A_289 = tpu.memref_squeeze %parallel_loop3A_288 : memref<1x1x32xf32, #tpu.memory_space<vmem>> -> memref<32xf32, #tpu.memory_space<vmem>>
        %parallel_loop3A_290 = arith.constant 0 : i32
        %parallel_loop3A_291 = tpu.memref_slice %arg3[%parallel_loop3A_238, %parallel_loop3A_240, %parallel_loop3A_290] : memref<325000x8x32xf32, #tpu.memory_space<hbm>> -> memref<1x1x32xf32, #tpu.memory_space<hbm>>
        %parallel_loop3A_292 = tpu.memref_squeeze %parallel_loop3A_291 : memref<1x1x32xf32, #tpu.memory_space<hbm>> -> memref<32xf32, #tpu.memory_space<hbm>>
        tpu.enqueue_dma source(%parallel_loop3A_292 : memref<32xf32, #tpu.memory_space<hbm>>) target(%parallel_loop3A_289 : memref<32xf32, #tpu.memory_space<vmem>>) target_semaphore(%arg11 : memref<!tpu.dma_semaphore, #tpu.memory_space<semaphore_mem>>)
        %parallel_loop3A_293 = vector.extract_strided_slice %parallel_loop3A_50 {offsets = [4], sizes = [1], strides = [1]} : vector<16xi32> to vector<1xi32>
        %parallel_loop3A_294 = vector.extract %parallel_loop3A_293[0] : i32 from vector<1xi32>
        %parallel_loop3A_295 = arith.constant 4 : i32
        %parallel_loop3A_296 = arith.addi %parallel_loop3A_52, %parallel_loop3A_295 : i32
        %parallel_loop3A_297 = arith.constant 3 : i32
        %parallel_loop3A_298 = arith.shrsi %parallel_loop3A_294, %parallel_loop3A_297 : i32
        %parallel_loop3A_299 = arith.constant 7 : i32
        %parallel_loop3A_300 = arith.andi %parallel_loop3A_294, %parallel_loop3A_299 : i32
        %parallel_loop3A_301 = arith.constant 26 : i32
        %parallel_loop3A_302 = arith.divsi %parallel_loop3A_296, %parallel_loop3A_301 : i32
        %parallel_loop3A_303 = arith.constant 0 : i32
        %parallel_loop3A_304 = arith.cmpi sgt, %parallel_loop3A_296, %parallel_loop3A_303 : i32
        %parallel_loop3A_305 = arith.extui %parallel_loop3A_304 : i1 to i32
        %parallel_loop3A_306 = arith.constant 0 : i32
        %parallel_loop3A_307 = arith.cmpi slt, %parallel_loop3A_296, %parallel_loop3A_306 : i32
        %parallel_loop3A_308 = arith.extui %parallel_loop3A_307 : i1 to i32
        %parallel_loop3A_309 = arith.subi %parallel_loop3A_305, %parallel_loop3A_308 : i32
        %parallel_loop3A_310 = arith.constant 0 : i32
        %parallel_loop3A_311 = arith.cmpi sgt, %parallel_loop3A_301, %parallel_loop3A_310 : i32
        %parallel_loop3A_312 = arith.extui %parallel_loop3A_311 : i1 to i32
        %parallel_loop3A_313 = arith.constant 0 : i32
        %parallel_loop3A_314 = arith.cmpi slt, %parallel_loop3A_301, %parallel_loop3A_313 : i32
        %parallel_loop3A_315 = arith.extui %parallel_loop3A_314 : i1 to i32
        %parallel_loop3A_316 = arith.subi %parallel_loop3A_312, %parallel_loop3A_315 : i32
        %parallel_loop3A_317 = arith.cmpi ne, %parallel_loop3A_309, %parallel_loop3A_316 : i32
        %parallel_loop3A_318 = arith.remsi %parallel_loop3A_296, %parallel_loop3A_301 : i32
        %parallel_loop3A_319 = arith.constant 0 : i32
        %parallel_loop3A_320 = arith.cmpi ne, %parallel_loop3A_318, %parallel_loop3A_319 : i32
        %parallel_loop3A_321 = arith.andi %parallel_loop3A_317, %parallel_loop3A_320 : i1
        %parallel_loop3A_322 = arith.constant 1 : i32
        %parallel_loop3A_323 = arith.subi %parallel_loop3A_302, %parallel_loop3A_322 : i32
        %parallel_loop3A_324 = arith.select %parallel_loop3A_321, %parallel_loop3A_323, %parallel_loop3A_302 : i32
        %parallel_loop3A_325 = arith.constant 26 : i32
        %parallel_loop3A_326 = arith.constant 0 : i32
        %parallel_loop3A_327 = arith.cmpi eq, %parallel_loop3A_325, %parallel_loop3A_326 : i32
        %parallel_loop3A_328 = arith.constant 1 : i32
        %parallel_loop3A_329 = arith.select %parallel_loop3A_327, %parallel_loop3A_328, %parallel_loop3A_325 : i32
        %parallel_loop3A_330 = arith.remsi %parallel_loop3A_296, %parallel_loop3A_329 : i32
        %parallel_loop3A_331 = arith.constant 0 : i32
        %parallel_loop3A_332 = arith.cmpi ne, %parallel_loop3A_330, %parallel_loop3A_331 : i32
        %parallel_loop3A_333 = arith.constant 0 : i32
        %parallel_loop3A_334 = arith.cmpi slt, %parallel_loop3A_330, %parallel_loop3A_333 : i32
        %parallel_loop3A_335 = arith.constant 0 : i32
        %parallel_loop3A_336 = arith.cmpi slt, %parallel_loop3A_329, %parallel_loop3A_335 : i32
        %parallel_loop3A_337 = arith.xori %parallel_loop3A_334, %parallel_loop3A_336 : i1
        %parallel_loop3A_338 = arith.andi %parallel_loop3A_337, %parallel_loop3A_332 : i1
        %parallel_loop3A_339 = arith.addi %parallel_loop3A_330, %parallel_loop3A_329 : i32
        %parallel_loop3A_340 = arith.select %parallel_loop3A_338, %parallel_loop3A_339, %parallel_loop3A_330 : i32
        %parallel_loop3A_341 = arith.constant 0 : i32
        %parallel_loop3A_342 = tpu.memref_slice %arg9[%parallel_loop3A_324, %parallel_loop3A_340, %parallel_loop3A_341] : memref<8x26x32xf32, #tpu.memory_space<vmem>> -> memref<1x1x32xf32, #tpu.memory_space<vmem>>
        %parallel_loop3A_343 = tpu.memref_squeeze %parallel_loop3A_342 : memref<1x1x32xf32, #tpu.memory_space<vmem>> -> memref<32xf32, #tpu.memory_space<vmem>>
        %parallel_loop3A_344 = arith.constant 0 : i32
        %parallel_loop3A_345 = tpu.memref_slice %arg3[%parallel_loop3A_298, %parallel_loop3A_300, %parallel_loop3A_344] : memref<325000x8x32xf32, #tpu.memory_space<hbm>> -> memref<1x1x32xf32, #tpu.memory_space<hbm>>
        %parallel_loop3A_346 = tpu.memref_squeeze %parallel_loop3A_345 : memref<1x1x32xf32, #tpu.memory_space<hbm>> -> memref<32xf32, #tpu.memory_space<hbm>>
        %parallel_loop3A_347 = arith.constant 0 : i32
        %parallel_loop3A_348 = tpu.memref_slice %arg9[%parallel_loop3A_324, %parallel_loop3A_340, %parallel_loop3A_347] : memref<8x26x32xf32, #tpu.memory_space<vmem>> -> memref<1x1x32xf32, #tpu.memory_space<vmem>>
        %parallel_loop3A_349 = tpu.memref_squeeze %parallel_loop3A_348 : memref<1x1x32xf32, #tpu.memory_space<vmem>> -> memref<32xf32, #tpu.memory_space<vmem>>
        %parallel_loop3A_350 = arith.constant 0 : i32
        %parallel_loop3A_351 = tpu.memref_slice %arg3[%parallel_loop3A_298, %parallel_loop3A_300, %parallel_loop3A_350] : memref<325000x8x32xf32, #tpu.memory_space<hbm>> -> memref<1x1x32xf32, #tpu.memory_space<hbm>>
        %parallel_loop3A_352 = tpu.memref_squeeze %parallel_loop3A_351 : memref<1x1x32xf32, #tpu.memory_space<hbm>> -> memref<32xf32, #tpu.memory_space<hbm>>
        tpu.enqueue_dma source(%parallel_loop3A_352 : memref<32xf32, #tpu.memory_space<hbm>>) target(%parallel_loop3A_349 : memref<32xf32, #tpu.memory_space<vmem>>) target_semaphore(%arg11 : memref<!tpu.dma_semaphore, #tpu.memory_space<semaphore_mem>>)
        %parallel_loop3A_353 = vector.extract_strided_slice %parallel_loop3A_50 {offsets = [5], sizes = [1], strides = [1]} : vector<16xi32> to vector<1xi32>
        %parallel_loop3A_354 = vector.extract %parallel_loop3A_353[0] : i32 from vector<1xi32>
        %parallel_loop3A_355 = arith.constant 5 : i32
        %parallel_loop3A_356 = arith.addi %parallel_loop3A_52, %parallel_loop3A_355 : i32
        %parallel_loop3A_357 = arith.constant 3 : i32
        %parallel_loop3A_358 = arith.shrsi %parallel_loop3A_354, %parallel_loop3A_357 : i32
        %parallel_loop3A_359 = arith.constant 7 : i32
        %parallel_loop3A_360 = arith.andi %parallel_loop3A_354, %parallel_loop3A_359 : i32
        %parallel_loop3A_361 = arith.constant 26 : i32
        %parallel_loop3A_362 = arith.divsi %parallel_loop3A_356, %parallel_loop3A_361 : i32
        %parallel_loop3A_363 = arith.constant 0 : i32
        %parallel_loop3A_364 = arith.cmpi sgt, %parallel_loop3A_356, %parallel_loop3A_363 : i32
        %parallel_loop3A_365 = arith.extui %parallel_loop3A_364 : i1 to i32
        %parallel_loop3A_366 = arith.constant 0 : i32
        %parallel_loop3A_367 = arith.cmpi slt, %parallel_loop3A_356, %parallel_loop3A_366 : i32
        %parallel_loop3A_368 = arith.extui %parallel_loop3A_367 : i1 to i32
        %parallel_loop3A_369 = arith.subi %parallel_loop3A_365, %parallel_loop3A_368 : i32
        %parallel_loop3A_370 = arith.constant 0 : i32
        %parallel_loop3A_371 = arith.cmpi sgt, %parallel_loop3A_361, %parallel_loop3A_370 : i32
        %parallel_loop3A_372 = arith.extui %parallel_loop3A_371 : i1 to i32
        %parallel_loop3A_373 = arith.constant 0 : i32
        %parallel_loop3A_374 = arith.cmpi slt, %parallel_loop3A_361, %parallel_loop3A_373 : i32
        %parallel_loop3A_375 = arith.extui %parallel_loop3A_374 : i1 to i32
        %parallel_loop3A_376 = arith.subi %parallel_loop3A_372, %parallel_loop3A_375 : i32
        %parallel_loop3A_377 = arith.cmpi ne, %parallel_loop3A_369, %parallel_loop3A_376 : i32
        %parallel_loop3A_378 = arith.remsi %parallel_loop3A_356, %parallel_loop3A_361 : i32
        %parallel_loop3A_379 = arith.constant 0 : i32
        %parallel_loop3A_380 = arith.cmpi ne, %parallel_loop3A_378, %parallel_loop3A_379 : i32
        %parallel_loop3A_381 = arith.andi %parallel_loop3A_377, %parallel_loop3A_380 : i1
        %parallel_loop3A_382 = arith.constant 1 : i32
        %parallel_loop3A_383 = arith.subi %parallel_loop3A_362, %parallel_loop3A_382 : i32
        %parallel_loop3A_384 = arith.select %parallel_loop3A_381, %parallel_loop3A_383, %parallel_loop3A_362 : i32
        %parallel_loop3A_385 = arith.constant 26 : i32
        %parallel_loop3A_386 = arith.constant 0 : i32
        %parallel_loop3A_387 = arith.cmpi eq, %parallel_loop3A_385, %parallel_loop3A_386 : i32
        %parallel_loop3A_388 = arith.constant 1 : i32
        %parallel_loop3A_389 = arith.select %parallel_loop3A_387, %parallel_loop3A_388, %parallel_loop3A_385 : i32
        %parallel_loop3A_390 = arith.remsi %parallel_loop3A_356, %parallel_loop3A_389 : i32
        %parallel_loop3A_391 = arith.constant 0 : i32
        %parallel_loop3A_392 = arith.cmpi ne, %parallel_loop3A_390, %parallel_loop3A_391 : i32
        %parallel_loop3A_393 = arith.constant 0 : i32
        %parallel_loop3A_394 = arith.cmpi slt, %parallel_loop3A_390, %parallel_loop3A_393 : i32
        %parallel_loop3A_395 = arith.constant 0 : i32
        %parallel_loop3A_396 = arith.cmpi slt, %parallel_loop3A_389, %parallel_loop3A_395 : i32
        %parallel_loop3A_397 = arith.xori %parallel_loop3A_394, %parallel_loop3A_396 : i1
        %parallel_loop3A_398 = arith.andi %parallel_loop3A_397, %parallel_loop3A_392 : i1
        %parallel_loop3A_399 = arith.addi %parallel_loop3A_390, %parallel_loop3A_389 : i32
        %parallel_loop3A_400 = arith.select %parallel_loop3A_398, %parallel_loop3A_399, %parallel_loop3A_390 : i32
        %parallel_loop3A_401 = arith.constant 0 : i32
        %parallel_loop3A_402 = tpu.memref_slice %arg9[%parallel_loop3A_384, %parallel_loop3A_400, %parallel_loop3A_401] : memref<8x26x32xf32, #tpu.memory_space<vmem>> -> memref<1x1x32xf32, #tpu.memory_space<vmem>>
        %parallel_loop3A_403 = tpu.memref_squeeze %parallel_loop3A_402 : memref<1x1x32xf32, #tpu.memory_space<vmem>> -> memref<32xf32, #tpu.memory_space<vmem>>
        %parallel_loop3A_404 = arith.constant 0 : i32
        %parallel_loop3A_405 = tpu.memref_slice %arg3[%parallel_loop3A_358, %parallel_loop3A_360, %parallel_loop3A_404] : memref<325000x8x32xf32, #tpu.memory_space<hbm>> -> memref<1x1x32xf32, #tpu.memory_space<hbm>>
        %parallel_loop3A_406 = tpu.memref_squeeze %parallel_loop3A_405 : memref<1x1x32xf32, #tpu.memory_space<hbm>> -> memref<32xf32, #tpu.memory_space<hbm>>
        %parallel_loop3A_407 = arith.constant 0 : i32
        %parallel_loop3A_408 = tpu.memref_slice %arg9[%parallel_loop3A_384, %parallel_loop3A_400, %parallel_loop3A_407] : memref<8x26x32xf32, #tpu.memory_space<vmem>> -> memref<1x1x32xf32, #tpu.memory_space<vmem>>
        %parallel_loop3A_409 = tpu.memref_squeeze %parallel_loop3A_408 : memref<1x1x32xf32, #tpu.memory_space<vmem>> -> memref<32xf32, #tpu.memory_space<vmem>>
        %parallel_loop3A_410 = arith.constant 0 : i32
        %parallel_loop3A_411 = tpu.memref_slice %arg3[%parallel_loop3A_358, %parallel_loop3A_360, %parallel_loop3A_410] : memref<325000x8x32xf32, #tpu.memory_space<hbm>> -> memref<1x1x32xf32, #tpu.memory_space<hbm>>
        %parallel_loop3A_412 = tpu.memref_squeeze %parallel_loop3A_411 : memref<1x1x32xf32, #tpu.memory_space<hbm>> -> memref<32xf32, #tpu.memory_space<hbm>>
        tpu.enqueue_dma source(%parallel_loop3A_412 : memref<32xf32, #tpu.memory_space<hbm>>) target(%parallel_loop3A_409 : memref<32xf32, #tpu.memory_space<vmem>>) target_semaphore(%arg11 : memref<!tpu.dma_semaphore, #tpu.memory_space<semaphore_mem>>)
        %parallel_loop3A_413 = vector.extract_strided_slice %parallel_loop3A_50 {offsets = [6], sizes = [1], strides = [1]} : vector<16xi32> to vector<1xi32>
        %parallel_loop3A_414 = vector.extract %parallel_loop3A_413[0] : i32 from vector<1xi32>
        %parallel_loop3A_415 = arith.constant 6 : i32
        %parallel_loop3A_416 = arith.addi %parallel_loop3A_52, %parallel_loop3A_415 : i32
        %parallel_loop3A_417 = arith.constant 3 : i32
        %parallel_loop3A_418 = arith.shrsi %parallel_loop3A_414, %parallel_loop3A_417 : i32
        %parallel_loop3A_419 = arith.constant 7 : i32
        %parallel_loop3A_420 = arith.andi %parallel_loop3A_414, %parallel_loop3A_419 : i32
        %parallel_loop3A_421 = arith.constant 26 : i32
        %parallel_loop3A_422 = arith.divsi %parallel_loop3A_416, %parallel_loop3A_421 : i32
        %parallel_loop3A_423 = arith.constant 0 : i32
        %parallel_loop3A_424 = arith.cmpi sgt, %parallel_loop3A_416, %parallel_loop3A_423 : i32
        %parallel_loop3A_425 = arith.extui %parallel_loop3A_424 : i1 to i32
        %parallel_loop3A_426 = arith.constant 0 : i32
        %parallel_loop3A_427 = arith.cmpi slt, %parallel_loop3A_416, %parallel_loop3A_426 : i32
        %parallel_loop3A_428 = arith.extui %parallel_loop3A_427 : i1 to i32
        %parallel_loop3A_429 = arith.subi %parallel_loop3A_425, %parallel_loop3A_428 : i32
        %parallel_loop3A_430 = arith.constant 0 : i32
        %parallel_loop3A_431 = arith.cmpi sgt, %parallel_loop3A_421, %parallel_loop3A_430 : i32
        %parallel_loop3A_432 = arith.extui %parallel_loop3A_431 : i1 to i32
        %parallel_loop3A_433 = arith.constant 0 : i32
        %parallel_loop3A_434 = arith.cmpi slt, %parallel_loop3A_421, %parallel_loop3A_433 : i32
        %parallel_loop3A_435 = arith.extui %parallel_loop3A_434 : i1 to i32
        %parallel_loop3A_436 = arith.subi %parallel_loop3A_432, %parallel_loop3A_435 : i32
        %parallel_loop3A_437 = arith.cmpi ne, %parallel_loop3A_429, %parallel_loop3A_436 : i32
        %parallel_loop3A_438 = arith.remsi %parallel_loop3A_416, %parallel_loop3A_421 : i32
        %parallel_loop3A_439 = arith.constant 0 : i32
        %parallel_loop3A_440 = arith.cmpi ne, %parallel_loop3A_438, %parallel_loop3A_439 : i32
        %parallel_loop3A_441 = arith.andi %parallel_loop3A_437, %parallel_loop3A_440 : i1
        %parallel_loop3A_442 = arith.constant 1 : i32
        %parallel_loop3A_443 = arith.subi %parallel_loop3A_422, %parallel_loop3A_442 : i32
        %parallel_loop3A_444 = arith.select %parallel_loop3A_441, %parallel_loop3A_443, %parallel_loop3A_422 : i32
        %parallel_loop3A_445 = arith.constant 26 : i32
        %parallel_loop3A_446 = arith.constant 0 : i32
        %parallel_loop3A_447 = arith.cmpi eq, %parallel_loop3A_445, %parallel_loop3A_446 : i32
        %parallel_loop3A_448 = arith.constant 1 : i32
        %parallel_loop3A_449 = arith.select %parallel_loop3A_447, %parallel_loop3A_448, %parallel_loop3A_445 : i32
        %parallel_loop3A_450 = arith.remsi %parallel_loop3A_416, %parallel_loop3A_449 : i32
        %parallel_loop3A_451 = arith.constant 0 : i32
        %parallel_loop3A_452 = arith.cmpi ne, %parallel_loop3A_450, %parallel_loop3A_451 : i32
        %parallel_loop3A_453 = arith.constant 0 : i32
        %parallel_loop3A_454 = arith.cmpi slt, %parallel_loop3A_450, %parallel_loop3A_453 : i32
        %parallel_loop3A_455 = arith.constant 0 : i32
        %parallel_loop3A_456 = arith.cmpi slt, %parallel_loop3A_449, %parallel_loop3A_455 : i32
        %parallel_loop3A_457 = arith.xori %parallel_loop3A_454, %parallel_loop3A_456 : i1
        %parallel_loop3A_458 = arith.andi %parallel_loop3A_457, %parallel_loop3A_452 : i1
        %parallel_loop3A_459 = arith.addi %parallel_loop3A_450, %parallel_loop3A_449 : i32
        %parallel_loop3A_460 = arith.select %parallel_loop3A_458, %parallel_loop3A_459, %parallel_loop3A_450 : i32
        %parallel_loop3A_461 = arith.constant 0 : i32
        %parallel_loop3A_462 = tpu.memref_slice %arg9[%parallel_loop3A_444, %parallel_loop3A_460, %parallel_loop3A_461] : memref<8x26x32xf32, #tpu.memory_space<vmem>> -> memref<1x1x32xf32, #tpu.memory_space<vmem>>
        %parallel_loop3A_463 = tpu.memref_squeeze %parallel_loop3A_462 : memref<1x1x32xf32, #tpu.memory_space<vmem>> -> memref<32xf32, #tpu.memory_space<vmem>>
        %parallel_loop3A_464 = arith.constant 0 : i32
        %parallel_loop3A_465 = tpu.memref_slice %arg3[%parallel_loop3A_418, %parallel_loop3A_420, %parallel_loop3A_464] : memref<325000x8x32xf32, #tpu.memory_space<hbm>> -> memref<1x1x32xf32, #tpu.memory_space<hbm>>
        %parallel_loop3A_466 = tpu.memref_squeeze %parallel_loop3A_465 : memref<1x1x32xf32, #tpu.memory_space<hbm>> -> memref<32xf32, #tpu.memory_space<hbm>>
        %parallel_loop3A_467 = arith.constant 0 : i32
        %parallel_loop3A_468 = tpu.memref_slice %arg9[%parallel_loop3A_444, %parallel_loop3A_460, %parallel_loop3A_467] : memref<8x26x32xf32, #tpu.memory_space<vmem>> -> memref<1x1x32xf32, #tpu.memory_space<vmem>>
        %parallel_loop3A_469 = tpu.memref_squeeze %parallel_loop3A_468 : memref<1x1x32xf32, #tpu.memory_space<vmem>> -> memref<32xf32, #tpu.memory_space<vmem>>
        %parallel_loop3A_470 = arith.constant 0 : i32
        %parallel_loop3A_471 = tpu.memref_slice %arg3[%parallel_loop3A_418, %parallel_loop3A_420, %parallel_loop3A_470] : memref<325000x8x32xf32, #tpu.memory_space<hbm>> -> memref<1x1x32xf32, #tpu.memory_space<hbm>>
        %parallel_loop3A_472 = tpu.memref_squeeze %parallel_loop3A_471 : memref<1x1x32xf32, #tpu.memory_space<hbm>> -> memref<32xf32, #tpu.memory_space<hbm>>
        tpu.enqueue_dma source(%parallel_loop3A_472 : memref<32xf32, #tpu.memory_space<hbm>>) target(%parallel_loop3A_469 : memref<32xf32, #tpu.memory_space<vmem>>) target_semaphore(%arg11 : memref<!tpu.dma_semaphore, #tpu.memory_space<semaphore_mem>>)
        %parallel_loop3A_473 = vector.extract_strided_slice %parallel_loop3A_50 {offsets = [7], sizes = [1], strides = [1]} : vector<16xi32> to vector<1xi32>
        %parallel_loop3A_474 = vector.extract %parallel_loop3A_473[0] : i32 from vector<1xi32>
        %parallel_loop3A_475 = arith.constant 7 : i32
        %parallel_loop3A_476 = arith.addi %parallel_loop3A_52, %parallel_loop3A_475 : i32
        %parallel_loop3A_477 = arith.constant 3 : i32
        %parallel_loop3A_478 = arith.shrsi %parallel_loop3A_474, %parallel_loop3A_477 : i32
        %parallel_loop3A_479 = arith.constant 7 : i32
        %parallel_loop3A_480 = arith.andi %parallel_loop3A_474, %parallel_loop3A_479 : i32
        %parallel_loop3A_481 = arith.constant 26 : i32
        %parallel_loop3A_482 = arith.divsi %parallel_loop3A_476, %parallel_loop3A_481 : i32
        %parallel_loop3A_483 = arith.constant 0 : i32
        %parallel_loop3A_484 = arith.cmpi sgt, %parallel_loop3A_476, %parallel_loop3A_483 : i32
        %parallel_loop3A_485 = arith.extui %parallel_loop3A_484 : i1 to i32
        %parallel_loop3A_486 = arith.constant 0 : i32
        %parallel_loop3A_487 = arith.cmpi slt, %parallel_loop3A_476, %parallel_loop3A_486 : i32
        %parallel_loop3A_488 = arith.extui %parallel_loop3A_487 : i1 to i32
        %parallel_loop3A_489 = arith.subi %parallel_loop3A_485, %parallel_loop3A_488 : i32
        %parallel_loop3A_490 = arith.constant 0 : i32
        %parallel_loop3A_491 = arith.cmpi sgt, %parallel_loop3A_481, %parallel_loop3A_490 : i32
        %parallel_loop3A_492 = arith.extui %parallel_loop3A_491 : i1 to i32
        %parallel_loop3A_493 = arith.constant 0 : i32
        %parallel_loop3A_494 = arith.cmpi slt, %parallel_loop3A_481, %parallel_loop3A_493 : i32
        %parallel_loop3A_495 = arith.extui %parallel_loop3A_494 : i1 to i32
        %parallel_loop3A_496 = arith.subi %parallel_loop3A_492, %parallel_loop3A_495 : i32
        %parallel_loop3A_497 = arith.cmpi ne, %parallel_loop3A_489, %parallel_loop3A_496 : i32
        %parallel_loop3A_498 = arith.remsi %parallel_loop3A_476, %parallel_loop3A_481 : i32
        %parallel_loop3A_499 = arith.constant 0 : i32
        %parallel_loop3A_500 = arith.cmpi ne, %parallel_loop3A_498, %parallel_loop3A_499 : i32
        %parallel_loop3A_501 = arith.andi %parallel_loop3A_497, %parallel_loop3A_500 : i1
        %parallel_loop3A_502 = arith.constant 1 : i32
        %parallel_loop3A_503 = arith.subi %parallel_loop3A_482, %parallel_loop3A_502 : i32
        %parallel_loop3A_504 = arith.select %parallel_loop3A_501, %parallel_loop3A_503, %parallel_loop3A_482 : i32
        %parallel_loop3A_505 = arith.constant 26 : i32
        %parallel_loop3A_506 = arith.constant 0 : i32
        %parallel_loop3A_507 = arith.cmpi eq, %parallel_loop3A_505, %parallel_loop3A_506 : i32
        %parallel_loop3A_508 = arith.constant 1 : i32
        %parallel_loop3A_509 = arith.select %parallel_loop3A_507, %parallel_loop3A_508, %parallel_loop3A_505 : i32
        %parallel_loop3A_510 = arith.remsi %parallel_loop3A_476, %parallel_loop3A_509 : i32
        %parallel_loop3A_511 = arith.constant 0 : i32
        %parallel_loop3A_512 = arith.cmpi ne, %parallel_loop3A_510, %parallel_loop3A_511 : i32
        %parallel_loop3A_513 = arith.constant 0 : i32
        %parallel_loop3A_514 = arith.cmpi slt, %parallel_loop3A_510, %parallel_loop3A_513 : i32
        %parallel_loop3A_515 = arith.constant 0 : i32
        %parallel_loop3A_516 = arith.cmpi slt, %parallel_loop3A_509, %parallel_loop3A_515 : i32
        %parallel_loop3A_517 = arith.xori %parallel_loop3A_514, %parallel_loop3A_516 : i1
        %parallel_loop3A_518 = arith.andi %parallel_loop3A_517, %parallel_loop3A_512 : i1
        %parallel_loop3A_519 = arith.addi %parallel_loop3A_510, %parallel_loop3A_509 : i32
        %parallel_loop3A_520 = arith.select %parallel_loop3A_518, %parallel_loop3A_519, %parallel_loop3A_510 : i32
        %parallel_loop3A_521 = arith.constant 0 : i32
        %parallel_loop3A_522 = tpu.memref_slice %arg9[%parallel_loop3A_504, %parallel_loop3A_520, %parallel_loop3A_521] : memref<8x26x32xf32, #tpu.memory_space<vmem>> -> memref<1x1x32xf32, #tpu.memory_space<vmem>>
        %parallel_loop3A_523 = tpu.memref_squeeze %parallel_loop3A_522 : memref<1x1x32xf32, #tpu.memory_space<vmem>> -> memref<32xf32, #tpu.memory_space<vmem>>
        %parallel_loop3A_524 = arith.constant 0 : i32
        %parallel_loop3A_525 = tpu.memref_slice %arg3[%parallel_loop3A_478, %parallel_loop3A_480, %parallel_loop3A_524] : memref<325000x8x32xf32, #tpu.memory_space<hbm>> -> memref<1x1x32xf32, #tpu.memory_space<hbm>>
        %parallel_loop3A_526 = tpu.memref_squeeze %parallel_loop3A_525 : memref<1x1x32xf32, #tpu.memory_space<hbm>> -> memref<32xf32, #tpu.memory_space<hbm>>
        %parallel_loop3A_527 = arith.constant 0 : i32
        %parallel_loop3A_528 = tpu.memref_slice %arg9[%parallel_loop3A_504, %parallel_loop3A_520, %parallel_loop3A_527] : memref<8x26x32xf32, #tpu.memory_space<vmem>> -> memref<1x1x32xf32, #tpu.memory_space<vmem>>
        %parallel_loop3A_529 = tpu.memref_squeeze %parallel_loop3A_528 : memref<1x1x32xf32, #tpu.memory_space<vmem>> -> memref<32xf32, #tpu.memory_space<vmem>>
        %parallel_loop3A_530 = arith.constant 0 : i32
        %parallel_loop3A_531 = tpu.memref_slice %arg3[%parallel_loop3A_478, %parallel_loop3A_480, %parallel_loop3A_530] : memref<325000x8x32xf32, #tpu.memory_space<hbm>> -> memref<1x1x32xf32, #tpu.memory_space<hbm>>
        %parallel_loop3A_532 = tpu.memref_squeeze %parallel_loop3A_531 : memref<1x1x32xf32, #tpu.memory_space<hbm>> -> memref<32xf32, #tpu.memory_space<hbm>>
        tpu.enqueue_dma source(%parallel_loop3A_532 : memref<32xf32, #tpu.memory_space<hbm>>) target(%parallel_loop3A_529 : memref<32xf32, #tpu.memory_space<vmem>>) target_semaphore(%arg11 : memref<!tpu.dma_semaphore, #tpu.memory_space<semaphore_mem>>)
        %parallel_loop3A_533 = vector.extract_strided_slice %parallel_loop3A_50 {offsets = [8], sizes = [1], strides = [1]} : vector<16xi32> to vector<1xi32>
        %parallel_loop3A_534 = vector.extract %parallel_loop3A_533[0] : i32 from vector<1xi32>
        %parallel_loop3A_535 = arith.constant 8 : i32
        %parallel_loop3A_536 = arith.addi %parallel_loop3A_52, %parallel_loop3A_535 : i32
        %parallel_loop3A_537 = arith.constant 3 : i32
        %parallel_loop3A_538 = arith.shrsi %parallel_loop3A_534, %parallel_loop3A_537 : i32
        %parallel_loop3A_539 = arith.constant 7 : i32
        %parallel_loop3A_540 = arith.andi %parallel_loop3A_534, %parallel_loop3A_539 : i32
        %parallel_loop3A_541 = arith.constant 26 : i32
        %parallel_loop3A_542 = arith.divsi %parallel_loop3A_536, %parallel_loop3A_541 : i32
        %parallel_loop3A_543 = arith.constant 0 : i32
        %parallel_loop3A_544 = arith.cmpi sgt, %parallel_loop3A_536, %parallel_loop3A_543 : i32
        %parallel_loop3A_545 = arith.extui %parallel_loop3A_544 : i1 to i32
        %parallel_loop3A_546 = arith.constant 0 : i32
        %parallel_loop3A_547 = arith.cmpi slt, %parallel_loop3A_536, %parallel_loop3A_546 : i32
        %parallel_loop3A_548 = arith.extui %parallel_loop3A_547 : i1 to i32
        %parallel_loop3A_549 = arith.subi %parallel_loop3A_545, %parallel_loop3A_548 : i32
        %parallel_loop3A_550 = arith.constant 0 : i32
        %parallel_loop3A_551 = arith.cmpi sgt, %parallel_loop3A_541, %parallel_loop3A_550 : i32
        %parallel_loop3A_552 = arith.extui %parallel_loop3A_551 : i1 to i32
        %parallel_loop3A_553 = arith.constant 0 : i32
        %parallel_loop3A_554 = arith.cmpi slt, %parallel_loop3A_541, %parallel_loop3A_553 : i32
        %parallel_loop3A_555 = arith.extui %parallel_loop3A_554 : i1 to i32
        %parallel_loop3A_556 = arith.subi %parallel_loop3A_552, %parallel_loop3A_555 : i32
        %parallel_loop3A_557 = arith.cmpi ne, %parallel_loop3A_549, %parallel_loop3A_556 : i32
        %parallel_loop3A_558 = arith.remsi %parallel_loop3A_536, %parallel_loop3A_541 : i32
        %parallel_loop3A_559 = arith.constant 0 : i32
        %parallel_loop3A_560 = arith.cmpi ne, %parallel_loop3A_558, %parallel_loop3A_559 : i32
        %parallel_loop3A_561 = arith.andi %parallel_loop3A_557, %parallel_loop3A_560 : i1
        %parallel_loop3A_562 = arith.constant 1 : i32
        %parallel_loop3A_563 = arith.subi %parallel_loop3A_542, %parallel_loop3A_562 : i32
        %parallel_loop3A_564 = arith.select %parallel_loop3A_561, %parallel_loop3A_563, %parallel_loop3A_542 : i32
        %parallel_loop3A_565 = arith.constant 26 : i32
        %parallel_loop3A_566 = arith.constant 0 : i32
        %parallel_loop3A_567 = arith.cmpi eq, %parallel_loop3A_565, %parallel_loop3A_566 : i32
        %parallel_loop3A_568 = arith.constant 1 : i32
        %parallel_loop3A_569 = arith.select %parallel_loop3A_567, %parallel_loop3A_568, %parallel_loop3A_565 : i32
        %parallel_loop3A_570 = arith.remsi %parallel_loop3A_536, %parallel_loop3A_569 : i32
        %parallel_loop3A_571 = arith.constant 0 : i32
        %parallel_loop3A_572 = arith.cmpi ne, %parallel_loop3A_570, %parallel_loop3A_571 : i32
        %parallel_loop3A_573 = arith.constant 0 : i32
        %parallel_loop3A_574 = arith.cmpi slt, %parallel_loop3A_570, %parallel_loop3A_573 : i32
        %parallel_loop3A_575 = arith.constant 0 : i32
        %parallel_loop3A_576 = arith.cmpi slt, %parallel_loop3A_569, %parallel_loop3A_575 : i32
        %parallel_loop3A_577 = arith.xori %parallel_loop3A_574, %parallel_loop3A_576 : i1
        %parallel_loop3A_578 = arith.andi %parallel_loop3A_577, %parallel_loop3A_572 : i1
        %parallel_loop3A_579 = arith.addi %parallel_loop3A_570, %parallel_loop3A_569 : i32
        %parallel_loop3A_580 = arith.select %parallel_loop3A_578, %parallel_loop3A_579, %parallel_loop3A_570 : i32
        %parallel_loop3A_581 = arith.constant 0 : i32
        %parallel_loop3A_582 = tpu.memref_slice %arg9[%parallel_loop3A_564, %parallel_loop3A_580, %parallel_loop3A_581] : memref<8x26x32xf32, #tpu.memory_space<vmem>> -> memref<1x1x32xf32, #tpu.memory_space<vmem>>
        %parallel_loop3A_583 = tpu.memref_squeeze %parallel_loop3A_582 : memref<1x1x32xf32, #tpu.memory_space<vmem>> -> memref<32xf32, #tpu.memory_space<vmem>>
        %parallel_loop3A_584 = arith.constant 0 : i32
        %parallel_loop3A_585 = tpu.memref_slice %arg3[%parallel_loop3A_538, %parallel_loop3A_540, %parallel_loop3A_584] : memref<325000x8x32xf32, #tpu.memory_space<hbm>> -> memref<1x1x32xf32, #tpu.memory_space<hbm>>
        %parallel_loop3A_586 = tpu.memref_squeeze %parallel_loop3A_585 : memref<1x1x32xf32, #tpu.memory_space<hbm>> -> memref<32xf32, #tpu.memory_space<hbm>>
        %parallel_loop3A_587 = arith.constant 0 : i32
        %parallel_loop3A_588 = tpu.memref_slice %arg9[%parallel_loop3A_564, %parallel_loop3A_580, %parallel_loop3A_587] : memref<8x26x32xf32, #tpu.memory_space<vmem>> -> memref<1x1x32xf32, #tpu.memory_space<vmem>>
        %parallel_loop3A_589 = tpu.memref_squeeze %parallel_loop3A_588 : memref<1x1x32xf32, #tpu.memory_space<vmem>> -> memref<32xf32, #tpu.memory_space<vmem>>
        %parallel_loop3A_590 = arith.constant 0 : i32
        %parallel_loop3A_591 = tpu.memref_slice %arg3[%parallel_loop3A_538, %parallel_loop3A_540, %parallel_loop3A_590] : memref<325000x8x32xf32, #tpu.memory_space<hbm>> -> memref<1x1x32xf32, #tpu.memory_space<hbm>>
        %parallel_loop3A_592 = tpu.memref_squeeze %parallel_loop3A_591 : memref<1x1x32xf32, #tpu.memory_space<hbm>> -> memref<32xf32, #tpu.memory_space<hbm>>
        tpu.enqueue_dma source(%parallel_loop3A_592 : memref<32xf32, #tpu.memory_space<hbm>>) target(%parallel_loop3A_589 : memref<32xf32, #tpu.memory_space<vmem>>) target_semaphore(%arg11 : memref<!tpu.dma_semaphore, #tpu.memory_space<semaphore_mem>>)
        %parallel_loop3A_593 = vector.extract_strided_slice %parallel_loop3A_50 {offsets = [9], sizes = [1], strides = [1]} : vector<16xi32> to vector<1xi32>
        %parallel_loop3A_594 = vector.extract %parallel_loop3A_593[0] : i32 from vector<1xi32>
        %parallel_loop3A_595 = arith.constant 9 : i32
        %parallel_loop3A_596 = arith.addi %parallel_loop3A_52, %parallel_loop3A_595 : i32
        %parallel_loop3A_597 = arith.constant 3 : i32
        %parallel_loop3A_598 = arith.shrsi %parallel_loop3A_594, %parallel_loop3A_597 : i32
        %parallel_loop3A_599 = arith.constant 7 : i32
        %parallel_loop3A_600 = arith.andi %parallel_loop3A_594, %parallel_loop3A_599 : i32
        %parallel_loop3A_601 = arith.constant 26 : i32
        %parallel_loop3A_602 = arith.divsi %parallel_loop3A_596, %parallel_loop3A_601 : i32
        %parallel_loop3A_603 = arith.constant 0 : i32
        %parallel_loop3A_604 = arith.cmpi sgt, %parallel_loop3A_596, %parallel_loop3A_603 : i32
        %parallel_loop3A_605 = arith.extui %parallel_loop3A_604 : i1 to i32
        %parallel_loop3A_606 = arith.constant 0 : i32
        %parallel_loop3A_607 = arith.cmpi slt, %parallel_loop3A_596, %parallel_loop3A_606 : i32
        %parallel_loop3A_608 = arith.extui %parallel_loop3A_607 : i1 to i32
        %parallel_loop3A_609 = arith.subi %parallel_loop3A_605, %parallel_loop3A_608 : i32
        %parallel_loop3A_610 = arith.constant 0 : i32
        %parallel_loop3A_611 = arith.cmpi sgt, %parallel_loop3A_601, %parallel_loop3A_610 : i32
        %parallel_loop3A_612 = arith.extui %parallel_loop3A_611 : i1 to i32
        %parallel_loop3A_613 = arith.constant 0 : i32
        %parallel_loop3A_614 = arith.cmpi slt, %parallel_loop3A_601, %parallel_loop3A_613 : i32
        %parallel_loop3A_615 = arith.extui %parallel_loop3A_614 : i1 to i32
        %parallel_loop3A_616 = arith.subi %parallel_loop3A_612, %parallel_loop3A_615 : i32
        %parallel_loop3A_617 = arith.cmpi ne, %parallel_loop3A_609, %parallel_loop3A_616 : i32
        %parallel_loop3A_618 = arith.remsi %parallel_loop3A_596, %parallel_loop3A_601 : i32
        %parallel_loop3A_619 = arith.constant 0 : i32
        %parallel_loop3A_620 = arith.cmpi ne, %parallel_loop3A_618, %parallel_loop3A_619 : i32
        %parallel_loop3A_621 = arith.andi %parallel_loop3A_617, %parallel_loop3A_620 : i1
        %parallel_loop3A_622 = arith.constant 1 : i32
        %parallel_loop3A_623 = arith.subi %parallel_loop3A_602, %parallel_loop3A_622 : i32
        %parallel_loop3A_624 = arith.select %parallel_loop3A_621, %parallel_loop3A_623, %parallel_loop3A_602 : i32
        %parallel_loop3A_625 = arith.constant 26 : i32
        %parallel_loop3A_626 = arith.constant 0 : i32
        %parallel_loop3A_627 = arith.cmpi eq, %parallel_loop3A_625, %parallel_loop3A_626 : i32
        %parallel_loop3A_628 = arith.constant 1 : i32
        %parallel_loop3A_629 = arith.select %parallel_loop3A_627, %parallel_loop3A_628, %parallel_loop3A_625 : i32
        %parallel_loop3A_630 = arith.remsi %parallel_loop3A_596, %parallel_loop3A_629 : i32
        %parallel_loop3A_631 = arith.constant 0 : i32
        %parallel_loop3A_632 = arith.cmpi ne, %parallel_loop3A_630, %parallel_loop3A_631 : i32
        %parallel_loop3A_633 = arith.constant 0 : i32
        %parallel_loop3A_634 = arith.cmpi slt, %parallel_loop3A_630, %parallel_loop3A_633 : i32
        %parallel_loop3A_635 = arith.constant 0 : i32
        %parallel_loop3A_636 = arith.cmpi slt, %parallel_loop3A_629, %parallel_loop3A_635 : i32
        %parallel_loop3A_637 = arith.xori %parallel_loop3A_634, %parallel_loop3A_636 : i1
        %parallel_loop3A_638 = arith.andi %parallel_loop3A_637, %parallel_loop3A_632 : i1
        %parallel_loop3A_639 = arith.addi %parallel_loop3A_630, %parallel_loop3A_629 : i32
        %parallel_loop3A_640 = arith.select %parallel_loop3A_638, %parallel_loop3A_639, %parallel_loop3A_630 : i32
        %parallel_loop3A_641 = arith.constant 0 : i32
        %parallel_loop3A_642 = tpu.memref_slice %arg9[%parallel_loop3A_624, %parallel_loop3A_640, %parallel_loop3A_641] : memref<8x26x32xf32, #tpu.memory_space<vmem>> -> memref<1x1x32xf32, #tpu.memory_space<vmem>>
        %parallel_loop3A_643 = tpu.memref_squeeze %parallel_loop3A_642 : memref<1x1x32xf32, #tpu.memory_space<vmem>> -> memref<32xf32, #tpu.memory_space<vmem>>
        %parallel_loop3A_644 = arith.constant 0 : i32
        %parallel_loop3A_645 = tpu.memref_slice %arg3[%parallel_loop3A_598, %parallel_loop3A_600, %parallel_loop3A_644] : memref<325000x8x32xf32, #tpu.memory_space<hbm>> -> memref<1x1x32xf32, #tpu.memory_space<hbm>>
        %parallel_loop3A_646 = tpu.memref_squeeze %parallel_loop3A_645 : memref<1x1x32xf32, #tpu.memory_space<hbm>> -> memref<32xf32, #tpu.memory_space<hbm>>
        %parallel_loop3A_647 = arith.constant 0 : i32
        %parallel_loop3A_648 = tpu.memref_slice %arg9[%parallel_loop3A_624, %parallel_loop3A_640, %parallel_loop3A_647] : memref<8x26x32xf32, #tpu.memory_space<vmem>> -> memref<1x1x32xf32, #tpu.memory_space<vmem>>
        %parallel_loop3A_649 = tpu.memref_squeeze %parallel_loop3A_648 : memref<1x1x32xf32, #tpu.memory_space<vmem>> -> memref<32xf32, #tpu.memory_space<vmem>>
        %parallel_loop3A_650 = arith.constant 0 : i32
        %parallel_loop3A_651 = tpu.memref_slice %arg3[%parallel_loop3A_598, %parallel_loop3A_600, %parallel_loop3A_650] : memref<325000x8x32xf32, #tpu.memory_space<hbm>> -> memref<1x1x32xf32, #tpu.memory_space<hbm>>
        %parallel_loop3A_652 = tpu.memref_squeeze %parallel_loop3A_651 : memref<1x1x32xf32, #tpu.memory_space<hbm>> -> memref<32xf32, #tpu.memory_space<hbm>>
        tpu.enqueue_dma source(%parallel_loop3A_652 : memref<32xf32, #tpu.memory_space<hbm>>) target(%parallel_loop3A_649 : memref<32xf32, #tpu.memory_space<vmem>>) target_semaphore(%arg11 : memref<!tpu.dma_semaphore, #tpu.memory_space<semaphore_mem>>)
        %parallel_loop3A_653 = vector.extract_strided_slice %parallel_loop3A_50 {offsets = [10], sizes = [1], strides = [1]} : vector<16xi32> to vector<1xi32>
        %parallel_loop3A_654 = vector.extract %parallel_loop3A_653[0] : i32 from vector<1xi32>
        %parallel_loop3A_655 = arith.constant 10 : i32
        %parallel_loop3A_656 = arith.addi %parallel_loop3A_52, %parallel_loop3A_655 : i32
        %parallel_loop3A_657 = arith.constant 3 : i32
        %parallel_loop3A_658 = arith.shrsi %parallel_loop3A_654, %parallel_loop3A_657 : i32
        %parallel_loop3A_659 = arith.constant 7 : i32
        %parallel_loop3A_660 = arith.andi %parallel_loop3A_654, %parallel_loop3A_659 : i32
        %parallel_loop3A_661 = arith.constant 26 : i32
        %parallel_loop3A_662 = arith.divsi %parallel_loop3A_656, %parallel_loop3A_661 : i32
        %parallel_loop3A_663 = arith.constant 0 : i32
        %parallel_loop3A_664 = arith.cmpi sgt, %parallel_loop3A_656, %parallel_loop3A_663 : i32
        %parallel_loop3A_665 = arith.extui %parallel_loop3A_664 : i1 to i32
        %parallel_loop3A_666 = arith.constant 0 : i32
        %parallel_loop3A_667 = arith.cmpi slt, %parallel_loop3A_656, %parallel_loop3A_666 : i32
        %parallel_loop3A_668 = arith.extui %parallel_loop3A_667 : i1 to i32
        %parallel_loop3A_669 = arith.subi %parallel_loop3A_665, %parallel_loop3A_668 : i32
        %parallel_loop3A_670 = arith.constant 0 : i32
        %parallel_loop3A_671 = arith.cmpi sgt, %parallel_loop3A_661, %parallel_loop3A_670 : i32
        %parallel_loop3A_672 = arith.extui %parallel_loop3A_671 : i1 to i32
        %parallel_loop3A_673 = arith.constant 0 : i32
        %parallel_loop3A_674 = arith.cmpi slt, %parallel_loop3A_661, %parallel_loop3A_673 : i32
        %parallel_loop3A_675 = arith.extui %parallel_loop3A_674 : i1 to i32
        %parallel_loop3A_676 = arith.subi %parallel_loop3A_672, %parallel_loop3A_675 : i32
        %parallel_loop3A_677 = arith.cmpi ne, %parallel_loop3A_669, %parallel_loop3A_676 : i32
        %parallel_loop3A_678 = arith.remsi %parallel_loop3A_656, %parallel_loop3A_661 : i32
        %parallel_loop3A_679 = arith.constant 0 : i32
        %parallel_loop3A_680 = arith.cmpi ne, %parallel_loop3A_678, %parallel_loop3A_679 : i32
        %parallel_loop3A_681 = arith.andi %parallel_loop3A_677, %parallel_loop3A_680 : i1
        %parallel_loop3A_682 = arith.constant 1 : i32
        %parallel_loop3A_683 = arith.subi %parallel_loop3A_662, %parallel_loop3A_682 : i32
        %parallel_loop3A_684 = arith.select %parallel_loop3A_681, %parallel_loop3A_683, %parallel_loop3A_662 : i32
        %parallel_loop3A_685 = arith.constant 26 : i32
        %parallel_loop3A_686 = arith.constant 0 : i32
        %parallel_loop3A_687 = arith.cmpi eq, %parallel_loop3A_685, %parallel_loop3A_686 : i32
        %parallel_loop3A_688 = arith.constant 1 : i32
        %parallel_loop3A_689 = arith.select %parallel_loop3A_687, %parallel_loop3A_688, %parallel_loop3A_685 : i32
        %parallel_loop3A_690 = arith.remsi %parallel_loop3A_656, %parallel_loop3A_689 : i32
        %parallel_loop3A_691 = arith.constant 0 : i32
        %parallel_loop3A_692 = arith.cmpi ne, %parallel_loop3A_690, %parallel_loop3A_691 : i32
        %parallel_loop3A_693 = arith.constant 0 : i32
        %parallel_loop3A_694 = arith.cmpi slt, %parallel_loop3A_690, %parallel_loop3A_693 : i32
        %parallel_loop3A_695 = arith.constant 0 : i32
        %parallel_loop3A_696 = arith.cmpi slt, %parallel_loop3A_689, %parallel_loop3A_695 : i32
        %parallel_loop3A_697 = arith.xori %parallel_loop3A_694, %parallel_loop3A_696 : i1
        %parallel_loop3A_698 = arith.andi %parallel_loop3A_697, %parallel_loop3A_692 : i1
        %parallel_loop3A_699 = arith.addi %parallel_loop3A_690, %parallel_loop3A_689 : i32
        %parallel_loop3A_700 = arith.select %parallel_loop3A_698, %parallel_loop3A_699, %parallel_loop3A_690 : i32
        %parallel_loop3A_701 = arith.constant 0 : i32
        %parallel_loop3A_702 = tpu.memref_slice %arg9[%parallel_loop3A_684, %parallel_loop3A_700, %parallel_loop3A_701] : memref<8x26x32xf32, #tpu.memory_space<vmem>> -> memref<1x1x32xf32, #tpu.memory_space<vmem>>
        %parallel_loop3A_703 = tpu.memref_squeeze %parallel_loop3A_702 : memref<1x1x32xf32, #tpu.memory_space<vmem>> -> memref<32xf32, #tpu.memory_space<vmem>>
        %parallel_loop3A_704 = arith.constant 0 : i32
        %parallel_loop3A_705 = tpu.memref_slice %arg3[%parallel_loop3A_658, %parallel_loop3A_660, %parallel_loop3A_704] : memref<325000x8x32xf32, #tpu.memory_space<hbm>> -> memref<1x1x32xf32, #tpu.memory_space<hbm>>
        %parallel_loop3A_706 = tpu.memref_squeeze %parallel_loop3A_705 : memref<1x1x32xf32, #tpu.memory_space<hbm>> -> memref<32xf32, #tpu.memory_space<hbm>>
        %parallel_loop3A_707 = arith.constant 0 : i32
        %parallel_loop3A_708 = tpu.memref_slice %arg9[%parallel_loop3A_684, %parallel_loop3A_700, %parallel_loop3A_707] : memref<8x26x32xf32, #tpu.memory_space<vmem>> -> memref<1x1x32xf32, #tpu.memory_space<vmem>>
        %parallel_loop3A_709 = tpu.memref_squeeze %parallel_loop3A_708 : memref<1x1x32xf32, #tpu.memory_space<vmem>> -> memref<32xf32, #tpu.memory_space<vmem>>
        %parallel_loop3A_710 = arith.constant 0 : i32
        %parallel_loop3A_711 = tpu.memref_slice %arg3[%parallel_loop3A_658, %parallel_loop3A_660, %parallel_loop3A_710] : memref<325000x8x32xf32, #tpu.memory_space<hbm>> -> memref<1x1x32xf32, #tpu.memory_space<hbm>>
        %parallel_loop3A_712 = tpu.memref_squeeze %parallel_loop3A_711 : memref<1x1x32xf32, #tpu.memory_space<hbm>> -> memref<32xf32, #tpu.memory_space<hbm>>
        tpu.enqueue_dma source(%parallel_loop3A_712 : memref<32xf32, #tpu.memory_space<hbm>>) target(%parallel_loop3A_709 : memref<32xf32, #tpu.memory_space<vmem>>) target_semaphore(%arg11 : memref<!tpu.dma_semaphore, #tpu.memory_space<semaphore_mem>>)
        %parallel_loop3A_713 = vector.extract_strided_slice %parallel_loop3A_50 {offsets = [11], sizes = [1], strides = [1]} : vector<16xi32> to vector<1xi32>
        %parallel_loop3A_714 = vector.extract %parallel_loop3A_713[0] : i32 from vector<1xi32>
        %parallel_loop3A_715 = arith.constant 11 : i32
        %parallel_loop3A_716 = arith.addi %parallel_loop3A_52, %parallel_loop3A_715 : i32
        %parallel_loop3A_717 = arith.constant 3 : i32
        %parallel_loop3A_718 = arith.shrsi %parallel_loop3A_714, %parallel_loop3A_717 : i32
        %parallel_loop3A_719 = arith.constant 7 : i32
        %parallel_loop3A_720 = arith.andi %parallel_loop3A_714, %parallel_loop3A_719 : i32
        %parallel_loop3A_721 = arith.constant 26 : i32
        %parallel_loop3A_722 = arith.divsi %parallel_loop3A_716, %parallel_loop3A_721 : i32
        %parallel_loop3A_723 = arith.constant 0 : i32
        %parallel_loop3A_724 = arith.cmpi sgt, %parallel_loop3A_716, %parallel_loop3A_723 : i32
        %parallel_loop3A_725 = arith.extui %parallel_loop3A_724 : i1 to i32
        %parallel_loop3A_726 = arith.constant 0 : i32
        %parallel_loop3A_727 = arith.cmpi slt, %parallel_loop3A_716, %parallel_loop3A_726 : i32
        %parallel_loop3A_728 = arith.extui %parallel_loop3A_727 : i1 to i32
        %parallel_loop3A_729 = arith.subi %parallel_loop3A_725, %parallel_loop3A_728 : i32
        %parallel_loop3A_730 = arith.constant 0 : i32
        %parallel_loop3A_731 = arith.cmpi sgt, %parallel_loop3A_721, %parallel_loop3A_730 : i32
        %parallel_loop3A_732 = arith.extui %parallel_loop3A_731 : i1 to i32
        %parallel_loop3A_733 = arith.constant 0 : i32
        %parallel_loop3A_734 = arith.cmpi slt, %parallel_loop3A_721, %parallel_loop3A_733 : i32
        %parallel_loop3A_735 = arith.extui %parallel_loop3A_734 : i1 to i32
        %parallel_loop3A_736 = arith.subi %parallel_loop3A_732, %parallel_loop3A_735 : i32
        %parallel_loop3A_737 = arith.cmpi ne, %parallel_loop3A_729, %parallel_loop3A_736 : i32
        %parallel_loop3A_738 = arith.remsi %parallel_loop3A_716, %parallel_loop3A_721 : i32
        %parallel_loop3A_739 = arith.constant 0 : i32
        %parallel_loop3A_740 = arith.cmpi ne, %parallel_loop3A_738, %parallel_loop3A_739 : i32
        %parallel_loop3A_741 = arith.andi %parallel_loop3A_737, %parallel_loop3A_740 : i1
        %parallel_loop3A_742 = arith.constant 1 : i32
        %parallel_loop3A_743 = arith.subi %parallel_loop3A_722, %parallel_loop3A_742 : i32
        %parallel_loop3A_744 = arith.select %parallel_loop3A_741, %parallel_loop3A_743, %parallel_loop3A_722 : i32
        %parallel_loop3A_745 = arith.constant 26 : i32
        %parallel_loop3A_746 = arith.constant 0 : i32
        %parallel_loop3A_747 = arith.cmpi eq, %parallel_loop3A_745, %parallel_loop3A_746 : i32
        %parallel_loop3A_748 = arith.constant 1 : i32
        %parallel_loop3A_749 = arith.select %parallel_loop3A_747, %parallel_loop3A_748, %parallel_loop3A_745 : i32
        %parallel_loop3A_750 = arith.remsi %parallel_loop3A_716, %parallel_loop3A_749 : i32
        %parallel_loop3A_751 = arith.constant 0 : i32
        %parallel_loop3A_752 = arith.cmpi ne, %parallel_loop3A_750, %parallel_loop3A_751 : i32
        %parallel_loop3A_753 = arith.constant 0 : i32
        %parallel_loop3A_754 = arith.cmpi slt, %parallel_loop3A_750, %parallel_loop3A_753 : i32
        %parallel_loop3A_755 = arith.constant 0 : i32
        %parallel_loop3A_756 = arith.cmpi slt, %parallel_loop3A_749, %parallel_loop3A_755 : i32
        %parallel_loop3A_757 = arith.xori %parallel_loop3A_754, %parallel_loop3A_756 : i1
        %parallel_loop3A_758 = arith.andi %parallel_loop3A_757, %parallel_loop3A_752 : i1
        %parallel_loop3A_759 = arith.addi %parallel_loop3A_750, %parallel_loop3A_749 : i32
        %parallel_loop3A_760 = arith.select %parallel_loop3A_758, %parallel_loop3A_759, %parallel_loop3A_750 : i32
        %parallel_loop3A_761 = arith.constant 0 : i32
        %parallel_loop3A_762 = tpu.memref_slice %arg9[%parallel_loop3A_744, %parallel_loop3A_760, %parallel_loop3A_761] : memref<8x26x32xf32, #tpu.memory_space<vmem>> -> memref<1x1x32xf32, #tpu.memory_space<vmem>>
        %parallel_loop3A_763 = tpu.memref_squeeze %parallel_loop3A_762 : memref<1x1x32xf32, #tpu.memory_space<vmem>> -> memref<32xf32, #tpu.memory_space<vmem>>
        %parallel_loop3A_764 = arith.constant 0 : i32
        %parallel_loop3A_765 = tpu.memref_slice %arg3[%parallel_loop3A_718, %parallel_loop3A_720, %parallel_loop3A_764] : memref<325000x8x32xf32, #tpu.memory_space<hbm>> -> memref<1x1x32xf32, #tpu.memory_space<hbm>>
        %parallel_loop3A_766 = tpu.memref_squeeze %parallel_loop3A_765 : memref<1x1x32xf32, #tpu.memory_space<hbm>> -> memref<32xf32, #tpu.memory_space<hbm>>
        %parallel_loop3A_767 = arith.constant 0 : i32
        %parallel_loop3A_768 = tpu.memref_slice %arg9[%parallel_loop3A_744, %parallel_loop3A_760, %parallel_loop3A_767] : memref<8x26x32xf32, #tpu.memory_space<vmem>> -> memref<1x1x32xf32, #tpu.memory_space<vmem>>
        %parallel_loop3A_769 = tpu.memref_squeeze %parallel_loop3A_768 : memref<1x1x32xf32, #tpu.memory_space<vmem>> -> memref<32xf32, #tpu.memory_space<vmem>>
        %parallel_loop3A_770 = arith.constant 0 : i32
        %parallel_loop3A_771 = tpu.memref_slice %arg3[%parallel_loop3A_718, %parallel_loop3A_720, %parallel_loop3A_770] : memref<325000x8x32xf32, #tpu.memory_space<hbm>> -> memref<1x1x32xf32, #tpu.memory_space<hbm>>
        %parallel_loop3A_772 = tpu.memref_squeeze %parallel_loop3A_771 : memref<1x1x32xf32, #tpu.memory_space<hbm>> -> memref<32xf32, #tpu.memory_space<hbm>>
        tpu.enqueue_dma source(%parallel_loop3A_772 : memref<32xf32, #tpu.memory_space<hbm>>) target(%parallel_loop3A_769 : memref<32xf32, #tpu.memory_space<vmem>>) target_semaphore(%arg11 : memref<!tpu.dma_semaphore, #tpu.memory_space<semaphore_mem>>)
        %parallel_loop3A_773 = vector.extract_strided_slice %parallel_loop3A_50 {offsets = [12], sizes = [1], strides = [1]} : vector<16xi32> to vector<1xi32>
        %parallel_loop3A_774 = vector.extract %parallel_loop3A_773[0] : i32 from vector<1xi32>
        %parallel_loop3A_775 = arith.constant 12 : i32
        %parallel_loop3A_776 = arith.addi %parallel_loop3A_52, %parallel_loop3A_775 : i32
        %parallel_loop3A_777 = arith.constant 3 : i32
        %parallel_loop3A_778 = arith.shrsi %parallel_loop3A_774, %parallel_loop3A_777 : i32
        %parallel_loop3A_779 = arith.constant 7 : i32
        %parallel_loop3A_780 = arith.andi %parallel_loop3A_774, %parallel_loop3A_779 : i32
        %parallel_loop3A_781 = arith.constant 26 : i32
        %parallel_loop3A_782 = arith.divsi %parallel_loop3A_776, %parallel_loop3A_781 : i32
        %parallel_loop3A_783 = arith.constant 0 : i32
        %parallel_loop3A_784 = arith.cmpi sgt, %parallel_loop3A_776, %parallel_loop3A_783 : i32
        %parallel_loop3A_785 = arith.extui %parallel_loop3A_784 : i1 to i32
        %parallel_loop3A_786 = arith.constant 0 : i32
        %parallel_loop3A_787 = arith.cmpi slt, %parallel_loop3A_776, %parallel_loop3A_786 : i32
        %parallel_loop3A_788 = arith.extui %parallel_loop3A_787 : i1 to i32
        %parallel_loop3A_789 = arith.subi %parallel_loop3A_785, %parallel_loop3A_788 : i32
        %parallel_loop3A_790 = arith.constant 0 : i32
        %parallel_loop3A_791 = arith.cmpi sgt, %parallel_loop3A_781, %parallel_loop3A_790 : i32
        %parallel_loop3A_792 = arith.extui %parallel_loop3A_791 : i1 to i32
        %parallel_loop3A_793 = arith.constant 0 : i32
        %parallel_loop3A_794 = arith.cmpi slt, %parallel_loop3A_781, %parallel_loop3A_793 : i32
        %parallel_loop3A_795 = arith.extui %parallel_loop3A_794 : i1 to i32
        %parallel_loop3A_796 = arith.subi %parallel_loop3A_792, %parallel_loop3A_795 : i32
        %parallel_loop3A_797 = arith.cmpi ne, %parallel_loop3A_789, %parallel_loop3A_796 : i32
        %parallel_loop3A_798 = arith.remsi %parallel_loop3A_776, %parallel_loop3A_781 : i32
        %parallel_loop3A_799 = arith.constant 0 : i32
        %parallel_loop3A_800 = arith.cmpi ne, %parallel_loop3A_798, %parallel_loop3A_799 : i32
        %parallel_loop3A_801 = arith.andi %parallel_loop3A_797, %parallel_loop3A_800 : i1
        %parallel_loop3A_802 = arith.constant 1 : i32
        %parallel_loop3A_803 = arith.subi %parallel_loop3A_782, %parallel_loop3A_802 : i32
        %parallel_loop3A_804 = arith.select %parallel_loop3A_801, %parallel_loop3A_803, %parallel_loop3A_782 : i32
        %parallel_loop3A_805 = arith.constant 26 : i32
        %parallel_loop3A_806 = arith.constant 0 : i32
        %parallel_loop3A_807 = arith.cmpi eq, %parallel_loop3A_805, %parallel_loop3A_806 : i32
        %parallel_loop3A_808 = arith.constant 1 : i32
        %parallel_loop3A_809 = arith.select %parallel_loop3A_807, %parallel_loop3A_808, %parallel_loop3A_805 : i32
        %parallel_loop3A_810 = arith.remsi %parallel_loop3A_776, %parallel_loop3A_809 : i32
        %parallel_loop3A_811 = arith.constant 0 : i32
        %parallel_loop3A_812 = arith.cmpi ne, %parallel_loop3A_810, %parallel_loop3A_811 : i32
        %parallel_loop3A_813 = arith.constant 0 : i32
        %parallel_loop3A_814 = arith.cmpi slt, %parallel_loop3A_810, %parallel_loop3A_813 : i32
        %parallel_loop3A_815 = arith.constant 0 : i32
        %parallel_loop3A_816 = arith.cmpi slt, %parallel_loop3A_809, %parallel_loop3A_815 : i32
        %parallel_loop3A_817 = arith.xori %parallel_loop3A_814, %parallel_loop3A_816 : i1
        %parallel_loop3A_818 = arith.andi %parallel_loop3A_817, %parallel_loop3A_812 : i1
        %parallel_loop3A_819 = arith.addi %parallel_loop3A_810, %parallel_loop3A_809 : i32
        %parallel_loop3A_820 = arith.select %parallel_loop3A_818, %parallel_loop3A_819, %parallel_loop3A_810 : i32
        %parallel_loop3A_821 = arith.constant 0 : i32
        %parallel_loop3A_822 = tpu.memref_slice %arg9[%parallel_loop3A_804, %parallel_loop3A_820, %parallel_loop3A_821] : memref<8x26x32xf32, #tpu.memory_space<vmem>> -> memref<1x1x32xf32, #tpu.memory_space<vmem>>
        %parallel_loop3A_823 = tpu.memref_squeeze %parallel_loop3A_822 : memref<1x1x32xf32, #tpu.memory_space<vmem>> -> memref<32xf32, #tpu.memory_space<vmem>>
        %parallel_loop3A_824 = arith.constant 0 : i32
        %parallel_loop3A_825 = tpu.memref_slice %arg3[%parallel_loop3A_778, %parallel_loop3A_780, %parallel_loop3A_824] : memref<325000x8x32xf32, #tpu.memory_space<hbm>> -> memref<1x1x32xf32, #tpu.memory_space<hbm>>
        %parallel_loop3A_826 = tpu.memref_squeeze %parallel_loop3A_825 : memref<1x1x32xf32, #tpu.memory_space<hbm>> -> memref<32xf32, #tpu.memory_space<hbm>>
        %parallel_loop3A_827 = arith.constant 0 : i32
        %parallel_loop3A_828 = tpu.memref_slice %arg9[%parallel_loop3A_804, %parallel_loop3A_820, %parallel_loop3A_827] : memref<8x26x32xf32, #tpu.memory_space<vmem>> -> memref<1x1x32xf32, #tpu.memory_space<vmem>>
        %parallel_loop3A_829 = tpu.memref_squeeze %parallel_loop3A_828 : memref<1x1x32xf32, #tpu.memory_space<vmem>> -> memref<32xf32, #tpu.memory_space<vmem>>
        %parallel_loop3A_830 = arith.constant 0 : i32
        %parallel_loop3A_831 = tpu.memref_slice %arg3[%parallel_loop3A_778, %parallel_loop3A_780, %parallel_loop3A_830] : memref<325000x8x32xf32, #tpu.memory_space<hbm>> -> memref<1x1x32xf32, #tpu.memory_space<hbm>>
        %parallel_loop3A_832 = tpu.memref_squeeze %parallel_loop3A_831 : memref<1x1x32xf32, #tpu.memory_space<hbm>> -> memref<32xf32, #tpu.memory_space<hbm>>
        tpu.enqueue_dma source(%parallel_loop3A_832 : memref<32xf32, #tpu.memory_space<hbm>>) target(%parallel_loop3A_829 : memref<32xf32, #tpu.memory_space<vmem>>) target_semaphore(%arg11 : memref<!tpu.dma_semaphore, #tpu.memory_space<semaphore_mem>>)
        %parallel_loop3A_833 = vector.extract_strided_slice %parallel_loop3A_50 {offsets = [13], sizes = [1], strides = [1]} : vector<16xi32> to vector<1xi32>
        %parallel_loop3A_834 = vector.extract %parallel_loop3A_833[0] : i32 from vector<1xi32>
        %parallel_loop3A_835 = arith.constant 13 : i32
        %parallel_loop3A_836 = arith.addi %parallel_loop3A_52, %parallel_loop3A_835 : i32
        %parallel_loop3A_837 = arith.constant 3 : i32
        %parallel_loop3A_838 = arith.shrsi %parallel_loop3A_834, %parallel_loop3A_837 : i32
        %parallel_loop3A_839 = arith.constant 7 : i32
        %parallel_loop3A_840 = arith.andi %parallel_loop3A_834, %parallel_loop3A_839 : i32
        %parallel_loop3A_841 = arith.constant 26 : i32
        %parallel_loop3A_842 = arith.divsi %parallel_loop3A_836, %parallel_loop3A_841 : i32
        %parallel_loop3A_843 = arith.constant 0 : i32
        %parallel_loop3A_844 = arith.cmpi sgt, %parallel_loop3A_836, %parallel_loop3A_843 : i32
        %parallel_loop3A_845 = arith.extui %parallel_loop3A_844 : i1 to i32
        %parallel_loop3A_846 = arith.constant 0 : i32
        %parallel_loop3A_847 = arith.cmpi slt, %parallel_loop3A_836, %parallel_loop3A_846 : i32
        %parallel_loop3A_848 = arith.extui %parallel_loop3A_847 : i1 to i32
        %parallel_loop3A_849 = arith.subi %parallel_loop3A_845, %parallel_loop3A_848 : i32
        %parallel_loop3A_850 = arith.constant 0 : i32
        %parallel_loop3A_851 = arith.cmpi sgt, %parallel_loop3A_841, %parallel_loop3A_850 : i32
        %parallel_loop3A_852 = arith.extui %parallel_loop3A_851 : i1 to i32
        %parallel_loop3A_853 = arith.constant 0 : i32
        %parallel_loop3A_854 = arith.cmpi slt, %parallel_loop3A_841, %parallel_loop3A_853 : i32
        %parallel_loop3A_855 = arith.extui %parallel_loop3A_854 : i1 to i32
        %parallel_loop3A_856 = arith.subi %parallel_loop3A_852, %parallel_loop3A_855 : i32
        %parallel_loop3A_857 = arith.cmpi ne, %parallel_loop3A_849, %parallel_loop3A_856 : i32
        %parallel_loop3A_858 = arith.remsi %parallel_loop3A_836, %parallel_loop3A_841 : i32
        %parallel_loop3A_859 = arith.constant 0 : i32
        %parallel_loop3A_860 = arith.cmpi ne, %parallel_loop3A_858, %parallel_loop3A_859 : i32
        %parallel_loop3A_861 = arith.andi %parallel_loop3A_857, %parallel_loop3A_860 : i1
        %parallel_loop3A_862 = arith.constant 1 : i32
        %parallel_loop3A_863 = arith.subi %parallel_loop3A_842, %parallel_loop3A_862 : i32
        %parallel_loop3A_864 = arith.select %parallel_loop3A_861, %parallel_loop3A_863, %parallel_loop3A_842 : i32
        %parallel_loop3A_865 = arith.constant 26 : i32
        %parallel_loop3A_866 = arith.constant 0 : i32
        %parallel_loop3A_867 = arith.cmpi eq, %parallel_loop3A_865, %parallel_loop3A_866 : i32
        %parallel_loop3A_868 = arith.constant 1 : i32
        %parallel_loop3A_869 = arith.select %parallel_loop3A_867, %parallel_loop3A_868, %parallel_loop3A_865 : i32
        %parallel_loop3A_870 = arith.remsi %parallel_loop3A_836, %parallel_loop3A_869 : i32
        %parallel_loop3A_871 = arith.constant 0 : i32
        %parallel_loop3A_872 = arith.cmpi ne, %parallel_loop3A_870, %parallel_loop3A_871 : i32
        %parallel_loop3A_873 = arith.constant 0 : i32
        %parallel_loop3A_874 = arith.cmpi slt, %parallel_loop3A_870, %parallel_loop3A_873 : i32
        %parallel_loop3A_875 = arith.constant 0 : i32
        %parallel_loop3A_876 = arith.cmpi slt, %parallel_loop3A_869, %parallel_loop3A_875 : i32
        %parallel_loop3A_877 = arith.xori %parallel_loop3A_874, %parallel_loop3A_876 : i1
        %parallel_loop3A_878 = arith.andi %parallel_loop3A_877, %parallel_loop3A_872 : i1
        %parallel_loop3A_879 = arith.addi %parallel_loop3A_870, %parallel_loop3A_869 : i32
        %parallel_loop3A_880 = arith.select %parallel_loop3A_878, %parallel_loop3A_879, %parallel_loop3A_870 : i32
        %parallel_loop3A_881 = arith.constant 0 : i32
        %parallel_loop3A_882 = tpu.memref_slice %arg9[%parallel_loop3A_864, %parallel_loop3A_880, %parallel_loop3A_881] : memref<8x26x32xf32, #tpu.memory_space<vmem>> -> memref<1x1x32xf32, #tpu.memory_space<vmem>>
        %parallel_loop3A_883 = tpu.memref_squeeze %parallel_loop3A_882 : memref<1x1x32xf32, #tpu.memory_space<vmem>> -> memref<32xf32, #tpu.memory_space<vmem>>
        %parallel_loop3A_884 = arith.constant 0 : i32
        %parallel_loop3A_885 = tpu.memref_slice %arg3[%parallel_loop3A_838, %parallel_loop3A_840, %parallel_loop3A_884] : memref<325000x8x32xf32, #tpu.memory_space<hbm>> -> memref<1x1x32xf32, #tpu.memory_space<hbm>>
        %parallel_loop3A_886 = tpu.memref_squeeze %parallel_loop3A_885 : memref<1x1x32xf32, #tpu.memory_space<hbm>> -> memref<32xf32, #tpu.memory_space<hbm>>
        %parallel_loop3A_887 = arith.constant 0 : i32
        %parallel_loop3A_888 = tpu.memref_slice %arg9[%parallel_loop3A_864, %parallel_loop3A_880, %parallel_loop3A_887] : memref<8x26x32xf32, #tpu.memory_space<vmem>> -> memref<1x1x32xf32, #tpu.memory_space<vmem>>
        %parallel_loop3A_889 = tpu.memref_squeeze %parallel_loop3A_888 : memref<1x1x32xf32, #tpu.memory_space<vmem>> -> memref<32xf32, #tpu.memory_space<vmem>>
        %parallel_loop3A_890 = arith.constant 0 : i32
        %parallel_loop3A_891 = tpu.memref_slice %arg3[%parallel_loop3A_838, %parallel_loop3A_840, %parallel_loop3A_890] : memref<325000x8x32xf32, #tpu.memory_space<hbm>> -> memref<1x1x32xf32, #tpu.memory_space<hbm>>
        %parallel_loop3A_892 = tpu.memref_squeeze %parallel_loop3A_891 : memref<1x1x32xf32, #tpu.memory_space<hbm>> -> memref<32xf32, #tpu.memory_space<hbm>>
        tpu.enqueue_dma source(%parallel_loop3A_892 : memref<32xf32, #tpu.memory_space<hbm>>) target(%parallel_loop3A_889 : memref<32xf32, #tpu.memory_space<vmem>>) target_semaphore(%arg11 : memref<!tpu.dma_semaphore, #tpu.memory_space<semaphore_mem>>)
        %parallel_loop3A_893 = vector.extract_strided_slice %parallel_loop3A_50 {offsets = [14], sizes = [1], strides = [1]} : vector<16xi32> to vector<1xi32>
        %parallel_loop3A_894 = vector.extract %parallel_loop3A_893[0] : i32 from vector<1xi32>
        %parallel_loop3A_895 = arith.constant 14 : i32
        %parallel_loop3A_896 = arith.addi %parallel_loop3A_52, %parallel_loop3A_895 : i32
        %parallel_loop3A_897 = arith.constant 3 : i32
        %parallel_loop3A_898 = arith.shrsi %parallel_loop3A_894, %parallel_loop3A_897 : i32
        %parallel_loop3A_899 = arith.constant 7 : i32
        %parallel_loop3A_900 = arith.andi %parallel_loop3A_894, %parallel_loop3A_899 : i32
        %parallel_loop3A_901 = arith.constant 26 : i32
        %parallel_loop3A_902 = arith.divsi %parallel_loop3A_896, %parallel_loop3A_901 : i32
        %parallel_loop3A_903 = arith.constant 0 : i32
        %parallel_loop3A_904 = arith.cmpi sgt, %parallel_loop3A_896, %parallel_loop3A_903 : i32
        %parallel_loop3A_905 = arith.extui %parallel_loop3A_904 : i1 to i32
        %parallel_loop3A_906 = arith.constant 0 : i32
        %parallel_loop3A_907 = arith.cmpi slt, %parallel_loop3A_896, %parallel_loop3A_906 : i32
        %parallel_loop3A_908 = arith.extui %parallel_loop3A_907 : i1 to i32
        %parallel_loop3A_909 = arith.subi %parallel_loop3A_905, %parallel_loop3A_908 : i32
        %parallel_loop3A_910 = arith.constant 0 : i32
        %parallel_loop3A_911 = arith.cmpi sgt, %parallel_loop3A_901, %parallel_loop3A_910 : i32
        %parallel_loop3A_912 = arith.extui %parallel_loop3A_911 : i1 to i32
        %parallel_loop3A_913 = arith.constant 0 : i32
        %parallel_loop3A_914 = arith.cmpi slt, %parallel_loop3A_901, %parallel_loop3A_913 : i32
        %parallel_loop3A_915 = arith.extui %parallel_loop3A_914 : i1 to i32
        %parallel_loop3A_916 = arith.subi %parallel_loop3A_912, %parallel_loop3A_915 : i32
        %parallel_loop3A_917 = arith.cmpi ne, %parallel_loop3A_909, %parallel_loop3A_916 : i32
        %parallel_loop3A_918 = arith.remsi %parallel_loop3A_896, %parallel_loop3A_901 : i32
        %parallel_loop3A_919 = arith.constant 0 : i32
        %parallel_loop3A_920 = arith.cmpi ne, %parallel_loop3A_918, %parallel_loop3A_919 : i32
        %parallel_loop3A_921 = arith.andi %parallel_loop3A_917, %parallel_loop3A_920 : i1
        %parallel_loop3A_922 = arith.constant 1 : i32
        %parallel_loop3A_923 = arith.subi %parallel_loop3A_902, %parallel_loop3A_922 : i32
        %parallel_loop3A_924 = arith.select %parallel_loop3A_921, %parallel_loop3A_923, %parallel_loop3A_902 : i32
        %parallel_loop3A_925 = arith.constant 26 : i32
        %parallel_loop3A_926 = arith.constant 0 : i32
        %parallel_loop3A_927 = arith.cmpi eq, %parallel_loop3A_925, %parallel_loop3A_926 : i32
        %parallel_loop3A_928 = arith.constant 1 : i32
        %parallel_loop3A_929 = arith.select %parallel_loop3A_927, %parallel_loop3A_928, %parallel_loop3A_925 : i32
        %parallel_loop3A_930 = arith.remsi %parallel_loop3A_896, %parallel_loop3A_929 : i32
        %parallel_loop3A_931 = arith.constant 0 : i32
        %parallel_loop3A_932 = arith.cmpi ne, %parallel_loop3A_930, %parallel_loop3A_931 : i32
        %parallel_loop3A_933 = arith.constant 0 : i32
        %parallel_loop3A_934 = arith.cmpi slt, %parallel_loop3A_930, %parallel_loop3A_933 : i32
        %parallel_loop3A_935 = arith.constant 0 : i32
        %parallel_loop3A_936 = arith.cmpi slt, %parallel_loop3A_929, %parallel_loop3A_935 : i32
        %parallel_loop3A_937 = arith.xori %parallel_loop3A_934, %parallel_loop3A_936 : i1
        %parallel_loop3A_938 = arith.andi %parallel_loop3A_937, %parallel_loop3A_932 : i1
        %parallel_loop3A_939 = arith.addi %parallel_loop3A_930, %parallel_loop3A_929 : i32
        %parallel_loop3A_940 = arith.select %parallel_loop3A_938, %parallel_loop3A_939, %parallel_loop3A_930 : i32
        %parallel_loop3A_941 = arith.constant 0 : i32
        %parallel_loop3A_942 = tpu.memref_slice %arg9[%parallel_loop3A_924, %parallel_loop3A_940, %parallel_loop3A_941] : memref<8x26x32xf32, #tpu.memory_space<vmem>> -> memref<1x1x32xf32, #tpu.memory_space<vmem>>
        %parallel_loop3A_943 = tpu.memref_squeeze %parallel_loop3A_942 : memref<1x1x32xf32, #tpu.memory_space<vmem>> -> memref<32xf32, #tpu.memory_space<vmem>>
        %parallel_loop3A_944 = arith.constant 0 : i32
        %parallel_loop3A_945 = tpu.memref_slice %arg3[%parallel_loop3A_898, %parallel_loop3A_900, %parallel_loop3A_944] : memref<325000x8x32xf32, #tpu.memory_space<hbm>> -> memref<1x1x32xf32, #tpu.memory_space<hbm>>
        %parallel_loop3A_946 = tpu.memref_squeeze %parallel_loop3A_945 : memref<1x1x32xf32, #tpu.memory_space<hbm>> -> memref<32xf32, #tpu.memory_space<hbm>>
        %parallel_loop3A_947 = arith.constant 0 : i32
        %parallel_loop3A_948 = tpu.memref_slice %arg9[%parallel_loop3A_924, %parallel_loop3A_940, %parallel_loop3A_947] : memref<8x26x32xf32, #tpu.memory_space<vmem>> -> memref<1x1x32xf32, #tpu.memory_space<vmem>>
        %parallel_loop3A_949 = tpu.memref_squeeze %parallel_loop3A_948 : memref<1x1x32xf32, #tpu.memory_space<vmem>> -> memref<32xf32, #tpu.memory_space<vmem>>
        %parallel_loop3A_950 = arith.constant 0 : i32
        %parallel_loop3A_951 = tpu.memref_slice %arg3[%parallel_loop3A_898, %parallel_loop3A_900, %parallel_loop3A_950] : memref<325000x8x32xf32, #tpu.memory_space<hbm>> -> memref<1x1x32xf32, #tpu.memory_space<hbm>>
        %parallel_loop3A_952 = tpu.memref_squeeze %parallel_loop3A_951 : memref<1x1x32xf32, #tpu.memory_space<hbm>> -> memref<32xf32, #tpu.memory_space<hbm>>
        tpu.enqueue_dma source(%parallel_loop3A_952 : memref<32xf32, #tpu.memory_space<hbm>>) target(%parallel_loop3A_949 : memref<32xf32, #tpu.memory_space<vmem>>) target_semaphore(%arg11 : memref<!tpu.dma_semaphore, #tpu.memory_space<semaphore_mem>>)
        %parallel_loop3A_953 = vector.extract_strided_slice %parallel_loop3A_50 {offsets = [15], sizes = [1], strides = [1]} : vector<16xi32> to vector<1xi32>
        %parallel_loop3A_954 = vector.extract %parallel_loop3A_953[0] : i32 from vector<1xi32>
        %parallel_loop3A_955 = arith.constant 15 : i32
        %parallel_loop3A_956 = arith.addi %parallel_loop3A_52, %parallel_loop3A_955 : i32
        %parallel_loop3A_957 = arith.constant 3 : i32
        %parallel_loop3A_958 = arith.shrsi %parallel_loop3A_954, %parallel_loop3A_957 : i32
        %parallel_loop3A_959 = arith.constant 7 : i32
        %parallel_loop3A_960 = arith.andi %parallel_loop3A_954, %parallel_loop3A_959 : i32
        %parallel_loop3A_961 = arith.constant 26 : i32
        %parallel_loop3A_962 = arith.divsi %parallel_loop3A_956, %parallel_loop3A_961 : i32
        %parallel_loop3A_963 = arith.constant 0 : i32
        %parallel_loop3A_964 = arith.cmpi sgt, %parallel_loop3A_956, %parallel_loop3A_963 : i32
        %parallel_loop3A_965 = arith.extui %parallel_loop3A_964 : i1 to i32
        %parallel_loop3A_966 = arith.constant 0 : i32
        %parallel_loop3A_967 = arith.cmpi slt, %parallel_loop3A_956, %parallel_loop3A_966 : i32
        %parallel_loop3A_968 = arith.extui %parallel_loop3A_967 : i1 to i32
        %parallel_loop3A_969 = arith.subi %parallel_loop3A_965, %parallel_loop3A_968 : i32
        %parallel_loop3A_970 = arith.constant 0 : i32
        %parallel_loop3A_971 = arith.cmpi sgt, %parallel_loop3A_961, %parallel_loop3A_970 : i32
        %parallel_loop3A_972 = arith.extui %parallel_loop3A_971 : i1 to i32
        %parallel_loop3A_973 = arith.constant 0 : i32
        %parallel_loop3A_974 = arith.cmpi slt, %parallel_loop3A_961, %parallel_loop3A_973 : i32
        %parallel_loop3A_975 = arith.extui %parallel_loop3A_974 : i1 to i32
        %parallel_loop3A_976 = arith.subi %parallel_loop3A_972, %parallel_loop3A_975 : i32
        %parallel_loop3A_977 = arith.cmpi ne, %parallel_loop3A_969, %parallel_loop3A_976 : i32
        %parallel_loop3A_978 = arith.remsi %parallel_loop3A_956, %parallel_loop3A_961 : i32
        %parallel_loop3A_979 = arith.constant 0 : i32
        %parallel_loop3A_980 = arith.cmpi ne, %parallel_loop3A_978, %parallel_loop3A_979 : i32
        %parallel_loop3A_981 = arith.andi %parallel_loop3A_977, %parallel_loop3A_980 : i1
        %parallel_loop3A_982 = arith.constant 1 : i32
        %parallel_loop3A_983 = arith.subi %parallel_loop3A_962, %parallel_loop3A_982 : i32
        %parallel_loop3A_984 = arith.select %parallel_loop3A_981, %parallel_loop3A_983, %parallel_loop3A_962 : i32
        %parallel_loop3A_985 = arith.constant 26 : i32
        %parallel_loop3A_986 = arith.constant 0 : i32
        %parallel_loop3A_987 = arith.cmpi eq, %parallel_loop3A_985, %parallel_loop3A_986 : i32
        %parallel_loop3A_988 = arith.constant 1 : i32
        %parallel_loop3A_989 = arith.select %parallel_loop3A_987, %parallel_loop3A_988, %parallel_loop3A_985 : i32
        %parallel_loop3A_990 = arith.remsi %parallel_loop3A_956, %parallel_loop3A_989 : i32
        %parallel_loop3A_991 = arith.constant 0 : i32
        %parallel_loop3A_992 = arith.cmpi ne, %parallel_loop3A_990, %parallel_loop3A_991 : i32
        %parallel_loop3A_993 = arith.constant 0 : i32
        %parallel_loop3A_994 = arith.cmpi slt, %parallel_loop3A_990, %parallel_loop3A_993 : i32
        %parallel_loop3A_995 = arith.constant 0 : i32
        %parallel_loop3A_996 = arith.cmpi slt, %parallel_loop3A_989, %parallel_loop3A_995 : i32
        %parallel_loop3A_997 = arith.xori %parallel_loop3A_994, %parallel_loop3A_996 : i1
        %parallel_loop3A_998 = arith.andi %parallel_loop3A_997, %parallel_loop3A_992 : i1
        %parallel_loop3A_999 = arith.addi %parallel_loop3A_990, %parallel_loop3A_989 : i32
        %parallel_loop3A_1000 = arith.select %parallel_loop3A_998, %parallel_loop3A_999, %parallel_loop3A_990 : i32
        %parallel_loop3A_1001 = arith.constant 0 : i32
        %parallel_loop3A_1002 = tpu.memref_slice %arg9[%parallel_loop3A_984, %parallel_loop3A_1000, %parallel_loop3A_1001] : memref<8x26x32xf32, #tpu.memory_space<vmem>> -> memref<1x1x32xf32, #tpu.memory_space<vmem>>
        %parallel_loop3A_1003 = tpu.memref_squeeze %parallel_loop3A_1002 : memref<1x1x32xf32, #tpu.memory_space<vmem>> -> memref<32xf32, #tpu.memory_space<vmem>>
        %parallel_loop3A_1004 = arith.constant 0 : i32
        %parallel_loop3A_1005 = tpu.memref_slice %arg3[%parallel_loop3A_958, %parallel_loop3A_960, %parallel_loop3A_1004] : memref<325000x8x32xf32, #tpu.memory_space<hbm>> -> memref<1x1x32xf32, #tpu.memory_space<hbm>>
        %parallel_loop3A_1006 = tpu.memref_squeeze %parallel_loop3A_1005 : memref<1x1x32xf32, #tpu.memory_space<hbm>> -> memref<32xf32, #tpu.memory_space<hbm>>
        %parallel_loop3A_1007 = arith.constant 0 : i32
        %parallel_loop3A_1008 = tpu.memref_slice %arg9[%parallel_loop3A_984, %parallel_loop3A_1000, %parallel_loop3A_1007] : memref<8x26x32xf32, #tpu.memory_space<vmem>> -> memref<1x1x32xf32, #tpu.memory_space<vmem>>
        %parallel_loop3A_1009 = tpu.memref_squeeze %parallel_loop3A_1008 : memref<1x1x32xf32, #tpu.memory_space<vmem>> -> memref<32xf32, #tpu.memory_space<vmem>>
        %parallel_loop3A_1010 = arith.constant 0 : i32
        %parallel_loop3A_1011 = tpu.memref_slice %arg3[%parallel_loop3A_958, %parallel_loop3A_960, %parallel_loop3A_1010] : memref<325000x8x32xf32, #tpu.memory_space<hbm>> -> memref<1x1x32xf32, #tpu.memory_space<hbm>>
        %parallel_loop3A_1012 = tpu.memref_squeeze %parallel_loop3A_1011 : memref<1x1x32xf32, #tpu.memory_space<hbm>> -> memref<32xf32, #tpu.memory_space<hbm>>
        tpu.enqueue_dma source(%parallel_loop3A_1012 : memref<32xf32, #tpu.memory_space<hbm>>) target(%parallel_loop3A_1009 : memref<32xf32, #tpu.memory_space<vmem>>) target_semaphore(%arg11 : memref<!tpu.dma_semaphore, #tpu.memory_space<semaphore_mem>>)
      } {sc.loop_unroll_factor = 4 : i64, sc.parallel_access}
      %dma_wait3A = arith.constant 0 : i32
      %dma_wait3A_23 = arith.constant 0 : i32
      %dma_wait3A_24 = tpu.memref_slice %arg5[%mul3A_4, %dma_wait3A, %dma_wait3A_23] : memref<16384x26x32xf32, #tpu.memory_space<hbm>> -> memref<8x26x32xf32, #tpu.memory_space<hbm>>
      %dma_wait3A_25 = arith.constant 0 : i32
      %dma_wait3A_26 = arith.constant 0 : i32
      %dma_wait3A_27 = tpu.memref_slice %arg5[%mul3A_4, %dma_wait3A_25, %dma_wait3A_26] : memref<16384x26x32xf32, #tpu.memory_space<hbm>> -> memref<8x26x32xf32, #tpu.memory_space<hbm>>
      tpu.wait_dma2 semaphore(%arg10 : memref<!tpu.dma_semaphore, #tpu.memory_space<semaphore_mem>>) src(%dma_wait3A_27 : memref<8x26x32xf32, #tpu.memory_space<hbm>>) dst(%arg8 : memref<8x26x32xf32, #tpu.memory_space<vmem>>)
      %mul3A_28 = arith.constant 8 : i32
      %mul3A_29 = arith.muli %mul3A_14, %mul3A_28 : i32
      %add3A_30 = arith.addi %mul3A_4, %mul3A_29 : i32
      "tpu.region"() ({
        %run_scoped3A = tpu.sem_alloc : memref<!tpu.dma_semaphore, #tpu.memory_space<semaphore_mem>>
        %dma_start3A = arith.constant 0 : i32
        %dma_start3A_42 = arith.constant 0 : i32
        %dma_start3A_43 = tpu.memref_slice %arg5[%add3A_30, %dma_start3A, %dma_start3A_42] : memref<16384x26x32xf32, #tpu.memory_space<hbm>> -> memref<8x26x32xf32, #tpu.memory_space<hbm>>
        %dma_start3A_44 = arith.constant 0 : i32
        %dma_start3A_45 = arith.constant 0 : i32
        %dma_start3A_46 = tpu.memref_slice %arg5[%add3A_30, %dma_start3A_44, %dma_start3A_45] : memref<16384x26x32xf32, #tpu.memory_space<hbm>> -> memref<8x26x32xf32, #tpu.memory_space<hbm>>
        tpu.enqueue_dma source(%arg8 : memref<8x26x32xf32, #tpu.memory_space<vmem>>) target(%dma_start3A_46 : memref<8x26x32xf32, #tpu.memory_space<hbm>>) target_semaphore(%run_scoped3A : memref<!tpu.dma_semaphore, #tpu.memory_space<semaphore_mem>>)
        %dma_wait3A_47 = arith.constant 0 : i32
        %dma_wait3A_48 = arith.constant 0 : i32
        %dma_wait3A_49 = tpu.memref_slice %arg5[%add3A_30, %dma_wait3A_47, %dma_wait3A_48] : memref<16384x26x32xf32, #tpu.memory_space<hbm>> -> memref<8x26x32xf32, #tpu.memory_space<hbm>>
        %dma_wait3A_50 = arith.constant 0 : i32
        %dma_wait3A_51 = arith.constant 0 : i32
        %dma_wait3A_52 = tpu.memref_slice %arg5[%add3A_30, %dma_wait3A_50, %dma_wait3A_51] : memref<16384x26x32xf32, #tpu.memory_space<hbm>> -> memref<8x26x32xf32, #tpu.memory_space<hbm>>
        tpu.wait_dma2 semaphore(%run_scoped3A : memref<!tpu.dma_semaphore, #tpu.memory_space<semaphore_mem>>) src(%arg8 : memref<8x26x32xf32, #tpu.memory_space<vmem>>) dst(%dma_wait3A_52 : memref<8x26x32xf32, #tpu.memory_space<hbm>>)
        tpu.yield
      }) : () -> ()
      %dma_wait3A_31 = arith.constant 0 : i32
      %dma_wait3A_32 = arith.constant 0 : i32
      %dma_wait3A_33 = tpu.memref_slice %arg5[%mul3A_4, %dma_wait3A_31, %dma_wait3A_32] : memref<16384x26x32xf32, #tpu.memory_space<hbm>> -> memref<8x26x32xf32, #tpu.memory_space<hbm>>
      %dma_wait3A_34 = arith.constant 0 : i32
      %dma_wait3A_35 = arith.constant 0 : i32
      %dma_wait3A_36 = tpu.memref_slice %arg5[%mul3A_4, %dma_wait3A_34, %dma_wait3A_35] : memref<16384x26x32xf32, #tpu.memory_space<hbm>> -> memref<8x26x32xf32, #tpu.memory_space<hbm>>
      tpu.wait_dma2 semaphore(%arg11 : memref<!tpu.dma_semaphore, #tpu.memory_space<semaphore_mem>>) src(%dma_wait3A_36 : memref<8x26x32xf32, #tpu.memory_space<hbm>>) dst(%arg9 : memref<8x26x32xf32, #tpu.memory_space<vmem>>)
      %add3A_37 = arith.constant 1 : i32
      %add3A_38 = arith.addi %mul3A_14, %add3A_37 : i32
      %mul3A_39 = arith.constant 8 : i32
      %mul3A_40 = arith.muli %add3A_38, %mul3A_39 : i32
      %add3A_41 = arith.addi %mul3A_4, %mul3A_40 : i32
      "tpu.region"() ({
        %run_scoped3A = tpu.sem_alloc : memref<!tpu.dma_semaphore, #tpu.memory_space<semaphore_mem>>
        %dma_start3A = arith.constant 0 : i32
        %dma_start3A_42 = arith.constant 0 : i32
        %dma_start3A_43 = tpu.memref_slice %arg5[%add3A_41, %dma_start3A, %dma_start3A_42] : memref<16384x26x32xf32, #tpu.memory_space<hbm>> -> memref<8x26x32xf32, #tpu.memory_space<hbm>>
        %dma_start3A_44 = arith.constant 0 : i32
        %dma_start3A_45 = arith.constant 0 : i32
        %dma_start3A_46 = tpu.memref_slice %arg5[%add3A_41, %dma_start3A_44, %dma_start3A_45] : memref<16384x26x32xf32, #tpu.memory_space<hbm>> -> memref<8x26x32xf32, #tpu.memory_space<hbm>>
        tpu.enqueue_dma source(%arg9 : memref<8x26x32xf32, #tpu.memory_space<vmem>>) target(%dma_start3A_46 : memref<8x26x32xf32, #tpu.memory_space<hbm>>) target_semaphore(%run_scoped3A : memref<!tpu.dma_semaphore, #tpu.memory_space<semaphore_mem>>)
        %dma_wait3A_47 = arith.constant 0 : i32
        %dma_wait3A_48 = arith.constant 0 : i32
        %dma_wait3A_49 = tpu.memref_slice %arg5[%add3A_41, %dma_wait3A_47, %dma_wait3A_48] : memref<16384x26x32xf32, #tpu.memory_space<hbm>> -> memref<8x26x32xf32, #tpu.memory_space<hbm>>
        %dma_wait3A_50 = arith.constant 0 : i32
        %dma_wait3A_51 = arith.constant 0 : i32
        %dma_wait3A_52 = tpu.memref_slice %arg5[%add3A_41, %dma_wait3A_50, %dma_wait3A_51] : memref<16384x26x32xf32, #tpu.memory_space<hbm>> -> memref<8x26x32xf32, #tpu.memory_space<hbm>>
        tpu.wait_dma2 semaphore(%run_scoped3A : memref<!tpu.dma_semaphore, #tpu.memory_space<semaphore_mem>>) src(%arg9 : memref<8x26x32xf32, #tpu.memory_space<vmem>>) dst(%dma_wait3A_52 : memref<8x26x32xf32, #tpu.memory_space<hbm>>)
        tpu.yield
      }) : () -> ()
    }
    %scan3A_11 = arith.constant 32 : i32
    return
  }
}

</mosaic_0001>

<sc_bundles>
// kernel: kernel.3.cloned.1.call-start
scs
__scs_entry_jumppad:
0x0: {  	(pc) =	sbr.rel $0x88, $3  }
0x1: {  	(tag) =	ssettag $0x0;
	lr =	simm.s32 $0x1  }
0x2: {  	[smem:$0x3F9E] =	sst lr;
	_ =	strace $0xD0000000  }
0x3: {  	_ = 	snop  }
0x4: {  	_ = 	snop  }
0x5: {  	_ = 	snop  }
0x6: {  	_ = 	snop  }
0x7: {  	_ = 	snop  }
__scs_overlays_trampoline_lowered:
0x8: {  	[smem:$0x3FAD] =	sst s0  }
0x9: {  	[smem:$0x3FAE] =	sst s1  }
0xa: {  	[smem:$0x3FAF] =	sst s2  }
0xb: {  	[smem:$0x3FB0] =	sst s3  }
0xc: {  	[smem:$0x3FB1] =	sst s4  }
0xd: {  	[smem:$0x3FB2] =	sst s5  }
0xe: {  	[smem:$0x3FB3] =	sst s6  }
0xf: {  	[smem:$0x3FB4] =	sst s7  }
0x10: {  	[smem:$0x3FB5] =	sst s8  }
0x11: {  	[smem:$0x3FB6] =	sst s9;
	s0 =	simm.s32 @!p0 $0x0  }
0x12: {  	s1 =	sld [smem:$0x3F9C];
	s0 =	simm.s32 @p0 $0x1  }
0x13: {  	[smem:$0x3FB7] =	sst s0;
	s0 =	simm.s32 @!p1 $0x0  }
0x14: {  	s2 =	sld [smem:$0x3F9B];
	s0 =	simm.s32 @p1 $0x1  }
0x15: {  	[smem:$0x3FB8] =	sst s0;
	s0 =	simm.s32 @!p2 $0x0  }
0x16: {  	s3 =	sld [smem:$0x3FDB];
	s0 =	simm.s32 @p2 $0x1  }
0x17: {  	s4 =	simm.s32 $0x1BF5;
	[smem:$0x3FBA] =	sst s0  }
0x18: {  	s0 =	sld [smem:$0x3F9D];
	_ =	swait.ge [sflag:s4], $0x0  }
0x19: {  	s7 =	sld [smem:$0x3F9E]  }
0x1a: {  	s8 =	sadd.s32 $0xFFFFE003, lr  }
0x1b: {  	s9 =	sadd.s32 $0xFFFFFEF7, lr;
	s5 =	simm.s32 $0xFFFFFFFF;
	p2 =	slt.u32 s8, $0xFFFFF086  }
0x1c: {  	p1 =	slt.u32 s9, $0xF7A;
	s5 =	simm.s32 @!p2 $0x0  }
0x1d: {  	s5 =	simm.s32 @p1 $0x1;
	p0 =	seq.s32 s7, s2  }
0x1e: {  	s7 =	smul.u32 @!p0 $0xF7A, s2;
	p2 =	seq.s32 @!p0 s5, $0x0  }
0x1f: {  	s9 =	smul.u32 $0xF7A, s1;
	s8 =	simm.s32 @!p0 $0x1BF5;
	p2 =	por !p2, p0  }
0x20: {  	[sflag:s8] =	ssyncset.s32 @!p0 $0xFFFFF086;
	s6 =	sadd.s32 @!p0 s3, s7;
	s7 =	simm.s32 @!p0 $0x108  }
0x21: {  	s3 =	sadd.s32 s3, s9;
	s6 =	sadd.s32 @!p0 $0x88, s6;
	s7 =	simm.s32 @p2 $0x1082  }
0x22: {  	[simem:s7], [sflag:s8] =	dma.local @!p0 [hbm:s6], $0xF7A  }
0x23: {  	s9 =	sor.u32 $0xD0000000, s2;
	s6 =	simm.s32 $0x108;
	_ =	swait.ge @!p0 [sflag:s8], $0x0  }
0x24: {  	s3 =	sadd.s32 $0x88, s3;
	s6 =	simm.s32 @!p1 $0x1082;
	[sflag:s4] =	ssyncset.s32 $0xFFFFF086  }
0x25: {  	[simem:s6], [sflag:s4] =	dma.local [hbm:s3], $0xF7A  }
0x26: {  	[smem:$0x3F9E] =	sst s1;
	(tag) =	ssettag s2;
	_ =	strace s9  }
0x27: {  	s1 =	sld [smem:$0x3FAE]  }
0x28: {  	s2 =	sld [smem:$0x3FAF]  }
0x29: {  	s4 =	sld [smem:$0x3FB1]  }
0x2a: {  	p0 =	seq.s32 s5, $0x0;
	s5 =	sld [smem:$0x3FB2]  }
0x2b: {  	s6 =	sld [smem:$0x3FB3]  }
0x2c: {  	s7 =	sld [smem:$0x3FB4]  }
0x2d: {  	s3 =	simm.s32 $0x108;
	s8 =	sld [smem:$0x3FB5]  }
0x2e: {  	s3 =	simm.s32 @!p0 $0x1082;
	s9 =	sld [smem:$0x3FB6]  }
0x2f: {  	lr =	sadd.s32 s0, s3;
	s0 =	sld [smem:$0x3FAD]  }
0x30: {  	s3 =	sld [smem:$0x3FB0]  }
0x31: {  	[smem:$0x3FB9] =	sst s10  }
0x32: {  	s10 =	sld [smem:$0x3FB7];
	_ =	sdelay $0x3  }
0x33: {  	p0 =	seq.s32 s10, $0x1;
	s10 =	sld [smem:$0x3FB9];
	_ =	sdelay $0x3  }
0x34: {  	[smem:$0x3FB9] =	sst s10  }
0x35: {  	s10 =	sld [smem:$0x3FB8];
	_ =	sdelay $0x3  }
0x36: {  	p1 =	seq.s32 s10, $0x1;
	s10 =	sld [smem:$0x3FB9];
	_ =	sdelay $0x3  }
0x37: {  	[smem:$0x3FB9] =	sst s10  }
0x38: {  	s10 =	sld [smem:$0x3FBA]  }
0x39: {  	_ = 	snop;
	(pc) =	sbr.ind lr, $3  }
0x3a: {  	_ = 	snop  }
0x3b: {  	_ = 	snop  }
0x3c: {  	p2 =	seq.s32 s10, $0x1;
	s10 =	sld [smem:$0x3FB9]  }
0x3d: {  	_ =	shalt  }
0x3e: {  	_ =	shalt  }
0x3f: {  	_ =	shalt  }
0x40: {  	_ =	shalt  }
0x41: {  	_ =	shalt  }
0x42: {  	_ =	shalt  }
0x43: {  	_ =	shalt  }
0x44: {  	_ =	shalt  }
0x45: {  	_ =	shalt  }
0x46: {  	_ =	shalt  }
0x47: {  	_ =	shalt  }
0x48: {  	_ =	shalt  }
0x49: {  	_ =	shalt  }
0x4a: {  	_ =	shalt  }
0x4b: {  	_ =	shalt  }
0x4c: {  	_ =	shalt  }
0x4d: {  	_ =	shalt  }
0x4e: {  	_ =	shalt  }
0x4f: {  	_ =	shalt  }
0x50: {  	_ =	shalt  }
0x51: {  	_ =	shalt  }
0x52: {  	_ =	shalt  }
0x53: {  	_ =	shalt  }
0x54: {  	_ =	shalt  }
0x55: {  	_ =	shalt  }
0x56: {  	_ =	shalt  }
0x57: {  	_ =	shalt  }
0x58: {  	_ =	shalt  }
0x59: {  	_ =	shalt  }
0x5a: {  	_ =	shalt  }
0x5b: {  	_ =	shalt  }
0x5c: {  	_ =	shalt  }
0x5d: {  	_ =	shalt  }
0x5e: {  	_ =	shalt  }
0x5f: {  	_ =	shalt  }
0x60: {  	_ =	shalt  }
0x61: {  	_ =	shalt  }
0x62: {  	_ =	shalt  }
0x63: {  	_ =	shalt  }
0x64: {  	_ =	shalt  }
0x65: {  	_ =	shalt  }
0x66: {  	_ =	shalt  }
0x67: {  	_ =	shalt  }
0x68: {  	_ =	shalt  }
0x69: {  	_ =	shalt  }
0x6a: {  	_ =	shalt  }
0x6b: {  	_ =	shalt  }
0x6c: {  	_ =	shalt  }
0x6d: {  	_ =	shalt  }
0x6e: {  	_ =	shalt  }
0x6f: {  	_ =	shalt  }
0x70: {  	_ =	shalt  }
0x71: {  	_ =	shalt  }
0x72: {  	_ =	shalt  }
0x73: {  	_ =	shalt  }
0x74: {  	_ =	shalt  }
0x75: {  	_ =	shalt  }
0x76: {  	_ =	shalt  }
0x77: {  	_ =	shalt  }
0x78: {  	_ =	shalt  }
0x79: {  	_ =	shalt  }
0x7a: {  	_ =	shalt  }
0x7b: {  	_ =	shalt  }
0x7c: {  	_ =	shalt  }
0x7d: {  	_ =	shalt  }
0x7e: {  	_ =	shalt  }
0x7f: {  	_ =	shalt  }
0x80: {  	_ =	shalt  }
0x81: {  	_ =	shalt  }
0x82: {  	_ =	shalt  }
0x83: {  	_ =	shalt  }
0x84: {  	_ =	shalt  }
0x85: {  	_ =	shalt  }
0x86: {  	_ =	shalt  }
0x87: {  	_ =	shalt  }
.Lfunc_end0:
.L_simem_size_0:
called_computation_lowered:
.L_overlay_start_0:
0x88: {  	s2 =	sld [smem:$0x3FD9]  }
0x89: {  	s3 =	sld [smem:$0x3FFE];
	_ =	sdelay $0x1  }
0x8a: {  	s1 =	srdreg.scid  }
0x8b: {  	s0 =	sand.u32 $0x1, s1  }
0x8c: {  	s17 =	sshll.u32 s0, $0xA;
	s2 =	sadd.s32 s3, s2  }
0x8d: {  	s2 =	sadd.s32 s2, s17  }
0x8e: {  	[smem:$0x3FC5] =	sst s2  }
0x8f: {  	_ = 	snop  }
0x90: {  	s2 =	sld [smem:$0x3FD0];
	(tm) =	ssettm $0x1  }
0x91: {  	s18 =	sld [smem:$0x3FFB];
	_ =	sdelay $0x3  }
0x92: {  	_ =	strace s18  }
0x93: {  	s3 =	sld [smem:$0x3FFC];
	_ =	sdelay $0x3  }
0x94: {  	_ =	strace s3  }
0x95: {  	s3 =	sld [smem:$0x3FFD];
	_ =	sdelay $0x3  }
0x96: {  	_ =	strace s3  }
0x97: {  	_ =	strace $0x8FFFFFFF  }
0x98: {  	s19 =	sld [smem:$0x3FDB];
	_ =	sdelay $0x1  }
0x99: {  	s4 =	simm.s32 $_scs_section_size  }
0x9a: {  	s5 =	simm.s32 $_size__tile_overlayer_lowered;
	s6 =	simm.s32 $_tile_overlayer_lowered  }
0x9b: {  	s22 =	simm.s32 $0x1BFF;
	s21 =	sshll.u32 s6, $0x1;
	s3 =	sadd.s32 s4, s19  }
0x9c: {  	s7 =	simm.s32 $0x0;
	s20 =	sshll.u32 s5, $0x1;
	s5 =	sadd.s32 s21, s3  }
0x9d: {  	[timem:s7], [sflag:s22] =	dma.local [hbm:s5], s20  }
0x9e: {  	_ =	swait.ge [sflag:s22], s20  }
0x9f: {  	s4 =	ssub.s32 $0x0, s20;
	[sflag:s22] =	ssyncset.done $0x0  }
0xa0: {  	[sflag:s22] =	ssyncadd.s32 s4;
	_ =	sdelay $0x1  }
0xa1: {  	s23 =	simm.s32 $0x1B8B  }
0xa2: {  	_ =	swait.ge [sflag:s23], $0x1  }
0xa3: {  	[sflag:s23] =	ssyncset.done $0x0  }
0xa4: {  	s25 =	simm.s32 $0x1B8E;
	s24 =	sld [smem:$0x3FFE];
	[sflag:s23] =	ssyncadd.s32 $0xFFFFFFFF  }
0xa5: {  	s26 =	simm.s32 $execute0_lowered;
	[smem:$0x3FD2] =	sst s25  }
0xa6: {  	s5 =	sshll.u32 s26, $0x1;
	_ =	strace $0x80000046;
	[dreg:$0x1] =	wrdreg $0xFFFFFFFF  }
0xa7: {  	s28 =	simm.s32 $_size_execute0_lowered;
	s3 =	sadd.s32 s3, s5;
	[dreg:$0x0] =	wrdreg $0x0  }
0xa8: {  	s5 =	sshll.u32 s28, $0x1;
	[dreg:$0x2] =	wrdreg s3  }
0xa9: {  	[dreg:$0x3] =	wrdreg s5  }
0xaa: {  	[dreg:$0x4] =	wrdreg $0xC0  }
0xab: {  	_ =	task [dreg:s7], $0x5FFFF  }
0xac: {  	[dreg:$0x1] =	wrdreg $0xFFFFFFFF  }
0xad: {  	[dreg:$0x0] =	wrdreg $0x60  }
0xae: {  	[dreg:$0x2] =	wrdreg s2  }
0xaf: {  	[dreg:$0x3] =	wrdreg s24  }
0xb0: {  	[dreg:$0x4] =	wrdreg $0x9  }
0xb1: {  	_ =	task.clear_ibuf [dreg:s7], $0x5FFFF;
	_ =	strace $0x90000046  }
0xb2: {  	s29 =	simm.s32 $0x9;
	_ =	strace $0x80000048  }
0xb3: {  	_ =	swait.ge [sflag:s29], $0x1  }
0xb4: {  	[sflag:s29] =	ssyncadd.s32 $0xFFFFFFFF  }
0xb5: {  	_ =	strace $0x90000048  }
0xb6: {  	_ =	sfence  }
0xb7: {  	s30 =	sld [smem:$0x0];
	_ =	sdelay $0x2  }
0xb8: {  	s31 =	sshll.u32 s1, $0xD;
	s1 =	sshrl.u32 s1, $0x2  }
0xb9: {  	s3 =	sand.u32 $0x4000, s31;
	s1 =	sadd.s32 s1, s30  }
0xba: {  	s0 =	sor.u32 s3, s0;
	s1 =	sshll.u32 s1, $0x11  }
0xbb: {  	s0 =	sor.u32 s1, s0  }
0xbc: {  	s0 =	sadd.s32 $0x8F2B, s0  }
0xbd: {  	[sflag:s0] =	ssyncadd.remote.s32 $0x1  }
0xbe: {  	_ =	sfence.sel $0xFFFF  }
0xbf: {  	[dreg:$0x0] =	wrdreg $0xFFFFFFFF;
	(pc) =	sbr.abs _section_cstart, $3  }
0xc0: {  	[dreg:$0x1] =	wrdreg $0xFFFFFFFF  }
0xc1: {  	_ =	task.clear_ibuf [dreg:s7], $0x2FFFF;
	_ =	strace $0x9FFFFFFF  }
0xc2: {  	(tm) =	ssettm $0x7FFFFFFF  }
0xc3: {  	_ =	shalt  }
tec
execute0_lowered:
.L_overlay_start_1:
0x0: {  	(tag) =	ssettag $0x1  }
0x1: {  	s0 =	rddreg [dreg:$0x0]  }
0x2: {  	s1 =	rddreg [dreg:$0x1];
	s2 =	simm.s32 $0x0  }
0x3: {  	s3 =	srdreg.scid;
	s5 =	stileid.u32;
	s9 =	simm.s32 $0x3  }
0x4: {  	s15 =	simm.s32 $0x1;
	s21 =	simm.s32 $0x8500;
	s22 =	simm.s32 $0x9500  }
0x5: {  	s23 =	simm.s32 $0xA500;
	s24 =	simm.s32 $0x2;
	s28 =	simm.s32 $0xD500  }
0x6: {  	s29 =	simm.s32 $0xE500;
	s30 =	simm.s32 $0xF500;
	s31 =	simm.s32 $0x10500  }
0x7: {  	[smem:$0x7FF] =	sst s2;
	s4 =	sand.u32 $0x1, s3;
	s5 =	sshll.u32 s5, $0x1  }
0x8: {  	s3 =	sadd.s32 $0x5A00, s1;
	s7 =	sadd.s32 $0x3400, s1;
	_ =	strace $0x80000047  }
0x9: {  	s5 =	sor.u32 s4, s5;
	s4 =	ssub.s32 $0x2, s4;
	[dreg:$0x3] =	wrdreg s7  }
0xa: {  	s6 =	sshll.u32 s5, $0x12;
	s5 =	smul.u32 $0x680, s5;
	s25 =	sshrl.u32 s4, $0x1  }
0xb: {  	s1 =	sadd.s32 s6, s1;
	s4 =	ssub.s32 s4, s25;
	s25 =	simm.s32 $0xB500  }
0xc: {  	s0 =	sadd.s32 s0, s5;
	s6 =	sadd.s32 $0x27B1E00, s1;
	s26 =	smax.u32 s4, $0x1  }
0xd: {  	s1 =	simm.s32 $0x12500;
	s5 =	simm.s32 $0x0;
	[dreg:$0x4] =	wrdreg s0  }
0xe: {  	[dreg:$0x5] =	wrdreg s26;
	s26 =	simm.s32 $0xC500;
	s0 =	simm.s32 $0x11500  }
.LBB2_1:
0xf: {  	[dreg:$0x6] =	wrdreg s5  }
0x10: {  	s4 =	rddreg [dreg:$0x3];
	s19 =	simm.s32 $0x3400  }
0x11: {  	[tilespmem:s19], [sflag:$0x3] =	stream.linear.gather [hbm4b:s4+s2], $0x100, $0x38;
	[tilespmem:$0x13500] =	vst v63  }
0x12: {  	_ =	swait.ge [sflag:s9], $0x100  }
0x13: {  	[sflag:s9] =	ssyncset.done $0x0  }
0x14: {  	s20 =	rddreg [dreg:$0x4];
	[sflag:s9] =	ssyncadd.s32 $0xFFFFFF00  }
0x15: {  	[tilespmem:s2], [sflag:$0x3] =	stream.linear.gather [hbm4b:s20+s2], $0x3400, $0x38;
	[tilespmem:$0x13500] =	vst v63  }
0x16: {  	_ =	swait.ge [sflag:s9], $0x3400  }
0x17: {  	[sflag:s9] =	ssyncset.done $0x0  }
0x18: {  	[sflag:s9] =	ssyncadd.s32 $0xFFFFCC00  }
0x19: {  	s4 =	simm.s32 $0x60;
	v0 =	vld [tilespmem:$0x3400]  }
0x1a: {  	v1 =	vld [tilespmem:s4+$0xFFFFFFA0];
	_ =	sdelay $0x4  }
0x1b: {  	v0 =	vadd.s32 v1, v0  }
0x1c: {  	v2 =	vld [tilespmem:s4+$0xFFFFFFB0];
	[tilespmem:s4+$0xFFFFFFA0] =	vst v0  }
0x1d: {  	v0 =	vld [tilespmem:$0x3410];
	_ =	sdelay $0x4  }
0x1e: {  	v0 =	vadd.s32 v2, v0  }
0x1f: {  	v1 =	vld [tilespmem:s4+$0xFFFFFFC0];
	[tilespmem:s4+$0xFFFFFFB0] =	vst v0  }
0x20: {  	v0 =	vld [tilespmem:$0x3420];
	_ =	sdelay $0x4  }
0x21: {  	v0 =	vadd.s32 v1, v0  }
0x22: {  	v2 =	vld [tilespmem:s4+$0xFFFFFFD0];
	[tilespmem:s4+$0xFFFFFFC0] =	vst v0  }
0x23: {  	v0 =	vld [tilespmem:$0x3430];
	_ =	sdelay $0x3  }
0x24: {  	s5 =	simm.s32 $0x130;
	v1 =	vld [tilespmem:$0x3400]  }
0x25: {  	v0 =	vadd.s32 v2, v0;
	v2 =	vld [tilespmem:s5+$0xFFFFFFA0]  }
0x26: {  	v4 =	vld [tilespmem:s4+$0xFFFFFFE0];
	[tilespmem:s4+$0xFFFFFFD0] =	vst v0  }
0x27: {  	v0 =	vld [tilespmem:$0x3440];
	_ =	sdelay $0x2  }
0x28: {  	v1 =	vadd.s32 v2, v1  }
0x29: {  	v5 =	vld [tilespmem:s5+$0xFFFFFFB0];
	[tilespmem:s5+$0xFFFFFFA0] =	vst v1  }
0x2a: {  	v0 =	vadd.s32 v4, v0;
	v1 =	vld [tilespmem:$0x3410]  }
0x2b: {  	v3 =	vld [tilespmem:s4+$0xFFFFFFF0];
	[tilespmem:s4+$0xFFFFFFE0] =	vst v0  }
0x2c: {  	v0 =	vld [tilespmem:$0x3450];
	_ =	sdelay $0x2  }
0x2d: {  	v1 =	vadd.s32 v5, v1  }
0x2e: {  	v2 =	vld [tilespmem:s5+$0xFFFFFFC0];
	[tilespmem:s5+$0xFFFFFFB0] =	vst v1  }
0x2f: {  	v0 =	vadd.s32 v3, v0;
	v1 =	vld [tilespmem:$0x3420]  }
0x30: {  	[tilespmem:s4+$0xFFFFFFF0] =	vst v0;
	v0 =	vld [tilespmem:s4+$0x0]  }
0x31: {  	v3 =	vld [tilespmem:$0x3460];
	_ =	sdelay $0x2  }
0x32: {  	v1 =	vadd.s32 v2, v1  }
0x33: {  	v4 =	vld [tilespmem:s5+$0xFFFFFFD0];
	[tilespmem:s5+$0xFFFFFFC0] =	vst v1  }
0x34: {  	v0 =	vadd.s32 v0, v3;
	v1 =	vld [tilespmem:$0x3430]  }
0x35: {  	v2 =	vld [tilespmem:s4+$0x10];
	[tilespmem:s4+$0x0] =	vst v0  }
0x36: {  	v0 =	vld [tilespmem:$0x3470];
	_ =	sdelay $0x1  }
0x37: {  	s7 =	simm.s32 $0x200;
	v3 =	vld [tilespmem:$0x3400]  }
0x38: {  	v1 =	vadd.s32 v4, v1;
	v4 =	vld [tilespmem:s7+$0xFFFFFFA0]  }
0x39: {  	v6 =	vld [tilespmem:s5+$0xFFFFFFE0];
	[tilespmem:s5+$0xFFFFFFD0] =	vst v1  }
0x3a: {  	v0 =	vadd.s32 v2, v0;
	v1 =	vld [tilespmem:$0x3440]  }
0x3b: {  	s8 =	sand.u32 $0x3FF0, s2;
	[tilespmem:s4+$0x10] =	vst v0  }
0x3c: {  	v0 =	vld [tilespmem:s8+$0x80]  }
0x3d: {  	v2 =	vld [tilespmem:$0x3480];
	v3 =	vadd.s32 v4, v3  }
0x3e: {  	v7 =	vld [tilespmem:s7+$0xFFFFFFB0];
	[tilespmem:s7+$0xFFFFFFA0] =	vst v3  }
0x3f: {  	v1 =	vadd.s32 v6, v1;
	v3 =	vld [tilespmem:$0x3410]  }
0x40: {  	v5 =	vld [tilespmem:s5+$0xFFFFFFF0];
	[tilespmem:s5+$0xFFFFFFE0] =	vst v1  }
0x41: {  	v1 =	vld [tilespmem:$0x3450]  }
0x42: {  	v8 =	vld [tilespmem:s7+$0xFFFFFFD0];
	v0 =	vadd.s32 v0, v2  }
0x43: {  	v6 =	vld [tilespmem:s7+$0xFFFFFFC0];
	[tilespmem:s8+$0x80] =	vst v0  }
0x44: {  	v0 =	vld [tilespmem:s4+$0x30];
	v3 =	vadd.s32 v7, v3  }
0x45: {  	v4 =	vld [tilespmem:$0x3490];
	[tilespmem:s7+$0xFFFFFFB0] =	vst v3  }
0x46: {  	v1 =	vadd.s32 v5, v1;
	v3 =	vld [tilespmem:$0x3420]  }
0x47: {  	[tilespmem:s5+$0xFFFFFFF0] =	vst v1;
	v1 =	vld [tilespmem:s5+$0x0]  }
0x48: {  	v5 =	vld [tilespmem:$0x3460]  }
0x49: {  	v9 =	vld [tilespmem:s5+$0x10]  }
0x4a: {  	v2 =	vld [tilespmem:$0x3400];
	v0 =	vadd.s32 v0, v4  }
0x4b: {  	[tilespmem:s4+$0x30] =	vst v0;
	v0 =	vld [tilespmem:s4+$0x40];
	v3 =	vadd.s32 v6, v3  }
0x4c: {  	v6 =	vld [tilespmem:$0x34A0];
	[tilespmem:s7+$0xFFFFFFC0] =	vst v3  }
0x4d: {  	s8 =	simm.s32 $0x2D0;
	v10 =	vld [tilespmem:$0x3430];
	v1 =	vadd.s32 v1, v5  }
0x4e: {  	v7 =	vld [tilespmem:s8+$0xFFFFFFA0];
	[tilespmem:s5+$0x0] =	vst v1  }
0x4f: {  	v5 =	vld [tilespmem:$0x3470]  }
0x50: {  	v4 =	vld [tilespmem:s7+$0xFFFFFFE0]  }
0x51: {  	v3 =	vld [tilespmem:s7+$0xFFFFFFF0];
	v0 =	vadd.s32 v0, v6  }
0x52: {  	[tilespmem:s4+$0x40] =	vst v0;
	v0 =	vld [tilespmem:s4+$0x50];
	v1 =	vadd.s32 v8, v10  }
0x53: {  	s11 =	simm.s32 $0xD0;
	[tilespmem:s7+$0xFFFFFFD0] =	vst v1;
	v1 =	vld [tilespmem:$0x34B0]  }
0x54: {  	s12 =	simm.s32 $0x1A0;
	s10 =	simm.s32 $0x270;
	s13 =	simm.s32 $0x340;
	v6 =	vld [tilespmem:$0x3440];
	v5 =	vadd.s32 v9, v5  }
.LBB2_2:
0x55: {  	p0 =	sne.s32 s13, $0x3330;
	v8 =	vld [tilespmem:s8+$0xFFFFFFB0];
	[tilespmem:s5+$0x10] =	vst v5;
	s14 =	sand.u32 $0x3FF0, s11;
	s11 =	smov.u32 s12  }
0x56: {  	s12 =	smov.u32 s10;
	s10 =	smov.u32 s13;
	v2 =	vadd.s32 v7, v2;
	v5 =	vld [tilespmem:s14+$0x80]  }
0x57: {  	[tilespmem:s8+$0xFFFFFFA0] =	vst v2;
	v7 =	vld [tilespmem:$0x3480]  }
0x58: {  	v9 =	vld [tilespmem:$0x3410];
	v0 =	vadd.s32 v0, v1  }
0x59: {  	v1 =	vadd.s32 v4, v6;
	[tilespmem:s4+$0x50] =	vst v0;
	v0 =	vld [tilespmem:s4+$0x60]  }
0x5a: {  	[tilespmem:s7+$0xFFFFFFE0] =	vst v1;
	v1 =	vld [tilespmem:$0x34C0]  }
0x5b: {  	v4 =	vld [tilespmem:$0x3450]  }
0x5c: {  	v2 =	vld [tilespmem:$0x3400];
	v5 =	vadd.s32 v5, v7  }
0x5d: {  	v6 =	vld [tilespmem:s8+$0xFFFFFFC0];
	[tilespmem:s14+$0x80] =	vst v5  }
0x5e: {  	v5 =	vadd.s32 v8, v9;
	v7 =	vld [tilespmem:s5+$0x30]  }
0x5f: {  	[tilespmem:s8+$0xFFFFFFB0] =	vst v5;
	v5 =	vld [tilespmem:$0x3490];
	v0 =	vadd.s32 v0, v1  }
0x60: {  	v1 =	vld [tilespmem:$0x3420];
	v3 =	vadd.s32 v3, v4;
	[tilespmem:s4+$0x60] =	vst v0;
	s4 =	smov.u32 s5;
	s5 =	smov.u32 s7;
	s7 =	smov.u32 s8  }
0x61: {  	[tilespmem:s5+$0xFFFFFFF0] =	vst v3;
	v0 =	vld [tilespmem:s5+$0x0]  }
0x62: {  	v3 =	vld [tilespmem:$0x3460]  }
0x63: {  	v8 =	vld [tilespmem:s5+$0x10]  }
0x64: {  	v9 =	vld [tilespmem:s8+$0xFFFFFFD0];
	v4 =	vadd.s32 v7, v5  }
0x65: {  	v1 =	vadd.s32 v6, v1;
	[tilespmem:s4+$0x30] =	vst v4;
	v5 =	vld [tilespmem:s4+$0x40]  }
0x66: {  	[tilespmem:s8+$0xFFFFFFC0] =	vst v1;
	v1 =	vld [tilespmem:$0x34A0]  }
0x67: {  	v6 =	vld [tilespmem:$0x3430];
	v0 =	vadd.s32 v0, v3  }
0x68: {  	v3 =	vld [tilespmem:s8+$0xFFFFFFF0];
	[tilespmem:s5+$0x0] =	vst v0  }
0x69: {  	v10 =	vld [tilespmem:$0x3470]  }
.Ltmp0:
0x6a: {  	s8 =	sadd.s32 $0xD0, s8;
	v4 =	vld [tilespmem:s7+$0xFFFFFFE0];
	(pc) =	sbr.rel @p0 .LBB2_2-.Ltmp0, $4  }
0x6b: {  	v7 =	vld [tilespmem:s8+$0xFFFFFFA0];
	v0 =	vadd.s32 v5, v1  }
0x6c: {  	v1 =	vadd.s32 v9, v6;
	[tilespmem:s4+$0x40] =	vst v0;
	v0 =	vld [tilespmem:s4+$0x50]  }
0x6d: {  	[tilespmem:s7+$0xFFFFFFD0] =	vst v1;
	v1 =	vld [tilespmem:$0x34B0]  }
0x6e: {  	s13 =	sadd.s32 $0xD0, s13;
	v6 =	vld [tilespmem:$0x3440];
	v5 =	vadd.s32 v8, v10  }
0x6f: {  	_ = 	snop  }
0x70: {  	v2 =	vadd.s32 v7, v2  }
0x71: {  	v8 =	vld [tilespmem:s8+$0xFFFFFFB0];
	[tilespmem:s8+$0xFFFFFFA0] =	vst v2  }
0x72: {  	v2 =	vld [tilespmem:$0x3410];
	_ =	sdelay $0x4  }
0x73: {  	v2 =	vadd.s32 v8, v2  }
0x74: {  	v27 =	vld [tilespmem:s8+$0xFFFFFFC0];
	[tilespmem:s8+$0xFFFFFFB0] =	vst v2  }
0x75: {  	v2 =	vld [tilespmem:$0x3420];
	_ =	sdelay $0x4  }
0x76: {  	v2 =	vadd.s32 v27, v2  }
0x77: {  	v28 =	vld [tilespmem:s8+$0xFFFFFFD0];
	[tilespmem:s8+$0xFFFFFFC0] =	vst v2  }
0x78: {  	v2 =	vld [tilespmem:$0x3430];
	_ =	sdelay $0x4  }
0x79: {  	v2 =	vadd.s32 v28, v2  }
0x7a: {  	v30 =	vld [tilespmem:s8+$0xFFFFFFE0];
	[tilespmem:s8+$0xFFFFFFD0] =	vst v2  }
0x7b: {  	v2 =	vld [tilespmem:$0x3440];
	_ =	sdelay $0x2  }
0x7c: {  	v4 =	vadd.s32 v4, v6  }
0x7d: {  	[tilespmem:s7+$0xFFFFFFE0] =	vst v4  }
0x7e: {  	v4 =	vld [tilespmem:$0x3450];
	v2 =	vadd.s32 v30, v2  }
0x7f: {  	v29 =	vld [tilespmem:s8+$0xFFFFFFF0];
	[tilespmem:s8+$0xFFFFFFE0] =	vst v2  }
0x80: {  	v2 =	vld [tilespmem:$0x3450];
	_ =	sdelay $0x2  }
0x81: {  	v3 =	vadd.s32 v3, v4  }
0x82: {  	v31 =	vld [tilespmem:s7+$0x0];
	[tilespmem:s7+$0xFFFFFFF0] =	vst v3  }
0x83: {  	v32 =	vld [tilespmem:$0x3460];
	v2 =	vadd.s32 v29, v2  }
0x84: {  	v33 =	vld [tilespmem:s8+$0x0];
	[tilespmem:s8+$0xFFFFFFF0] =	vst v2  }
0x85: {  	v34 =	vld [tilespmem:$0x3460];
	_ =	sdelay $0x2  }
0x86: {  	v3 =	vadd.s32 v31, v32  }
0x87: {  	v35 =	vld [tilespmem:s7+$0x10];
	[tilespmem:s7+$0x0] =	vst v3  }
0x88: {  	v3 =	vld [tilespmem:$0x3470];
	v2 =	vadd.s32 v33, v34  }
0x89: {  	v36 =	vld [tilespmem:s8+$0x10];
	[tilespmem:s8+$0x0] =	vst v2  }
0x8a: {  	v2 =	vld [tilespmem:$0x3470];
	_ =	sdelay $0x1  }
0x8b: {  	[tilespmem:s5+$0x10] =	vst v5;
	s11 =	sand.u32 $0x3FF0, s11  }
0x8c: {  	v5 =	vld [tilespmem:s11+$0x80];
	v3 =	vadd.s32 v35, v3  }
0x8d: {  	s12 =	sand.u32 $0x3FF0, s12;
	v37 =	vld [tilespmem:$0x3480];
	[tilespmem:s7+$0x10] =	vst v3  }
0x8e: {  	v3 =	vld [tilespmem:s12+$0x80];
	v2 =	vadd.s32 v36, v2  }
0x8f: {  	s10 =	sand.u32 $0x3FF0, s10;
	v38 =	vld [tilespmem:$0x3480];
	[tilespmem:s8+$0x10] =	vst v2  }
0x90: {  	v2 =	vld [tilespmem:s10+$0x80]  }
0x91: {  	v39 =	vld [tilespmem:$0x3480]  }
0x92: {  	v5 =	vadd.s32 v5, v37  }
0x93: {  	[tilespmem:s11+$0x80] =	vst v5  }
0x94: {  	v5 =	vld [tilespmem:s5+$0x30];
	v3 =	vadd.s32 v3, v38  }
0x95: {  	v40 =	vld [tilespmem:$0x3490];
	[tilespmem:s12+$0x80] =	vst v3  }
0x96: {  	v3 =	vld [tilespmem:s7+$0x30];
	v2 =	vadd.s32 v2, v39  }
0x97: {  	v41 =	vld [tilespmem:$0x3490];
	[tilespmem:s10+$0x80] =	vst v2  }
0x98: {  	v2 =	vld [tilespmem:s8+$0x30]  }
0x99: {  	v42 =	vld [tilespmem:$0x3490]  }
0x9a: {  	v4 =	vadd.s32 v5, v40  }
0x9b: {  	v43 =	vld [tilespmem:s5+$0x40];
	[tilespmem:s5+$0x30] =	vst v4  }
0x9c: {  	v44 =	vld [tilespmem:$0x34A0];
	v3 =	vadd.s32 v3, v41  }
0x9d: {  	v45 =	vld [tilespmem:s7+$0x40];
	[tilespmem:s7+$0x30] =	vst v3  }
0x9e: {  	v46 =	vld [tilespmem:$0x34A0];
	v2 =	vadd.s32 v2, v42  }
0x9f: {  	v47 =	vld [tilespmem:s8+$0x40];
	[tilespmem:s8+$0x30] =	vst v2  }
0xa0: {  	v48 =	vld [tilespmem:$0x34A0]  }
0xa1: {  	v55 =	vld [tilespmem:s4+$0x60];
	v4 =	vadd.s32 v43, v44  }
0xa2: {  	v49 =	vld [tilespmem:s5+$0x50];
	[tilespmem:s5+$0x40] =	vst v4  }
0xa3: {  	v50 =	vld [tilespmem:$0x34B0];
	v3 =	vadd.s32 v45, v46  }
0xa4: {  	v51 =	vld [tilespmem:s7+$0x50];
	[tilespmem:s7+$0x40] =	vst v3  }
0xa5: {  	v52 =	vld [tilespmem:$0x34B0];
	v2 =	vadd.s32 v47, v48  }
0xa6: {  	v0 =	vadd.s32 v0, v1;
	v53 =	vld [tilespmem:s8+$0x50];
	[tilespmem:s8+$0x40] =	vst v2  }
0xa7: {  	[tilespmem:s4+$0x50] =	vst v0;
	v54 =	vld [tilespmem:$0x34B0]  }
0xa8: {  	v56 =	vld [tilespmem:$0x34C0];
	v4 =	vadd.s32 v49, v50  }
0xa9: {  	v57 =	vld [tilespmem:s5+$0x60];
	[tilespmem:s5+$0x50] =	vst v4  }
0xaa: {  	v58 =	vld [tilespmem:$0x34C0];
	v3 =	vadd.s32 v51, v52  }
0xab: {  	v59 =	vld [tilespmem:s7+$0x60];
	[tilespmem:s7+$0x50] =	vst v3  }
0xac: {  	v60 =	vld [tilespmem:$0x34C0];
	v0 =	vadd.s32 v53, v54  }
0xad: {  	v61 =	vld [tilespmem:s8+$0x60];
	[tilespmem:s8+$0x50] =	vst v0  }
0xae: {  	v62 =	vld [tilespmem:$0x34C0];
	_ =	sdelay $0x1  }
0xaf: {  	v63 =	vadd.s32 v57, v58  }
0xb0: {  	[tilespmem:s5+$0x60] =	vst v63;
	v1 =	vadd.s32 v59, v60  }
0xb1: {  	[tilespmem:s7+$0x60] =	vst v1;
	v2 =	vadd.s32 v55, v56  }
0xb2: {  	[tilespmem:s4+$0x60] =	vst v2;
	v0 =	vadd.s32 v61, v62  }
0xb3: {  	s13 =	simm.s32 $0x100;
	s4 =	simm.s32 $0x20;
	[tilespmem:s8+$0x60] =	vst v0;
	s8 =	simm.s32 $0x0  }
.LBB2_4:
0xb4: {  	s5 =	smul.u32 $0x680, s8  }
0xb5: {  	s10 =	simm.s32 $0xFFFFFFFC  }
0xb6: {  	s11 =	smov.u32 s4;
	s12 =	simm.s32 $0x0;
	s7 =	sshra.s32 s5, $0x2  }
.LBB2_5:
0xb7: {  	v0 =	vld [tilespmem:s11+$0xFFFFFFE0];
	_ =	sdelay $0x4  }
0xb8: {  	v0 =	vshll.u32 v0, $0x4  }
0xb9: {  	(v2sf) =	vpush v0, $0x0;
	_ =	sdelay $0x4  }
0xba: {  	(v2sf) =	vpush v0, $0x1;
	_ =	sdelay $0x2  }
0xbb: {  	s5 =	sand.u32 $0xFF, s12  }
0xbc: {  	s5 =	smul.u32 $0x4F, s5;
	_ =	sdelay $0x1  }
0xbd: {  	s16 =	sor.u32 $0x1, s12;
	s5 =	sshrl.u32 s5, $0xB  }
0xbe: {  	s17 =	sand.u32 $0xFF, s16;
	s14 =	smul.u32 $0x1A, s5  }
0xbf: {  	s17 =	smul.u32 $0x4F, s17  }
0xc0: {  	s5 =	sshll.u32 s5, $0xC;
	s14 =	ssub.s32 s12, s14;
	(v2sf) =	vpush v0, $0x2  }
0xc1: {  	s17 =	sshrl.u32 s17, $0xB;
	s14 =	sand.u32 $0xFF, s14;
	s18 =	spop (v2sf)  }
0xc2: {  	s5 =	sadd.s32 $0x3500, s5;
	s14 =	sshll.u32 s14, $0x7;
	s18 =	sand.u32 $0x1FFFFFF0, s18  }
0xc3: {  	s17 =	smul.u32 $0x1A, s17;
	s14 =	sadd.s32 s14, s5;
	s18 =	sadd.s32 s3, s18  }
0xc4: {  	[tilespmem:s14], [sflag:$0x1] =	stream.linear.gather [hbm4b:s18+s2], $0x80, $0x38;
	[tilespmem:$0x13500] =	vst v63  }
0xc5: {  	s18 =	ssub.s32 s16, s17  }
0xc6: {  	(v2sf) =	vpush v0, $0x3;
	s19 =	spop (v2sf);
	s17 =	sor.u32 $0x2, s12;
	s14 =	sand.u32 $0xFF, s18  }
0xc7: {  	s16 =	sand.u32 $0x1FFFFFF0, s19;
	s20 =	sand.u32 $0xFF, s17;
	s14 =	sshll.u32 s14, $0x7  }
0xc8: {  	s16 =	sadd.s32 s3, s16;
	s19 =	smul.u32 $0x4F, s20;
	s5 =	sadd.s32 s14, s5  }
0xc9: {  	[tilespmem:s5], [sflag:$0x1] =	stream.linear.gather [hbm4b:s16+s2], $0x80, $0x38;
	[tilespmem:$0x13500] =	vst v63  }
0xca: {  	s20 =	sshrl.u32 s19, $0xB  }
0xcb: {  	s18 =	smul.u32 $0x1A, s20  }
0xcc: {  	s16 =	sor.u32 $0x3, s12  }
0xcd: {  	s19 =	sand.u32 $0xFF, s16;
	s14 =	ssub.s32 s17, s18  }
0xce: {  	s17 =	smul.u32 $0x4F, s19;
	s14 =	sand.u32 $0xFF, s14  }
0xcf: {  	(v2sf) =	vpush v0, $0x4;
	s5 =	sshll.u32 s20, $0xC;
	s20 =	spop (v2sf);
	s14 =	sshll.u32 s14, $0x7  }
0xd0: {  	s19 =	sand.u32 $0x1FFFFFF0, s20;
	s17 =	sshrl.u32 s17, $0xB;
	s5 =	sor.u32 s14, s5  }
0xd1: {  	s14 =	sadd.s32 s3, s19;
	s20 =	smul.u32 $0x1A, s17;
	s5 =	sadd.s32 $0x3500, s5  }
0xd2: {  	[tilespmem:s5], [sflag:$0x1] =	stream.linear.gather [hbm4b:s14+s2], $0x80, $0x38;
	[tilespmem:$0x13500] =	vst v63  }
0xd3: {  	s18 =	ssub.s32 s16, s20  }
0xd4: {  	s19 =	sshll.u32 s17, $0xC;
	s5 =	sand.u32 $0xFF, s18  }
0xd5: {  	s17 =	sor.u32 $0x4, s12;
	s20 =	spop (v2sf);
	(v2sf) =	vpush v0, $0x5;
	s5 =	sshll.u32 s5, $0x7  }
0xd6: {  	s18 =	sand.u32 $0x1FFFFFF0, s20;
	s5 =	sor.u32 s5, s19;
	s19 =	sand.u32 $0xFF, s17  }
0xd7: {  	s14 =	sadd.s32 s3, s18;
	s5 =	sadd.s32 $0x3500, s5;
	s16 =	smul.u32 $0x4F, s19  }
0xd8: {  	[tilespmem:s5], [sflag:$0x1] =	stream.linear.gather [hbm4b:s14+s2], $0x80, $0x38;
	[tilespmem:$0x13500] =	vst v63  }
0xd9: {  	s20 =	sshrl.u32 s16, $0xB  }
0xda: {  	s18 =	smul.u32 $0x1A, s20  }
0xdb: {  	s16 =	sor.u32 $0x5, s12  }
0xdc: {  	s19 =	sand.u32 $0xFF, s16;
	s14 =	ssub.s32 s17, s18  }
0xdd: {  	s17 =	smul.u32 $0x4F, s19;
	s14 =	sand.u32 $0xFF, s14  }
0xde: {  	s5 =	sshll.u32 s20, $0xC;
	s20 =	spop (v2sf);
	(v2sf) =	vpush v0, $0x6;
	s14 =	sshll.u32 s14, $0x7  }
0xdf: {  	s19 =	sand.u32 $0x1FFFFFF0, s20;
	s17 =	sshrl.u32 s17, $0xB;
	s5 =	sor.u32 s14, s5  }
0xe0: {  	s14 =	sadd.s32 s3, s19;
	s20 =	smul.u32 $0x1A, s17;
	s5 =	sadd.s32 $0x3500, s5  }
0xe1: {  	[tilespmem:s5], [sflag:$0x1] =	stream.linear.gather [hbm4b:s14+s2], $0x80, $0x38;
	[tilespmem:$0x13500] =	vst v63  }
0xe2: {  	s18 =	ssub.s32 s16, s20  }
0xe3: {  	s19 =	sshll.u32 s17, $0xC;
	s5 =	sand.u32 $0xFF, s18  }
0xe4: {  	s17 =	sor.u32 $0x6, s12;
	s20 =	spop (v2sf);
	(v2sf) =	vpush v0, $0x7;
	s5 =	sshll.u32 s5, $0x7  }
0xe5: {  	s18 =	sand.u32 $0x1FFFFFF0, s20;
	s5 =	sor.u32 s5, s19;
	s19 =	sand.u32 $0xFF, s17  }
0xe6: {  	s14 =	sadd.s32 s3, s18;
	s5 =	sadd.s32 $0x3500, s5;
	s16 =	smul.u32 $0x4F, s19  }
0xe7: {  	[tilespmem:s5], [sflag:$0x1] =	stream.linear.gather [hbm4b:s14+s2], $0x80, $0x38;
	[tilespmem:$0x13500] =	vst v63  }
0xe8: {  	s20 =	sshrl.u32 s16, $0xB  }
0xe9: {  	s18 =	smul.u32 $0x1A, s20  }
0xea: {  	s16 =	sor.u32 $0x7, s12  }
0xeb: {  	s19 =	sand.u32 $0xFF, s16;
	s14 =	ssub.s32 s17, s18  }
0xec: {  	s17 =	smul.u32 $0x4F, s19;
	s14 =	sand.u32 $0xFF, s14  }
0xed: {  	s5 =	sshll.u32 s20, $0xC;
	s20 =	spop (v2sf);
	(v2sf) =	vpush v0, $0x8;
	s14 =	sshll.u32 s14, $0x7  }
0xee: {  	s19 =	sand.u32 $0x1FFFFFF0, s20;
	s17 =	sshrl.u32 s17, $0xB;
	s5 =	sor.u32 s14, s5  }
0xef: {  	s14 =	sadd.s32 s3, s19;
	s20 =	smul.u32 $0x1A, s17;
	s5 =	sadd.s32 $0x3500, s5  }
0xf0: {  	[tilespmem:s5], [sflag:$0x1] =	stream.linear.gather [hbm4b:s14+s2], $0x80, $0x38;
	[tilespmem:$0x13500] =	vst v63  }
0xf1: {  	s18 =	ssub.s32 s16, s20  }
0xf2: {  	s19 =	sshll.u32 s17, $0xC;
	s5 =	sand.u32 $0xFF, s18  }
0xf3: {  	s17 =	sor.u32 $0x8, s12;
	s5 =	sshll.u32 s5, $0x7;
	s20 =	spop (v2sf);
	(v2sf) =	vpush v0, $0x9  }
0xf4: {  	s5 =	sor.u32 s5, s19;
	s18 =	sand.u32 $0x1FFFFFF0, s20;
	s19 =	sand.u32 $0xFF, s17  }
0xf5: {  	s5 =	sadd.s32 $0x3500, s5;
	s14 =	sadd.s32 s3, s18;
	s16 =	smul.u32 $0x4F, s19  }
0xf6: {  	[tilespmem:s5], [sflag:$0x1] =	stream.linear.gather [hbm4b:s14+s2], $0x80, $0x38;
	[tilespmem:$0x13500] =	vst v63  }
0xf7: {  	s20 =	sshrl.u32 s16, $0xB  }
0xf8: {  	s18 =	smul.u32 $0x1A, s20  }
0xf9: {  	s16 =	sor.u32 $0x9, s12  }
0xfa: {  	s19 =	sand.u32 $0xFF, s16;
	s14 =	ssub.s32 s17, s18  }
0xfb: {  	s17 =	smul.u32 $0x4F, s19;
	s14 =	sand.u32 $0xFF, s14  }
0xfc: {  	s5 =	sshll.u32 s20, $0xC;
	s20 =	spop (v2sf);
	(v2sf) =	vpush v0, $0xA;
	s14 =	sshll.u32 s14, $0x7  }
0xfd: {  	s19 =	sand.u32 $0x1FFFFFF0, s20;
	s17 =	sshrl.u32 s17, $0xB;
	s5 =	sor.u32 s14, s5  }
0xfe: {  	s14 =	sadd.s32 s3, s19;
	s20 =	smul.u32 $0x1A, s17;
	s5 =	sadd.s32 $0x3500, s5  }
0xff: {  	[tilespmem:s5], [sflag:$0x1] =	stream.linear.gather [hbm4b:s14+s2], $0x80, $0x38;
	[tilespmem:$0x13500] =	vst v63  }
0x100: {  	s18 =	ssub.s32 s16, s20  }
0x101: {  	s19 =	sshll.u32 s17, $0xC;
	s5 =	sand.u32 $0xFF, s18  }
0x102: {  	s17 =	sor.u32 $0xA, s12;
	s5 =	sshll.u32 s5, $0x7;
	s20 =	spop (v2sf);
	(v2sf) =	vpush v0, $0xB  }
0x103: {  	s5 =	sor.u32 s5, s19;
	s19 =	sand.u32 $0xFF, s17;
	s18 =	sand.u32 $0x1FFFFFF0, s20  }
0x104: {  	s5 =	sadd.s32 $0x3500, s5;
	s16 =	smul.u32 $0x4F, s19;
	s14 =	sadd.s32 s3, s18  }
0x105: {  	[tilespmem:s5], [sflag:$0x1] =	stream.linear.gather [hbm4b:s14+s2], $0x80, $0x38;
	[tilespmem:$0x13500] =	vst v63  }
0x106: {  	s20 =	sshrl.u32 s16, $0xB  }
0x107: {  	s18 =	smul.u32 $0x1A, s20  }
0x108: {  	s16 =	sor.u32 $0xB, s12  }
0x109: {  	s19 =	sand.u32 $0xFF, s16;
	s14 =	ssub.s32 s17, s18  }
0x10a: {  	s17 =	smul.u32 $0x4F, s19;
	s14 =	sand.u32 $0xFF, s14  }
0x10b: {  	s5 =	sshll.u32 s20, $0xC;
	s20 =	spop (v2sf);
	(v2sf) =	vpush v0, $0xC;
	s14 =	sshll.u32 s14, $0x7  }
0x10c: {  	s19 =	sand.u32 $0x1FFFFFF0, s20;
	s17 =	sshrl.u32 s17, $0xB;
	s5 =	sor.u32 s14, s5  }
0x10d: {  	s14 =	sadd.s32 s3, s19;
	s20 =	smul.u32 $0x1A, s17;
	s5 =	sadd.s32 $0x3500, s5  }
0x10e: {  	[tilespmem:s5], [sflag:$0x1] =	stream.linear.gather [hbm4b:s14+s2], $0x80, $0x38;
	[tilespmem:$0x13500] =	vst v63  }
0x10f: {  	s18 =	ssub.s32 s16, s20  }
0x110: {  	s19 =	sshll.u32 s17, $0xC;
	s5 =	sand.u32 $0xFF, s18  }
0x111: {  	s17 =	sor.u32 $0xC, s12;
	s5 =	sshll.u32 s5, $0x7;
	s20 =	spop (v2sf);
	(v2sf) =	vpush v0, $0xD  }
0x112: {  	s5 =	sor.u32 s5, s19;
	s19 =	sand.u32 $0xFF, s17  }
0x113: {  	s16 =	smul.u32 $0x4F, s19;
	_ =	sdelay $0x1  }
0x114: {  	s5 =	sadd.s32 $0x3500, s5;
	s18 =	sand.u32 $0x1FFFFFF0, s20;
	s20 =	sshrl.u32 s16, $0xB  }
0x115: {  	s14 =	sadd.s32 s3, s18;
	s16 =	sor.u32 $0xD, s12;
	s18 =	smul.u32 $0x1A, s20  }
0x116: {  	[tilespmem:s5], [sflag:$0x1] =	stream.linear.gather [hbm4b:s14+s2], $0x80, $0x38;
	[tilespmem:$0x13500] =	vst v63  }
0x117: {  	s19 =	sand.u32 $0xFF, s16;
	s14 =	ssub.s32 s17, s18  }
0x118: {  	s17 =	smul.u32 $0x4F, s19;
	s14 =	sand.u32 $0xFF, s14  }
0x119: {  	s5 =	sshll.u32 s20, $0xC;
	s14 =	sshll.u32 s14, $0x7;
	s20 =	spop (v2sf);
	(v2sf) =	vpush v0, $0xE  }
0x11a: {  	s17 =	sshrl.u32 s17, $0xB;
	s5 =	sor.u32 s14, s5;
	s19 =	sand.u32 $0x1FFFFFF0, s20  }
0x11b: {  	s20 =	smul.u32 $0x1A, s17;
	s5 =	sadd.s32 $0x3500, s5;
	s14 =	sadd.s32 s3, s19  }
0x11c: {  	[tilespmem:s5], [sflag:$0x1] =	stream.linear.gather [hbm4b:s14+s2], $0x80, $0x38;
	[tilespmem:$0x13500] =	vst v63  }
0x11d: {  	s18 =	ssub.s32 s16, s20  }
0x11e: {  	s19 =	sshll.u32 s17, $0xC;
	s5 =	sand.u32 $0xFF, s18  }
0x11f: {  	s17 =	sor.u32 $0xE, s12;
	s5 =	sshll.u32 s5, $0x7;
	s20 =	spop (v2sf);
	(v2sf) =	vpush v0, $0xF  }
0x120: {  	s5 =	sor.u32 s5, s19;
	s19 =	sand.u32 $0xFF, s17  }
0x121: {  	s16 =	smul.u32 $0x4F, s19;
	_ =	sdelay $0x1  }
0x122: {  	s5 =	sadd.s32 $0x3500, s5;
	s18 =	sand.u32 $0x1FFFFFF0, s20;
	s20 =	sshrl.u32 s16, $0xB  }
0x123: {  	s16 =	sor.u32 $0xF, s12;
	s14 =	sadd.s32 s3, s18;
	s18 =	smul.u32 $0x1A, s20  }
0x124: {  	[tilespmem:s5], [sflag:$0x1] =	stream.linear.gather [hbm4b:s14+s2], $0x80, $0x38;
	[tilespmem:$0x13500] =	vst v63  }
0x125: {  	s19 =	sand.u32 $0xFF, s16;
	s14 =	ssub.s32 s17, s18  }
0x126: {  	s17 =	smul.u32 $0x4F, s19;
	s14 =	sand.u32 $0xFF, s14  }
0x127: {  	s5 =	sshll.u32 s20, $0xC;
	s14 =	sshll.u32 s14, $0x7;
	s20 =	spop (v2sf)  }
0x128: {  	s17 =	sshrl.u32 s17, $0xB;
	s5 =	sor.u32 s14, s5;
	s19 =	sand.u32 $0x1FFFFFF0, s20  }
0x129: {  	s5 =	sadd.s32 $0x3500, s5;
	s20 =	smul.u32 $0x1A, s17;
	s14 =	sadd.s32 s3, s19  }
0x12a: {  	[tilespmem:s5], [sflag:$0x1] =	stream.linear.gather [hbm4b:s14+s2], $0x80, $0x38;
	[tilespmem:$0x13500] =	vst v63  }
0x12b: {  	s18 =	ssub.s32 s16, s20  }
0x12c: {  	s5 =	sand.u32 $0xFF, s18  }
0x12d: {  	s19 =	sshll.u32 s17, $0xC;
	s5 =	sshll.u32 s5, $0x7;
	s20 =	spop (v2sf)  }
0x12e: {  	s5 =	sor.u32 s5, s19;
	s17 =	sand.u32 $0x1FFFFFF0, s20  }
0x12f: {  	s5 =	sadd.s32 $0x3500, s5;
	s14 =	sadd.s32 s3, s17  }
0x130: {  	[tilespmem:s5], [sflag:$0x1] =	stream.linear.gather [hbm4b:s14+s2], $0x80, $0x38;
	[tilespmem:$0x13500] =	vst v63  }
0x131: {  	v61 =	vld [tilespmem:s11+$0xFFFFFFF0];
	_ =	sdelay $0x4  }
0x132: {  	v0 =	vshll.u32 v61, $0x4  }
0x133: {  	(v2sf) =	vpush v0, $0x0;
	_ =	sdelay $0x4  }
0x134: {  	(v2sf) =	vpush v0, $0x1  }
0x135: {  	s5 =	smul.u32 $0x4F, s12;
	_ =	sdelay $0x1  }
0x136: {  	s18 =	sadd.s32 $0x4F0, s5  }
0x137: {  	s19 =	sshrl.u32 s18, $0xB  }
0x138: {  	s16 =	sand.u32 $0x1F, s19  }
0x139: {  	s17 =	sor.u32 $0x11, s12;
	s16 =	smul.u32 $0x1A, s16  }
0x13a: {  	s20 =	sand.u32 $0xFF, s17  }
0x13b: {  	s14 =	sshll.u32 s18, $0x1;
	s18 =	smul.u32 $0x4F, s20;
	s16 =	ssub.s32 s12, s16  }
0x13c: {  	s16 =	sadd.s32 $0x10, s16  }
0x13d: {  	s18 =	sshrl.u32 s18, $0xB;
	s16 =	sand.u32 $0xFF, s16;
	s19 =	spop (v2sf);
	(v2sf) =	vpush v0, $0x2  }
0x13e: {  	s14 =	sand.u32 $0x1F000, s14;
	s20 =	smul.u32 $0x1A, s18;
	s16 =	sshll.u32 s16, $0x7  }
0x13f: {  	s14 =	sor.u32 s16, s14;
	s19 =	sand.u32 $0x1FFFFFF0, s19  }
0x140: {  	s17 =	ssub.s32 s17, s20;
	s14 =	sadd.s32 $0x3500, s14;
	s16 =	sadd.s32 s3, s19  }
0x141: {  	[tilespmem:s14], [sflag:$0x1] =	stream.linear.gather [hbm4b:s16+s2], $0x80, $0x38;
	[tilespmem:$0x13500] =	vst v63  }
0x142: {  	s20 =	spop (v2sf);
	s14 =	sand.u32 $0xFF, s17  }
0x143: {  	(v2sf) =	vpush v0, $0x3;
	s19 =	sshll.u32 s18, $0xC;
	s18 =	sor.u32 $0x12, s12;
	s14 =	sshll.u32 s14, $0x7  }
0x144: {  	s17 =	sand.u32 $0x1FFFFFF0, s20;
	s14 =	sor.u32 s14, s19;
	s19 =	sand.u32 $0xFF, s18  }
0x145: {  	s16 =	sadd.s32 s3, s17;
	s14 =	sadd.s32 $0x3500, s14;
	s17 =	smul.u32 $0x4F, s19  }
0x146: {  	[tilespmem:s14], [sflag:$0x1] =	stream.linear.gather [hbm4b:s16+s2], $0x80, $0x38;
	[tilespmem:$0x13500] =	vst v63  }
0x147: {  	s14 =	sshrl.u32 s17, $0xB  }
0x148: {  	s20 =	smul.u32 $0x1A, s14  }
0x149: {  	s17 =	sor.u32 $0x13, s12  }
0x14a: {  	s19 =	sand.u32 $0xFF, s17;
	s16 =	ssub.s32 s18, s20  }
0x14b: {  	s18 =	smul.u32 $0x4F, s19;
	s16 =	sand.u32 $0xFF, s16  }
0x14c: {  	s14 =	sshll.u32 s14, $0xC;
	s16 =	sshll.u32 s16, $0x7;
	s20 =	spop (v2sf);
	(v2sf) =	vpush v0, $0x4  }
0x14d: {  	s18 =	sshrl.u32 s18, $0xB;
	s14 =	sor.u32 s16, s14;
	s19 =	sand.u32 $0x1FFFFFF0, s20  }
0x14e: {  	s14 =	sadd.s32 $0x3500, s14;
	s20 =	smul.u32 $0x1A, s18;
	s16 =	sadd.s32 s3, s19  }
0x14f: {  	[tilespmem:s14], [sflag:$0x1] =	stream.linear.gather [hbm4b:s16+s2], $0x80, $0x38;
	[tilespmem:$0x13500] =	vst v63  }
0x150: {  	s17 =	ssub.s32 s17, s20  }
0x151: {  	s19 =	sshll.u32 s18, $0xC;
	s14 =	sand.u32 $0xFF, s17  }
0x152: {  	s18 =	sor.u32 $0x14, s12;
	s20 =	spop (v2sf);
	(v2sf) =	vpush v0, $0x5;
	s14 =	sshll.u32 s14, $0x7  }
0x153: {  	s17 =	sand.u32 $0x1FFFFFF0, s20;
	s14 =	sor.u32 s14, s19;
	s19 =	sand.u32 $0xFF, s18  }
0x154: {  	s16 =	sadd.s32 s3, s17;
	s14 =	sadd.s32 $0x3500, s14;
	s17 =	smul.u32 $0x4F, s19  }
0x155: {  	[tilespmem:s14], [sflag:$0x1] =	stream.linear.gather [hbm4b:s16+s2], $0x80, $0x38;
	[tilespmem:$0x13500] =	vst v63  }
0x156: {  	s14 =	sshrl.u32 s17, $0xB  }
0x157: {  	s20 =	smul.u32 $0x1A, s14  }
0x158: {  	s17 =	sor.u32 $0x15, s12  }
0x159: {  	s19 =	sand.u32 $0xFF, s17;
	s16 =	ssub.s32 s18, s20  }
0x15a: {  	s18 =	smul.u32 $0x4F, s19;
	s16 =	sand.u32 $0xFF, s16  }
0x15b: {  	s14 =	sshll.u32 s14, $0xC;
	s16 =	sshll.u32 s16, $0x7;
	s20 =	spop (v2sf);
	(v2sf) =	vpush v0, $0x6  }
0x15c: {  	s18 =	sshrl.u32 s18, $0xB;
	s14 =	sor.u32 s16, s14;
	s19 =	sand.u32 $0x1FFFFFF0, s20  }
0x15d: {  	s14 =	sadd.s32 $0x3500, s14;
	s20 =	smul.u32 $0x1A, s18;
	s16 =	sadd.s32 s3, s19  }
0x15e: {  	[tilespmem:s14], [sflag:$0x1] =	stream.linear.gather [hbm4b:s16+s2], $0x80, $0x38;
	[tilespmem:$0x13500] =	vst v63  }
0x15f: {  	s17 =	ssub.s32 s17, s20  }
0x160: {  	s19 =	sshll.u32 s18, $0xC;
	s14 =	sand.u32 $0xFF, s17  }
0x161: {  	s18 =	sor.u32 $0x16, s12;
	s20 =	spop (v2sf);
	(v2sf) =	vpush v0, $0x7;
	s14 =	sshll.u32 s14, $0x7  }
0x162: {  	s17 =	sand.u32 $0x1FFFFFF0, s20;
	s14 =	sor.u32 s14, s19;
	s19 =	sand.u32 $0xFF, s18  }
0x163: {  	s16 =	sadd.s32 s3, s17;
	s14 =	sadd.s32 $0x3500, s14;
	s17 =	smul.u32 $0x4F, s19  }
0x164: {  	[tilespmem:s14], [sflag:$0x1] =	stream.linear.gather [hbm4b:s16+s2], $0x80, $0x38;
	[tilespmem:$0x13500] =	vst v63  }
0x165: {  	s14 =	sshrl.u32 s17, $0xB  }
0x166: {  	s20 =	smul.u32 $0x1A, s14  }
0x167: {  	s17 =	sor.u32 $0x17, s12  }
0x168: {  	s19 =	sand.u32 $0xFF, s17;
	s16 =	ssub.s32 s18, s20  }
0x169: {  	s18 =	smul.u32 $0x4F, s19;
	s16 =	sand.u32 $0xFF, s16  }
0x16a: {  	s14 =	sshll.u32 s14, $0xC;
	s16 =	sshll.u32 s16, $0x7;
	s20 =	spop (v2sf);
	(v2sf) =	vpush v0, $0x8  }
0x16b: {  	s18 =	sshrl.u32 s18, $0xB;
	s14 =	sor.u32 s16, s14;
	s19 =	sand.u32 $0x1FFFFFF0, s20  }
0x16c: {  	s14 =	sadd.s32 $0x3500, s14;
	s20 =	smul.u32 $0x1A, s18;
	s16 =	sadd.s32 s3, s19  }
0x16d: {  	[tilespmem:s14], [sflag:$0x1] =	stream.linear.gather [hbm4b:s16+s2], $0x80, $0x38;
	[tilespmem:$0x13500] =	vst v63  }
0x16e: {  	s17 =	ssub.s32 s17, s20  }
0x16f: {  	s19 =	sshll.u32 s18, $0xC;
	s14 =	sand.u32 $0xFF, s17  }
0x170: {  	s18 =	sor.u32 $0x18, s12;
	s20 =	spop (v2sf);
	(v2sf) =	vpush v0, $0x9;
	s14 =	sshll.u32 s14, $0x7  }
0x171: {  	s17 =	sand.u32 $0x1FFFFFF0, s20;
	s14 =	sor.u32 s14, s19;
	s19 =	sand.u32 $0xFF, s18  }
0x172: {  	s16 =	sadd.s32 s3, s17;
	s14 =	sadd.s32 $0x3500, s14;
	s17 =	smul.u32 $0x4F, s19  }
0x173: {  	[tilespmem:s14], [sflag:$0x1] =	stream.linear.gather [hbm4b:s16+s2], $0x80, $0x38;
	[tilespmem:$0x13500] =	vst v63  }
0x174: {  	s14 =	sshrl.u32 s17, $0xB  }
0x175: {  	s20 =	smul.u32 $0x1A, s14  }
0x176: {  	s17 =	sor.u32 $0x19, s12  }
0x177: {  	s19 =	sand.u32 $0xFF, s17;
	s16 =	ssub.s32 s18, s20  }
0x178: {  	s18 =	smul.u32 $0x4F, s19;
	s16 =	sand.u32 $0xFF, s16  }
0x179: {  	s14 =	sshll.u32 s14, $0xC;
	s16 =	sshll.u32 s16, $0x7;
	s20 =	spop (v2sf);
	(v2sf) =	vpush v0, $0xA  }
0x17a: {  	s18 =	sshrl.u32 s18, $0xB;
	s14 =	sor.u32 s16, s14;
	s19 =	sand.u32 $0x1FFFFFF0, s20  }
0x17b: {  	s14 =	sadd.s32 $0x3500, s14;
	s20 =	smul.u32 $0x1A, s18;
	s16 =	sadd.s32 s3, s19  }
0x17c: {  	[tilespmem:s14], [sflag:$0x1] =	stream.linear.gather [hbm4b:s16+s2], $0x80, $0x38;
	[tilespmem:$0x13500] =	vst v63  }
0x17d: {  	s17 =	ssub.s32 s17, s20  }
0x17e: {  	s19 =	sshll.u32 s18, $0xC;
	s14 =	sand.u32 $0xFF, s17  }
0x17f: {  	s18 =	sor.u32 $0x1A, s12;
	s20 =	spop (v2sf);
	(v2sf) =	vpush v0, $0xB;
	s14 =	sshll.u32 s14, $0x7  }
0x180: {  	s17 =	sand.u32 $0x1FFFFFF0, s20;
	s14 =	sor.u32 s14, s19;
	s19 =	sand.u32 $0xFF, s18  }
0x181: {  	s16 =	sadd.s32 s3, s17;
	s14 =	sadd.s32 $0x3500, s14;
	s17 =	smul.u32 $0x4F, s19  }
0x182: {  	[tilespmem:s14], [sflag:$0x1] =	stream.linear.gather [hbm4b:s16+s2], $0x80, $0x38;
	[tilespmem:$0x13500] =	vst v63  }
0x183: {  	s14 =	sshrl.u32 s17, $0xB  }
0x184: {  	s20 =	smul.u32 $0x1A, s14  }
0x185: {  	s17 =	sor.u32 $0x1B, s12  }
0x186: {  	s19 =	sand.u32 $0xFF, s17;
	s16 =	ssub.s32 s18, s20  }
0x187: {  	s18 =	smul.u32 $0x4F, s19;
	s16 =	sand.u32 $0xFF, s16  }
0x188: {  	s14 =	sshll.u32 s14, $0xC;
	s16 =	sshll.u32 s16, $0x7;
	s20 =	spop (v2sf);
	(v2sf) =	vpush v0, $0xC  }
0x189: {  	s18 =	sshrl.u32 s18, $0xB;
	s14 =	sor.u32 s16, s14;
	s19 =	sand.u32 $0x1FFFFFF0, s20  }
0x18a: {  	s14 =	sadd.s32 $0x3500, s14;
	s20 =	smul.u32 $0x1A, s18;
	s16 =	sadd.s32 s3, s19  }
0x18b: {  	[tilespmem:s14], [sflag:$0x1] =	stream.linear.gather [hbm4b:s16+s2], $0x80, $0x38;
	[tilespmem:$0x13500] =	vst v63  }
0x18c: {  	s17 =	ssub.s32 s17, s20  }
0x18d: {  	s19 =	sshll.u32 s18, $0xC;
	s14 =	sand.u32 $0xFF, s17  }
0x18e: {  	s18 =	sor.u32 $0x1C, s12;
	s20 =	spop (v2sf);
	(v2sf) =	vpush v0, $0xD;
	s14 =	sshll.u32 s14, $0x7  }
0x18f: {  	s17 =	sand.u32 $0x1FFFFFF0, s20;
	s14 =	sor.u32 s14, s19;
	s19 =	sand.u32 $0xFF, s18  }
0x190: {  	s16 =	sadd.s32 s3, s17;
	s14 =	sadd.s32 $0x3500, s14;
	s17 =	smul.u32 $0x4F, s19  }
0x191: {  	[tilespmem:s14], [sflag:$0x1] =	stream.linear.gather [hbm4b:s16+s2], $0x80, $0x38;
	[tilespmem:$0x13500] =	vst v63  }
0x192: {  	s14 =	sshrl.u32 s17, $0xB  }
0x193: {  	s20 =	smul.u32 $0x1A, s14  }
0x194: {  	s17 =	sor.u32 $0x1D, s12  }
0x195: {  	s19 =	sand.u32 $0xFF, s17;
	s16 =	ssub.s32 s18, s20  }
0x196: {  	s18 =	smul.u32 $0x4F, s19;
	s16 =	sand.u32 $0xFF, s16  }
0x197: {  	s14 =	sshll.u32 s14, $0xC;
	s16 =	sshll.u32 s16, $0x7;
	s20 =	spop (v2sf);
	(v2sf) =	vpush v0, $0xE  }
0x198: {  	s18 =	sshrl.u32 s18, $0xB;
	s14 =	sor.u32 s16, s14;
	s19 =	sand.u32 $0x1FFFFFF0, s20  }
0x199: {  	s14 =	sadd.s32 $0x3500, s14;
	s20 =	smul.u32 $0x1A, s18;
	s16 =	sadd.s32 s3, s19  }
0x19a: {  	[tilespmem:s14], [sflag:$0x1] =	stream.linear.gather [hbm4b:s16+s2], $0x80, $0x38;
	[tilespmem:$0x13500] =	vst v63  }
0x19b: {  	s17 =	ssub.s32 s17, s20  }
0x19c: {  	s19 =	sshll.u32 s18, $0xC;
	s14 =	sand.u32 $0xFF, s17  }
0x19d: {  	s18 =	sor.u32 $0x1E, s12;
	s20 =	spop (v2sf);
	(v2sf) =	vpush v0, $0xF;
	s14 =	sshll.u32 s14, $0x7  }
0x19e: {  	s17 =	sand.u32 $0x1FFFFFF0, s20;
	s14 =	sor.u32 s14, s19;
	s19 =	sand.u32 $0xFF, s18  }
0x19f: {  	s16 =	sadd.s32 s3, s17;
	s14 =	sadd.s32 $0x3500, s14;
	s17 =	smul.u32 $0x4F, s19  }
0x1a0: {  	[tilespmem:s14], [sflag:$0x1] =	stream.linear.gather [hbm4b:s16+s2], $0x80, $0x38;
	[tilespmem:$0x13500] =	vst v63  }
0x1a1: {  	s14 =	sshrl.u32 s17, $0xB  }
0x1a2: {  	s20 =	smul.u32 $0x1A, s14  }
0x1a3: {  	s17 =	sor.u32 $0x1F, s12  }
0x1a4: {  	s19 =	sand.u32 $0xFF, s17;
	s16 =	ssub.s32 s18, s20  }
0x1a5: {  	s18 =	smul.u32 $0x4F, s19;
	s16 =	sand.u32 $0xFF, s16  }
0x1a6: {  	s14 =	sshll.u32 s14, $0xC;
	s16 =	sshll.u32 s16, $0x7;
	s20 =	spop (v2sf)  }
0x1a7: {  	s18 =	sshrl.u32 s18, $0xB;
	s14 =	sor.u32 s16, s14;
	s19 =	sand.u32 $0x1FFFFFF0, s20  }
0x1a8: {  	s14 =	sadd.s32 $0x3500, s14;
	s20 =	smul.u32 $0x1A, s18;
	s16 =	sadd.s32 s3, s19  }
0x1a9: {  	[tilespmem:s14], [sflag:$0x1] =	stream.linear.gather [hbm4b:s16+s2], $0x80, $0x38;
	[tilespmem:$0x13500] =	vst v63  }
0x1aa: {  	s16 =	ssub.s32 s17, s20  }
0x1ab: {  	s14 =	sand.u32 $0xFF, s16  }
0x1ac: {  	s17 =	sshll.u32 s18, $0xC;
	s18 =	spop (v2sf);
	s14 =	sshll.u32 s14, $0x7  }
0x1ad: {  	s19 =	sand.u32 $0x1FFFFFF0, s18;
	s14 =	sor.u32 s14, s17  }
0x1ae: {  	s16 =	sadd.s32 s3, s19;
	s14 =	sadd.s32 $0x3500, s14  }
0x1af: {  	[tilespmem:s14], [sflag:$0x1] =	stream.linear.gather [hbm4b:s16+s2], $0x80, $0x38;
	[tilespmem:$0x13500] =	vst v63  }
0x1b0: {  	v62 =	vld [tilespmem:s11+$0x0];
	_ =	sdelay $0x4  }
0x1b1: {  	v0 =	vshll.u32 v62, $0x4  }
0x1b2: {  	(v2sf) =	vpush v0, $0x0;
	_ =	sdelay $0x5  }
0x1b3: {  	(v2sf) =	vpush v0, $0x1  }
0x1b4: {  	s20 =	sadd.s32 $0x9E0, s5  }
0x1b5: {  	s18 =	sshrl.u32 s20, $0xB  }
0x1b6: {  	s16 =	sand.u32 $0x1F, s18  }
0x1b7: {  	s16 =	smul.u32 $0x1A, s16;
	_ =	sdelay $0x1  }
0x1b8: {  	s17 =	sor.u32 $0x21, s12;
	s16 =	ssub.s32 s12, s16  }
0x1b9: {  	s19 =	sand.u32 $0xFF, s17;
	s16 =	sadd.s32 $0x20, s16  }
0x1ba: {  	s14 =	sshll.u32 s20, $0x1;
	s18 =	smul.u32 $0x4F, s19;
	s16 =	sand.u32 $0xFF, s16  }
0x1bb: {  	s14 =	sand.u32 $0x1F000, s14;
	s16 =	sshll.u32 s16, $0x7;
	s20 =	spop (v2sf);
	(v2sf) =	vpush v0, $0x2  }
0x1bc: {  	s18 =	sshrl.u32 s18, $0xB;
	s14 =	sor.u32 s16, s14;
	s19 =	sand.u32 $0x1FFFFFF0, s20  }
0x1bd: {  	s14 =	sadd.s32 $0x3500, s14;
	s20 =	smul.u32 $0x1A, s18;
	s16 =	sadd.s32 s3, s19  }
0x1be: {  	[tilespmem:s14], [sflag:$0x1] =	stream.linear.gather [hbm4b:s16+s2], $0x80, $0x38;
	[tilespmem:$0x13500] =	vst v63  }
0x1bf: {  	s17 =	ssub.s32 s17, s20  }
0x1c0: {  	s19 =	sshll.u32 s18, $0xC;
	s14 =	sand.u32 $0xFF, s17  }
0x1c1: {  	s18 =	sor.u32 $0x22, s12;
	s20 =	spop (v2sf);
	(v2sf) =	vpush v0, $0x3;
	s14 =	sshll.u32 s14, $0x7  }
0x1c2: {  	s17 =	sand.u32 $0x1FFFFFF0, s20;
	s14 =	sor.u32 s14, s19;
	s19 =	sand.u32 $0xFF, s18  }
0x1c3: {  	s16 =	sadd.s32 s3, s17;
	s14 =	sadd.s32 $0x3500, s14;
	s17 =	smul.u32 $0x4F, s19  }
0x1c4: {  	[tilespmem:s14], [sflag:$0x1] =	stream.linear.gather [hbm4b:s16+s2], $0x80, $0x38;
	[tilespmem:$0x13500] =	vst v63  }
0x1c5: {  	s14 =	sshrl.u32 s17, $0xB  }
0x1c6: {  	s20 =	smul.u32 $0x1A, s14  }
0x1c7: {  	s17 =	sor.u32 $0x23, s12  }
0x1c8: {  	s19 =	sand.u32 $0xFF, s17;
	s16 =	ssub.s32 s18, s20  }
0x1c9: {  	s18 =	smul.u32 $0x4F, s19;
	s16 =	sand.u32 $0xFF, s16  }
0x1ca: {  	s14 =	sshll.u32 s14, $0xC;
	s16 =	sshll.u32 s16, $0x7;
	s20 =	spop (v2sf);
	(v2sf) =	vpush v0, $0x4  }
0x1cb: {  	s18 =	sshrl.u32 s18, $0xB;
	s14 =	sor.u32 s16, s14;
	s19 =	sand.u32 $0x1FFFFFF0, s20  }
0x1cc: {  	s14 =	sadd.s32 $0x3500, s14;
	s20 =	smul.u32 $0x1A, s18;
	s16 =	sadd.s32 s3, s19  }
0x1cd: {  	[tilespmem:s14], [sflag:$0x1] =	stream.linear.gather [hbm4b:s16+s2], $0x80, $0x38;
	[tilespmem:$0x13500] =	vst v63  }
0x1ce: {  	s17 =	ssub.s32 s17, s20  }
0x1cf: {  	s19 =	sshll.u32 s18, $0xC;
	s14 =	sand.u32 $0xFF, s17  }
0x1d0: {  	s18 =	sor.u32 $0x24, s12;
	s20 =	spop (v2sf);
	(v2sf) =	vpush v0, $0x5;
	s14 =	sshll.u32 s14, $0x7  }
0x1d1: {  	s17 =	sand.u32 $0x1FFFFFF0, s20;
	s14 =	sor.u32 s14, s19;
	s19 =	sand.u32 $0xFF, s18  }
0x1d2: {  	s16 =	sadd.s32 s3, s17;
	s14 =	sadd.s32 $0x3500, s14;
	s17 =	smul.u32 $0x4F, s19  }
0x1d3: {  	[tilespmem:s14], [sflag:$0x1] =	stream.linear.gather [hbm4b:s16+s2], $0x80, $0x38;
	[tilespmem:$0x13500] =	vst v63  }
0x1d4: {  	s14 =	sshrl.u32 s17, $0xB  }
0x1d5: {  	s20 =	smul.u32 $0x1A, s14  }
0x1d6: {  	s17 =	sor.u32 $0x25, s12  }
0x1d7: {  	s19 =	sand.u32 $0xFF, s17;
	s16 =	ssub.s32 s18, s20  }
0x1d8: {  	s18 =	smul.u32 $0x4F, s19;
	s16 =	sand.u32 $0xFF, s16  }
0x1d9: {  	s14 =	sshll.u32 s14, $0xC;
	s16 =	sshll.u32 s16, $0x7;
	s20 =	spop (v2sf);
	(v2sf) =	vpush v0, $0x6  }
0x1da: {  	s18 =	sshrl.u32 s18, $0xB;
	s14 =	sor.u32 s16, s14;
	s19 =	sand.u32 $0x1FFFFFF0, s20  }
0x1db: {  	s14 =	sadd.s32 $0x3500, s14;
	s20 =	smul.u32 $0x1A, s18;
	s16 =	sadd.s32 s3, s19  }
0x1dc: {  	[tilespmem:s14], [sflag:$0x1] =	stream.linear.gather [hbm4b:s16+s2], $0x80, $0x38;
	[tilespmem:$0x13500] =	vst v63  }
0x1dd: {  	s17 =	ssub.s32 s17, s20  }
0x1de: {  	s19 =	sshll.u32 s18, $0xC;
	s14 =	sand.u32 $0xFF, s17  }
0x1df: {  	s18 =	sor.u32 $0x26, s12;
	s20 =	spop (v2sf);
	(v2sf) =	vpush v0, $0x7;
	s14 =	sshll.u32 s14, $0x7  }
0x1e0: {  	s17 =	sand.u32 $0x1FFFFFF0, s20;
	s14 =	sor.u32 s14, s19;
	s19 =	sand.u32 $0xFF, s18  }
0x1e1: {  	s16 =	sadd.s32 s3, s17;
	s14 =	sadd.s32 $0x3500, s14;
	s17 =	smul.u32 $0x4F, s19  }
0x1e2: {  	[tilespmem:s14], [sflag:$0x1] =	stream.linear.gather [hbm4b:s16+s2], $0x80, $0x38;
	[tilespmem:$0x13500] =	vst v63  }
0x1e3: {  	s14 =	sshrl.u32 s17, $0xB  }
0x1e4: {  	s20 =	smul.u32 $0x1A, s14  }
0x1e5: {  	s17 =	sor.u32 $0x27, s12  }
0x1e6: {  	s19 =	sand.u32 $0xFF, s17;
	s16 =	ssub.s32 s18, s20  }
0x1e7: {  	s18 =	smul.u32 $0x4F, s19;
	s16 =	sand.u32 $0xFF, s16  }
0x1e8: {  	s14 =	sshll.u32 s14, $0xC;
	s16 =	sshll.u32 s16, $0x7;
	s20 =	spop (v2sf);
	(v2sf) =	vpush v0, $0x8  }
0x1e9: {  	s18 =	sshrl.u32 s18, $0xB;
	s14 =	sor.u32 s16, s14;
	s19 =	sand.u32 $0x1FFFFFF0, s20  }
0x1ea: {  	s14 =	sadd.s32 $0x3500, s14;
	s20 =	smul.u32 $0x1A, s18;
	s16 =	sadd.s32 s3, s19  }
0x1eb: {  	[tilespmem:s14], [sflag:$0x1] =	stream.linear.gather [hbm4b:s16+s2], $0x80, $0x38;
	[tilespmem:$0x13500] =	vst v63  }
0x1ec: {  	s17 =	ssub.s32 s17, s20  }
0x1ed: {  	s19 =	sshll.u32 s18, $0xC;
	s14 =	sand.u32 $0xFF, s17  }
0x1ee: {  	s18 =	sor.u32 $0x28, s12;
	s20 =	spop (v2sf);
	(v2sf) =	vpush v0, $0x9;
	s14 =	sshll.u32 s14, $0x7  }
0x1ef: {  	s17 =	sand.u32 $0x1FFFFFF0, s20;
	s14 =	sor.u32 s14, s19;
	s19 =	sand.u32 $0xFF, s18  }
0x1f0: {  	s16 =	sadd.s32 s3, s17;
	s14 =	sadd.s32 $0x3500, s14;
	s17 =	smul.u32 $0x4F, s19  }
0x1f1: {  	[tilespmem:s14], [sflag:$0x1] =	stream.linear.gather [hbm4b:s16+s2], $0x80, $0x38;
	[tilespmem:$0x13500] =	vst v63  }
0x1f2: {  	s14 =	sshrl.u32 s17, $0xB  }
0x1f3: {  	s20 =	smul.u32 $0x1A, s14  }
0x1f4: {  	s17 =	sor.u32 $0x29, s12  }
0x1f5: {  	s19 =	sand.u32 $0xFF, s17;
	s16 =	ssub.s32 s18, s20  }
0x1f6: {  	s18 =	smul.u32 $0x4F, s19;
	s16 =	sand.u32 $0xFF, s16  }
0x1f7: {  	s14 =	sshll.u32 s14, $0xC;
	s16 =	sshll.u32 s16, $0x7;
	s20 =	spop (v2sf);
	(v2sf) =	vpush v0, $0xA  }
0x1f8: {  	s18 =	sshrl.u32 s18, $0xB;
	s14 =	sor.u32 s16, s14;
	s19 =	sand.u32 $0x1FFFFFF0, s20  }
0x1f9: {  	s14 =	sadd.s32 $0x3500, s14;
	s20 =	smul.u32 $0x1A, s18;
	s16 =	sadd.s32 s3, s19  }
0x1fa: {  	[tilespmem:s14], [sflag:$0x1] =	stream.linear.gather [hbm4b:s16+s2], $0x80, $0x38;
	[tilespmem:$0x13500] =	vst v63  }
0x1fb: {  	s17 =	ssub.s32 s17, s20  }
0x1fc: {  	s19 =	sshll.u32 s18, $0xC;
	s14 =	sand.u32 $0xFF, s17  }
0x1fd: {  	s18 =	sor.u32 $0x2A, s12;
	s20 =	spop (v2sf);
	(v2sf) =	vpush v0, $0xB;
	s14 =	sshll.u32 s14, $0x7  }
0x1fe: {  	s17 =	sand.u32 $0x1FFFFFF0, s20;
	s14 =	sor.u32 s14, s19;
	s19 =	sand.u32 $0xFF, s18  }
0x1ff: {  	s16 =	sadd.s32 s3, s17;
	s14 =	sadd.s32 $0x3500, s14;
	s17 =	smul.u32 $0x4F, s19  }
0x200: {  	[tilespmem:s14], [sflag:$0x1] =	stream.linear.gather [hbm4b:s16+s2], $0x80, $0x38;
	[tilespmem:$0x13500] =	vst v63  }
0x201: {  	s14 =	sshrl.u32 s17, $0xB  }
0x202: {  	s20 =	smul.u32 $0x1A, s14  }
0x203: {  	s17 =	sor.u32 $0x2B, s12  }
0x204: {  	s19 =	sand.u32 $0xFF, s17;
	s16 =	ssub.s32 s18, s20  }
0x205: {  	s18 =	smul.u32 $0x4F, s19;
	s16 =	sand.u32 $0xFF, s16  }
0x206: {  	s14 =	sshll.u32 s14, $0xC;
	s16 =	sshll.u32 s16, $0x7;
	s20 =	spop (v2sf);
	(v2sf) =	vpush v0, $0xC  }
0x207: {  	s18 =	sshrl.u32 s18, $0xB;
	s14 =	sor.u32 s16, s14;
	s19 =	sand.u32 $0x1FFFFFF0, s20  }
0x208: {  	s14 =	sadd.s32 $0x3500, s14;
	s20 =	smul.u32 $0x1A, s18;
	s16 =	sadd.s32 s3, s19  }
0x209: {  	[tilespmem:s14], [sflag:$0x1] =	stream.linear.gather [hbm4b:s16+s2], $0x80, $0x38;
	[tilespmem:$0x13500] =	vst v63  }
0x20a: {  	s17 =	ssub.s32 s17, s20  }
0x20b: {  	s19 =	sshll.u32 s18, $0xC;
	s14 =	sand.u32 $0xFF, s17  }
0x20c: {  	s18 =	sor.u32 $0x2C, s12;
	s20 =	spop (v2sf);
	(v2sf) =	vpush v0, $0xD;
	s14 =	sshll.u32 s14, $0x7  }
0x20d: {  	s17 =	sand.u32 $0x1FFFFFF0, s20;
	s14 =	sor.u32 s14, s19;
	s19 =	sand.u32 $0xFF, s18  }
0x20e: {  	s16 =	sadd.s32 s3, s17;
	s14 =	sadd.s32 $0x3500, s14;
	s17 =	smul.u32 $0x4F, s19  }
0x20f: {  	[tilespmem:s14], [sflag:$0x1] =	stream.linear.gather [hbm4b:s16+s2], $0x80, $0x38;
	[tilespmem:$0x13500] =	vst v63  }
0x210: {  	s14 =	sshrl.u32 s17, $0xB  }
0x211: {  	s20 =	smul.u32 $0x1A, s14  }
0x212: {  	s17 =	sor.u32 $0x2D, s12  }
0x213: {  	s19 =	sand.u32 $0xFF, s17;
	s16 =	ssub.s32 s18, s20  }
0x214: {  	s18 =	smul.u32 $0x4F, s19;
	s16 =	sand.u32 $0xFF, s16  }
0x215: {  	s14 =	sshll.u32 s14, $0xC;
	s16 =	sshll.u32 s16, $0x7;
	s20 =	spop (v2sf);
	(v2sf) =	vpush v0, $0xE  }
0x216: {  	s18 =	sshrl.u32 s18, $0xB;
	s14 =	sor.u32 s16, s14;
	s19 =	sand.u32 $0x1FFFFFF0, s20  }
0x217: {  	s14 =	sadd.s32 $0x3500, s14;
	s20 =	smul.u32 $0x1A, s18;
	s16 =	sadd.s32 s3, s19  }
0x218: {  	[tilespmem:s14], [sflag:$0x1] =	stream.linear.gather [hbm4b:s16+s2], $0x80, $0x38;
	[tilespmem:$0x13500] =	vst v63  }
0x219: {  	s17 =	ssub.s32 s17, s20  }
0x21a: {  	s19 =	sshll.u32 s18, $0xC;
	s14 =	sand.u32 $0xFF, s17  }
0x21b: {  	s18 =	sor.u32 $0x2E, s12;
	s20 =	spop (v2sf);
	(v2sf) =	vpush v0, $0xF;
	s14 =	sshll.u32 s14, $0x7  }
0x21c: {  	s17 =	sand.u32 $0x1FFFFFF0, s20;
	s14 =	sor.u32 s14, s19;
	s19 =	sand.u32 $0xFF, s18  }
0x21d: {  	s16 =	sadd.s32 s3, s17;
	s14 =	sadd.s32 $0x3500, s14;
	s17 =	smul.u32 $0x4F, s19  }
0x21e: {  	[tilespmem:s14], [sflag:$0x1] =	stream.linear.gather [hbm4b:s16+s2], $0x80, $0x38;
	[tilespmem:$0x13500] =	vst v63  }
0x21f: {  	s14 =	sshrl.u32 s17, $0xB  }
0x220: {  	s20 =	smul.u32 $0x1A, s14  }
0x221: {  	s17 =	sor.u32 $0x2F, s12  }
0x222: {  	s19 =	sand.u32 $0xFF, s17;
	s16 =	ssub.s32 s18, s20  }
0x223: {  	s18 =	smul.u32 $0x4F, s19;
	s16 =	sand.u32 $0xFF, s16  }
0x224: {  	s14 =	sshll.u32 s14, $0xC;
	s16 =	sshll.u32 s16, $0x7;
	s20 =	spop (v2sf)  }
0x225: {  	s18 =	sshrl.u32 s18, $0xB;
	s14 =	sor.u32 s16, s14;
	s19 =	sand.u32 $0x1FFFFFF0, s20  }
0x226: {  	s14 =	sadd.s32 $0x3500, s14;
	s20 =	smul.u32 $0x1A, s18;
	s16 =	sadd.s32 s3, s19  }
0x227: {  	[tilespmem:s14], [sflag:$0x1] =	stream.linear.gather [hbm4b:s16+s2], $0x80, $0x38;
	[tilespmem:$0x13500] =	vst v63  }
0x228: {  	s17 =	ssub.s32 s17, s20  }
0x229: {  	s14 =	sand.u32 $0xFF, s17  }
0x22a: {  	s19 =	sshll.u32 s18, $0xC;
	s20 =	spop (v2sf);
	s14 =	sshll.u32 s14, $0x7  }
0x22b: {  	s17 =	sand.u32 $0x1FFFFFF0, s20;
	s14 =	sor.u32 s14, s19  }
0x22c: {  	s16 =	sadd.s32 s3, s17;
	s14 =	sadd.s32 $0x3500, s14  }
0x22d: {  	[tilespmem:s14], [sflag:$0x1] =	stream.linear.gather [hbm4b:s16+s2], $0x80, $0x38;
	[tilespmem:$0x13500] =	vst v63  }
0x22e: {  	v63 =	vld [tilespmem:s11+$0x10];
	_ =	sdelay $0x4  }
0x22f: {  	v0 =	vshll.u32 v63, $0x4  }
0x230: {  	(v2sf) =	vpush v0, $0x0;
	_ =	sdelay $0x5  }
0x231: {  	(v2sf) =	vpush v0, $0x1  }
0x232: {  	s5 =	sadd.s32 $0xED0, s5  }
0x233: {  	s18 =	sshrl.u32 s5, $0xB  }
0x234: {  	s14 =	sand.u32 $0x1F, s18  }
0x235: {  	s14 =	smul.u32 $0x1A, s14;
	_ =	sdelay $0x1  }
0x236: {  	s16 =	sor.u32 $0x31, s12;
	s14 =	ssub.s32 s12, s14  }
0x237: {  	s19 =	sand.u32 $0xFF, s16;
	s14 =	sadd.s32 $0x30, s14  }
0x238: {  	s5 =	sshll.u32 s5, $0x1;
	s17 =	smul.u32 $0x4F, s19;
	s14 =	sand.u32 $0xFF, s14  }
0x239: {  	s5 =	sand.u32 $0x1F000, s5;
	s14 =	sshll.u32 s14, $0x7;
	s20 =	spop (v2sf);
	(v2sf) =	vpush v0, $0x2  }
0x23a: {  	s17 =	sshrl.u32 s17, $0xB;
	s5 =	sor.u32 s14, s5;
	s19 =	sand.u32 $0x1FFFFFF0, s20  }
0x23b: {  	s5 =	sadd.s32 $0x3500, s5;
	s20 =	smul.u32 $0x1A, s17;
	s14 =	sadd.s32 s3, s19  }
0x23c: {  	[tilespmem:s5], [sflag:$0x1] =	stream.linear.gather [hbm4b:s14+s2], $0x80, $0x38;
	[tilespmem:$0x13500] =	vst v63  }
0x23d: {  	s18 =	ssub.s32 s16, s20  }
0x23e: {  	s19 =	sshll.u32 s17, $0xC;
	s5 =	sand.u32 $0xFF, s18  }
0x23f: {  	s17 =	sor.u32 $0x32, s12;
	s20 =	spop (v2sf);
	(v2sf) =	vpush v0, $0x3;
	s5 =	sshll.u32 s5, $0x7  }
0x240: {  	s18 =	sand.u32 $0x1FFFFFF0, s20;
	s5 =	sor.u32 s5, s19;
	s19 =	sand.u32 $0xFF, s17  }
0x241: {  	s14 =	sadd.s32 s3, s18;
	s5 =	sadd.s32 $0x3500, s5;
	s16 =	smul.u32 $0x4F, s19  }
0x242: {  	[tilespmem:s5], [sflag:$0x1] =	stream.linear.gather [hbm4b:s14+s2], $0x80, $0x38;
	[tilespmem:$0x13500] =	vst v63  }
0x243: {  	s20 =	sshrl.u32 s16, $0xB  }
0x244: {  	s18 =	smul.u32 $0x1A, s20  }
0x245: {  	s16 =	sor.u32 $0x33, s12  }
0x246: {  	s19 =	sand.u32 $0xFF, s16;
	s14 =	ssub.s32 s17, s18  }
0x247: {  	s17 =	smul.u32 $0x4F, s19;
	s14 =	sand.u32 $0xFF, s14  }
0x248: {  	s5 =	sshll.u32 s20, $0xC;
	s14 =	sshll.u32 s14, $0x7;
	s20 =	spop (v2sf);
	(v2sf) =	vpush v0, $0x4  }
0x249: {  	s17 =	sshrl.u32 s17, $0xB;
	s5 =	sor.u32 s14, s5;
	s19 =	sand.u32 $0x1FFFFFF0, s20  }
0x24a: {  	s5 =	sadd.s32 $0x3500, s5;
	s20 =	smul.u32 $0x1A, s17;
	s14 =	sadd.s32 s3, s19  }
0x24b: {  	[tilespmem:s5], [sflag:$0x1] =	stream.linear.gather [hbm4b:s14+s2], $0x80, $0x38;
	[tilespmem:$0x13500] =	vst v63  }
0x24c: {  	s18 =	ssub.s32 s16, s20  }
0x24d: {  	s19 =	sshll.u32 s17, $0xC;
	s5 =	sand.u32 $0xFF, s18  }
0x24e: {  	s17 =	sor.u32 $0x34, s12;
	s20 =	spop (v2sf);
	(v2sf) =	vpush v0, $0x5;
	s5 =	sshll.u32 s5, $0x7  }
0x24f: {  	s18 =	sand.u32 $0x1FFFFFF0, s20;
	s5 =	sor.u32 s5, s19;
	s19 =	sand.u32 $0xFF, s17  }
0x250: {  	s14 =	sadd.s32 s3, s18;
	s5 =	sadd.s32 $0x3500, s5;
	s16 =	smul.u32 $0x4F, s19  }
0x251: {  	[tilespmem:s5], [sflag:$0x1] =	stream.linear.gather [hbm4b:s14+s2], $0x80, $0x38;
	[tilespmem:$0x13500] =	vst v63  }
0x252: {  	s20 =	sshrl.u32 s16, $0xB  }
0x253: {  	s18 =	smul.u32 $0x1A, s20  }
0x254: {  	s16 =	sor.u32 $0x35, s12  }
0x255: {  	s19 =	sand.u32 $0xFF, s16;
	s14 =	ssub.s32 s17, s18  }
0x256: {  	s17 =	smul.u32 $0x4F, s19;
	s14 =	sand.u32 $0xFF, s14  }
0x257: {  	s5 =	sshll.u32 s20, $0xC;
	s14 =	sshll.u32 s14, $0x7;
	s20 =	spop (v2sf);
	(v2sf) =	vpush v0, $0x6  }
0x258: {  	s17 =	sshrl.u32 s17, $0xB;
	s5 =	sor.u32 s14, s5;
	s19 =	sand.u32 $0x1FFFFFF0, s20  }
0x259: {  	s5 =	sadd.s32 $0x3500, s5;
	s20 =	smul.u32 $0x1A, s17;
	s14 =	sadd.s32 s3, s19  }
0x25a: {  	[tilespmem:s5], [sflag:$0x1] =	stream.linear.gather [hbm4b:s14+s2], $0x80, $0x38;
	[tilespmem:$0x13500] =	vst v63  }
0x25b: {  	s18 =	ssub.s32 s16, s20  }
0x25c: {  	s19 =	sshll.u32 s17, $0xC;
	s5 =	sand.u32 $0xFF, s18  }
0x25d: {  	s17 =	sor.u32 $0x36, s12;
	s20 =	spop (v2sf);
	(v2sf) =	vpush v0, $0x7;
	s5 =	sshll.u32 s5, $0x7  }
0x25e: {  	s18 =	sand.u32 $0x1FFFFFF0, s20;
	s5 =	sor.u32 s5, s19;
	s19 =	sand.u32 $0xFF, s17  }
0x25f: {  	s14 =	sadd.s32 s3, s18;
	s5 =	sadd.s32 $0x3500, s5;
	s16 =	smul.u32 $0x4F, s19  }
0x260: {  	[tilespmem:s5], [sflag:$0x1] =	stream.linear.gather [hbm4b:s14+s2], $0x80, $0x38;
	[tilespmem:$0x13500] =	vst v63  }
0x261: {  	s20 =	sshrl.u32 s16, $0xB  }
0x262: {  	s18 =	smul.u32 $0x1A, s20  }
0x263: {  	s16 =	sor.u32 $0x37, s12  }
0x264: {  	s19 =	sand.u32 $0xFF, s16;
	s14 =	ssub.s32 s17, s18  }
0x265: {  	s17 =	smul.u32 $0x4F, s19;
	s14 =	sand.u32 $0xFF, s14  }
0x266: {  	s5 =	sshll.u32 s20, $0xC;
	s14 =	sshll.u32 s14, $0x7;
	s20 =	spop (v2sf);
	(v2sf) =	vpush v0, $0x8  }
0x267: {  	s17 =	sshrl.u32 s17, $0xB;
	s5 =	sor.u32 s14, s5;
	s19 =	sand.u32 $0x1FFFFFF0, s20  }
0x268: {  	s5 =	sadd.s32 $0x3500, s5;
	s20 =	smul.u32 $0x1A, s17;
	s14 =	sadd.s32 s3, s19  }
0x269: {  	[tilespmem:s5], [sflag:$0x1] =	stream.linear.gather [hbm4b:s14+s2], $0x80, $0x38;
	[tilespmem:$0x13500] =	vst v63  }
0x26a: {  	s18 =	ssub.s32 s16, s20  }
0x26b: {  	s19 =	sshll.u32 s17, $0xC;
	s5 =	sand.u32 $0xFF, s18  }
0x26c: {  	s17 =	sor.u32 $0x38, s12;
	s20 =	spop (v2sf);
	(v2sf) =	vpush v0, $0x9;
	s5 =	sshll.u32 s5, $0x7  }
0x26d: {  	s18 =	sand.u32 $0x1FFFFFF0, s20;
	s5 =	sor.u32 s5, s19;
	s19 =	sand.u32 $0xFF, s17  }
0x26e: {  	s14 =	sadd.s32 s3, s18;
	s5 =	sadd.s32 $0x3500, s5;
	s16 =	smul.u32 $0x4F, s19  }
0x26f: {  	[tilespmem:s5], [sflag:$0x1] =	stream.linear.gather [hbm4b:s14+s2], $0x80, $0x38;
	[tilespmem:$0x13500] =	vst v63  }
0x270: {  	s20 =	sshrl.u32 s16, $0xB  }
0x271: {  	s18 =	smul.u32 $0x1A, s20  }
0x272: {  	s16 =	sor.u32 $0x39, s12  }
0x273: {  	s19 =	sand.u32 $0xFF, s16;
	s14 =	ssub.s32 s17, s18  }
0x274: {  	s17 =	smul.u32 $0x4F, s19;
	s14 =	sand.u32 $0xFF, s14  }
0x275: {  	s5 =	sshll.u32 s20, $0xC;
	s14 =	sshll.u32 s14, $0x7;
	s20 =	spop (v2sf);
	(v2sf) =	vpush v0, $0xA  }
0x276: {  	s17 =	sshrl.u32 s17, $0xB;
	s5 =	sor.u32 s14, s5;
	s19 =	sand.u32 $0x1FFFFFF0, s20  }
0x277: {  	s5 =	sadd.s32 $0x3500, s5;
	s20 =	smul.u32 $0x1A, s17;
	s14 =	sadd.s32 s3, s19  }
0x278: {  	[tilespmem:s5], [sflag:$0x1] =	stream.linear.gather [hbm4b:s14+s2], $0x80, $0x38;
	[tilespmem:$0x13500] =	vst v63  }
0x279: {  	s18 =	ssub.s32 s16, s20  }
0x27a: {  	s19 =	sshll.u32 s17, $0xC;
	s5 =	sand.u32 $0xFF, s18  }
0x27b: {  	s17 =	sor.u32 $0x3A, s12;
	s20 =	spop (v2sf);
	(v2sf) =	vpush v0, $0xB;
	s5 =	sshll.u32 s5, $0x7  }
0x27c: {  	s18 =	sand.u32 $0x1FFFFFF0, s20;
	s5 =	sor.u32 s5, s19;
	s19 =	sand.u32 $0xFF, s17  }
0x27d: {  	s14 =	sadd.s32 s3, s18;
	s5 =	sadd.s32 $0x3500, s5;
	s16 =	smul.u32 $0x4F, s19  }
0x27e: {  	[tilespmem:s5], [sflag:$0x1] =	stream.linear.gather [hbm4b:s14+s2], $0x80, $0x38;
	[tilespmem:$0x13500] =	vst v63  }
0x27f: {  	s20 =	sshrl.u32 s16, $0xB  }
0x280: {  	s18 =	smul.u32 $0x1A, s20  }
0x281: {  	s16 =	sor.u32 $0x3B, s12  }
0x282: {  	s19 =	sand.u32 $0xFF, s16;
	s14 =	ssub.s32 s17, s18  }
0x283: {  	s17 =	smul.u32 $0x4F, s19;
	s14 =	sand.u32 $0xFF, s14  }
0x284: {  	s5 =	sshll.u32 s20, $0xC;
	s14 =	sshll.u32 s14, $0x7;
	s20 =	spop (v2sf);
	(v2sf) =	vpush v0, $0xC  }
0x285: {  	s17 =	sshrl.u32 s17, $0xB;
	s5 =	sor.u32 s14, s5;
	s19 =	sand.u32 $0x1FFFFFF0, s20  }
0x286: {  	s5 =	sadd.s32 $0x3500, s5;
	s20 =	smul.u32 $0x1A, s17;
	s14 =	sadd.s32 s3, s19  }
0x287: {  	[tilespmem:s5], [sflag:$0x1] =	stream.linear.gather [hbm4b:s14+s2], $0x80, $0x38;
	[tilespmem:$0x13500] =	vst v63  }
0x288: {  	s18 =	ssub.s32 s16, s20  }
0x289: {  	s19 =	sshll.u32 s17, $0xC;
	s5 =	sand.u32 $0xFF, s18  }
0x28a: {  	s17 =	sor.u32 $0x3C, s12;
	s20 =	spop (v2sf);
	(v2sf) =	vpush v0, $0xD;
	s5 =	sshll.u32 s5, $0x7  }
0x28b: {  	s18 =	sand.u32 $0x1FFFFFF0, s20;
	s5 =	sor.u32 s5, s19;
	s19 =	sand.u32 $0xFF, s17  }
0x28c: {  	s14 =	sadd.s32 s3, s18;
	s5 =	sadd.s32 $0x3500, s5;
	s16 =	smul.u32 $0x4F, s19  }
0x28d: {  	[tilespmem:s5], [sflag:$0x1] =	stream.linear.gather [hbm4b:s14+s2], $0x80, $0x38;
	[tilespmem:$0x13500] =	vst v63  }
0x28e: {  	s20 =	sshrl.u32 s16, $0xB  }
0x28f: {  	s18 =	smul.u32 $0x1A, s20  }
0x290: {  	s16 =	sor.u32 $0x3D, s12  }
0x291: {  	s19 =	sand.u32 $0xFF, s16;
	s14 =	ssub.s32 s17, s18  }
0x292: {  	s17 =	smul.u32 $0x4F, s19;
	s14 =	sand.u32 $0xFF, s14  }
0x293: {  	s5 =	sshll.u32 s20, $0xC;
	s14 =	sshll.u32 s14, $0x7;
	s20 =	spop (v2sf);
	(v2sf) =	vpush v0, $0xE  }
0x294: {  	s17 =	sshrl.u32 s17, $0xB;
	s5 =	sor.u32 s14, s5;
	s19 =	sand.u32 $0x1FFFFFF0, s20  }
0x295: {  	s5 =	sadd.s32 $0x3500, s5;
	s20 =	smul.u32 $0x1A, s17;
	s14 =	sadd.s32 s3, s19  }
0x296: {  	[tilespmem:s5], [sflag:$0x1] =	stream.linear.gather [hbm4b:s14+s2], $0x80, $0x38;
	[tilespmem:$0x13500] =	vst v63  }
0x297: {  	s14 =	ssub.s32 s16, s20  }
0x298: {  	s16 =	sshll.u32 s17, $0xC;
	s5 =	sand.u32 $0xFF, s14  }
0x299: {  	s18 =	spop (v2sf);
	s17 =	sor.u32 $0x3E, s12;
	(v2sf) =	vpush v0, $0xF;
	s5 =	sshll.u32 s5, $0x7  }
0x29a: {  	s19 =	sand.u32 $0x1FFFFFF0, s18;
	s20 =	sand.u32 $0xFF, s17;
	s5 =	sor.u32 s5, s16  }
0x29b: {  	s14 =	sadd.s32 s3, s19;
	s16 =	smul.u32 $0x4F, s20;
	s5 =	sadd.s32 $0x3500, s5  }
0x29c: {  	[tilespmem:s5], [sflag:$0x1] =	stream.linear.gather [hbm4b:s14+s2], $0x80, $0x38;
	[tilespmem:$0x13500] =	vst v63  }
0x29d: {  	s5 =	sshrl.u32 s16, $0xB  }
0x29e: {  	s18 =	smul.u32 $0x1A, s5  }
0x29f: {  	s16 =	sor.u32 $0x3F, s12  }
0x2a0: {  	s19 =	sand.u32 $0xFF, s16;
	s14 =	ssub.s32 s17, s18  }
0x2a1: {  	s10 =	sadd.s32 $0x4, s10;
	s17 =	smul.u32 $0x4F, s19;
	s14 =	sand.u32 $0xFF, s14  }
0x2a2: {  	s5 =	sshll.u32 s5, $0xC;
	s14 =	sshll.u32 s14, $0x7;
	s20 =	spop (v2sf)  }
0x2a3: {  	s17 =	sshrl.u32 s17, $0xB;
	s5 =	sor.u32 s14, s5;
	s19 =	sand.u32 $0x1FFFFFF0, s20  }
0x2a4: {  	s5 =	sadd.s32 $0x3500, s5;
	s20 =	smul.u32 $0x1A, s17;
	s14 =	sadd.s32 s3, s19  }
0x2a5: {  	[tilespmem:s5], [sflag:$0x1] =	stream.linear.gather [hbm4b:s14+s2], $0x80, $0x38;
	[tilespmem:$0x13500] =	vst v63  }
0x2a6: {  	p0 =	slt.u32 s10, $0x8;
	s16 =	ssub.s32 s16, s20  }
.Ltmp1:
0x2a7: {  	s5 =	sand.u32 $0xFF, s16;
	(pc) =	sbr.rel @p0 .LBB2_5-.Ltmp1, $4  }
0x2a8: {  	s18 =	sshll.u32 s17, $0xC;
	s19 =	spop (v2sf);
	s5 =	sshll.u32 s5, $0x7  }
0x2a9: {  	s11 =	sadd.s32 $0x40, s11;
	s20 =	sand.u32 $0x1FFFFFF0, s19;
	s5 =	sor.u32 s5, s18  }
0x2aa: {  	s12 =	sadd.s32 $0x40, s12;
	s14 =	sadd.s32 s3, s20;
	s5 =	sadd.s32 $0x3500, s5  }
0x2ab: {  	[tilespmem:s5], [sflag:$0x1] =	stream.linear.gather [hbm4b:s14+s2], $0x80, $0x38;
	[tilespmem:$0x13500] =	vst v63  }
0x2ac: {  	v0 =	vld [tilespmem:s7+$0xC0];
	_ =	sdelay $0x4  }
0x2ad: {  	v0 =	vshll.u32 v0, $0x4  }
0x2ae: {  	(v2sf) =	vpush v0, $0x0  }
0x2af: {  	(v2sf) =	vpush v0, $0x1;
	_ =	sdelay $0x5  }
0x2b0: {  	(v2sf) =	vpush v0, $0x2;
	_ =	sdelay $0x1  }
0x2b1: {  	(v2sf) =	vpush v0, $0x3;
	_ =	sdelay $0x5  }
0x2b2: {  	s5 =	spop (v2sf);
	(v2sf) =	vpush v0, $0x4  }
0x2b3: {  	s19 =	spop (v2sf);
	(v2sf) =	vpush v0, $0x5;
	_ =	sdelay $0x4  }
0x2b4: {  	s10 =	simm.s32 $0x0;
	s5 =	sand.u32 $0x1FFFFFF0, s5;
	(v2sf) =	vpush v0, $0x6  }
0x2b5: {  	s18 =	simm.s32 $0xAA00;
	s5 =	sadd.s32 s3, s5;
	s11 =	spop (v2sf)  }
0x2b6: {  	[tilespmem:s18], [sflag:$0x1] =	stream.linear.gather [hbm4b:s5+s10], $0x80, $0x38;
	[tilespmem:$0x13500] =	vst v63  }
0x2b7: {  	s5 =	sand.u32 $0x1FFFFFF0, s19;
	s14 =	spop (v2sf);
	(v2sf) =	vpush v0, $0x7  }
0x2b8: {  	s20 =	simm.s32 $0xAA80;
	s5 =	sadd.s32 s3, s5  }
0x2b9: {  	[tilespmem:s20], [sflag:$0x1] =	stream.linear.gather [hbm4b:s5+s10], $0x80, $0x38;
	[tilespmem:$0x13500] =	vst v63  }
0x2ba: {  	s5 =	sand.u32 $0x1FFFFFF0, s11  }
0x2bb: {  	s12 =	simm.s32 $0xAB00;
	s5 =	sadd.s32 s3, s5  }
0x2bc: {  	[tilespmem:s12], [sflag:$0x1] =	stream.linear.gather [hbm4b:s5+s10], $0x80, $0x38;
	[tilespmem:$0x13500] =	vst v63  }
0x2bd: {  	s5 =	sand.u32 $0x1FFFFFF0, s14;
	s17 =	spop (v2sf);
	(v2sf) =	vpush v0, $0x8  }
0x2be: {  	s16 =	simm.s32 $0xAB80;
	s5 =	sadd.s32 s3, s5;
	s19 =	spop (v2sf);
	(v2sf) =	vpush v0, $0x9  }
0x2bf: {  	[tilespmem:s16], [sflag:$0x1] =	stream.linear.gather [hbm4b:s5+s10], $0x80, $0x38;
	[tilespmem:$0x13500] =	vst v63  }
0x2c0: {  	s5 =	sand.u32 $0x1FFFFFF0, s17;
	(v2sf) =	vpush v0, $0xA  }
0x2c1: {  	s18 =	simm.s32 $0xAC00;
	s5 =	sadd.s32 s3, s5  }
0x2c2: {  	[tilespmem:s18], [sflag:$0x1] =	stream.linear.gather [hbm4b:s5+s10], $0x80, $0x38;
	[tilespmem:$0x13500] =	vst v63  }
0x2c3: {  	s11 =	spop (v2sf);
	s5 =	sand.u32 $0x1FFFFFF0, s19;
	(v2sf) =	vpush v0, $0xB  }
0x2c4: {  	s20 =	simm.s32 $0xAC80;
	s5 =	sadd.s32 s3, s5  }
0x2c5: {  	[tilespmem:s20], [sflag:$0x1] =	stream.linear.gather [hbm4b:s5+s10], $0x80, $0x38;
	[tilespmem:$0x13500] =	vst v63  }
0x2c6: {  	s14 =	spop (v2sf);
	(v2sf) =	vpush v0, $0xC;
	s5 =	sand.u32 $0x1FFFFFF0, s11  }
0x2c7: {  	s12 =	simm.s32 $0xAD00;
	s5 =	sadd.s32 s3, s5  }
0x2c8: {  	[tilespmem:s12], [sflag:$0x1] =	stream.linear.gather [hbm4b:s5+s10], $0x80, $0x38;
	[tilespmem:$0x13500] =	vst v63  }
0x2c9: {  	s5 =	sand.u32 $0x1FFFFFF0, s14  }
0x2ca: {  	s16 =	simm.s32 $0xAD80;
	s5 =	sadd.s32 s3, s5  }
0x2cb: {  	[tilespmem:s16], [sflag:$0x1] =	stream.linear.gather [hbm4b:s5+s10], $0x80, $0x38;
	[tilespmem:$0x13500] =	vst v63  }
0x2cc: {  	s17 =	spop (v2sf);
	(v2sf) =	vpush v0, $0xD  }
0x2cd: {  	s19 =	spop (v2sf);
	(v2sf) =	vpush v0, $0xE  }
0x2ce: {  	s5 =	sand.u32 $0x1FFFFFF0, s17  }
0x2cf: {  	s18 =	simm.s32 $0xAE00;
	s5 =	sadd.s32 s3, s5;
	s11 =	spop (v2sf)  }
0x2d0: {  	(v2sf) =	vpush v0, $0xF;
	[tilespmem:s18], [sflag:$0x1] =	stream.linear.gather [hbm4b:s5+s10], $0x80, $0x38;
	[tilespmem:$0x13500] =	vst v63  }
0x2d1: {  	s5 =	sand.u32 $0x1FFFFFF0, s19  }
0x2d2: {  	s20 =	simm.s32 $0xAE80;
	s12 =	spop (v2sf);
	s5 =	sadd.s32 s3, s5  }
0x2d3: {  	[tilespmem:s20], [sflag:$0x1] =	stream.linear.gather [hbm4b:s5+s10], $0x80, $0x38;
	[tilespmem:$0x13500] =	vst v63  }
0x2d4: {  	s14 =	sand.u32 $0x1FFFFFF0, s12;
	s5 =	sand.u32 $0x1FFFFFF0, s11  }
0x2d5: {  	s16 =	spop (v2sf);
	s11 =	simm.s32 $0xAF00;
	s5 =	sadd.s32 s3, s5  }
0x2d6: {  	[tilespmem:s11], [sflag:$0x1] =	stream.linear.gather [hbm4b:s5+s10], $0x80, $0x38;
	[tilespmem:$0x13500] =	vst v63  }
0x2d7: {  	s17 =	simm.s32 $0xAF80;
	s18 =	sand.u32 $0x1FFFFFF0, s16;
	s5 =	sadd.s32 s3, s14  }
0x2d8: {  	[tilespmem:s17], [sflag:$0x1] =	stream.linear.gather [hbm4b:s5+s10], $0x80, $0x38;
	[tilespmem:$0x13500] =	vst v63  }
0x2d9: {  	s20 =	simm.s32 $0xB000;
	s5 =	sadd.s32 s3, s18  }
0x2da: {  	[tilespmem:s20], [sflag:$0x1] =	stream.linear.gather [hbm4b:s5+s10], $0x80, $0x38;
	[tilespmem:$0x13500] =	vst v63  }
0x2db: {  	s19 =	spop (v2sf)  }
0x2dc: {  	s11 =	sand.u32 $0x1FFFFFF0, s19;
	s12 =	spop (v2sf)  }
0x2dd: {  	s14 =	simm.s32 $0xB080;
	s5 =	sadd.s32 s3, s11;
	s16 =	sand.u32 $0x1FFFFFF0, s12  }
0x2de: {  	[tilespmem:s14], [sflag:$0x1] =	stream.linear.gather [hbm4b:s5+s10], $0x80, $0x38;
	[tilespmem:$0x13500] =	vst v63  }
0x2df: {  	s17 =	simm.s32 $0xB100;
	s18 =	spop (v2sf);
	s5 =	sadd.s32 s3, s16  }
0x2e0: {  	[tilespmem:s17], [sflag:$0x1] =	stream.linear.gather [hbm4b:s5+s10], $0x80, $0x38;
	[tilespmem:$0x13500] =	vst v63  }
0x2e1: {  	s7 =	sshllo.u32 s8, $0x1;
	s5 =	sand.u32 $0x1FFFFFF0, s18  }
0x2e2: {  	s20 =	smul.u32 $0x340, s7;
	s19 =	simm.s32 $0xB180;
	s5 =	sadd.s32 s3, s5  }
0x2e3: {  	[tilespmem:s19], [sflag:$0x1] =	stream.linear.gather [hbm4b:s5+s10], $0x80, $0x38;
	[tilespmem:$0x13500] =	vst v63  }
0x2e4: {  	s11 =	sshra.s32 s20, $0x2;
	s12 =	simm.s32 $0xFFFFFFFC;
	s5 =	smov.u32 s13  }
.LBB2_7:
0x2e5: {  	v0 =	vld [tilespmem:s5+$0xFFFFFFD0];
	_ =	sdelay $0x4  }
0x2e6: {  	v0 =	vshll.u32 v0, $0x4  }
0x2e7: {  	(v2sf) =	vpush v0, $0x0;
	_ =	sdelay $0x3  }
0x2e8: {  	(v2sf) =	vpush v0, $0x1;
	_ =	sdelay $0x3  }
0x2e9: {  	s14 =	sand.u32 $0xFF, s10  }
0x2ea: {  	s17 =	sor.u32 $0x1, s10;
	s14 =	smul.u32 $0x4F, s14  }
0x2eb: {  	s18 =	sand.u32 $0xFF, s17  }
0x2ec: {  	s18 =	smul.u32 $0x4F, s18;
	s14 =	sshrl.u32 s14, $0xB  }
0x2ed: {  	s16 =	smul.u32 $0x1A, s14  }
0x2ee: {  	(v2sf) =	vpush v0, $0x2  }
0x2ef: {  	s14 =	sshll.u32 s14, $0xC;
	s18 =	sshrl.u32 s18, $0xB;
	s16 =	ssub.s32 s10, s16  }
0x2f0: {  	s18 =	smul.u32 $0x1A, s18;
	s16 =	sand.u32 $0xFF, s16;
	s19 =	spop (v2sf)  }
0x2f1: {  	s14 =	sadd.s32 $0xB500, s14;
	s16 =	sshll.u32 s16, $0x7;
	s19 =	sand.u32 $0x1FFFFFF0, s19  }
0x2f2: {  	s18 =	ssub.s32 s17, s18;
	s16 =	sadd.s32 s16, s14;
	s19 =	sadd.s32 s3, s19  }
0x2f3: {  	[tilespmem:s16], [sflag:$0x2] =	stream.linear.gather [hbm4b:s19+s2], $0x80, $0x38;
	[tilespmem:$0x13500] =	vst v63  }
0x2f4: {  	(v2sf) =	vpush v0, $0x3;
	s16 =	sand.u32 $0xFF, s18;
	s19 =	spop (v2sf);
	s18 =	sor.u32 $0x2, s10  }
0x2f5: {  	s16 =	sshll.u32 s16, $0x7;
	s17 =	sand.u32 $0x1FFFFFF0, s19;
	s20 =	sand.u32 $0xFF, s18  }
0x2f6: {  	s14 =	sadd.s32 s16, s14;
	s17 =	sadd.s32 s3, s17;
	s19 =	smul.u32 $0x4F, s20  }
0x2f7: {  	[tilespmem:s14], [sflag:$0x2] =	stream.linear.gather [hbm4b:s17+s2], $0x80, $0x38;
	[tilespmem:$0x13500] =	vst v63  }
0x2f8: {  	s14 =	sshrl.u32 s19, $0xB  }
0x2f9: {  	s20 =	smul.u32 $0x1A, s14  }
0x2fa: {  	s17 =	sor.u32 $0x3, s10  }
0x2fb: {  	s19 =	sand.u32 $0xFF, s17;
	s16 =	ssub.s32 s18, s20  }
0x2fc: {  	s18 =	smul.u32 $0x4F, s19;
	s16 =	sand.u32 $0xFF, s16  }
0x2fd: {  	(v2sf) =	vpush v0, $0x4;
	s14 =	sshll.u32 s14, $0xC;
	s20 =	spop (v2sf);
	s16 =	sshll.u32 s16, $0x7  }
0x2fe: {  	s19 =	sand.u32 $0x1FFFFFF0, s20;
	s18 =	sshrl.u32 s18, $0xB;
	s14 =	sor.u32 s16, s14  }
0x2ff: {  	s16 =	sadd.s32 s3, s19;
	s20 =	smul.u32 $0x1A, s18;
	s14 =	sadd.s32 $0xB500, s14  }
0x300: {  	[tilespmem:s14], [sflag:$0x2] =	stream.linear.gather [hbm4b:s16+s2], $0x80, $0x38;
	[tilespmem:$0x13500] =	vst v63  }
0x301: {  	s17 =	ssub.s32 s17, s20  }
0x302: {  	s19 =	sshll.u32 s18, $0xC;
	s14 =	sand.u32 $0xFF, s17  }
0x303: {  	s18 =	sor.u32 $0x4, s10;
	s20 =	spop (v2sf);
	(v2sf) =	vpush v0, $0x5;
	s14 =	sshll.u32 s14, $0x7  }
0x304: {  	s17 =	sand.u32 $0x1FFFFFF0, s20;
	s14 =	sor.u32 s14, s19;
	s19 =	sand.u32 $0xFF, s18  }
0x305: {  	s16 =	sadd.s32 s3, s17;
	s14 =	sadd.s32 $0xB500, s14;
	s17 =	smul.u32 $0x4F, s19  }
0x306: {  	[tilespmem:s14], [sflag:$0x2] =	stream.linear.gather [hbm4b:s16+s2], $0x80, $0x38;
	[tilespmem:$0x13500] =	vst v63  }
0x307: {  	s14 =	sshrl.u32 s17, $0xB  }
0x308: {  	s20 =	smul.u32 $0x1A, s14  }
0x309: {  	s17 =	sor.u32 $0x5, s10  }
0x30a: {  	s19 =	sand.u32 $0xFF, s17;
	s16 =	ssub.s32 s18, s20  }
0x30b: {  	s18 =	smul.u32 $0x4F, s19;
	s16 =	sand.u32 $0xFF, s16  }
0x30c: {  	s14 =	sshll.u32 s14, $0xC;
	s20 =	spop (v2sf);
	(v2sf) =	vpush v0, $0x6;
	s16 =	sshll.u32 s16, $0x7  }
0x30d: {  	s19 =	sand.u32 $0x1FFFFFF0, s20;
	s18 =	sshrl.u32 s18, $0xB;
	s14 =	sor.u32 s16, s14  }
0x30e: {  	s16 =	sadd.s32 s3, s19;
	s20 =	smul.u32 $0x1A, s18;
	s14 =	sadd.s32 $0xB500, s14  }
0x30f: {  	[tilespmem:s14], [sflag:$0x2] =	stream.linear.gather [hbm4b:s16+s2], $0x80, $0x38;
	[tilespmem:$0x13500] =	vst v63  }
0x310: {  	s17 =	ssub.s32 s17, s20  }
0x311: {  	s19 =	sshll.u32 s18, $0xC;
	s14 =	sand.u32 $0xFF, s17  }
0x312: {  	s18 =	sor.u32 $0x6, s10;
	s20 =	spop (v2sf);
	(v2sf) =	vpush v0, $0x7;
	s14 =	sshll.u32 s14, $0x7  }
0x313: {  	s17 =	sand.u32 $0x1FFFFFF0, s20;
	s14 =	sor.u32 s14, s19;
	s19 =	sand.u32 $0xFF, s18  }
0x314: {  	s16 =	sadd.s32 s3, s17;
	s14 =	sadd.s32 $0xB500, s14;
	s17 =	smul.u32 $0x4F, s19  }
0x315: {  	[tilespmem:s14], [sflag:$0x2] =	stream.linear.gather [hbm4b:s16+s2], $0x80, $0x38;
	[tilespmem:$0x13500] =	vst v63  }
0x316: {  	s14 =	sshrl.u32 s17, $0xB  }
0x317: {  	s20 =	smul.u32 $0x1A, s14  }
0x318: {  	s17 =	sor.u32 $0x7, s10  }
0x319: {  	s19 =	sand.u32 $0xFF, s17;
	s16 =	ssub.s32 s18, s20  }
0x31a: {  	s18 =	smul.u32 $0x4F, s19;
	s16 =	sand.u32 $0xFF, s16  }
0x31b: {  	s14 =	sshll.u32 s14, $0xC;
	s20 =	spop (v2sf);
	(v2sf) =	vpush v0, $0x8;
	s16 =	sshll.u32 s16, $0x7  }
0x31c: {  	s19 =	sand.u32 $0x1FFFFFF0, s20;
	s18 =	sshrl.u32 s18, $0xB;
	s14 =	sor.u32 s16, s14  }
0x31d: {  	s16 =	sadd.s32 s3, s19;
	s20 =	smul.u32 $0x1A, s18;
	s14 =	sadd.s32 $0xB500, s14  }
0x31e: {  	[tilespmem:s14], [sflag:$0x2] =	stream.linear.gather [hbm4b:s16+s2], $0x80, $0x38;
	[tilespmem:$0x13500] =	vst v63  }
0x31f: {  	s17 =	ssub.s32 s17, s20  }
0x320: {  	s19 =	sshll.u32 s18, $0xC;
	s14 =	sand.u32 $0xFF, s17  }
0x321: {  	s18 =	sor.u32 $0x8, s10;
	s14 =	sshll.u32 s14, $0x7;
	s20 =	spop (v2sf);
	(v2sf) =	vpush v0, $0x9  }
0x322: {  	s14 =	sor.u32 s14, s19;
	s17 =	sand.u32 $0x1FFFFFF0, s20;
	s19 =	sand.u32 $0xFF, s18  }
0x323: {  	s14 =	sadd.s32 $0xB500, s14;
	s16 =	sadd.s32 s3, s17;
	s17 =	smul.u32 $0x4F, s19  }
0x324: {  	[tilespmem:s14], [sflag:$0x2] =	stream.linear.gather [hbm4b:s16+s2], $0x80, $0x38;
	[tilespmem:$0x13500] =	vst v63  }
0x325: {  	s14 =	sshrl.u32 s17, $0xB  }
0x326: {  	s20 =	smul.u32 $0x1A, s14  }
0x327: {  	s17 =	sor.u32 $0x9, s10  }
0x328: {  	s19 =	sand.u32 $0xFF, s17;
	s16 =	ssub.s32 s18, s20  }
0x329: {  	s18 =	smul.u32 $0x4F, s19;
	s16 =	sand.u32 $0xFF, s16  }
0x32a: {  	s14 =	sshll.u32 s14, $0xC;
	s16 =	sshll.u32 s16, $0x7;
	s20 =	spop (v2sf);
	(v2sf) =	vpush v0, $0xA  }
0x32b: {  	s18 =	sshrl.u32 s18, $0xB;
	s14 =	sor.u32 s16, s14;
	s19 =	sand.u32 $0x1FFFFFF0, s20  }
0x32c: {  	s20 =	smul.u32 $0x1A, s18;
	s14 =	sadd.s32 $0xB500, s14;
	s16 =	sadd.s32 s3, s19  }
0x32d: {  	[tilespmem:s14], [sflag:$0x2] =	stream.linear.gather [hbm4b:s16+s2], $0x80, $0x38;
	[tilespmem:$0x13500] =	vst v63  }
0x32e: {  	s17 =	ssub.s32 s17, s20  }
0x32f: {  	s19 =	sshll.u32 s18, $0xC;
	s14 =	sand.u32 $0xFF, s17  }
0x330: {  	s18 =	sor.u32 $0xA, s10;
	s14 =	sshll.u32 s14, $0x7;
	s20 =	spop (v2sf);
	(v2sf) =	vpush v0, $0xB  }
0x331: {  	s14 =	sor.u32 s14, s19;
	s19 =	sand.u32 $0xFF, s18;
	s17 =	sand.u32 $0x1FFFFFF0, s20  }
0x332: {  	s14 =	sadd.s32 $0xB500, s14;
	s16 =	sadd.s32 s3, s17;
	s17 =	smul.u32 $0x4F, s19  }
0x333: {  	[tilespmem:s14], [sflag:$0x2] =	stream.linear.gather [hbm4b:s16+s2], $0x80, $0x38;
	[tilespmem:$0x13500] =	vst v63  }
0x334: {  	s14 =	sshrl.u32 s17, $0xB  }
0x335: {  	s20 =	smul.u32 $0x1A, s14  }
0x336: {  	s17 =	sor.u32 $0xB, s10  }
0x337: {  	s19 =	sand.u32 $0xFF, s17;
	s16 =	ssub.s32 s18, s20  }
0x338: {  	s18 =	smul.u32 $0x4F, s19;
	s16 =	sand.u32 $0xFF, s16  }
0x339: {  	s14 =	sshll.u32 s14, $0xC;
	s16 =	sshll.u32 s16, $0x7;
	s20 =	spop (v2sf);
	(v2sf) =	vpush v0, $0xC  }
0x33a: {  	s18 =	sshrl.u32 s18, $0xB;
	s14 =	sor.u32 s16, s14;
	s19 =	sand.u32 $0x1FFFFFF0, s20  }
0x33b: {  	s20 =	smul.u32 $0x1A, s18;
	s14 =	sadd.s32 $0xB500, s14;
	s16 =	sadd.s32 s3, s19  }
0x33c: {  	[tilespmem:s14], [sflag:$0x2] =	stream.linear.gather [hbm4b:s16+s2], $0x80, $0x38;
	[tilespmem:$0x13500] =	vst v63  }
0x33d: {  	s17 =	ssub.s32 s17, s20  }
0x33e: {  	s19 =	sshll.u32 s18, $0xC;
	s14 =	sand.u32 $0xFF, s17  }
0x33f: {  	s18 =	sor.u32 $0xC, s10;
	s14 =	sshll.u32 s14, $0x7;
	s20 =	spop (v2sf);
	(v2sf) =	vpush v0, $0xD  }
0x340: {  	s14 =	sor.u32 s14, s19;
	s19 =	sand.u32 $0xFF, s18;
	s17 =	sand.u32 $0x1FFFFFF0, s20  }
0x341: {  	s14 =	sadd.s32 $0xB500, s14;
	s16 =	sadd.s32 s3, s17;
	s17 =	smul.u32 $0x4F, s19  }
0x342: {  	[tilespmem:s14], [sflag:$0x2] =	stream.linear.gather [hbm4b:s16+s2], $0x80, $0x38;
	[tilespmem:$0x13500] =	vst v63  }
0x343: {  	s14 =	sshrl.u32 s17, $0xB  }
0x344: {  	s20 =	smul.u32 $0x1A, s14  }
0x345: {  	s17 =	sor.u32 $0xD, s10  }
0x346: {  	s19 =	sand.u32 $0xFF, s17;
	s16 =	ssub.s32 s18, s20  }
0x347: {  	s18 =	smul.u32 $0x4F, s19;
	s16 =	sand.u32 $0xFF, s16  }
0x348: {  	s14 =	sshll.u32 s14, $0xC;
	s16 =	sshll.u32 s16, $0x7;
	s20 =	spop (v2sf);
	(v2sf) =	vpush v0, $0xE  }
0x349: {  	s18 =	sshrl.u32 s18, $0xB;
	s14 =	sor.u32 s16, s14;
	s19 =	sand.u32 $0x1FFFFFF0, s20  }
0x34a: {  	s20 =	smul.u32 $0x1A, s18;
	s14 =	sadd.s32 $0xB500, s14;
	s16 =	sadd.s32 s3, s19  }
0x34b: {  	[tilespmem:s14], [sflag:$0x2] =	stream.linear.gather [hbm4b:s16+s2], $0x80, $0x38;
	[tilespmem:$0x13500] =	vst v63  }
0x34c: {  	s17 =	ssub.s32 s17, s20  }
0x34d: {  	s19 =	sshll.u32 s18, $0xC;
	s14 =	sand.u32 $0xFF, s17  }
0x34e: {  	s18 =	sor.u32 $0xE, s10;
	s14 =	sshll.u32 s14, $0x7;
	s20 =	spop (v2sf);
	(v2sf) =	vpush v0, $0xF  }
0x34f: {  	s14 =	sor.u32 s14, s19;
	s19 =	sand.u32 $0xFF, s18;
	s17 =	sand.u32 $0x1FFFFFF0, s20  }
0x350: {  	s14 =	sadd.s32 $0xB500, s14;
	s16 =	sadd.s32 s3, s17;
	s17 =	smul.u32 $0x4F, s19  }
0x351: {  	[tilespmem:s14], [sflag:$0x2] =	stream.linear.gather [hbm4b:s16+s2], $0x80, $0x38;
	[tilespmem:$0x13500] =	vst v63  }
0x352: {  	s14 =	sshrl.u32 s17, $0xB  }
0x353: {  	s20 =	smul.u32 $0x1A, s14  }
0x354: {  	s17 =	sor.u32 $0xF, s10  }
0x355: {  	s19 =	sand.u32 $0xFF, s17;
	s16 =	ssub.s32 s18, s20  }
0x356: {  	s18 =	smul.u32 $0x4F, s19;
	s16 =	sand.u32 $0xFF, s16  }
0x357: {  	s14 =	sshll.u32 s14, $0xC;
	s16 =	sshll.u32 s16, $0x7;
	s20 =	spop (v2sf)  }
0x358: {  	s18 =	sshrl.u32 s18, $0xB;
	s14 =	sor.u32 s16, s14;
	s19 =	sand.u32 $0x1FFFFFF0, s20  }
0x359: {  	s20 =	smul.u32 $0x1A, s18;
	s14 =	sadd.s32 $0xB500, s14;
	s16 =	sadd.s32 s3, s19  }
0x35a: {  	[tilespmem:s14], [sflag:$0x2] =	stream.linear.gather [hbm4b:s16+s2], $0x80, $0x38;
	[tilespmem:$0x13500] =	vst v63  }
0x35b: {  	s17 =	ssub.s32 s17, s20  }
0x35c: {  	s14 =	sand.u32 $0xFF, s17  }
0x35d: {  	s19 =	sshll.u32 s18, $0xC;
	s14 =	sshll.u32 s14, $0x7;
	s20 =	spop (v2sf)  }
0x35e: {  	s14 =	sor.u32 s14, s19;
	s18 =	sand.u32 $0x1FFFFFF0, s20  }
0x35f: {  	s14 =	sadd.s32 $0xB500, s14;
	s16 =	sadd.s32 s3, s18  }
0x360: {  	[tilespmem:s14], [sflag:$0x2] =	stream.linear.gather [hbm4b:s16+s2], $0x80, $0x38;
	[tilespmem:$0x13500] =	vst v63  }
0x361: {  	v61 =	vld [tilespmem:s5+$0xFFFFFFE0];
	_ =	sdelay $0x4  }
0x362: {  	v0 =	vshll.u32 v61, $0x4  }
0x363: {  	(v2sf) =	vpush v0, $0x0;
	_ =	sdelay $0x4  }
0x364: {  	s14 =	smul.u32 $0x4F, s10  }
0x365: {  	(v2sf) =	vpush v0, $0x1  }
0x366: {  	s16 =	sadd.s32 $0x4F0, s14  }
0x367: {  	s19 =	sshrl.u32 s16, $0xB  }
0x368: {  	s17 =	sand.u32 $0x1F, s19  }
0x369: {  	s17 =	smul.u32 $0x1A, s17;
	_ =	sdelay $0x1  }
0x36a: {  	s18 =	sor.u32 $0x11, s10;
	s17 =	ssub.s32 s10, s17  }
0x36b: {  	s20 =	sand.u32 $0xFF, s18;
	s17 =	sadd.s32 $0x10, s17  }
0x36c: {  	s16 =	sshll.u32 s16, $0x1;
	s19 =	smul.u32 $0x4F, s20;
	s17 =	sand.u32 $0xFF, s17  }
0x36d: {  	s16 =	sand.u32 $0x1F000, s16;
	s17 =	sshll.u32 s17, $0x7;
	s20 =	spop (v2sf);
	(v2sf) =	vpush v0, $0x2  }
0x36e: {  	s19 =	sshrl.u32 s19, $0xB;
	s16 =	sor.u32 s17, s16;
	s20 =	sand.u32 $0x1FFFFFF0, s20  }
0x36f: {  	s16 =	sadd.s32 $0xB500, s16;
	s17 =	sadd.s32 s3, s20;
	s20 =	smul.u32 $0x1A, s19  }
0x370: {  	[tilespmem:s16], [sflag:$0x2] =	stream.linear.gather [hbm4b:s17+s2], $0x80, $0x38;
	[tilespmem:$0x13500] =	vst v63  }
0x371: {  	s17 =	ssub.s32 s18, s20  }
0x372: {  	s18 =	sshll.u32 s19, $0xC;
	s16 =	sand.u32 $0xFF, s17  }
0x373: {  	s20 =	spop (v2sf);
	s19 =	sor.u32 $0x12, s10;
	(v2sf) =	vpush v0, $0x3;
	s16 =	sshll.u32 s16, $0x7  }
0x374: {  	s16 =	sor.u32 s16, s18;
	s18 =	sand.u32 $0x1FFFFFF0, s20;
	s20 =	sand.u32 $0xFF, s19  }
0x375: {  	s16 =	sadd.s32 $0xB500, s16;
	s17 =	sadd.s32 s3, s18;
	s18 =	smul.u32 $0x4F, s20  }
0x376: {  	[tilespmem:s16], [sflag:$0x2] =	stream.linear.gather [hbm4b:s17+s2], $0x80, $0x38;
	[tilespmem:$0x13500] =	vst v63  }
0x377: {  	s16 =	sshrl.u32 s18, $0xB  }
0x378: {  	s20 =	smul.u32 $0x1A, s16  }
0x379: {  	s18 =	sor.u32 $0x13, s10  }
0x37a: {  	s17 =	ssub.s32 s19, s20;
	s20 =	sand.u32 $0xFF, s18  }
0x37b: {  	s17 =	sand.u32 $0xFF, s17;
	s19 =	smul.u32 $0x4F, s20  }
0x37c: {  	s16 =	sshll.u32 s16, $0xC;
	s17 =	sshll.u32 s17, $0x7;
	s20 =	spop (v2sf);
	(v2sf) =	vpush v0, $0x4  }
0x37d: {  	s16 =	sor.u32 s17, s16;
	s20 =	sand.u32 $0x1FFFFFF0, s20;
	s19 =	sshrl.u32 s19, $0xB  }
0x37e: {  	s16 =	sadd.s32 $0xB500, s16;
	s17 =	sadd.s32 s3, s20;
	s20 =	smul.u32 $0x1A, s19  }
0x37f: {  	[tilespmem:s16], [sflag:$0x2] =	stream.linear.gather [hbm4b:s17+s2], $0x80, $0x38;
	[tilespmem:$0x13500] =	vst v63  }
0x380: {  	s17 =	ssub.s32 s18, s20  }
0x381: {  	s18 =	sshll.u32 s19, $0xC;
	s16 =	sand.u32 $0xFF, s17  }
0x382: {  	s20 =	spop (v2sf);
	s19 =	sor.u32 $0x14, s10;
	(v2sf) =	vpush v0, $0x5;
	s16 =	sshll.u32 s16, $0x7  }
0x383: {  	s16 =	sor.u32 s16, s18;
	s18 =	sand.u32 $0x1FFFFFF0, s20;
	s20 =	sand.u32 $0xFF, s19  }
0x384: {  	s16 =	sadd.s32 $0xB500, s16;
	s17 =	sadd.s32 s3, s18;
	s18 =	smul.u32 $0x4F, s20  }
0x385: {  	[tilespmem:s16], [sflag:$0x2] =	stream.linear.gather [hbm4b:s17+s2], $0x80, $0x38;
	[tilespmem:$0x13500] =	vst v63  }
0x386: {  	s16 =	sshrl.u32 s18, $0xB  }
0x387: {  	s20 =	smul.u32 $0x1A, s16  }
0x388: {  	s18 =	sor.u32 $0x15, s10  }
0x389: {  	s17 =	ssub.s32 s19, s20;
	s20 =	sand.u32 $0xFF, s18  }
0x38a: {  	s17 =	sand.u32 $0xFF, s17;
	s19 =	smul.u32 $0x4F, s20  }
0x38b: {  	s16 =	sshll.u32 s16, $0xC;
	s17 =	sshll.u32 s17, $0x7;
	s20 =	spop (v2sf);
	(v2sf) =	vpush v0, $0x6  }
0x38c: {  	s16 =	sor.u32 s17, s16;
	s20 =	sand.u32 $0x1FFFFFF0, s20;
	s19 =	sshrl.u32 s19, $0xB  }
0x38d: {  	s16 =	sadd.s32 $0xB500, s16;
	s17 =	sadd.s32 s3, s20;
	s20 =	smul.u32 $0x1A, s19  }
0x38e: {  	[tilespmem:s16], [sflag:$0x2] =	stream.linear.gather [hbm4b:s17+s2], $0x80, $0x38;
	[tilespmem:$0x13500] =	vst v63  }
0x38f: {  	s17 =	ssub.s32 s18, s20  }
0x390: {  	s18 =	sshll.u32 s19, $0xC;
	s16 =	sand.u32 $0xFF, s17  }
0x391: {  	s20 =	spop (v2sf);
	s19 =	sor.u32 $0x16, s10;
	(v2sf) =	vpush v0, $0x7;
	s16 =	sshll.u32 s16, $0x7  }
0x392: {  	s16 =	sor.u32 s16, s18;
	s18 =	sand.u32 $0x1FFFFFF0, s20;
	s20 =	sand.u32 $0xFF, s19  }
0x393: {  	s16 =	sadd.s32 $0xB500, s16;
	s17 =	sadd.s32 s3, s18;
	s18 =	smul.u32 $0x4F, s20  }
0x394: {  	[tilespmem:s16], [sflag:$0x2] =	stream.linear.gather [hbm4b:s17+s2], $0x80, $0x38;
	[tilespmem:$0x13500] =	vst v63  }
0x395: {  	s16 =	sshrl.u32 s18, $0xB  }
0x396: {  	s20 =	smul.u32 $0x1A, s16  }
0x397: {  	s18 =	sor.u32 $0x17, s10  }
0x398: {  	s17 =	ssub.s32 s19, s20;
	s20 =	sand.u32 $0xFF, s18  }
0x399: {  	s17 =	sand.u32 $0xFF, s17;
	s19 =	smul.u32 $0x4F, s20  }
0x39a: {  	s16 =	sshll.u32 s16, $0xC;
	s17 =	sshll.u32 s17, $0x7;
	s20 =	spop (v2sf);
	(v2sf) =	vpush v0, $0x8  }
0x39b: {  	s16 =	sor.u32 s17, s16;
	s20 =	sand.u32 $0x1FFFFFF0, s20;
	s19 =	sshrl.u32 s19, $0xB  }
0x39c: {  	s16 =	sadd.s32 $0xB500, s16;
	s17 =	sadd.s32 s3, s20;
	s20 =	smul.u32 $0x1A, s19  }
0x39d: {  	[tilespmem:s16], [sflag:$0x2] =	stream.linear.gather [hbm4b:s17+s2], $0x80, $0x38;
	[tilespmem:$0x13500] =	vst v63  }
0x39e: {  	s17 =	ssub.s32 s18, s20  }
0x39f: {  	s18 =	sshll.u32 s19, $0xC;
	s16 =	sand.u32 $0xFF, s17  }
0x3a0: {  	s20 =	spop (v2sf);
	s19 =	sor.u32 $0x18, s10;
	(v2sf) =	vpush v0, $0x9;
	s16 =	sshll.u32 s16, $0x7  }
0x3a1: {  	s16 =	sor.u32 s16, s18;
	s18 =	sand.u32 $0x1FFFFFF0, s20;
	s20 =	sand.u32 $0xFF, s19  }
0x3a2: {  	s16 =	sadd.s32 $0xB500, s16;
	s17 =	sadd.s32 s3, s18;
	s18 =	smul.u32 $0x4F, s20  }
0x3a3: {  	[tilespmem:s16], [sflag:$0x2] =	stream.linear.gather [hbm4b:s17+s2], $0x80, $0x38;
	[tilespmem:$0x13500] =	vst v63  }
0x3a4: {  	s16 =	sshrl.u32 s18, $0xB  }
0x3a5: {  	s20 =	smul.u32 $0x1A, s16  }
0x3a6: {  	s18 =	sor.u32 $0x19, s10  }
0x3a7: {  	s17 =	ssub.s32 s19, s20;
	s20 =	sand.u32 $0xFF, s18  }
0x3a8: {  	s17 =	sand.u32 $0xFF, s17;
	s19 =	smul.u32 $0x4F, s20  }
0x3a9: {  	s16 =	sshll.u32 s16, $0xC;
	s17 =	sshll.u32 s17, $0x7;
	s20 =	spop (v2sf);
	(v2sf) =	vpush v0, $0xA  }
0x3aa: {  	s16 =	sor.u32 s17, s16;
	s20 =	sand.u32 $0x1FFFFFF0, s20;
	s19 =	sshrl.u32 s19, $0xB  }
0x3ab: {  	s16 =	sadd.s32 $0xB500, s16;
	s17 =	sadd.s32 s3, s20;
	s20 =	smul.u32 $0x1A, s19  }
0x3ac: {  	[tilespmem:s16], [sflag:$0x2] =	stream.linear.gather [hbm4b:s17+s2], $0x80, $0x38;
	[tilespmem:$0x13500] =	vst v63  }
0x3ad: {  	s17 =	ssub.s32 s18, s20  }
0x3ae: {  	s18 =	sshll.u32 s19, $0xC;
	s16 =	sand.u32 $0xFF, s17  }
0x3af: {  	s20 =	spop (v2sf);
	s19 =	sor.u32 $0x1A, s10;
	(v2sf) =	vpush v0, $0xB;
	s16 =	sshll.u32 s16, $0x7  }
0x3b0: {  	s16 =	sor.u32 s16, s18;
	s18 =	sand.u32 $0x1FFFFFF0, s20;
	s20 =	sand.u32 $0xFF, s19  }
0x3b1: {  	s16 =	sadd.s32 $0xB500, s16;
	s17 =	sadd.s32 s3, s18;
	s18 =	smul.u32 $0x4F, s20  }
0x3b2: {  	[tilespmem:s16], [sflag:$0x2] =	stream.linear.gather [hbm4b:s17+s2], $0x80, $0x38;
	[tilespmem:$0x13500] =	vst v63  }
0x3b3: {  	s16 =	sshrl.u32 s18, $0xB  }
0x3b4: {  	s20 =	smul.u32 $0x1A, s16  }
0x3b5: {  	s18 =	sor.u32 $0x1B, s10  }
0x3b6: {  	s17 =	ssub.s32 s19, s20;
	s20 =	sand.u32 $0xFF, s18  }
0x3b7: {  	s17 =	sand.u32 $0xFF, s17;
	s19 =	smul.u32 $0x4F, s20  }
0x3b8: {  	s16 =	sshll.u32 s16, $0xC;
	s17 =	sshll.u32 s17, $0x7;
	s20 =	spop (v2sf);
	(v2sf) =	vpush v0, $0xC  }
0x3b9: {  	s16 =	sor.u32 s17, s16;
	s20 =	sand.u32 $0x1FFFFFF0, s20;
	s19 =	sshrl.u32 s19, $0xB  }
0x3ba: {  	s16 =	sadd.s32 $0xB500, s16;
	s17 =	sadd.s32 s3, s20;
	s20 =	smul.u32 $0x1A, s19  }
0x3bb: {  	[tilespmem:s16], [sflag:$0x2] =	stream.linear.gather [hbm4b:s17+s2], $0x80, $0x38;
	[tilespmem:$0x13500] =	vst v63  }
0x3bc: {  	s17 =	ssub.s32 s18, s20  }
0x3bd: {  	s18 =	sshll.u32 s19, $0xC;
	s16 =	sand.u32 $0xFF, s17  }
0x3be: {  	s20 =	spop (v2sf);
	s19 =	sor.u32 $0x1C, s10;
	(v2sf) =	vpush v0, $0xD;
	s16 =	sshll.u32 s16, $0x7  }
0x3bf: {  	s16 =	sor.u32 s16, s18;
	s18 =	sand.u32 $0x1FFFFFF0, s20;
	s20 =	sand.u32 $0xFF, s19  }
0x3c0: {  	s16 =	sadd.s32 $0xB500, s16;
	s17 =	sadd.s32 s3, s18;
	s18 =	smul.u32 $0x4F, s20  }
0x3c1: {  	[tilespmem:s16], [sflag:$0x2] =	stream.linear.gather [hbm4b:s17+s2], $0x80, $0x38;
	[tilespmem:$0x13500] =	vst v63  }
0x3c2: {  	s16 =	sshrl.u32 s18, $0xB  }
0x3c3: {  	s20 =	smul.u32 $0x1A, s16  }
0x3c4: {  	s18 =	sor.u32 $0x1D, s10  }
0x3c5: {  	s17 =	ssub.s32 s19, s20;
	s20 =	sand.u32 $0xFF, s18  }
0x3c6: {  	s17 =	sand.u32 $0xFF, s17;
	s19 =	smul.u32 $0x4F, s20  }
0x3c7: {  	s16 =	sshll.u32 s16, $0xC;
	s17 =	sshll.u32 s17, $0x7;
	s20 =	spop (v2sf);
	(v2sf) =	vpush v0, $0xE  }
0x3c8: {  	s16 =	sor.u32 s17, s16;
	s20 =	sand.u32 $0x1FFFFFF0, s20;
	s19 =	sshrl.u32 s19, $0xB  }
0x3c9: {  	s16 =	sadd.s32 $0xB500, s16;
	s17 =	sadd.s32 s3, s20;
	s20 =	smul.u32 $0x1A, s19  }
0x3ca: {  	[tilespmem:s16], [sflag:$0x2] =	stream.linear.gather [hbm4b:s17+s2], $0x80, $0x38;
	[tilespmem:$0x13500] =	vst v63  }
0x3cb: {  	s17 =	ssub.s32 s18, s20  }
0x3cc: {  	s18 =	sshll.u32 s19, $0xC;
	s16 =	sand.u32 $0xFF, s17  }
0x3cd: {  	s20 =	spop (v2sf);
	s19 =	sor.u32 $0x1E, s10;
	(v2sf) =	vpush v0, $0xF;
	s16 =	sshll.u32 s16, $0x7  }
0x3ce: {  	s16 =	sor.u32 s16, s18;
	s18 =	sand.u32 $0x1FFFFFF0, s20;
	s20 =	sand.u32 $0xFF, s19  }
0x3cf: {  	s16 =	sadd.s32 $0xB500, s16;
	s17 =	sadd.s32 s3, s18;
	s18 =	smul.u32 $0x4F, s20  }
0x3d0: {  	[tilespmem:s16], [sflag:$0x2] =	stream.linear.gather [hbm4b:s17+s2], $0x80, $0x38;
	[tilespmem:$0x13500] =	vst v63  }
0x3d1: {  	s16 =	sshrl.u32 s18, $0xB  }
0x3d2: {  	s20 =	smul.u32 $0x1A, s16  }
0x3d3: {  	s18 =	sor.u32 $0x1F, s10  }
0x3d4: {  	s17 =	ssub.s32 s19, s20;
	s20 =	sand.u32 $0xFF, s18  }
0x3d5: {  	s17 =	sand.u32 $0xFF, s17;
	s19 =	smul.u32 $0x4F, s20  }
0x3d6: {  	s16 =	sshll.u32 s16, $0xC;
	s17 =	sshll.u32 s17, $0x7;
	s20 =	spop (v2sf)  }
0x3d7: {  	s16 =	sor.u32 s17, s16;
	s20 =	sand.u32 $0x1FFFFFF0, s20;
	s19 =	sshrl.u32 s19, $0xB  }
0x3d8: {  	s16 =	sadd.s32 $0xB500, s16;
	s17 =	sadd.s32 s3, s20;
	s20 =	smul.u32 $0x1A, s19  }
0x3d9: {  	[tilespmem:s16], [sflag:$0x2] =	stream.linear.gather [hbm4b:s17+s2], $0x80, $0x38;
	[tilespmem:$0x13500] =	vst v63  }
0x3da: {  	s18 =	ssub.s32 s18, s20  }
0x3db: {  	s16 =	sand.u32 $0xFF, s18  }
0x3dc: {  	s19 =	sshll.u32 s19, $0xC;
	s20 =	spop (v2sf);
	s16 =	sshll.u32 s16, $0x7  }
0x3dd: {  	s18 =	sand.u32 $0x1FFFFFF0, s20;
	s16 =	sor.u32 s16, s19  }
0x3de: {  	s17 =	sadd.s32 s3, s18;
	s16 =	sadd.s32 $0xB500, s16  }
0x3df: {  	[tilespmem:s16], [sflag:$0x2] =	stream.linear.gather [hbm4b:s17+s2], $0x80, $0x38;
	[tilespmem:$0x13500] =	vst v63  }
0x3e0: {  	v62 =	vld [tilespmem:s5+$0xFFFFFFF0];
	_ =	sdelay $0x4  }
0x3e1: {  	v0 =	vshll.u32 v62, $0x4  }
0x3e2: {  	(v2sf) =	vpush v0, $0x0;
	_ =	sdelay $0x5  }
0x3e3: {  	(v2sf) =	vpush v0, $0x1  }
0x3e4: {  	s16 =	sadd.s32 $0x9E0, s14  }
0x3e5: {  	s19 =	sshrl.u32 s16, $0xB  }
0x3e6: {  	s17 =	sand.u32 $0x1F, s19  }
0x3e7: {  	s17 =	smul.u32 $0x1A, s17;
	_ =	sdelay $0x1  }
0x3e8: {  	s18 =	sor.u32 $0x21, s10;
	s17 =	ssub.s32 s10, s17  }
0x3e9: {  	s20 =	sand.u32 $0xFF, s18;
	s17 =	sadd.s32 $0x20, s17  }
0x3ea: {  	s16 =	sshll.u32 s16, $0x1;
	s19 =	smul.u32 $0x4F, s20;
	s17 =	sand.u32 $0xFF, s17  }
0x3eb: {  	s16 =	sand.u32 $0x1F000, s16;
	s17 =	sshll.u32 s17, $0x7;
	s20 =	spop (v2sf);
	(v2sf) =	vpush v0, $0x2  }
0x3ec: {  	s19 =	sshrl.u32 s19, $0xB;
	s16 =	sor.u32 s17, s16;
	s20 =	sand.u32 $0x1FFFFFF0, s20  }
0x3ed: {  	s16 =	sadd.s32 $0xB500, s16;
	s17 =	sadd.s32 s3, s20;
	s20 =	smul.u32 $0x1A, s19  }
0x3ee: {  	[tilespmem:s16], [sflag:$0x2] =	stream.linear.gather [hbm4b:s17+s2], $0x80, $0x38;
	[tilespmem:$0x13500] =	vst v63  }
0x3ef: {  	s17 =	ssub.s32 s18, s20  }
0x3f0: {  	s18 =	sshll.u32 s19, $0xC;
	s16 =	sand.u32 $0xFF, s17  }
0x3f1: {  	s20 =	spop (v2sf);
	s19 =	sor.u32 $0x22, s10;
	(v2sf) =	vpush v0, $0x3;
	s16 =	sshll.u32 s16, $0x7  }
0x3f2: {  	s16 =	sor.u32 s16, s18;
	s18 =	sand.u32 $0x1FFFFFF0, s20;
	s20 =	sand.u32 $0xFF, s19  }
0x3f3: {  	s16 =	sadd.s32 $0xB500, s16;
	s17 =	sadd.s32 s3, s18;
	s18 =	smul.u32 $0x4F, s20  }
0x3f4: {  	[tilespmem:s16], [sflag:$0x2] =	stream.linear.gather [hbm4b:s17+s2], $0x80, $0x38;
	[tilespmem:$0x13500] =	vst v63  }
0x3f5: {  	s16 =	sshrl.u32 s18, $0xB  }
0x3f6: {  	s20 =	smul.u32 $0x1A, s16  }
0x3f7: {  	s18 =	sor.u32 $0x23, s10  }
0x3f8: {  	s17 =	ssub.s32 s19, s20;
	s20 =	sand.u32 $0xFF, s18  }
0x3f9: {  	s17 =	sand.u32 $0xFF, s17;
	s19 =	smul.u32 $0x4F, s20  }
0x3fa: {  	s16 =	sshll.u32 s16, $0xC;
	s17 =	sshll.u32 s17, $0x7;
	s20 =	spop (v2sf);
	(v2sf) =	vpush v0, $0x4  }
0x3fb: {  	s16 =	sor.u32 s17, s16;
	s20 =	sand.u32 $0x1FFFFFF0, s20;
	s19 =	sshrl.u32 s19, $0xB  }
0x3fc: {  	s16 =	sadd.s32 $0xB500, s16;
	s17 =	sadd.s32 s3, s20;
	s20 =	smul.u32 $0x1A, s19  }
0x3fd: {  	[tilespmem:s16], [sflag:$0x2] =	stream.linear.gather [hbm4b:s17+s2], $0x80, $0x38;
	[tilespmem:$0x13500] =	vst v63  }
0x3fe: {  	s17 =	ssub.s32 s18, s20  }
0x3ff: {  	s18 =	sshll.u32 s19, $0xC;
	s16 =	sand.u32 $0xFF, s17  }
0x400: {  	s20 =	spop (v2sf);
	s19 =	sor.u32 $0x24, s10;
	(v2sf) =	vpush v0, $0x5;
	s16 =	sshll.u32 s16, $0x7  }
0x401: {  	s16 =	sor.u32 s16, s18;
	s18 =	sand.u32 $0x1FFFFFF0, s20;
	s20 =	sand.u32 $0xFF, s19  }
0x402: {  	s16 =	sadd.s32 $0xB500, s16;
	s17 =	sadd.s32 s3, s18;
	s18 =	smul.u32 $0x4F, s20  }
0x403: {  	[tilespmem:s16], [sflag:$0x2] =	stream.linear.gather [hbm4b:s17+s2], $0x80, $0x38;
	[tilespmem:$0x13500] =	vst v63  }
0x404: {  	s16 =	sshrl.u32 s18, $0xB  }
0x405: {  	s20 =	smul.u32 $0x1A, s16  }
0x406: {  	s18 =	sor.u32 $0x25, s10  }
0x407: {  	s17 =	ssub.s32 s19, s20;
	s20 =	sand.u32 $0xFF, s18  }
0x408: {  	s17 =	sand.u32 $0xFF, s17;
	s19 =	smul.u32 $0x4F, s20  }
0x409: {  	s16 =	sshll.u32 s16, $0xC;
	s17 =	sshll.u32 s17, $0x7;
	s20 =	spop (v2sf);
	(v2sf) =	vpush v0, $0x6  }
0x40a: {  	s16 =	sor.u32 s17, s16;
	s20 =	sand.u32 $0x1FFFFFF0, s20;
	s19 =	sshrl.u32 s19, $0xB  }
0x40b: {  	s16 =	sadd.s32 $0xB500, s16;
	s17 =	sadd.s32 s3, s20;
	s20 =	smul.u32 $0x1A, s19  }
0x40c: {  	[tilespmem:s16], [sflag:$0x2] =	stream.linear.gather [hbm4b:s17+s2], $0x80, $0x38;
	[tilespmem:$0x13500] =	vst v63  }
0x40d: {  	s17 =	ssub.s32 s18, s20  }
0x40e: {  	s18 =	sshll.u32 s19, $0xC;
	s16 =	sand.u32 $0xFF, s17  }
0x40f: {  	s20 =	spop (v2sf);
	s19 =	sor.u32 $0x26, s10;
	(v2sf) =	vpush v0, $0x7;
	s16 =	sshll.u32 s16, $0x7  }
0x410: {  	s16 =	sor.u32 s16, s18;
	s18 =	sand.u32 $0x1FFFFFF0, s20;
	s20 =	sand.u32 $0xFF, s19  }
0x411: {  	s16 =	sadd.s32 $0xB500, s16;
	s17 =	sadd.s32 s3, s18;
	s18 =	smul.u32 $0x4F, s20  }
0x412: {  	[tilespmem:s16], [sflag:$0x2] =	stream.linear.gather [hbm4b:s17+s2], $0x80, $0x38;
	[tilespmem:$0x13500] =	vst v63  }
0x413: {  	s16 =	sshrl.u32 s18, $0xB  }
0x414: {  	s20 =	smul.u32 $0x1A, s16  }
0x415: {  	s18 =	sor.u32 $0x27, s10  }
0x416: {  	s17 =	ssub.s32 s19, s20;
	s20 =	sand.u32 $0xFF, s18  }
0x417: {  	s17 =	sand.u32 $0xFF, s17;
	s19 =	smul.u32 $0x4F, s20  }
0x418: {  	s16 =	sshll.u32 s16, $0xC;
	s17 =	sshll.u32 s17, $0x7;
	s20 =	spop (v2sf);
	(v2sf) =	vpush v0, $0x8  }
0x419: {  	s16 =	sor.u32 s17, s16;
	s20 =	sand.u32 $0x1FFFFFF0, s20;
	s19 =	sshrl.u32 s19, $0xB  }
0x41a: {  	s16 =	sadd.s32 $0xB500, s16;
	s17 =	sadd.s32 s3, s20;
	s20 =	smul.u32 $0x1A, s19  }
0x41b: {  	[tilespmem:s16], [sflag:$0x2] =	stream.linear.gather [hbm4b:s17+s2], $0x80, $0x38;
	[tilespmem:$0x13500] =	vst v63  }
0x41c: {  	s17 =	ssub.s32 s18, s20  }
0x41d: {  	s18 =	sshll.u32 s19, $0xC;
	s16 =	sand.u32 $0xFF, s17  }
0x41e: {  	s20 =	spop (v2sf);
	s19 =	sor.u32 $0x28, s10;
	(v2sf) =	vpush v0, $0x9;
	s16 =	sshll.u32 s16, $0x7  }
0x41f: {  	s16 =	sor.u32 s16, s18;
	s18 =	sand.u32 $0x1FFFFFF0, s20;
	s20 =	sand.u32 $0xFF, s19  }
0x420: {  	s16 =	sadd.s32 $0xB500, s16;
	s17 =	sadd.s32 s3, s18;
	s18 =	smul.u32 $0x4F, s20  }
0x421: {  	[tilespmem:s16], [sflag:$0x2] =	stream.linear.gather [hbm4b:s17+s2], $0x80, $0x38;
	[tilespmem:$0x13500] =	vst v63  }
0x422: {  	s16 =	sshrl.u32 s18, $0xB  }
0x423: {  	s20 =	smul.u32 $0x1A, s16  }
0x424: {  	s18 =	sor.u32 $0x29, s10  }
0x425: {  	s17 =	ssub.s32 s19, s20;
	s20 =	sand.u32 $0xFF, s18  }
0x426: {  	s17 =	sand.u32 $0xFF, s17;
	s19 =	smul.u32 $0x4F, s20  }
0x427: {  	s16 =	sshll.u32 s16, $0xC;
	s17 =	sshll.u32 s17, $0x7;
	s20 =	spop (v2sf);
	(v2sf) =	vpush v0, $0xA  }
0x428: {  	s16 =	sor.u32 s17, s16;
	s20 =	sand.u32 $0x1FFFFFF0, s20;
	s19 =	sshrl.u32 s19, $0xB  }
0x429: {  	s16 =	sadd.s32 $0xB500, s16;
	s17 =	sadd.s32 s3, s20;
	s20 =	smul.u32 $0x1A, s19  }
0x42a: {  	[tilespmem:s16], [sflag:$0x2] =	stream.linear.gather [hbm4b:s17+s2], $0x80, $0x38;
	[tilespmem:$0x13500] =	vst v63  }
0x42b: {  	s17 =	ssub.s32 s18, s20  }
0x42c: {  	s18 =	sshll.u32 s19, $0xC;
	s16 =	sand.u32 $0xFF, s17  }
0x42d: {  	s20 =	spop (v2sf);
	s19 =	sor.u32 $0x2A, s10;
	(v2sf) =	vpush v0, $0xB;
	s16 =	sshll.u32 s16, $0x7  }
0x42e: {  	s16 =	sor.u32 s16, s18;
	s18 =	sand.u32 $0x1FFFFFF0, s20;
	s20 =	sand.u32 $0xFF, s19  }
0x42f: {  	s16 =	sadd.s32 $0xB500, s16;
	s17 =	sadd.s32 s3, s18;
	s18 =	smul.u32 $0x4F, s20  }
0x430: {  	[tilespmem:s16], [sflag:$0x2] =	stream.linear.gather [hbm4b:s17+s2], $0x80, $0x38;
	[tilespmem:$0x13500] =	vst v63  }
0x431: {  	s16 =	sshrl.u32 s18, $0xB  }
0x432: {  	s20 =	smul.u32 $0x1A, s16  }
0x433: {  	s18 =	sor.u32 $0x2B, s10  }
0x434: {  	s17 =	ssub.s32 s19, s20;
	s20 =	sand.u32 $0xFF, s18  }
0x435: {  	s17 =	sand.u32 $0xFF, s17;
	s19 =	smul.u32 $0x4F, s20  }
0x436: {  	s16 =	sshll.u32 s16, $0xC;
	s17 =	sshll.u32 s17, $0x7;
	s20 =	spop (v2sf);
	(v2sf) =	vpush v0, $0xC  }
0x437: {  	s16 =	sor.u32 s17, s16;
	s20 =	sand.u32 $0x1FFFFFF0, s20;
	s19 =	sshrl.u32 s19, $0xB  }
0x438: {  	s16 =	sadd.s32 $0xB500, s16;
	s17 =	sadd.s32 s3, s20;
	s20 =	smul.u32 $0x1A, s19  }
0x439: {  	[tilespmem:s16], [sflag:$0x2] =	stream.linear.gather [hbm4b:s17+s2], $0x80, $0x38;
	[tilespmem:$0x13500] =	vst v63  }
0x43a: {  	s17 =	ssub.s32 s18, s20  }
0x43b: {  	s18 =	sshll.u32 s19, $0xC;
	s16 =	sand.u32 $0xFF, s17  }
0x43c: {  	s20 =	spop (v2sf);
	s19 =	sor.u32 $0x2C, s10;
	(v2sf) =	vpush v0, $0xD;
	s16 =	sshll.u32 s16, $0x7  }
0x43d: {  	s16 =	sor.u32 s16, s18;
	s18 =	sand.u32 $0x1FFFFFF0, s20;
	s20 =	sand.u32 $0xFF, s19  }
0x43e: {  	s16 =	sadd.s32 $0xB500, s16;
	s17 =	sadd.s32 s3, s18;
	s18 =	smul.u32 $0x4F, s20  }
0x43f: {  	[tilespmem:s16], [sflag:$0x2] =	stream.linear.gather [hbm4b:s17+s2], $0x80, $0x38;
	[tilespmem:$0x13500] =	vst v63  }
0x440: {  	s16 =	sshrl.u32 s18, $0xB  }
0x441: {  	s20 =	smul.u32 $0x1A, s16  }
0x442: {  	s18 =	sor.u32 $0x2D, s10  }
0x443: {  	s17 =	ssub.s32 s19, s20;
	s20 =	sand.u32 $0xFF, s18  }
0x444: {  	s17 =	sand.u32 $0xFF, s17;
	s19 =	smul.u32 $0x4F, s20  }
0x445: {  	s16 =	sshll.u32 s16, $0xC;
	s17 =	sshll.u32 s17, $0x7;
	s20 =	spop (v2sf);
	(v2sf) =	vpush v0, $0xE  }
0x446: {  	s16 =	sor.u32 s17, s16;
	s20 =	sand.u32 $0x1FFFFFF0, s20;
	s19 =	sshrl.u32 s19, $0xB  }
0x447: {  	s16 =	sadd.s32 $0xB500, s16;
	s17 =	sadd.s32 s3, s20;
	s20 =	smul.u32 $0x1A, s19  }
0x448: {  	[tilespmem:s16], [sflag:$0x2] =	stream.linear.gather [hbm4b:s17+s2], $0x80, $0x38;
	[tilespmem:$0x13500] =	vst v63  }
0x449: {  	s17 =	ssub.s32 s18, s20  }
0x44a: {  	s18 =	sshll.u32 s19, $0xC;
	s16 =	sand.u32 $0xFF, s17  }
0x44b: {  	s20 =	spop (v2sf);
	s19 =	sor.u32 $0x2E, s10;
	(v2sf) =	vpush v0, $0xF;
	s16 =	sshll.u32 s16, $0x7  }
0x44c: {  	s16 =	sor.u32 s16, s18;
	s18 =	sand.u32 $0x1FFFFFF0, s20;
	s20 =	sand.u32 $0xFF, s19  }
0x44d: {  	s16 =	sadd.s32 $0xB500, s16;
	s17 =	sadd.s32 s3, s18;
	s18 =	smul.u32 $0x4F, s20  }
0x44e: {  	[tilespmem:s16], [sflag:$0x2] =	stream.linear.gather [hbm4b:s17+s2], $0x80, $0x38;
	[tilespmem:$0x13500] =	vst v63  }
0x44f: {  	s16 =	sshrl.u32 s18, $0xB  }
0x450: {  	s20 =	smul.u32 $0x1A, s16  }
0x451: {  	s18 =	sor.u32 $0x2F, s10  }
0x452: {  	s17 =	ssub.s32 s19, s20;
	s20 =	sand.u32 $0xFF, s18  }
0x453: {  	s17 =	sand.u32 $0xFF, s17;
	s19 =	smul.u32 $0x4F, s20  }
0x454: {  	s16 =	sshll.u32 s16, $0xC;
	s17 =	sshll.u32 s17, $0x7;
	s20 =	spop (v2sf)  }
0x455: {  	s16 =	sor.u32 s17, s16;
	s20 =	sand.u32 $0x1FFFFFF0, s20;
	s19 =	sshrl.u32 s19, $0xB  }
0x456: {  	s16 =	sadd.s32 $0xB500, s16;
	s17 =	sadd.s32 s3, s20;
	s20 =	smul.u32 $0x1A, s19  }
0x457: {  	[tilespmem:s16], [sflag:$0x2] =	stream.linear.gather [hbm4b:s17+s2], $0x80, $0x38;
	[tilespmem:$0x13500] =	vst v63  }
0x458: {  	s17 =	ssub.s32 s18, s20  }
0x459: {  	s16 =	sand.u32 $0xFF, s17  }
0x45a: {  	s18 =	sshll.u32 s19, $0xC;
	s19 =	spop (v2sf);
	s16 =	sshll.u32 s16, $0x7  }
0x45b: {  	s20 =	sand.u32 $0x1FFFFFF0, s19;
	s16 =	sor.u32 s16, s18  }
0x45c: {  	s17 =	sadd.s32 s3, s20;
	s16 =	sadd.s32 $0xB500, s16  }
0x45d: {  	[tilespmem:s16], [sflag:$0x2] =	stream.linear.gather [hbm4b:s17+s2], $0x80, $0x38;
	[tilespmem:$0x13500] =	vst v63  }
0x45e: {  	v63 =	vld [tilespmem:s5+$0x0];
	_ =	sdelay $0x4  }
0x45f: {  	v0 =	vshll.u32 v63, $0x4  }
0x460: {  	(v2sf) =	vpush v0, $0x0;
	_ =	sdelay $0x5  }
0x461: {  	(v2sf) =	vpush v0, $0x1  }
0x462: {  	s14 =	sadd.s32 $0xED0, s14  }
0x463: {  	s18 =	sshrl.u32 s14, $0xB  }
0x464: {  	s16 =	sand.u32 $0x1F, s18  }
0x465: {  	s16 =	smul.u32 $0x1A, s16;
	_ =	sdelay $0x1  }
0x466: {  	s17 =	sor.u32 $0x31, s10;
	s16 =	ssub.s32 s10, s16  }
0x467: {  	s19 =	sand.u32 $0xFF, s17;
	s16 =	sadd.s32 $0x30, s16  }
0x468: {  	s14 =	sshll.u32 s14, $0x1;
	s18 =	smul.u32 $0x4F, s19;
	s16 =	sand.u32 $0xFF, s16  }
0x469: {  	s14 =	sand.u32 $0x1F000, s14;
	s16 =	sshll.u32 s16, $0x7;
	s20 =	spop (v2sf);
	(v2sf) =	vpush v0, $0x2  }
0x46a: {  	s18 =	sshrl.u32 s18, $0xB;
	s14 =	sor.u32 s16, s14;
	s19 =	sand.u32 $0x1FFFFFF0, s20  }
0x46b: {  	s14 =	sadd.s32 $0xB500, s14;
	s20 =	smul.u32 $0x1A, s18;
	s16 =	sadd.s32 s3, s19  }
0x46c: {  	[tilespmem:s14], [sflag:$0x2] =	stream.linear.gather [hbm4b:s16+s2], $0x80, $0x38;
	[tilespmem:$0x13500] =	vst v63  }
0x46d: {  	s17 =	ssub.s32 s17, s20  }
0x46e: {  	s19 =	sshll.u32 s18, $0xC;
	s14 =	sand.u32 $0xFF, s17  }
0x46f: {  	s18 =	sor.u32 $0x32, s10;
	s20 =	spop (v2sf);
	(v2sf) =	vpush v0, $0x3;
	s14 =	sshll.u32 s14, $0x7  }
0x470: {  	s17 =	sand.u32 $0x1FFFFFF0, s20;
	s14 =	sor.u32 s14, s19;
	s19 =	sand.u32 $0xFF, s18  }
0x471: {  	s16 =	sadd.s32 s3, s17;
	s14 =	sadd.s32 $0xB500, s14;
	s17 =	smul.u32 $0x4F, s19  }
0x472: {  	[tilespmem:s14], [sflag:$0x2] =	stream.linear.gather [hbm4b:s16+s2], $0x80, $0x38;
	[tilespmem:$0x13500] =	vst v63  }
0x473: {  	s14 =	sshrl.u32 s17, $0xB  }
0x474: {  	s20 =	smul.u32 $0x1A, s14  }
0x475: {  	s17 =	sor.u32 $0x33, s10  }
0x476: {  	s19 =	sand.u32 $0xFF, s17;
	s16 =	ssub.s32 s18, s20  }
0x477: {  	s18 =	smul.u32 $0x4F, s19;
	s16 =	sand.u32 $0xFF, s16  }
0x478: {  	s14 =	sshll.u32 s14, $0xC;
	s16 =	sshll.u32 s16, $0x7;
	s20 =	spop (v2sf);
	(v2sf) =	vpush v0, $0x4  }
0x479: {  	s18 =	sshrl.u32 s18, $0xB;
	s14 =	sor.u32 s16, s14;
	s19 =	sand.u32 $0x1FFFFFF0, s20  }
0x47a: {  	s14 =	sadd.s32 $0xB500, s14;
	s20 =	smul.u32 $0x1A, s18;
	s16 =	sadd.s32 s3, s19  }
0x47b: {  	[tilespmem:s14], [sflag:$0x2] =	stream.linear.gather [hbm4b:s16+s2], $0x80, $0x38;
	[tilespmem:$0x13500] =	vst v63  }
0x47c: {  	s17 =	ssub.s32 s17, s20  }
0x47d: {  	s19 =	sshll.u32 s18, $0xC;
	s14 =	sand.u32 $0xFF, s17  }
0x47e: {  	s18 =	sor.u32 $0x34, s10;
	s20 =	spop (v2sf);
	(v2sf) =	vpush v0, $0x5;
	s14 =	sshll.u32 s14, $0x7  }
0x47f: {  	s17 =	sand.u32 $0x1FFFFFF0, s20;
	s14 =	sor.u32 s14, s19;
	s19 =	sand.u32 $0xFF, s18  }
0x480: {  	s16 =	sadd.s32 s3, s17;
	s14 =	sadd.s32 $0xB500, s14;
	s17 =	smul.u32 $0x4F, s19  }
0x481: {  	[tilespmem:s14], [sflag:$0x2] =	stream.linear.gather [hbm4b:s16+s2], $0x80, $0x38;
	[tilespmem:$0x13500] =	vst v63  }
0x482: {  	s14 =	sshrl.u32 s17, $0xB  }
0x483: {  	s20 =	smul.u32 $0x1A, s14  }
0x484: {  	s17 =	sor.u32 $0x35, s10  }
0x485: {  	s19 =	sand.u32 $0xFF, s17;
	s16 =	ssub.s32 s18, s20  }
0x486: {  	s18 =	smul.u32 $0x4F, s19;
	s16 =	sand.u32 $0xFF, s16  }
0x487: {  	s14 =	sshll.u32 s14, $0xC;
	s16 =	sshll.u32 s16, $0x7;
	s20 =	spop (v2sf);
	(v2sf) =	vpush v0, $0x6  }
0x488: {  	s18 =	sshrl.u32 s18, $0xB;
	s14 =	sor.u32 s16, s14;
	s19 =	sand.u32 $0x1FFFFFF0, s20  }
0x489: {  	s14 =	sadd.s32 $0xB500, s14;
	s20 =	smul.u32 $0x1A, s18;
	s16 =	sadd.s32 s3, s19  }
0x48a: {  	[tilespmem:s14], [sflag:$0x2] =	stream.linear.gather [hbm4b:s16+s2], $0x80, $0x38;
	[tilespmem:$0x13500] =	vst v63  }
0x48b: {  	s17 =	ssub.s32 s17, s20  }
0x48c: {  	s19 =	sshll.u32 s18, $0xC;
	s14 =	sand.u32 $0xFF, s17  }
0x48d: {  	s18 =	sor.u32 $0x36, s10;
	s20 =	spop (v2sf);
	(v2sf) =	vpush v0, $0x7;
	s14 =	sshll.u32 s14, $0x7  }
0x48e: {  	s17 =	sand.u32 $0x1FFFFFF0, s20;
	s14 =	sor.u32 s14, s19;
	s19 =	sand.u32 $0xFF, s18  }
0x48f: {  	s16 =	sadd.s32 s3, s17;
	s14 =	sadd.s32 $0xB500, s14;
	s17 =	smul.u32 $0x4F, s19  }
0x490: {  	[tilespmem:s14], [sflag:$0x2] =	stream.linear.gather [hbm4b:s16+s2], $0x80, $0x38;
	[tilespmem:$0x13500] =	vst v63  }
0x491: {  	s14 =	sshrl.u32 s17, $0xB  }
0x492: {  	s20 =	smul.u32 $0x1A, s14  }
0x493: {  	s17 =	sor.u32 $0x37, s10  }
0x494: {  	s19 =	sand.u32 $0xFF, s17;
	s16 =	ssub.s32 s18, s20  }
0x495: {  	s18 =	smul.u32 $0x4F, s19;
	s16 =	sand.u32 $0xFF, s16  }
0x496: {  	s14 =	sshll.u32 s14, $0xC;
	s16 =	sshll.u32 s16, $0x7;
	s20 =	spop (v2sf);
	(v2sf) =	vpush v0, $0x8  }
0x497: {  	s18 =	sshrl.u32 s18, $0xB;
	s14 =	sor.u32 s16, s14;
	s19 =	sand.u32 $0x1FFFFFF0, s20  }
0x498: {  	s14 =	sadd.s32 $0xB500, s14;
	s20 =	smul.u32 $0x1A, s18;
	s16 =	sadd.s32 s3, s19  }
0x499: {  	[tilespmem:s14], [sflag:$0x2] =	stream.linear.gather [hbm4b:s16+s2], $0x80, $0x38;
	[tilespmem:$0x13500] =	vst v63  }
0x49a: {  	s17 =	ssub.s32 s17, s20  }
0x49b: {  	s19 =	sshll.u32 s18, $0xC;
	s14 =	sand.u32 $0xFF, s17  }
0x49c: {  	s18 =	sor.u32 $0x38, s10;
	s20 =	spop (v2sf);
	(v2sf) =	vpush v0, $0x9;
	s14 =	sshll.u32 s14, $0x7  }
0x49d: {  	s17 =	sand.u32 $0x1FFFFFF0, s20;
	s14 =	sor.u32 s14, s19;
	s19 =	sand.u32 $0xFF, s18  }
0x49e: {  	s16 =	sadd.s32 s3, s17;
	s14 =	sadd.s32 $0xB500, s14;
	s17 =	smul.u32 $0x4F, s19  }
0x49f: {  	[tilespmem:s14], [sflag:$0x2] =	stream.linear.gather [hbm4b:s16+s2], $0x80, $0x38;
	[tilespmem:$0x13500] =	vst v63  }
0x4a0: {  	s14 =	sshrl.u32 s17, $0xB  }
0x4a1: {  	s20 =	smul.u32 $0x1A, s14  }
0x4a2: {  	s17 =	sor.u32 $0x39, s10  }
0x4a3: {  	s19 =	sand.u32 $0xFF, s17;
	s16 =	ssub.s32 s18, s20  }
0x4a4: {  	s18 =	smul.u32 $0x4F, s19;
	s16 =	sand.u32 $0xFF, s16  }
0x4a5: {  	s14 =	sshll.u32 s14, $0xC;
	s16 =	sshll.u32 s16, $0x7;
	s20 =	spop (v2sf);
	(v2sf) =	vpush v0, $0xA  }
0x4a6: {  	s18 =	sshrl.u32 s18, $0xB;
	s14 =	sor.u32 s16, s14;
	s19 =	sand.u32 $0x1FFFFFF0, s20  }
0x4a7: {  	s14 =	sadd.s32 $0xB500, s14;
	s20 =	smul.u32 $0x1A, s18;
	s16 =	sadd.s32 s3, s19  }
0x4a8: {  	[tilespmem:s14], [sflag:$0x2] =	stream.linear.gather [hbm4b:s16+s2], $0x80, $0x38;
	[tilespmem:$0x13500] =	vst v63  }
0x4a9: {  	s17 =	ssub.s32 s17, s20  }
0x4aa: {  	s19 =	sshll.u32 s18, $0xC;
	s14 =	sand.u32 $0xFF, s17  }
0x4ab: {  	s18 =	sor.u32 $0x3A, s10;
	s20 =	spop (v2sf);
	(v2sf) =	vpush v0, $0xB;
	s14 =	sshll.u32 s14, $0x7  }
0x4ac: {  	s17 =	sand.u32 $0x1FFFFFF0, s20;
	s14 =	sor.u32 s14, s19;
	s19 =	sand.u32 $0xFF, s18  }
0x4ad: {  	s16 =	sadd.s32 s3, s17;
	s14 =	sadd.s32 $0xB500, s14;
	s17 =	smul.u32 $0x4F, s19  }
0x4ae: {  	[tilespmem:s14], [sflag:$0x2] =	stream.linear.gather [hbm4b:s16+s2], $0x80, $0x38;
	[tilespmem:$0x13500] =	vst v63  }
0x4af: {  	s14 =	sshrl.u32 s17, $0xB  }
0x4b0: {  	s20 =	smul.u32 $0x1A, s14  }
0x4b1: {  	s17 =	sor.u32 $0x3B, s10  }
0x4b2: {  	s19 =	sand.u32 $0xFF, s17;
	s16 =	ssub.s32 s18, s20  }
0x4b3: {  	s18 =	smul.u32 $0x4F, s19;
	s16 =	sand.u32 $0xFF, s16  }
0x4b4: {  	s14 =	sshll.u32 s14, $0xC;
	s16 =	sshll.u32 s16, $0x7;
	s20 =	spop (v2sf);
	(v2sf) =	vpush v0, $0xC  }
0x4b5: {  	s18 =	sshrl.u32 s18, $0xB;
	s14 =	sor.u32 s16, s14;
	s19 =	sand.u32 $0x1FFFFFF0, s20  }
0x4b6: {  	s14 =	sadd.s32 $0xB500, s14;
	s20 =	smul.u32 $0x1A, s18;
	s16 =	sadd.s32 s3, s19  }
0x4b7: {  	[tilespmem:s14], [sflag:$0x2] =	stream.linear.gather [hbm4b:s16+s2], $0x80, $0x38;
	[tilespmem:$0x13500] =	vst v63  }
0x4b8: {  	s17 =	ssub.s32 s17, s20  }
0x4b9: {  	s19 =	sshll.u32 s18, $0xC;
	s14 =	sand.u32 $0xFF, s17  }
0x4ba: {  	s18 =	sor.u32 $0x3C, s10;
	s20 =	spop (v2sf);
	(v2sf) =	vpush v0, $0xD;
	s14 =	sshll.u32 s14, $0x7  }
0x4bb: {  	s17 =	sand.u32 $0x1FFFFFF0, s20;
	s14 =	sor.u32 s14, s19;
	s19 =	sand.u32 $0xFF, s18  }
0x4bc: {  	s16 =	sadd.s32 s3, s17;
	s14 =	sadd.s32 $0xB500, s14;
	s17 =	smul.u32 $0x4F, s19  }
0x4bd: {  	[tilespmem:s14], [sflag:$0x2] =	stream.linear.gather [hbm4b:s16+s2], $0x80, $0x38;
	[tilespmem:$0x13500] =	vst v63  }
0x4be: {  	s14 =	sshrl.u32 s17, $0xB  }
0x4bf: {  	s20 =	smul.u32 $0x1A, s14  }
0x4c0: {  	s17 =	sor.u32 $0x3D, s10  }
0x4c1: {  	s19 =	sand.u32 $0xFF, s17;
	s16 =	ssub.s32 s18, s20  }
0x4c2: {  	s18 =	smul.u32 $0x4F, s19;
	s16 =	sand.u32 $0xFF, s16  }
0x4c3: {  	s14 =	sshll.u32 s14, $0xC;
	s16 =	sshll.u32 s16, $0x7;
	s20 =	spop (v2sf);
	(v2sf) =	vpush v0, $0xE  }
0x4c4: {  	s18 =	sshrl.u32 s18, $0xB;
	s14 =	sor.u32 s16, s14;
	s19 =	sand.u32 $0x1FFFFFF0, s20  }
0x4c5: {  	s14 =	sadd.s32 $0xB500, s14;
	s20 =	smul.u32 $0x1A, s18;
	s16 =	sadd.s32 s3, s19  }
0x4c6: {  	[tilespmem:s14], [sflag:$0x2] =	stream.linear.gather [hbm4b:s16+s2], $0x80, $0x38;
	[tilespmem:$0x13500] =	vst v63  }
0x4c7: {  	s17 =	ssub.s32 s17, s20  }
0x4c8: {  	s19 =	sshll.u32 s18, $0xC;
	s14 =	sand.u32 $0xFF, s17  }
0x4c9: {  	s18 =	sor.u32 $0x3E, s10;
	s20 =	spop (v2sf);
	(v2sf) =	vpush v0, $0xF;
	s14 =	sshll.u32 s14, $0x7  }
0x4ca: {  	s17 =	sand.u32 $0x1FFFFFF0, s20;
	s14 =	sor.u32 s14, s19;
	s19 =	sand.u32 $0xFF, s18  }
0x4cb: {  	s16 =	sadd.s32 s3, s17;
	s14 =	sadd.s32 $0xB500, s14;
	s17 =	smul.u32 $0x4F, s19  }
0x4cc: {  	[tilespmem:s14], [sflag:$0x2] =	stream.linear.gather [hbm4b:s16+s2], $0x80, $0x38;
	[tilespmem:$0x13500] =	vst v63  }
0x4cd: {  	s14 =	sshrl.u32 s17, $0xB  }
0x4ce: {  	s20 =	smul.u32 $0x1A, s14  }
0x4cf: {  	s17 =	sor.u32 $0x3F, s10  }
0x4d0: {  	s19 =	sand.u32 $0xFF, s17;
	s16 =	ssub.s32 s18, s20  }
0x4d1: {  	s12 =	sadd.s32 $0x4, s12;
	s18 =	smul.u32 $0x4F, s19;
	s16 =	sand.u32 $0xFF, s16  }
0x4d2: {  	s14 =	sshll.u32 s14, $0xC;
	s16 =	sshll.u32 s16, $0x7;
	s20 =	spop (v2sf)  }
0x4d3: {  	s18 =	sshrl.u32 s18, $0xB;
	s14 =	sor.u32 s16, s14;
	s19 =	sand.u32 $0x1FFFFFF0, s20  }
0x4d4: {  	s14 =	sadd.s32 $0xB500, s14;
	s20 =	smul.u32 $0x1A, s18;
	s16 =	sadd.s32 s3, s19  }
0x4d5: {  	[tilespmem:s14], [sflag:$0x2] =	stream.linear.gather [hbm4b:s16+s2], $0x80, $0x38;
	[tilespmem:$0x13500] =	vst v63  }
0x4d6: {  	p0 =	slt.u32 s12, $0x8;
	s17 =	ssub.s32 s17, s20  }
.Ltmp2:
0x4d7: {  	s14 =	sand.u32 $0xFF, s17;
	(pc) =	sbr.rel @p0 .LBB2_7-.Ltmp2, $4  }
0x4d8: {  	s18 =	sshll.u32 s18, $0xC;
	s19 =	spop (v2sf);
	s14 =	sshll.u32 s14, $0x7  }
0x4d9: {  	s5 =	sadd.s32 $0x40, s5;
	s20 =	sand.u32 $0x1FFFFFF0, s19;
	s14 =	sor.u32 s14, s18  }
0x4da: {  	s10 =	sadd.s32 $0x40, s10;
	s16 =	sadd.s32 s3, s20;
	s14 =	sadd.s32 $0xB500, s14  }
0x4db: {  	[tilespmem:s14], [sflag:$0x2] =	stream.linear.gather [hbm4b:s16+s2], $0x80, $0x38;
	[tilespmem:$0x13500] =	vst v63  }
0x4dc: {  	v0 =	vld [tilespmem:s11+$0xC0];
	_ =	sdelay $0x4  }
0x4dd: {  	v0 =	vshll.u32 v0, $0x4  }
0x4de: {  	(v2sf) =	vpush v0, $0x0  }
0x4df: {  	(v2sf) =	vpush v0, $0x1;
	_ =	sdelay $0x5  }
0x4e0: {  	(v2sf) =	vpush v0, $0x2;
	_ =	sdelay $0x1  }
0x4e1: {  	(v2sf) =	vpush v0, $0x3;
	_ =	sdelay $0x5  }
0x4e2: {  	s5 =	spop (v2sf);
	(v2sf) =	vpush v0, $0x4  }
0x4e3: {  	s14 =	spop (v2sf);
	(v2sf) =	vpush v0, $0x5;
	_ =	sdelay $0x4  }
0x4e4: {  	s5 =	sand.u32 $0x1FFFFFF0, s5  }
0x4e5: {  	s10 =	simm.s32 $0x12A00;
	s5 =	sadd.s32 s3, s5;
	s17 =	spop (v2sf);
	(v2sf) =	vpush v0, $0x6  }
0x4e6: {  	[tilespmem:s10], [sflag:$0x2] =	stream.linear.gather [hbm4b:s5+s2], $0x80, $0x38;
	[tilespmem:$0x13500] =	vst v63  }
0x4e7: {  	s5 =	sand.u32 $0x1FFFFFF0, s14;
	s19 =	spop (v2sf);
	(v2sf) =	vpush v0, $0x7  }
0x4e8: {  	s16 =	simm.s32 $0x12A80;
	s5 =	sadd.s32 s3, s5  }
0x4e9: {  	[tilespmem:s16], [sflag:$0x2] =	stream.linear.gather [hbm4b:s5+s2], $0x80, $0x38;
	[tilespmem:$0x13500] =	vst v63  }
0x4ea: {  	s5 =	sand.u32 $0x1FFFFFF0, s17  }
0x4eb: {  	s18 =	simm.s32 $0x12B00;
	s5 =	sadd.s32 s3, s5  }
0x4ec: {  	[tilespmem:s18], [sflag:$0x2] =	stream.linear.gather [hbm4b:s5+s2], $0x80, $0x38;
	[tilespmem:$0x13500] =	vst v63  }
0x4ed: {  	s5 =	sand.u32 $0x1FFFFFF0, s19;
	s11 =	spop (v2sf);
	(v2sf) =	vpush v0, $0x8  }
0x4ee: {  	s20 =	simm.s32 $0x12B80;
	s5 =	sadd.s32 s3, s5;
	s14 =	spop (v2sf);
	(v2sf) =	vpush v0, $0x9  }
0x4ef: {  	[tilespmem:s20], [sflag:$0x2] =	stream.linear.gather [hbm4b:s5+s2], $0x80, $0x38;
	[tilespmem:$0x13500] =	vst v63  }
0x4f0: {  	s5 =	sand.u32 $0x1FFFFFF0, s11;
	(v2sf) =	vpush v0, $0xA  }
0x4f1: {  	s12 =	simm.s32 $0x12C00;
	s5 =	sadd.s32 s3, s5  }
0x4f2: {  	[tilespmem:s12], [sflag:$0x2] =	stream.linear.gather [hbm4b:s5+s2], $0x80, $0x38;
	[tilespmem:$0x13500] =	vst v63  }
0x4f3: {  	s5 =	sand.u32 $0x1FFFFFF0, s14  }
0x4f4: {  	s16 =	simm.s32 $0x12C80;
	s17 =	spop (v2sf);
	s5 =	sadd.s32 s3, s5  }
0x4f5: {  	(v2sf) =	vpush v0, $0xB;
	[tilespmem:s16], [sflag:$0x2] =	stream.linear.gather [hbm4b:s5+s2], $0x80, $0x38;
	[tilespmem:$0x13500] =	vst v63  }
0x4f6: {  	s19 =	spop (v2sf);
	(v2sf) =	vpush v0, $0xC;
	s5 =	sand.u32 $0x1FFFFFF0, s17  }
0x4f7: {  	s18 =	simm.s32 $0x12D00;
	s5 =	sadd.s32 s3, s5  }
0x4f8: {  	[tilespmem:s18], [sflag:$0x2] =	stream.linear.gather [hbm4b:s5+s2], $0x80, $0x38;
	[tilespmem:$0x13500] =	vst v63  }
0x4f9: {  	s5 =	sand.u32 $0x1FFFFFF0, s19  }
0x4fa: {  	s20 =	simm.s32 $0x12D80;
	s5 =	sadd.s32 s3, s5  }
0x4fb: {  	[tilespmem:s20], [sflag:$0x2] =	stream.linear.gather [hbm4b:s5+s2], $0x80, $0x38;
	[tilespmem:$0x13500] =	vst v63  }
0x4fc: {  	s10 =	spop (v2sf);
	(v2sf) =	vpush v0, $0xD  }
0x4fd: {  	s12 =	spop (v2sf);
	(v2sf) =	vpush v0, $0xE  }
0x4fe: {  	s5 =	sand.u32 $0x1FFFFFF0, s10  }
0x4ff: {  	s11 =	simm.s32 $0x12E00;
	s5 =	sadd.s32 s3, s5;
	s16 =	spop (v2sf)  }
0x500: {  	(v2sf) =	vpush v0, $0xF;
	[tilespmem:s11], [sflag:$0x2] =	stream.linear.gather [hbm4b:s5+s2], $0x80, $0x38;
	[tilespmem:$0x13500] =	vst v63  }
0x501: {  	s5 =	sand.u32 $0x1FFFFFF0, s12  }
0x502: {  	s14 =	simm.s32 $0x12E80;
	s5 =	sadd.s32 s3, s5  }
0x503: {  	[tilespmem:s14], [sflag:$0x2] =	stream.linear.gather [hbm4b:s5+s2], $0x80, $0x38;
	[tilespmem:$0x13500] =	vst v63  }
0x504: {  	s18 =	simm.s32 $0x12F00;
	s17 =	spop (v2sf);
	s5 =	sand.u32 $0x1FFFFFF0, s16  }
0x505: {  	s19 =	sand.u32 $0x1FFFFFF0, s17;
	s20 =	spop (v2sf);
	s5 =	sadd.s32 s3, s5  }
0x506: {  	[tilespmem:s18], [sflag:$0x2] =	stream.linear.gather [hbm4b:s5+s2], $0x80, $0x38;
	[tilespmem:$0x13500] =	vst v63  }
0x507: {  	s12 =	simm.s32 $0x12F80;
	s14 =	sand.u32 $0x1FFFFFF0, s20;
	s5 =	sadd.s32 s3, s19  }
0x508: {  	[tilespmem:s12], [sflag:$0x2] =	stream.linear.gather [hbm4b:s5+s2], $0x80, $0x38;
	[tilespmem:$0x13500] =	vst v63  }
0x509: {  	s17 =	simm.s32 $0x13000;
	s5 =	sadd.s32 s3, s14  }
0x50a: {  	[tilespmem:s17], [sflag:$0x2] =	stream.linear.gather [hbm4b:s5+s2], $0x80, $0x38;
	[tilespmem:$0x13500] =	vst v63  }
0x50b: {  	s16 =	spop (v2sf)  }
0x50c: {  	s18 =	sand.u32 $0x1FFFFFF0, s16;
	s19 =	spop (v2sf)  }
0x50d: {  	s20 =	simm.s32 $0x13080;
	s5 =	sadd.s32 s3, s18;
	s11 =	sand.u32 $0x1FFFFFF0, s19  }
0x50e: {  	[tilespmem:s20], [sflag:$0x2] =	stream.linear.gather [hbm4b:s5+s2], $0x80, $0x38;
	[tilespmem:$0x13500] =	vst v63  }
0x50f: {  	s12 =	simm.s32 $0x13100;
	s14 =	spop (v2sf);
	s5 =	sadd.s32 s3, s11  }
0x510: {  	[tilespmem:s12], [sflag:$0x2] =	stream.linear.gather [hbm4b:s5+s2], $0x80, $0x38;
	[tilespmem:$0x13500] =	vst v63  }
0x511: {  	s5 =	sand.u32 $0x1FFFFFF0, s14  }
0x512: {  	s16 =	simm.s32 $0x13180;
	s5 =	sadd.s32 s3, s5  }
0x513: {  	[tilespmem:s16], [sflag:$0x2] =	stream.linear.gather [hbm4b:s5+s2], $0x80, $0x38;
	[tilespmem:$0x13500] =	vst v63  }
0x514: {  	_ =	swait.ge [sflag:s15], $0x6800  }
0x515: {  	s17 =	sshll.u32 s8, $0xD;
	[sflag:s15] =	ssyncset.done $0x0  }
0x516: {  	s18 =	simm.s32 $0x3500;
	s5 =	sadd.s32 s17, s6;
	[sflag:s15] =	ssyncadd.s32 $0xFFFF9800  }
0x517: {  	[hbm4b:s5+s2] =	stream.linear.scatter [tilespmem:s18], [sflag:$0x3], $0xD00, $0x38;
	[tilespmem:$0x13500] =	vst v63  }
0x518: {  	s20 =	simm.s32 $0x4500;
	s19 =	sadd.s32 $0x200, s5  }
0x519: {  	[hbm4b:s19+s2] =	stream.linear.scatter [tilespmem:s20], [sflag:$0x3], $0xD00, $0x38;
	[tilespmem:$0x13500] =	vst v63  }
0x51a: {  	s14 =	simm.s32 $0x5500;
	s12 =	sadd.s32 $0x400, s5  }
0x51b: {  	[hbm4b:s12+s2] =	stream.linear.scatter [tilespmem:s14], [sflag:$0x3], $0xD00, $0x38;
	[tilespmem:$0x13500] =	vst v63  }
0x51c: {  	s17 =	simm.s32 $0x6500;
	s16 =	sadd.s32 $0x600, s5  }
0x51d: {  	[hbm4b:s16+s2] =	stream.linear.scatter [tilespmem:s17], [sflag:$0x3], $0xD00, $0x38;
	[tilespmem:$0x13500] =	vst v63  }
0x51e: {  	s18 =	sadd.s32 $0x800, s5;
	s19 =	simm.s32 $0x7500  }
0x51f: {  	[hbm4b:s18+s2] =	stream.linear.scatter [tilespmem:s19], [sflag:$0x3], $0xD00, $0x38;
	[tilespmem:$0x13500] =	vst v63  }
0x520: {  	s20 =	sadd.s32 $0xA00, s5  }
0x521: {  	[hbm4b:s20+s2] =	stream.linear.scatter [tilespmem:s21], [sflag:$0x3], $0xD00, $0x38;
	[tilespmem:$0x13500] =	vst v63  }
0x522: {  	s11 =	sadd.s32 $0xC00, s5  }
0x523: {  	[hbm4b:s11+s2] =	stream.linear.scatter [tilespmem:s22], [sflag:$0x3], $0xD00, $0x38;
	[tilespmem:$0x13500] =	vst v63  }
0x524: {  	s5 =	sadd.s32 $0xE00, s5  }
0x525: {  	[hbm4b:s5+s2] =	stream.linear.scatter [tilespmem:s23], [sflag:$0x3], $0xD00, $0x38;
	[tilespmem:$0x13500] =	vst v63  }
0x526: {  	_ =	swait.ge [sflag:s9], $0x6800  }
0x527: {  	[sflag:s9] =	ssyncset.done $0x0  }
0x528: {  	[sflag:s9] =	ssyncadd.s32 $0xFFFF9800  }
0x529: {  	_ =	swait.ge [sflag:s24], $0x6800  }
0x52a: {  	s12 =	sshll.u32 s7, $0xC;
	[sflag:s24] =	ssyncset.done $0x0  }
0x52b: {  	s5 =	sadd.s32 s12, s6;
	[sflag:s24] =	ssyncadd.s32 $0xFFFF9800  }
0x52c: {  	[hbm4b:s5+s2] =	stream.linear.scatter [tilespmem:s25], [sflag:$0x3], $0xD00, $0x38;
	[tilespmem:$0x13500] =	vst v63  }
0x52d: {  	s14 =	sadd.s32 $0x200, s5  }
0x52e: {  	[hbm4b:s14+s2] =	stream.linear.scatter [tilespmem:s26], [sflag:$0x3], $0xD00, $0x38;
	[tilespmem:$0x13500] =	vst v63  }
0x52f: {  	s16 =	sadd.s32 $0x400, s5  }
0x530: {  	[hbm4b:s16+s2] =	stream.linear.scatter [tilespmem:s28], [sflag:$0x3], $0xD00, $0x38;
	[tilespmem:$0x13500] =	vst v63  }
0x531: {  	s17 =	sadd.s32 $0x600, s5  }
0x532: {  	[hbm4b:s17+s2] =	stream.linear.scatter [tilespmem:s29], [sflag:$0x3], $0xD00, $0x38;
	[tilespmem:$0x13500] =	vst v63  }
0x533: {  	s18 =	sadd.s32 $0x800, s5  }
0x534: {  	[hbm4b:s18+s2] =	stream.linear.scatter [tilespmem:s30], [sflag:$0x3], $0xD00, $0x38;
	[tilespmem:$0x13500] =	vst v63  }
0x535: {  	s8 =	sadd.s32 $0x1, s8;
	s19 =	sadd.s32 $0xA00, s5  }
0x536: {  	[hbm4b:s19+s2] =	stream.linear.scatter [tilespmem:s31], [sflag:$0x3], $0xD00, $0x38;
	[tilespmem:$0x13500] =	vst v63  }
0x537: {  	p0 =	sne.s32 s8, $0x20;
	s20 =	sadd.s32 $0xC00, s5  }
0x538: {  	[hbm4b:s20+s2] =	stream.linear.scatter [tilespmem:s0], [sflag:$0x3], $0xD00, $0x38;
	[tilespmem:$0x13500] =	vst v63  }
.Ltmp3:
0x539: {  	s5 =	sadd.s32 $0xE00, s5;
	(pc) =	sbr.rel @p0 .LBB2_4-.Ltmp3, $4  }
0x53a: {  	[hbm4b:s5+s2] =	stream.linear.scatter [tilespmem:s1], [sflag:$0x3], $0xD00, $0x38;
	[tilespmem:$0x13500] =	vst v63  }
0x53b: {  	_ =	swait.ge [sflag:s9], $0x6800  }
0x53c: {  	[sflag:s9] =	ssyncset.done $0x0  }
0x53d: {  	s4 =	sadd.s32 $0x1A0, s4;
	s13 =	sadd.s32 $0x1A0, s13;
	[sflag:s9] =	ssyncadd.s32 $0xFFFF9800  }
0x53e: {  	s5 =	rddreg [dreg:$0x6]  }
0x53f: {  	s4 =	rddreg [dreg:$0x5];
	s5 =	sadd.s32 $0x1, s5  }
0x540: {  	p0 =	sne.s32 s5, s4  }
.Ltmp4:
0x541: {  	_ = 	snop;
	(pc) =	sbr.rel @p0 .LBB2_1-.Ltmp4, $1  }
0x542: {  	_ =	sdelay $0x3  }
0x543: {  	_ =	sfence.sel $0x180000  }
0x544: {  	[bflag:$0x0] =	sbarrier.arrive $0xFFFF  }
0x545: {  	_ =	strace $0x90000047  }
0x546: {  	s0 =	stileid.u32;
	[bflag:$0x2] =	sbarrier.arrive $0xFFFF  }
0x547: {  	p0 =	sne.s32 s0, $0x0;
	s0 =	rddreg [dreg:$0x2]  }
0x548: {  	s0 =	sadd.s32 @!p0 $0x100000, s0  }
0x549: {  	[sflag:s0] =	ssyncadd.tile.s32 @!p0 $0x1;
	_ =	shalt  }
.Lfunc_end2:
_tile_overlayer_lowered:
.L_overlay_start_2:
0x54a: {  	(tag) =	ssettag $0x2  }
0x54b: {  	s0 =	rddreg [dreg:$0x0];
	s2 =	stileid.u32  }
0x54c: {  	s1 =	rddreg [dreg:$0x1];
	p0 =	sne.s32 s2, $0x0  }
0x54d: {  	s3 =	rddreg [dreg:$0x2];
	[bflag:$0x3] =	sbarrier.arrive $0xFFFF;
	s2 =	simm.s32 @!p0 $0x1C03  }
0x54e: {  	[timem:s3], [sflag:s2] =	dma.local @!p0 [hbm:s0], s1  }
0x54f: {  	s0 =	simm.s32 @!p0 $0x3  }
0x550: {  	_ =	swait.ge @!p0 [sflag:s0], s1  }
0x551: {  	s1 =	ssub.s32 @!p0 $0x0, s1;
	[sflag:s0] =	ssyncset.done @!p0 $0x0  }
0x552: {  	[sflag:s0] =	ssyncadd.s32 @!p0 s1  }
0x553: {  	[bflag:$0x3] =	sbarrier.arrive $0xFFFF  }
0x554: {  	_ =	shalt  }

</sc_bundles>
